<compile_context>
chip_gen: v7x
topology: tpu7x:2x2x1
jax: 0.10.2.dev20260603
libtpu: 0.0.44.dev20260713+nightly
codegen_flags: <defaults>
</compile_context>

<pallas_src>
import functools

import jax
import jax.numpy as jnp
from jax import lax
from jax.experimental import pallas as pl
from jax.experimental.pallas import tpu as pltpu
from jax.experimental.pallas import tpu_sc as plsc

_B, _T, _D, _H = 16, 512, 128, 16
_K = 4
_G = _T // _K

_LOG2_POLY = (-3.028324974420129, 6.065858861162175, -5.2641555241877205,
              3.2188698138651994, -1.2342798994632271, 0.26686276781534235,
              -0.024825984443686732)
_LN2 = 0.6931471805599453


def _emit_body(seq_ref, len_ref, py_ref, w_ref, msum_ref, e_ref):
    f32 = jnp.float32
    py = jnp.clip(py_ref[...], 1e-5, 1.0 - 1e-5)
    p0 = py[:, 0, :]
    p1 = py[:, 1, :]
    l00 = jnp.log1p(-p0)
    l01 = jnp.log(p0)
    l10 = jnp.log1p(-p1)
    l11 = jnp.log(p1)
    a_t = (l01 - l00).T.astype(jnp.bfloat16)
    b_t = (l10 - l00).T.astype(jnp.bfloat16)
    c_t = (l11 - l10 - l01 + l00).T.astype(jnp.bfloat16)
    base = jnp.sum(l00, axis=1)

    for b in range(_B):
        yb = seq_ref[b].astype(jnp.bfloat16)
        ypb = jnp.concatenate([jnp.zeros((1, _D), jnp.bfloat16), yb[:-1]],
                              axis=0)
        eb = (jnp.dot(yb, a_t, preferred_element_type=f32)
              + jnp.dot(ypb, b_t, preferred_element_type=f32)
              + jnp.dot(yb * ypb, c_t, preferred_element_type=f32)
              + base[None, :])
        e_ref[b] = eb

    e_all = e_ref[...]
    m = jnp.max(e_all, axis=2)
    w_ref[...] = jnp.exp(e_all - m[:, :, None])
    tt = lax.broadcasted_iota(jnp.int32, (_B, _T), 1)
    mask = tt < len_ref[...]
    msum = jnp.sum(jnp.where(mask, m, 0.0), axis=1, keepdims=True)
    msum_ref[...] = jnp.broadcast_to(msum, (_B, _H))


def _vln(x):
    y = x * (2.0 ** 80)
    e = jnp.full((_H,), -80.0, jnp.float32)
    for s in (64, 32, 16, 8, 4, 2, 1):
        big = y >= (2.0 ** s)
        y = jnp.where(big, y * (2.0 ** -s), y)
        e = jnp.where(big, e + s, e)
    p = jnp.full((_H,), _LOG2_POLY[-1], jnp.float32)
    for c in _LOG2_POLY[-2::-1]:
        p = p * y + c
    return (e + p) * _LN2


def _sc_body(w_hbm, len_hbm, px_hbm, ms_hbm, out_hbm, wv, pv, lv, dv, av):
    f32 = jnp.float32
    wid = lax.axis_index("s")

    @pl.when(wid < _B)
    def _():
        pltpu.sync_copy(w_hbm.at[wid], wv)
        pltpu.sync_copy(px_hbm, pv)
        pltpu.sync_copy(len_hbm, lv.at[pl.ds(0, _B)])
        pltpu.sync_copy(ms_hbm.at[wid], av)

        lane = lax.broadcasted_iota(jnp.int32, (_H,), 0)
        lenb = lv[pl.ds(wid, _H)][0]
        prows = [jnp.maximum(pv[k], 1e-6) for k in range(_H)]
        idxs = [jnp.full((_H,), k, jnp.int32) for k in range(_H)]
        xors = [lane ^ sh for sh in (1, 2, 4, 8)]
        ones = jnp.ones((_H,), f32)

        def allsum(v):
            for xi in xors:
                v = v + v.at[xi].get(mode="promise_in_bounds")
            return v
        for j in range(_G // _H):
            dv[pl.ds(j * _H, _H)] = ones
        q0 = jnp.where(lane == 0, 1.0, 0.0).astype(f32)

        def step(t, q):
            w = wv[pl.ds(t * _H, _H)]
            prods = [q.at[idxs[k]].get(mode="promise_in_bounds") * prows[k]
                     for k in range(_H)]
            while len(prods) > 1:
                prods = [prods[j] + prods[j + 1]
                         for j in range(0, len(prods), 2)]
            return prods[0] * w

        ng = lenb // _K

        def group(g, q):
            for i in range(_K):
                q = step(g * _K + i, q)
            zd = allsum(q)
            chunk = dv[pl.ds((g // _H) * _H, _H)]
            dv[pl.ds((g // _H) * _H, _H)] = jnp.where(lane == g % _H, zd,
                                                      chunk)
            return q / zd

        q = lax.fori_loop(0, ng, group, q0)
        q = lax.fori_loop(ng * _K, lenb, step, q)
        zf = allsum(q)

        acc = _vln(dv[pl.ds(0, _H)])
        for j in range(1, _G // _H):
            acc = acc + _vln(dv[pl.ds(j * _H, _H)])
        ans = allsum(acc) + _vln(zf) + av[...]
        av[...] = ans
        pltpu.sync_copy(av, out_hbm.at[wid])


def kernel(sequences, lengths, probs_x, probs_y):
    f32 = jnp.float32
    len2 = lengths.reshape(_B, 1)
    w_flat, msum = pl.pallas_call(
        _emit_body,
        out_shape=[jax.ShapeDtypeStruct((_B, _T, _H), f32),
                   jax.ShapeDtypeStruct((_B, _H), f32)],
        scratch_shapes=[pltpu.VMEM((_B, _T, _H), f32)],
    )(sequences, len2, probs_y)

    sc_kernel = functools.partial(
        pl.kernel,
        out_type=jax.ShapeDtypeStruct((_B, _H), f32),
        mesh=plsc.VectorSubcoreMesh(core_axis_name="c", subcore_axis_name="s",
                                    num_cores=1),
        scratch_types=[
            pltpu.VMEM((_T * _H,), f32),
            pltpu.VMEM((_H, _H), f32),
            pltpu.VMEM((2 * _B,), jnp.int32),
            pltpu.VMEM((_G,), f32),
            pltpu.VMEM((_H,), f32),
        ],
    )(_sc_body)
    scout = sc_kernel(w_flat.reshape(_B, _T * _H), lengths,
                      probs_x.astype(f32), msum)
    return scout[:, 0]

# --- scband reference (transcript-rebuilt; emitter-appended) ---
"""Pipeline reference for scband-model2-53953379172891 (READ-ONLY COPY).

The authoritative reference and input builder live on the scoring server;
editing this copy changes nothing except your own understanding.
"""

import jax, jax.numpy as jnp
import numpy as np

B, T, D, H = 16, 512, 128, 16


def setup_inputs(seed: int = 0) -> dict:
    key = jax.random.key(seed)
    k1, k2, k3, k4 = jax.random.split(key, 4)
    # Bernoulli observations (binary), padded to max length T
    sequences = jnp.round(jax.random.uniform(k1, (B, T, D))).astype(jnp.float32)
    lengths = jax.random.randint(k2, (B,), 0, T).astype(jnp.int32)
    # Latent 'probs_x' ~ Dirichlet(0.9*I + 0.1) per row (transition matrix)
    alpha = 0.9 * jnp.eye(H) + 0.1
    probs_x = jax.random.dirichlet(k3, alpha)  # [H, H], rows sum to 1
    # Latent 'probs_y' ~ Beta(0.1, 0.9) over [H, 2, D] (autoregressive emission probs)
    probs_y = jax.random.beta(k4, 0.1, 0.9, (H, 2, D)).astype(jnp.float32)
    return {"sequences": sequences, "lengths": lengths, "probs_x": probs_x, "probs_y": probs_y}


def reference(sequences, lengths, probs_x, probs_y):
    # Faithful deterministic analogue of pyro model2: exact marginalization of the
    # discrete hidden chain x_t (parallel enumeration) giving per-sequence
    # log p(y_{1:len} | probs_x, probs_y), with autoregressive Bernoulli emissions
    # y_t ~ Bernoulli(probs_y[x_t, y_{t-1}, tone]) and length masking.
    Bn, Tn, Dn = sequences.shape
    Hn = probs_x.shape[0]
    px = jnp.clip(probs_x, 1e-6, None)
    log_trans = jnp.log(px)  # [H, H]
    py = jnp.clip(probs_y, 1e-5, 1.0 - 1e-5)
    p0 = py[:, 0, :]  # [H, D] emission prob given y_prev=0
    p1 = py[:, 1, :]  # [H, D] emission prob given y_prev=1
    # x starts at state 0 (x = 0 before the loop in the pyro model)
    alpha0 = jnp.full((Bn, Hn), -1e30).at[:, 0].set(0.0)
    y_prev0 = jnp.zeros((Bn, Dn), dtype=sequences.dtype)
    mask = jnp.arange(Tn)[:, None] < lengths[None, :]  # [T, B]

    def step(carry, inp):
        alpha, y_prev = carry
        y_t, m = inp
        prev_is_one = y_prev > 0.5
        p = jnp.where(prev_is_one[None, :, :], p1[:, None, :], p0[:, None, :])  # [H, B, D]
        logp = y_t[None, :, :] * jnp.log(p) + (1.0 - y_t[None, :, :]) * jnp.log1p(-p)
        emit = jnp.sum(logp, axis=-1).T  # [B, H]
        trans = jax.scipy.special.logsumexp(alpha[:, :, None] + log_trans[None, :, :], axis=1)
        alpha_new = trans + emit
        alpha = jnp.where(m[:, None], alpha_new, alpha)
        y_prev = jnp.where(m[:, None], y_t, y_prev)
        return (alpha, y_prev), None

    xs = (jnp.transpose(sequences, (1, 0, 2)), mask)
    (alpha, _), _ = jax.lax.scan(step, (alpha0, y_prev0), xs)
    return jax.scipy.special.logsumexp(alpha, axis=-1)  # [B] per-sequence log-likelihood

if __name__ == "__main__":
    import jax
    _d = setup_inputs()
    print(jax.jit(kernel)(*tuple(_d.values())))

</pallas_src>

<mosaic_0001>
#map = affine_map<(d0, d1) -> (0, 0)>
#map1 = affine_map<(d0, d1) -> (0)>
module attributes {stable_mosaic.version = 14 : i64} {
  func.func @_sc_body(%arg0: i32, %arg1: i32, %arg2: memref<16x8192xf32, #tpu.memory_space<hbm>>, %arg3: memref<16xi32, #tpu.memory_space<hbm>>, %arg4: memref<16x16xf32, #tpu.memory_space<hbm>>, %arg5: memref<16x16xf32, #tpu.memory_space<hbm>>, %arg6: memref<16x16xf32, #tpu.memory_space<hbm>>, %arg7: memref<8192xf32, #tpu.memory_space<vmem>>, %arg8: memref<16x16xf32, #tpu.memory_space<vmem>>, %arg9: memref<32xi32, #tpu.memory_space<vmem>>, %arg10: memref<128xf32, #tpu.memory_space<vmem>>, %arg11: memref<16xf32, #tpu.memory_space<vmem>>) attributes {dimension_semantics = [#tpu.dimension_semantics<core_parallel>, #tpu.dimension_semantics<subcore_parallel>], iteration_bounds = array<i64: 1, 16>, scalar_prefetch = 0 : i64, scratch_operands = 5 : i64, tpu.core_type = #tpu.core_type<sc_vector_subcore>, window_params = [{transform_indices = #map}, {transform_indices = #map1}, {transform_indices = #map}, {transform_indices = #map}, {transform_indices = #map}]} {
    %lt3A = arith.constant 16 : i32
    %lt3A_0 = arith.cmpi slt, %arg1, %lt3A : i32
    %convert_element_type3A = arith.extui %lt3A_0 : i1 to i32
    %cond3A = arith.constant 0 : i32
    %cond3A_1 = arith.cmpi ne, %convert_element_type3A, %cond3A : i32
    scf.if %cond3A_1 {
      "tpu.region"() ({
        %run_scoped3A = tpu.sem_alloc : memref<!tpu.dma_semaphore, #tpu.memory_space<semaphore_mem>>
        %dma_start3A = arith.constant 0 : i32
        %dma_start3A_1383 = tpu.memref_slice %arg2[%arg1, %dma_start3A] : memref<16x8192xf32, #tpu.memory_space<hbm>> -> memref<1x8192xf32, #tpu.memory_space<hbm>>
        %dma_start3A_1384 = tpu.memref_squeeze %dma_start3A_1383 : memref<1x8192xf32, #tpu.memory_space<hbm>> -> memref<8192xf32, #tpu.memory_space<hbm>>
        %dma_start3A_1385 = arith.constant 0 : i32
        %dma_start3A_1386 = tpu.memref_slice %arg2[%arg1, %dma_start3A_1385] : memref<16x8192xf32, #tpu.memory_space<hbm>> -> memref<1x8192xf32, #tpu.memory_space<hbm>>
        %dma_start3A_1387 = tpu.memref_squeeze %dma_start3A_1386 : memref<1x8192xf32, #tpu.memory_space<hbm>> -> memref<8192xf32, #tpu.memory_space<hbm>>
        tpu.enqueue_dma source(%dma_start3A_1387 : memref<8192xf32, #tpu.memory_space<hbm>>) target(%arg7 : memref<8192xf32, #tpu.memory_space<vmem>>) target_semaphore(%run_scoped3A : memref<!tpu.dma_semaphore, #tpu.memory_space<semaphore_mem>>)
        %dma_wait3A = arith.constant 0 : i32
        %dma_wait3A_1388 = tpu.memref_slice %arg2[%arg1, %dma_wait3A] : memref<16x8192xf32, #tpu.memory_space<hbm>> -> memref<1x8192xf32, #tpu.memory_space<hbm>>
        %dma_wait3A_1389 = tpu.memref_squeeze %dma_wait3A_1388 : memref<1x8192xf32, #tpu.memory_space<hbm>> -> memref<8192xf32, #tpu.memory_space<hbm>>
        %dma_wait3A_1390 = arith.constant 0 : i32
        %dma_wait3A_1391 = tpu.memref_slice %arg2[%arg1, %dma_wait3A_1390] : memref<16x8192xf32, #tpu.memory_space<hbm>> -> memref<1x8192xf32, #tpu.memory_space<hbm>>
        %dma_wait3A_1392 = tpu.memref_squeeze %dma_wait3A_1391 : memref<1x8192xf32, #tpu.memory_space<hbm>> -> memref<8192xf32, #tpu.memory_space<hbm>>
        tpu.wait_dma2 semaphore(%run_scoped3A : memref<!tpu.dma_semaphore, #tpu.memory_space<semaphore_mem>>) src(%dma_wait3A_1392 : memref<8192xf32, #tpu.memory_space<hbm>>) dst(%arg7 : memref<8192xf32, #tpu.memory_space<vmem>>)
        tpu.yield
      }) : () -> ()
      "tpu.region"() ({
        %run_scoped3A = tpu.sem_alloc : memref<!tpu.dma_semaphore, #tpu.memory_space<semaphore_mem>>
        tpu.enqueue_dma source(%arg4 : memref<16x16xf32, #tpu.memory_space<hbm>>) target(%arg8 : memref<16x16xf32, #tpu.memory_space<vmem>>) target_semaphore(%run_scoped3A : memref<!tpu.dma_semaphore, #tpu.memory_space<semaphore_mem>>)
        tpu.wait_dma2 semaphore(%run_scoped3A : memref<!tpu.dma_semaphore, #tpu.memory_space<semaphore_mem>>) src(%arg4 : memref<16x16xf32, #tpu.memory_space<hbm>>) dst(%arg8 : memref<16x16xf32, #tpu.memory_space<vmem>>)
        tpu.yield
      }) : () -> ()
      "tpu.region"() ({
        %run_scoped3A = tpu.sem_alloc : memref<!tpu.dma_semaphore, #tpu.memory_space<semaphore_mem>>
        %dma_start3A = arith.constant 0 : i32
        %dma_start3A_1383 = tpu.memref_slice %arg9[%dma_start3A] : memref<32xi32, #tpu.memory_space<vmem>> -> memref<16xi32, #tpu.memory_space<vmem>>
        %dma_start3A_1384 = arith.constant 0 : i32
        %dma_start3A_1385 = tpu.memref_slice %arg9[%dma_start3A_1384] : memref<32xi32, #tpu.memory_space<vmem>> -> memref<16xi32, #tpu.memory_space<vmem>>
        tpu.enqueue_dma source(%arg3 : memref<16xi32, #tpu.memory_space<hbm>>) target(%dma_start3A_1385 : memref<16xi32, #tpu.memory_space<vmem>>) target_semaphore(%run_scoped3A : memref<!tpu.dma_semaphore, #tpu.memory_space<semaphore_mem>>)
        %dma_wait3A = arith.constant 0 : i32
        %dma_wait3A_1386 = tpu.memref_slice %arg9[%dma_wait3A] : memref<32xi32, #tpu.memory_space<vmem>> -> memref<16xi32, #tpu.memory_space<vmem>>
        %dma_wait3A_1387 = arith.constant 0 : i32
        %dma_wait3A_1388 = tpu.memref_slice %arg9[%dma_wait3A_1387] : memref<32xi32, #tpu.memory_space<vmem>> -> memref<16xi32, #tpu.memory_space<vmem>>
        tpu.wait_dma2 semaphore(%run_scoped3A : memref<!tpu.dma_semaphore, #tpu.memory_space<semaphore_mem>>) src(%arg3 : memref<16xi32, #tpu.memory_space<hbm>>) dst(%dma_wait3A_1388 : memref<16xi32, #tpu.memory_space<vmem>>)
        tpu.yield
      }) : () -> ()
      "tpu.region"() ({
        %run_scoped3A = tpu.sem_alloc : memref<!tpu.dma_semaphore, #tpu.memory_space<semaphore_mem>>
        %dma_start3A = arith.constant 0 : i32
        %dma_start3A_1383 = tpu.memref_slice %arg5[%arg1, %dma_start3A] : memref<16x16xf32, #tpu.memory_space<hbm>> -> memref<1x16xf32, #tpu.memory_space<hbm>>
        %dma_start3A_1384 = tpu.memref_squeeze %dma_start3A_1383 : memref<1x16xf32, #tpu.memory_space<hbm>> -> memref<16xf32, #tpu.memory_space<hbm>>
        %dma_start3A_1385 = arith.constant 0 : i32
        %dma_start3A_1386 = tpu.memref_slice %arg5[%arg1, %dma_start3A_1385] : memref<16x16xf32, #tpu.memory_space<hbm>> -> memref<1x16xf32, #tpu.memory_space<hbm>>
        %dma_start3A_1387 = tpu.memref_squeeze %dma_start3A_1386 : memref<1x16xf32, #tpu.memory_space<hbm>> -> memref<16xf32, #tpu.memory_space<hbm>>
        tpu.enqueue_dma source(%dma_start3A_1387 : memref<16xf32, #tpu.memory_space<hbm>>) target(%arg11 : memref<16xf32, #tpu.memory_space<vmem>>) target_semaphore(%run_scoped3A : memref<!tpu.dma_semaphore, #tpu.memory_space<semaphore_mem>>)
        %dma_wait3A = arith.constant 0 : i32
        %dma_wait3A_1388 = tpu.memref_slice %arg5[%arg1, %dma_wait3A] : memref<16x16xf32, #tpu.memory_space<hbm>> -> memref<1x16xf32, #tpu.memory_space<hbm>>
        %dma_wait3A_1389 = tpu.memref_squeeze %dma_wait3A_1388 : memref<1x16xf32, #tpu.memory_space<hbm>> -> memref<16xf32, #tpu.memory_space<hbm>>
        %dma_wait3A_1390 = arith.constant 0 : i32
        %dma_wait3A_1391 = tpu.memref_slice %arg5[%arg1, %dma_wait3A_1390] : memref<16x16xf32, #tpu.memory_space<hbm>> -> memref<1x16xf32, #tpu.memory_space<hbm>>
        %dma_wait3A_1392 = tpu.memref_squeeze %dma_wait3A_1391 : memref<1x16xf32, #tpu.memory_space<hbm>> -> memref<16xf32, #tpu.memory_space<hbm>>
        tpu.wait_dma2 semaphore(%run_scoped3A : memref<!tpu.dma_semaphore, #tpu.memory_space<semaphore_mem>>) src(%dma_wait3A_1392 : memref<16xf32, #tpu.memory_space<hbm>>) dst(%arg11 : memref<16xf32, #tpu.memory_space<vmem>>)
        tpu.yield
      }) : () -> ()
      %iota3A = tpu.iota {dimensions = array<i32: 0>} : vector<16xi32>
      %get3A = arith.index_cast %arg1 : i32 to index
      %get3A_2 = tpu.vector_load %arg9[%get3A] {strides = array<i32>} : memref<32xi32, #tpu.memory_space<vmem>>, vector<16xi32>,
      %get3A_3 = vector.shape_cast %get3A_2 : vector<16xi32> to vector<16xi32>
      %slice3A = vector.extract_strided_slice %get3A_3 {offsets = [0], sizes = [1], strides = [1]} : vector<16xi32> to vector<1xi32>
      %squeeze3A = vector.extract %slice3A[0] : i32 from vector<1xi32>
      %get3A_4 = arith.constant 0 : i32
      %get3A_5 = arith.index_cast %get3A_4 : i32 to index
      %get3A_6 = arith.constant 0 : index
      %get3A_7 = tpu.vector_load %arg8[%get3A_5, %get3A_6] {strides = array<i32>} : memref<16x16xf32, #tpu.memory_space<vmem>>, vector<1x16xf32>,
      %get3A_8 = vector.shape_cast %get3A_7 : vector<1x16xf32> to vector<16xf32>
      %max3A = arith.constant 9.99999997E-7 : f32
      %max3A_9 = vector.broadcast %max3A : f32 to vector<16xf32>
      %max3A_10 = arith.maximumf %get3A_8, %max3A_9 : vector<16xf32>
      %get3A_11 = arith.constant 1 : i32
      %get3A_12 = arith.index_cast %get3A_11 : i32 to index
      %get3A_13 = arith.constant 0 : index
      %get3A_14 = tpu.vector_load %arg8[%get3A_12, %get3A_13] {strides = array<i32>} : memref<16x16xf32, #tpu.memory_space<vmem>>, vector<1x16xf32>,
      %get3A_15 = vector.shape_cast %get3A_14 : vector<1x16xf32> to vector<16xf32>
      %max3A_16 = arith.constant 9.99999997E-7 : f32
      %max3A_17 = vector.broadcast %max3A_16 : f32 to vector<16xf32>
      %max3A_18 = arith.maximumf %get3A_15, %max3A_17 : vector<16xf32>
      %get3A_19 = arith.constant 2 : i32
      %get3A_20 = arith.index_cast %get3A_19 : i32 to index
      %get3A_21 = arith.constant 0 : index
      %get3A_22 = tpu.vector_load %arg8[%get3A_20, %get3A_21] {strides = array<i32>} : memref<16x16xf32, #tpu.memory_space<vmem>>, vector<1x16xf32>,
      %get3A_23 = vector.shape_cast %get3A_22 : vector<1x16xf32> to vector<16xf32>
      %max3A_24 = arith.constant 9.99999997E-7 : f32
      %max3A_25 = vector.broadcast %max3A_24 : f32 to vector<16xf32>
      %max3A_26 = arith.maximumf %get3A_23, %max3A_25 : vector<16xf32>
      %get3A_27 = arith.constant 3 : i32
      %get3A_28 = arith.index_cast %get3A_27 : i32 to index
      %get3A_29 = arith.constant 0 : index
      %get3A_30 = tpu.vector_load %arg8[%get3A_28, %get3A_29] {strides = array<i32>} : memref<16x16xf32, #tpu.memory_space<vmem>>, vector<1x16xf32>,
      %get3A_31 = vector.shape_cast %get3A_30 : vector<1x16xf32> to vector<16xf32>
      %max3A_32 = arith.constant 9.99999997E-7 : f32
      %max3A_33 = vector.broadcast %max3A_32 : f32 to vector<16xf32>
      %max3A_34 = arith.maximumf %get3A_31, %max3A_33 : vector<16xf32>
      %get3A_35 = arith.constant 4 : i32
      %get3A_36 = arith.index_cast %get3A_35 : i32 to index
      %get3A_37 = arith.constant 0 : index
      %get3A_38 = tpu.vector_load %arg8[%get3A_36, %get3A_37] {strides = array<i32>} : memref<16x16xf32, #tpu.memory_space<vmem>>, vector<1x16xf32>,
      %get3A_39 = vector.shape_cast %get3A_38 : vector<1x16xf32> to vector<16xf32>
      %max3A_40 = arith.constant 9.99999997E-7 : f32
      %max3A_41 = vector.broadcast %max3A_40 : f32 to vector<16xf32>
      %max3A_42 = arith.maximumf %get3A_39, %max3A_41 : vector<16xf32>
      %get3A_43 = arith.constant 5 : i32
      %get3A_44 = arith.index_cast %get3A_43 : i32 to index
      %get3A_45 = arith.constant 0 : index
      %get3A_46 = tpu.vector_load %arg8[%get3A_44, %get3A_45] {strides = array<i32>} : memref<16x16xf32, #tpu.memory_space<vmem>>, vector<1x16xf32>,
      %get3A_47 = vector.shape_cast %get3A_46 : vector<1x16xf32> to vector<16xf32>
      %max3A_48 = arith.constant 9.99999997E-7 : f32
      %max3A_49 = vector.broadcast %max3A_48 : f32 to vector<16xf32>
      %max3A_50 = arith.maximumf %get3A_47, %max3A_49 : vector<16xf32>
      %get3A_51 = arith.constant 6 : i32
      %get3A_52 = arith.index_cast %get3A_51 : i32 to index
      %get3A_53 = arith.constant 0 : index
      %get3A_54 = tpu.vector_load %arg8[%get3A_52, %get3A_53] {strides = array<i32>} : memref<16x16xf32, #tpu.memory_space<vmem>>, vector<1x16xf32>,
      %get3A_55 = vector.shape_cast %get3A_54 : vector<1x16xf32> to vector<16xf32>
      %max3A_56 = arith.constant 9.99999997E-7 : f32
      %max3A_57 = vector.broadcast %max3A_56 : f32 to vector<16xf32>
      %max3A_58 = arith.maximumf %get3A_55, %max3A_57 : vector<16xf32>
      %get3A_59 = arith.constant 7 : i32
      %get3A_60 = arith.index_cast %get3A_59 : i32 to index
      %get3A_61 = arith.constant 0 : index
      %get3A_62 = tpu.vector_load %arg8[%get3A_60, %get3A_61] {strides = array<i32>} : memref<16x16xf32, #tpu.memory_space<vmem>>, vector<1x16xf32>,
      %get3A_63 = vector.shape_cast %get3A_62 : vector<1x16xf32> to vector<16xf32>
      %max3A_64 = arith.constant 9.99999997E-7 : f32
      %max3A_65 = vector.broadcast %max3A_64 : f32 to vector<16xf32>
      %max3A_66 = arith.maximumf %get3A_63, %max3A_65 : vector<16xf32>
      %get3A_67 = arith.constant 8 : i32
      %get3A_68 = arith.index_cast %get3A_67 : i32 to index
      %get3A_69 = arith.constant 0 : index
      %get3A_70 = tpu.vector_load %arg8[%get3A_68, %get3A_69] {strides = array<i32>} : memref<16x16xf32, #tpu.memory_space<vmem>>, vector<1x16xf32>,
      %get3A_71 = vector.shape_cast %get3A_70 : vector<1x16xf32> to vector<16xf32>
      %max3A_72 = arith.constant 9.99999997E-7 : f32
      %max3A_73 = vector.broadcast %max3A_72 : f32 to vector<16xf32>
      %max3A_74 = arith.maximumf %get3A_71, %max3A_73 : vector<16xf32>
      %get3A_75 = arith.constant 9 : i32
      %get3A_76 = arith.index_cast %get3A_75 : i32 to index
      %get3A_77 = arith.constant 0 : index
      %get3A_78 = tpu.vector_load %arg8[%get3A_76, %get3A_77] {strides = array<i32>} : memref<16x16xf32, #tpu.memory_space<vmem>>, vector<1x16xf32>,
      %get3A_79 = vector.shape_cast %get3A_78 : vector<1x16xf32> to vector<16xf32>
      %max3A_80 = arith.constant 9.99999997E-7 : f32
      %max3A_81 = vector.broadcast %max3A_80 : f32 to vector<16xf32>
      %max3A_82 = arith.maximumf %get3A_79, %max3A_81 : vector<16xf32>
      %get3A_83 = arith.constant 10 : i32
      %get3A_84 = arith.index_cast %get3A_83 : i32 to index
      %get3A_85 = arith.constant 0 : index
      %get3A_86 = tpu.vector_load %arg8[%get3A_84, %get3A_85] {strides = array<i32>} : memref<16x16xf32, #tpu.memory_space<vmem>>, vector<1x16xf32>,
      %get3A_87 = vector.shape_cast %get3A_86 : vector<1x16xf32> to vector<16xf32>
      %max3A_88 = arith.constant 9.99999997E-7 : f32
      %max3A_89 = vector.broadcast %max3A_88 : f32 to vector<16xf32>
      %max3A_90 = arith.maximumf %get3A_87, %max3A_89 : vector<16xf32>
      %get3A_91 = arith.constant 11 : i32
      %get3A_92 = arith.index_cast %get3A_91 : i32 to index
      %get3A_93 = arith.constant 0 : index
      %get3A_94 = tpu.vector_load %arg8[%get3A_92, %get3A_93] {strides = array<i32>} : memref<16x16xf32, #tpu.memory_space<vmem>>, vector<1x16xf32>,
      %get3A_95 = vector.shape_cast %get3A_94 : vector<1x16xf32> to vector<16xf32>
      %max3A_96 = arith.constant 9.99999997E-7 : f32
      %max3A_97 = vector.broadcast %max3A_96 : f32 to vector<16xf32>
      %max3A_98 = arith.maximumf %get3A_95, %max3A_97 : vector<16xf32>
      %get3A_99 = arith.constant 12 : i32
      %get3A_100 = arith.index_cast %get3A_99 : i32 to index
      %get3A_101 = arith.constant 0 : index
      %get3A_102 = tpu.vector_load %arg8[%get3A_100, %get3A_101] {strides = array<i32>} : memref<16x16xf32, #tpu.memory_space<vmem>>, vector<1x16xf32>,
      %get3A_103 = vector.shape_cast %get3A_102 : vector<1x16xf32> to vector<16xf32>
      %max3A_104 = arith.constant 9.99999997E-7 : f32
      %max3A_105 = vector.broadcast %max3A_104 : f32 to vector<16xf32>
      %max3A_106 = arith.maximumf %get3A_103, %max3A_105 : vector<16xf32>
      %get3A_107 = arith.constant 13 : i32
      %get3A_108 = arith.index_cast %get3A_107 : i32 to index
      %get3A_109 = arith.constant 0 : index
      %get3A_110 = tpu.vector_load %arg8[%get3A_108, %get3A_109] {strides = array<i32>} : memref<16x16xf32, #tpu.memory_space<vmem>>, vector<1x16xf32>,
      %get3A_111 = vector.shape_cast %get3A_110 : vector<1x16xf32> to vector<16xf32>
      %max3A_112 = arith.constant 9.99999997E-7 : f32
      %max3A_113 = vector.broadcast %max3A_112 : f32 to vector<16xf32>
      %max3A_114 = arith.maximumf %get3A_111, %max3A_113 : vector<16xf32>
      %get3A_115 = arith.constant 14 : i32
      %get3A_116 = arith.index_cast %get3A_115 : i32 to index
      %get3A_117 = arith.constant 0 : index
      %get3A_118 = tpu.vector_load %arg8[%get3A_116, %get3A_117] {strides = array<i32>} : memref<16x16xf32, #tpu.memory_space<vmem>>, vector<1x16xf32>,
      %get3A_119 = vector.shape_cast %get3A_118 : vector<1x16xf32> to vector<16xf32>
      %max3A_120 = arith.constant 9.99999997E-7 : f32
      %max3A_121 = vector.broadcast %max3A_120 : f32 to vector<16xf32>
      %max3A_122 = arith.maximumf %get3A_119, %max3A_121 : vector<16xf32>
      %get3A_123 = arith.constant 15 : i32
      %get3A_124 = arith.index_cast %get3A_123 : i32 to index
      %get3A_125 = arith.constant 0 : index
      %get3A_126 = tpu.vector_load %arg8[%get3A_124, %get3A_125] {strides = array<i32>} : memref<16x16xf32, #tpu.memory_space<vmem>>, vector<1x16xf32>,
      %get3A_127 = vector.shape_cast %get3A_126 : vector<1x16xf32> to vector<16xf32>
      %max3A_128 = arith.constant 9.99999997E-7 : f32
      %max3A_129 = vector.broadcast %max3A_128 : f32 to vector<16xf32>
      %max3A_130 = arith.maximumf %get3A_127, %max3A_129 : vector<16xf32>
      %broadcast_in_dim3A = arith.constant 0 : i32
      %broadcast_in_dim3A_131 = vector.broadcast %broadcast_in_dim3A : i32 to vector<16xi32>
      %broadcast_in_dim3A_132 = arith.constant 1 : i32
      %broadcast_in_dim3A_133 = vector.broadcast %broadcast_in_dim3A_132 : i32 to vector<16xi32>
      %broadcast_in_dim3A_134 = arith.constant 2 : i32
      %broadcast_in_dim3A_135 = vector.broadcast %broadcast_in_dim3A_134 : i32 to vector<16xi32>
      %broadcast_in_dim3A_136 = arith.constant 3 : i32
      %broadcast_in_dim3A_137 = vector.broadcast %broadcast_in_dim3A_136 : i32 to vector<16xi32>
      %broadcast_in_dim3A_138 = arith.constant 4 : i32
      %broadcast_in_dim3A_139 = vector.broadcast %broadcast_in_dim3A_138 : i32 to vector<16xi32>
      %broadcast_in_dim3A_140 = arith.constant 5 : i32
      %broadcast_in_dim3A_141 = vector.broadcast %broadcast_in_dim3A_140 : i32 to vector<16xi32>
      %broadcast_in_dim3A_142 = arith.constant 6 : i32
      %broadcast_in_dim3A_143 = vector.broadcast %broadcast_in_dim3A_142 : i32 to vector<16xi32>
      %broadcast_in_dim3A_144 = arith.constant 7 : i32
      %broadcast_in_dim3A_145 = vector.broadcast %broadcast_in_dim3A_144 : i32 to vector<16xi32>
      %broadcast_in_dim3A_146 = arith.constant 8 : i32
      %broadcast_in_dim3A_147 = vector.broadcast %broadcast_in_dim3A_146 : i32 to vector<16xi32>
      %broadcast_in_dim3A_148 = arith.constant 9 : i32
      %broadcast_in_dim3A_149 = vector.broadcast %broadcast_in_dim3A_148 : i32 to vector<16xi32>
      %broadcast_in_dim3A_150 = arith.constant 10 : i32
      %broadcast_in_dim3A_151 = vector.broadcast %broadcast_in_dim3A_150 : i32 to vector<16xi32>
      %broadcast_in_dim3A_152 = arith.constant 11 : i32
      %broadcast_in_dim3A_153 = vector.broadcast %broadcast_in_dim3A_152 : i32 to vector<16xi32>
      %broadcast_in_dim3A_154 = arith.constant 12 : i32
      %broadcast_in_dim3A_155 = vector.broadcast %broadcast_in_dim3A_154 : i32 to vector<16xi32>
      %broadcast_in_dim3A_156 = arith.constant 13 : i32
      %broadcast_in_dim3A_157 = vector.broadcast %broadcast_in_dim3A_156 : i32 to vector<16xi32>
      %broadcast_in_dim3A_158 = arith.constant 14 : i32
      %broadcast_in_dim3A_159 = vector.broadcast %broadcast_in_dim3A_158 : i32 to vector<16xi32>
      %broadcast_in_dim3A_160 = arith.constant 15 : i32
      %broadcast_in_dim3A_161 = vector.broadcast %broadcast_in_dim3A_160 : i32 to vector<16xi32>
      %xor3A = arith.constant 1 : i32
      %xor3A_162 = vector.broadcast %xor3A : i32 to vector<16xi32>
      %xor3A_163 = arith.xori %iota3A, %xor3A_162 : vector<16xi32>
      %xor3A_164 = arith.constant 2 : i32
      %xor3A_165 = vector.broadcast %xor3A_164 : i32 to vector<16xi32>
      %xor3A_166 = arith.xori %iota3A, %xor3A_165 : vector<16xi32>
      %xor3A_167 = arith.constant 4 : i32
      %xor3A_168 = vector.broadcast %xor3A_167 : i32 to vector<16xi32>
      %xor3A_169 = arith.xori %iota3A, %xor3A_168 : vector<16xi32>
      %xor3A_170 = arith.constant 8 : i32
      %xor3A_171 = vector.broadcast %xor3A_170 : i32 to vector<16xi32>
      %xor3A_172 = arith.xori %iota3A, %xor3A_171 : vector<16xi32>
      %broadcast_in_dim3A_173 = arith.constant 1.000000e+00 : f32
      %broadcast_in_dim3A_174 = vector.broadcast %broadcast_in_dim3A_173 : f32 to vector<16xf32>
      %swap3A = arith.constant 0 : index
      %swap3A_175 = tpu.vector_load %arg10[%swap3A] {strides = array<i32>} : memref<128xf32, #tpu.memory_space<vmem>>, vector<16xf32>,
      %swap3A_176 = vector.shape_cast %swap3A_175 : vector<16xf32> to vector<16xf32>
      %swap3A_177 = vector.shape_cast %broadcast_in_dim3A_174 : vector<16xf32> to vector<16xf32>
      tpu.vector_store %arg10[%swap3A], %swap3A_177 {strides = array<i32>} : memref<128xf32, #tpu.memory_space<vmem>>, vector<16xf32>,
      %swap3A_178 = arith.constant 16 : index
      %swap3A_179 = tpu.vector_load %arg10[%swap3A_178] {strides = array<i32>} : memref<128xf32, #tpu.memory_space<vmem>>, vector<16xf32>,
      %swap3A_180 = vector.shape_cast %swap3A_179 : vector<16xf32> to vector<16xf32>
      %swap3A_181 = vector.shape_cast %broadcast_in_dim3A_174 : vector<16xf32> to vector<16xf32>
      tpu.vector_store %arg10[%swap3A_178], %swap3A_181 {strides = array<i32>} : memref<128xf32, #tpu.memory_space<vmem>>, vector<16xf32>,
      %swap3A_182 = arith.constant 32 : index
      %swap3A_183 = tpu.vector_load %arg10[%swap3A_182] {strides = array<i32>} : memref<128xf32, #tpu.memory_space<vmem>>, vector<16xf32>,
      %swap3A_184 = vector.shape_cast %swap3A_183 : vector<16xf32> to vector<16xf32>
      %swap3A_185 = vector.shape_cast %broadcast_in_dim3A_174 : vector<16xf32> to vector<16xf32>
      tpu.vector_store %arg10[%swap3A_182], %swap3A_185 {strides = array<i32>} : memref<128xf32, #tpu.memory_space<vmem>>, vector<16xf32>,
      %swap3A_186 = arith.constant 48 : index
      %swap3A_187 = tpu.vector_load %arg10[%swap3A_186] {strides = array<i32>} : memref<128xf32, #tpu.memory_space<vmem>>, vector<16xf32>,
      %swap3A_188 = vector.shape_cast %swap3A_187 : vector<16xf32> to vector<16xf32>
      %swap3A_189 = vector.shape_cast %broadcast_in_dim3A_174 : vector<16xf32> to vector<16xf32>
      tpu.vector_store %arg10[%swap3A_186], %swap3A_189 {strides = array<i32>} : memref<128xf32, #tpu.memory_space<vmem>>, vector<16xf32>,
      %swap3A_190 = arith.constant 64 : index
      %swap3A_191 = tpu.vector_load %arg10[%swap3A_190] {strides = array<i32>} : memref<128xf32, #tpu.memory_space<vmem>>, vector<16xf32>,
      %swap3A_192 = vector.shape_cast %swap3A_191 : vector<16xf32> to vector<16xf32>
      %swap3A_193 = vector.shape_cast %broadcast_in_dim3A_174 : vector<16xf32> to vector<16xf32>
      tpu.vector_store %arg10[%swap3A_190], %swap3A_193 {strides = array<i32>} : memref<128xf32, #tpu.memory_space<vmem>>, vector<16xf32>,
      %swap3A_194 = arith.constant 80 : index
      %swap3A_195 = tpu.vector_load %arg10[%swap3A_194] {strides = array<i32>} : memref<128xf32, #tpu.memory_space<vmem>>, vector<16xf32>,
      %swap3A_196 = vector.shape_cast %swap3A_195 : vector<16xf32> to vector<16xf32>
      %swap3A_197 = vector.shape_cast %broadcast_in_dim3A_174 : vector<16xf32> to vector<16xf32>
      tpu.vector_store %arg10[%swap3A_194], %swap3A_197 {strides = array<i32>} : memref<128xf32, #tpu.memory_space<vmem>>, vector<16xf32>,
      %swap3A_198 = arith.constant 96 : index
      %swap3A_199 = tpu.vector_load %arg10[%swap3A_198] {strides = array<i32>} : memref<128xf32, #tpu.memory_space<vmem>>, vector<16xf32>,
      %swap3A_200 = vector.shape_cast %swap3A_199 : vector<16xf32> to vector<16xf32>
      %swap3A_201 = vector.shape_cast %broadcast_in_dim3A_174 : vector<16xf32> to vector<16xf32>
      tpu.vector_store %arg10[%swap3A_198], %swap3A_201 {strides = array<i32>} : memref<128xf32, #tpu.memory_space<vmem>>, vector<16xf32>,
      %swap3A_202 = arith.constant 112 : index
      %swap3A_203 = tpu.vector_load %arg10[%swap3A_202] {strides = array<i32>} : memref<128xf32, #tpu.memory_space<vmem>>, vector<16xf32>,
      %swap3A_204 = vector.shape_cast %swap3A_203 : vector<16xf32> to vector<16xf32>
      %swap3A_205 = vector.shape_cast %broadcast_in_dim3A_174 : vector<16xf32> to vector<16xf32>
      tpu.vector_store %arg10[%swap3A_202], %swap3A_205 {strides = array<i32>} : memref<128xf32, #tpu.memory_space<vmem>>, vector<16xf32>,
      %eq3A = arith.constant 0 : i32
      %eq3A_206 = vector.broadcast %eq3A : i32 to vector<16xi32>
      %eq3A_207 = arith.cmpi eq, %iota3A, %eq3A_206 : vector<16xi32>
      %jit3A = arith.constant 1.000000e+00 : f32
      %jit3A_208 = arith.constant 0.000000e+00 : f32
      %broadcast_in_dim3A_209 = vector.broadcast %jit3A : f32 to vector<16xf32>
      %broadcast_in_dim3A_210 = vector.broadcast %jit3A_208 : f32 to vector<16xf32>
      %select_n3A = arith.select %eq3A_207, %broadcast_in_dim3A_209, %broadcast_in_dim3A_210 : vector<16xi1>, vector<16xf32>
      %jit3A_211 = arith.constant 4 : i32
      %div3A = arith.divsi %squeeze3A, %jit3A_211 : i32
      %sign3A = arith.constant 0 : i32
      %sign3A_212 = arith.cmpi sgt, %squeeze3A, %sign3A : i32
      %sign3A_213 = arith.extui %sign3A_212 : i1 to i32
      %sign3A_214 = arith.constant 0 : i32
      %sign3A_215 = arith.cmpi slt, %squeeze3A, %sign3A_214 : i32
      %sign3A_216 = arith.extui %sign3A_215 : i1 to i32
      %sign3A_217 = arith.subi %sign3A_213, %sign3A_216 : i32
      %sign3A_218 = arith.constant 0 : i32
      %sign3A_219 = arith.cmpi sgt, %jit3A_211, %sign3A_218 : i32
      %sign3A_220 = arith.extui %sign3A_219 : i1 to i32
      %sign3A_221 = arith.constant 0 : i32
      %sign3A_222 = arith.cmpi slt, %jit3A_211, %sign3A_221 : i32
      %sign3A_223 = arith.extui %sign3A_222 : i1 to i32
      %sign3A_224 = arith.subi %sign3A_220, %sign3A_223 : i32
      %ne3A = arith.cmpi ne, %sign3A_217, %sign3A_224 : i32
      %rem3A = arith.remsi %squeeze3A, %jit3A_211 : i32
      %ne3A_225 = arith.constant 0 : i32
      %ne3A_226 = arith.cmpi ne, %rem3A, %ne3A_225 : i32
      %and3A = arith.andi %ne3A, %ne3A_226 : i1
      %sub3A = arith.constant 1 : i32
      %sub3A_227 = arith.subi %div3A, %sub3A : i32
      %select_n3A_228 = arith.select %and3A, %sub3A_227, %div3A : i32
      %while3A = arith.constant 0 : i32
      %while3A_229 = arith.subi %select_n3A_228, %while3A : i32
      %while3A_230 = arith.addi %while3A, %while3A_229 : i32
      %while3A_231 = arith.constant 1 : i32
      %while3A_232 = arith.divsi %while3A_229, %while3A_231 : i32
      %while3A_233 = arith.muli %while3A_232, %while3A_231 : i32
      %while3A_234 = arith.addi %while3A, %while3A_233 : i32
      %while3A_235 = arith.constant 1 : i32
      %while3A_236 = scf.for %while3A_1383 = %while3A to %while3A_234 step %while3A_235 iter_args(%while3A_1384 = %select_n3A) -> (vector<16xf32>)  : i32 {
        %mul3A_1385 = arith.constant 4 : i32
        %mul3A_1386 = arith.muli %while3A_1383, %mul3A_1385 : i32
        %add3A_1387 = arith.constant 0 : i32
        %add3A_1388 = arith.addi %mul3A_1386, %add3A_1387 : i32
        %mul3A_1389 = arith.constant 16 : i32
        %mul3A_1390 = arith.muli %add3A_1388, %mul3A_1389 : i32
        %get3A_1391 = arith.index_cast %mul3A_1390 : i32 to index
        %get3A_1392 = tpu.vector_load %arg7[%get3A_1391] {strides = array<i32>} : memref<8192xf32, #tpu.memory_space<vmem>>, vector<16xf32>,
        %get3A_1393 = vector.shape_cast %get3A_1392 : vector<16xf32> to vector<16xf32>
        %lt3A_1394 = arith.constant 0 : i32
        %lt3A_1395 = vector.broadcast %lt3A_1394 : i32 to vector<16xi32>
        %lt3A_1396 = arith.cmpi slt, %broadcast_in_dim3A_131, %lt3A_1395 : vector<16xi32>
        %add3A_1397 = arith.constant 16 : i32
        %add3A_1398 = vector.broadcast %add3A_1397 : i32 to vector<16xi32>
        %add3A_1399 = arith.addi %broadcast_in_dim3A_131, %add3A_1398 : vector<16xi32>
        %select_n3A_1400 = arith.select %lt3A_1396, %add3A_1399, %broadcast_in_dim3A_131 : vector<16xi1>, vector<16xi32>
        %broadcast_in_dim3A_1401 = vector.shape_cast %select_n3A_1400 : vector<16xi32> to vector<16x1xi32>
        %gather3A_1402 = vector.shape_cast %broadcast_in_dim3A_1401 : vector<16x1xi32> to vector<16xi32>
        %gather3A_1403 = tpu.dynamic_gather %while3A_1384[%gather3A_1402] in [0] : vector<16xf32>, vector<16xi32> -> vector<16xf32>
        %mul3A_1404 = arith.mulf %gather3A_1403, %max3A_10 : vector<16xf32>
        %lt3A_1405 = arith.constant 0 : i32
        %lt3A_1406 = vector.broadcast %lt3A_1405 : i32 to vector<16xi32>
        %lt3A_1407 = arith.cmpi slt, %broadcast_in_dim3A_133, %lt3A_1406 : vector<16xi32>
        %add3A_1408 = arith.constant 16 : i32
        %add3A_1409 = vector.broadcast %add3A_1408 : i32 to vector<16xi32>
        %add3A_1410 = arith.addi %broadcast_in_dim3A_133, %add3A_1409 : vector<16xi32>
        %select_n3A_1411 = arith.select %lt3A_1407, %add3A_1410, %broadcast_in_dim3A_133 : vector<16xi1>, vector<16xi32>
        %broadcast_in_dim3A_1412 = vector.shape_cast %select_n3A_1411 : vector<16xi32> to vector<16x1xi32>
        %gather3A_1413 = vector.shape_cast %broadcast_in_dim3A_1412 : vector<16x1xi32> to vector<16xi32>
        %gather3A_1414 = tpu.dynamic_gather %while3A_1384[%gather3A_1413] in [0] : vector<16xf32>, vector<16xi32> -> vector<16xf32>
        %mul3A_1415 = arith.mulf %gather3A_1414, %max3A_18 : vector<16xf32>
        %lt3A_1416 = arith.constant 0 : i32
        %lt3A_1417 = vector.broadcast %lt3A_1416 : i32 to vector<16xi32>
        %lt3A_1418 = arith.cmpi slt, %broadcast_in_dim3A_135, %lt3A_1417 : vector<16xi32>
        %add3A_1419 = arith.constant 16 : i32
        %add3A_1420 = vector.broadcast %add3A_1419 : i32 to vector<16xi32>
        %add3A_1421 = arith.addi %broadcast_in_dim3A_135, %add3A_1420 : vector<16xi32>
        %select_n3A_1422 = arith.select %lt3A_1418, %add3A_1421, %broadcast_in_dim3A_135 : vector<16xi1>, vector<16xi32>
        %broadcast_in_dim3A_1423 = vector.shape_cast %select_n3A_1422 : vector<16xi32> to vector<16x1xi32>
        %gather3A_1424 = vector.shape_cast %broadcast_in_dim3A_1423 : vector<16x1xi32> to vector<16xi32>
        %gather3A_1425 = tpu.dynamic_gather %while3A_1384[%gather3A_1424] in [0] : vector<16xf32>, vector<16xi32> -> vector<16xf32>
        %mul3A_1426 = arith.mulf %gather3A_1425, %max3A_26 : vector<16xf32>
        %lt3A_1427 = arith.constant 0 : i32
        %lt3A_1428 = vector.broadcast %lt3A_1427 : i32 to vector<16xi32>
        %lt3A_1429 = arith.cmpi slt, %broadcast_in_dim3A_137, %lt3A_1428 : vector<16xi32>
        %add3A_1430 = arith.constant 16 : i32
        %add3A_1431 = vector.broadcast %add3A_1430 : i32 to vector<16xi32>
        %add3A_1432 = arith.addi %broadcast_in_dim3A_137, %add3A_1431 : vector<16xi32>
        %select_n3A_1433 = arith.select %lt3A_1429, %add3A_1432, %broadcast_in_dim3A_137 : vector<16xi1>, vector<16xi32>
        %broadcast_in_dim3A_1434 = vector.shape_cast %select_n3A_1433 : vector<16xi32> to vector<16x1xi32>
        %gather3A_1435 = vector.shape_cast %broadcast_in_dim3A_1434 : vector<16x1xi32> to vector<16xi32>
        %gather3A_1436 = tpu.dynamic_gather %while3A_1384[%gather3A_1435] in [0] : vector<16xf32>, vector<16xi32> -> vector<16xf32>
        %mul3A_1437 = arith.mulf %gather3A_1436, %max3A_34 : vector<16xf32>
        %lt3A_1438 = arith.constant 0 : i32
        %lt3A_1439 = vector.broadcast %lt3A_1438 : i32 to vector<16xi32>
        %lt3A_1440 = arith.cmpi slt, %broadcast_in_dim3A_139, %lt3A_1439 : vector<16xi32>
        %add3A_1441 = arith.constant 16 : i32
        %add3A_1442 = vector.broadcast %add3A_1441 : i32 to vector<16xi32>
        %add3A_1443 = arith.addi %broadcast_in_dim3A_139, %add3A_1442 : vector<16xi32>
        %select_n3A_1444 = arith.select %lt3A_1440, %add3A_1443, %broadcast_in_dim3A_139 : vector<16xi1>, vector<16xi32>
        %broadcast_in_dim3A_1445 = vector.shape_cast %select_n3A_1444 : vector<16xi32> to vector<16x1xi32>
        %gather3A_1446 = vector.shape_cast %broadcast_in_dim3A_1445 : vector<16x1xi32> to vector<16xi32>
        %gather3A_1447 = tpu.dynamic_gather %while3A_1384[%gather3A_1446] in [0] : vector<16xf32>, vector<16xi32> -> vector<16xf32>
        %mul3A_1448 = arith.mulf %gather3A_1447, %max3A_42 : vector<16xf32>
        %lt3A_1449 = arith.constant 0 : i32
        %lt3A_1450 = vector.broadcast %lt3A_1449 : i32 to vector<16xi32>
        %lt3A_1451 = arith.cmpi slt, %broadcast_in_dim3A_141, %lt3A_1450 : vector<16xi32>
        %add3A_1452 = arith.constant 16 : i32
        %add3A_1453 = vector.broadcast %add3A_1452 : i32 to vector<16xi32>
        %add3A_1454 = arith.addi %broadcast_in_dim3A_141, %add3A_1453 : vector<16xi32>
        %select_n3A_1455 = arith.select %lt3A_1451, %add3A_1454, %broadcast_in_dim3A_141 : vector<16xi1>, vector<16xi32>
        %broadcast_in_dim3A_1456 = vector.shape_cast %select_n3A_1455 : vector<16xi32> to vector<16x1xi32>
        %gather3A_1457 = vector.shape_cast %broadcast_in_dim3A_1456 : vector<16x1xi32> to vector<16xi32>
        %gather3A_1458 = tpu.dynamic_gather %while3A_1384[%gather3A_1457] in [0] : vector<16xf32>, vector<16xi32> -> vector<16xf32>
        %mul3A_1459 = arith.mulf %gather3A_1458, %max3A_50 : vector<16xf32>
        %lt3A_1460 = arith.constant 0 : i32
        %lt3A_1461 = vector.broadcast %lt3A_1460 : i32 to vector<16xi32>
        %lt3A_1462 = arith.cmpi slt, %broadcast_in_dim3A_143, %lt3A_1461 : vector<16xi32>
        %add3A_1463 = arith.constant 16 : i32
        %add3A_1464 = vector.broadcast %add3A_1463 : i32 to vector<16xi32>
        %add3A_1465 = arith.addi %broadcast_in_dim3A_143, %add3A_1464 : vector<16xi32>
        %select_n3A_1466 = arith.select %lt3A_1462, %add3A_1465, %broadcast_in_dim3A_143 : vector<16xi1>, vector<16xi32>
        %broadcast_in_dim3A_1467 = vector.shape_cast %select_n3A_1466 : vector<16xi32> to vector<16x1xi32>
        %gather3A_1468 = vector.shape_cast %broadcast_in_dim3A_1467 : vector<16x1xi32> to vector<16xi32>
        %gather3A_1469 = tpu.dynamic_gather %while3A_1384[%gather3A_1468] in [0] : vector<16xf32>, vector<16xi32> -> vector<16xf32>
        %mul3A_1470 = arith.mulf %gather3A_1469, %max3A_58 : vector<16xf32>
        %lt3A_1471 = arith.constant 0 : i32
        %lt3A_1472 = vector.broadcast %lt3A_1471 : i32 to vector<16xi32>
        %lt3A_1473 = arith.cmpi slt, %broadcast_in_dim3A_145, %lt3A_1472 : vector<16xi32>
        %add3A_1474 = arith.constant 16 : i32
        %add3A_1475 = vector.broadcast %add3A_1474 : i32 to vector<16xi32>
        %add3A_1476 = arith.addi %broadcast_in_dim3A_145, %add3A_1475 : vector<16xi32>
        %select_n3A_1477 = arith.select %lt3A_1473, %add3A_1476, %broadcast_in_dim3A_145 : vector<16xi1>, vector<16xi32>
        %broadcast_in_dim3A_1478 = vector.shape_cast %select_n3A_1477 : vector<16xi32> to vector<16x1xi32>
        %gather3A_1479 = vector.shape_cast %broadcast_in_dim3A_1478 : vector<16x1xi32> to vector<16xi32>
        %gather3A_1480 = tpu.dynamic_gather %while3A_1384[%gather3A_1479] in [0] : vector<16xf32>, vector<16xi32> -> vector<16xf32>
        %mul3A_1481 = arith.mulf %gather3A_1480, %max3A_66 : vector<16xf32>
        %lt3A_1482 = arith.constant 0 : i32
        %lt3A_1483 = vector.broadcast %lt3A_1482 : i32 to vector<16xi32>
        %lt3A_1484 = arith.cmpi slt, %broadcast_in_dim3A_147, %lt3A_1483 : vector<16xi32>
        %add3A_1485 = arith.constant 16 : i32
        %add3A_1486 = vector.broadcast %add3A_1485 : i32 to vector<16xi32>
        %add3A_1487 = arith.addi %broadcast_in_dim3A_147, %add3A_1486 : vector<16xi32>
        %select_n3A_1488 = arith.select %lt3A_1484, %add3A_1487, %broadcast_in_dim3A_147 : vector<16xi1>, vector<16xi32>
        %broadcast_in_dim3A_1489 = vector.shape_cast %select_n3A_1488 : vector<16xi32> to vector<16x1xi32>
        %gather3A_1490 = vector.shape_cast %broadcast_in_dim3A_1489 : vector<16x1xi32> to vector<16xi32>
        %gather3A_1491 = tpu.dynamic_gather %while3A_1384[%gather3A_1490] in [0] : vector<16xf32>, vector<16xi32> -> vector<16xf32>
        %mul3A_1492 = arith.mulf %gather3A_1491, %max3A_74 : vector<16xf32>
        %lt3A_1493 = arith.constant 0 : i32
        %lt3A_1494 = vector.broadcast %lt3A_1493 : i32 to vector<16xi32>
        %lt3A_1495 = arith.cmpi slt, %broadcast_in_dim3A_149, %lt3A_1494 : vector<16xi32>
        %add3A_1496 = arith.constant 16 : i32
        %add3A_1497 = vector.broadcast %add3A_1496 : i32 to vector<16xi32>
        %add3A_1498 = arith.addi %broadcast_in_dim3A_149, %add3A_1497 : vector<16xi32>
        %select_n3A_1499 = arith.select %lt3A_1495, %add3A_1498, %broadcast_in_dim3A_149 : vector<16xi1>, vector<16xi32>
        %broadcast_in_dim3A_1500 = vector.shape_cast %select_n3A_1499 : vector<16xi32> to vector<16x1xi32>
        %gather3A_1501 = vector.shape_cast %broadcast_in_dim3A_1500 : vector<16x1xi32> to vector<16xi32>
        %gather3A_1502 = tpu.dynamic_gather %while3A_1384[%gather3A_1501] in [0] : vector<16xf32>, vector<16xi32> -> vector<16xf32>
        %mul3A_1503 = arith.mulf %gather3A_1502, %max3A_82 : vector<16xf32>
        %lt3A_1504 = arith.constant 0 : i32
        %lt3A_1505 = vector.broadcast %lt3A_1504 : i32 to vector<16xi32>
        %lt3A_1506 = arith.cmpi slt, %broadcast_in_dim3A_151, %lt3A_1505 : vector<16xi32>
        %add3A_1507 = arith.constant 16 : i32
        %add3A_1508 = vector.broadcast %add3A_1507 : i32 to vector<16xi32>
        %add3A_1509 = arith.addi %broadcast_in_dim3A_151, %add3A_1508 : vector<16xi32>
        %select_n3A_1510 = arith.select %lt3A_1506, %add3A_1509, %broadcast_in_dim3A_151 : vector<16xi1>, vector<16xi32>
        %broadcast_in_dim3A_1511 = vector.shape_cast %select_n3A_1510 : vector<16xi32> to vector<16x1xi32>
        %gather3A_1512 = vector.shape_cast %broadcast_in_dim3A_1511 : vector<16x1xi32> to vector<16xi32>
        %gather3A_1513 = tpu.dynamic_gather %while3A_1384[%gather3A_1512] in [0] : vector<16xf32>, vector<16xi32> -> vector<16xf32>
        %mul3A_1514 = arith.mulf %gather3A_1513, %max3A_90 : vector<16xf32>
        %lt3A_1515 = arith.constant 0 : i32
        %lt3A_1516 = vector.broadcast %lt3A_1515 : i32 to vector<16xi32>
        %lt3A_1517 = arith.cmpi slt, %broadcast_in_dim3A_153, %lt3A_1516 : vector<16xi32>
        %add3A_1518 = arith.constant 16 : i32
        %add3A_1519 = vector.broadcast %add3A_1518 : i32 to vector<16xi32>
        %add3A_1520 = arith.addi %broadcast_in_dim3A_153, %add3A_1519 : vector<16xi32>
        %select_n3A_1521 = arith.select %lt3A_1517, %add3A_1520, %broadcast_in_dim3A_153 : vector<16xi1>, vector<16xi32>
        %broadcast_in_dim3A_1522 = vector.shape_cast %select_n3A_1521 : vector<16xi32> to vector<16x1xi32>
        %gather3A_1523 = vector.shape_cast %broadcast_in_dim3A_1522 : vector<16x1xi32> to vector<16xi32>
        %gather3A_1524 = tpu.dynamic_gather %while3A_1384[%gather3A_1523] in [0] : vector<16xf32>, vector<16xi32> -> vector<16xf32>
        %mul3A_1525 = arith.mulf %gather3A_1524, %max3A_98 : vector<16xf32>
        %lt3A_1526 = arith.constant 0 : i32
        %lt3A_1527 = vector.broadcast %lt3A_1526 : i32 to vector<16xi32>
        %lt3A_1528 = arith.cmpi slt, %broadcast_in_dim3A_155, %lt3A_1527 : vector<16xi32>
        %add3A_1529 = arith.constant 16 : i32
        %add3A_1530 = vector.broadcast %add3A_1529 : i32 to vector<16xi32>
        %add3A_1531 = arith.addi %broadcast_in_dim3A_155, %add3A_1530 : vector<16xi32>
        %select_n3A_1532 = arith.select %lt3A_1528, %add3A_1531, %broadcast_in_dim3A_155 : vector<16xi1>, vector<16xi32>
        %broadcast_in_dim3A_1533 = vector.shape_cast %select_n3A_1532 : vector<16xi32> to vector<16x1xi32>
        %gather3A_1534 = vector.shape_cast %broadcast_in_dim3A_1533 : vector<16x1xi32> to vector<16xi32>
        %gather3A_1535 = tpu.dynamic_gather %while3A_1384[%gather3A_1534] in [0] : vector<16xf32>, vector<16xi32> -> vector<16xf32>
        %mul3A_1536 = arith.mulf %gather3A_1535, %max3A_106 : vector<16xf32>
        %lt3A_1537 = arith.constant 0 : i32
        %lt3A_1538 = vector.broadcast %lt3A_1537 : i32 to vector<16xi32>
        %lt3A_1539 = arith.cmpi slt, %broadcast_in_dim3A_157, %lt3A_1538 : vector<16xi32>
        %add3A_1540 = arith.constant 16 : i32
        %add3A_1541 = vector.broadcast %add3A_1540 : i32 to vector<16xi32>
        %add3A_1542 = arith.addi %broadcast_in_dim3A_157, %add3A_1541 : vector<16xi32>
        %select_n3A_1543 = arith.select %lt3A_1539, %add3A_1542, %broadcast_in_dim3A_157 : vector<16xi1>, vector<16xi32>
        %broadcast_in_dim3A_1544 = vector.shape_cast %select_n3A_1543 : vector<16xi32> to vector<16x1xi32>
        %gather3A_1545 = vector.shape_cast %broadcast_in_dim3A_1544 : vector<16x1xi32> to vector<16xi32>
        %gather3A_1546 = tpu.dynamic_gather %while3A_1384[%gather3A_1545] in [0] : vector<16xf32>, vector<16xi32> -> vector<16xf32>
        %mul3A_1547 = arith.mulf %gather3A_1546, %max3A_114 : vector<16xf32>
        %lt3A_1548 = arith.constant 0 : i32
        %lt3A_1549 = vector.broadcast %lt3A_1548 : i32 to vector<16xi32>
        %lt3A_1550 = arith.cmpi slt, %broadcast_in_dim3A_159, %lt3A_1549 : vector<16xi32>
        %add3A_1551 = arith.constant 16 : i32
        %add3A_1552 = vector.broadcast %add3A_1551 : i32 to vector<16xi32>
        %add3A_1553 = arith.addi %broadcast_in_dim3A_159, %add3A_1552 : vector<16xi32>
        %select_n3A_1554 = arith.select %lt3A_1550, %add3A_1553, %broadcast_in_dim3A_159 : vector<16xi1>, vector<16xi32>
        %broadcast_in_dim3A_1555 = vector.shape_cast %select_n3A_1554 : vector<16xi32> to vector<16x1xi32>
        %gather3A_1556 = vector.shape_cast %broadcast_in_dim3A_1555 : vector<16x1xi32> to vector<16xi32>
        %gather3A_1557 = tpu.dynamic_gather %while3A_1384[%gather3A_1556] in [0] : vector<16xf32>, vector<16xi32> -> vector<16xf32>
        %mul3A_1558 = arith.mulf %gather3A_1557, %max3A_122 : vector<16xf32>
        %lt3A_1559 = arith.constant 0 : i32
        %lt3A_1560 = vector.broadcast %lt3A_1559 : i32 to vector<16xi32>
        %lt3A_1561 = arith.cmpi slt, %broadcast_in_dim3A_161, %lt3A_1560 : vector<16xi32>
        %add3A_1562 = arith.constant 16 : i32
        %add3A_1563 = vector.broadcast %add3A_1562 : i32 to vector<16xi32>
        %add3A_1564 = arith.addi %broadcast_in_dim3A_161, %add3A_1563 : vector<16xi32>
        %select_n3A_1565 = arith.select %lt3A_1561, %add3A_1564, %broadcast_in_dim3A_161 : vector<16xi1>, vector<16xi32>
        %broadcast_in_dim3A_1566 = vector.shape_cast %select_n3A_1565 : vector<16xi32> to vector<16x1xi32>
        %gather3A_1567 = vector.shape_cast %broadcast_in_dim3A_1566 : vector<16x1xi32> to vector<16xi32>
        %gather3A_1568 = tpu.dynamic_gather %while3A_1384[%gather3A_1567] in [0] : vector<16xf32>, vector<16xi32> -> vector<16xf32>
        %mul3A_1569 = arith.mulf %gather3A_1568, %max3A_130 : vector<16xf32>
        %add3A_1570 = arith.addf %mul3A_1404, %mul3A_1415 : vector<16xf32>
        %add3A_1571 = arith.addf %mul3A_1426, %mul3A_1437 : vector<16xf32>
        %add3A_1572 = arith.addf %mul3A_1448, %mul3A_1459 : vector<16xf32>
        %add3A_1573 = arith.addf %mul3A_1470, %mul3A_1481 : vector<16xf32>
        %add3A_1574 = arith.addf %mul3A_1492, %mul3A_1503 : vector<16xf32>
        %add3A_1575 = arith.addf %mul3A_1514, %mul3A_1525 : vector<16xf32>
        %add3A_1576 = arith.addf %mul3A_1536, %mul3A_1547 : vector<16xf32>
        %add3A_1577 = arith.addf %mul3A_1558, %mul3A_1569 : vector<16xf32>
        %add3A_1578 = arith.addf %add3A_1570, %add3A_1571 : vector<16xf32>
        %add3A_1579 = arith.addf %add3A_1572, %add3A_1573 : vector<16xf32>
        %add3A_1580 = arith.addf %add3A_1574, %add3A_1575 : vector<16xf32>
        %add3A_1581 = arith.addf %add3A_1576, %add3A_1577 : vector<16xf32>
        %add3A_1582 = arith.addf %add3A_1578, %add3A_1579 : vector<16xf32>
        %add3A_1583 = arith.addf %add3A_1580, %add3A_1581 : vector<16xf32>
        %add3A_1584 = arith.addf %add3A_1582, %add3A_1583 : vector<16xf32>
        %mul3A_1585 = arith.mulf %add3A_1584, %get3A_1393 : vector<16xf32>
        %mul3A_1586 = arith.constant 4 : i32
        %mul3A_1587 = arith.muli %while3A_1383, %mul3A_1586 : i32
        %add3A_1588 = arith.constant 1 : i32
        %add3A_1589 = arith.addi %mul3A_1587, %add3A_1588 : i32
        %mul3A_1590 = arith.constant 16 : i32
        %mul3A_1591 = arith.muli %add3A_1589, %mul3A_1590 : i32
        %get3A_1592 = arith.index_cast %mul3A_1591 : i32 to index
        %get3A_1593 = tpu.vector_load %arg7[%get3A_1592] {strides = array<i32>} : memref<8192xf32, #tpu.memory_space<vmem>>, vector<16xf32>,
        %get3A_1594 = vector.shape_cast %get3A_1593 : vector<16xf32> to vector<16xf32>
        %lt3A_1595 = arith.constant 0 : i32
        %lt3A_1596 = vector.broadcast %lt3A_1595 : i32 to vector<16xi32>
        %lt3A_1597 = arith.cmpi slt, %broadcast_in_dim3A_131, %lt3A_1596 : vector<16xi32>
        %add3A_1598 = arith.constant 16 : i32
        %add3A_1599 = vector.broadcast %add3A_1598 : i32 to vector<16xi32>
        %add3A_1600 = arith.addi %broadcast_in_dim3A_131, %add3A_1599 : vector<16xi32>
        %select_n3A_1601 = arith.select %lt3A_1597, %add3A_1600, %broadcast_in_dim3A_131 : vector<16xi1>, vector<16xi32>
        %broadcast_in_dim3A_1602 = vector.shape_cast %select_n3A_1601 : vector<16xi32> to vector<16x1xi32>
        %gather3A_1603 = vector.shape_cast %broadcast_in_dim3A_1602 : vector<16x1xi32> to vector<16xi32>
        %gather3A_1604 = tpu.dynamic_gather %mul3A_1585[%gather3A_1603] in [0] : vector<16xf32>, vector<16xi32> -> vector<16xf32>
        %mul3A_1605 = arith.mulf %gather3A_1604, %max3A_10 : vector<16xf32>
        %lt3A_1606 = arith.constant 0 : i32
        %lt3A_1607 = vector.broadcast %lt3A_1606 : i32 to vector<16xi32>
        %lt3A_1608 = arith.cmpi slt, %broadcast_in_dim3A_133, %lt3A_1607 : vector<16xi32>
        %add3A_1609 = arith.constant 16 : i32
        %add3A_1610 = vector.broadcast %add3A_1609 : i32 to vector<16xi32>
        %add3A_1611 = arith.addi %broadcast_in_dim3A_133, %add3A_1610 : vector<16xi32>
        %select_n3A_1612 = arith.select %lt3A_1608, %add3A_1611, %broadcast_in_dim3A_133 : vector<16xi1>, vector<16xi32>
        %broadcast_in_dim3A_1613 = vector.shape_cast %select_n3A_1612 : vector<16xi32> to vector<16x1xi32>
        %gather3A_1614 = vector.shape_cast %broadcast_in_dim3A_1613 : vector<16x1xi32> to vector<16xi32>
        %gather3A_1615 = tpu.dynamic_gather %mul3A_1585[%gather3A_1614] in [0] : vector<16xf32>, vector<16xi32> -> vector<16xf32>
        %mul3A_1616 = arith.mulf %gather3A_1615, %max3A_18 : vector<16xf32>
        %lt3A_1617 = arith.constant 0 : i32
        %lt3A_1618 = vector.broadcast %lt3A_1617 : i32 to vector<16xi32>
        %lt3A_1619 = arith.cmpi slt, %broadcast_in_dim3A_135, %lt3A_1618 : vector<16xi32>
        %add3A_1620 = arith.constant 16 : i32
        %add3A_1621 = vector.broadcast %add3A_1620 : i32 to vector<16xi32>
        %add3A_1622 = arith.addi %broadcast_in_dim3A_135, %add3A_1621 : vector<16xi32>
        %select_n3A_1623 = arith.select %lt3A_1619, %add3A_1622, %broadcast_in_dim3A_135 : vector<16xi1>, vector<16xi32>
        %broadcast_in_dim3A_1624 = vector.shape_cast %select_n3A_1623 : vector<16xi32> to vector<16x1xi32>
        %gather3A_1625 = vector.shape_cast %broadcast_in_dim3A_1624 : vector<16x1xi32> to vector<16xi32>
        %gather3A_1626 = tpu.dynamic_gather %mul3A_1585[%gather3A_1625] in [0] : vector<16xf32>, vector<16xi32> -> vector<16xf32>
        %mul3A_1627 = arith.mulf %gather3A_1626, %max3A_26 : vector<16xf32>
        %lt3A_1628 = arith.constant 0 : i32
        %lt3A_1629 = vector.broadcast %lt3A_1628 : i32 to vector<16xi32>
        %lt3A_1630 = arith.cmpi slt, %broadcast_in_dim3A_137, %lt3A_1629 : vector<16xi32>
        %add3A_1631 = arith.constant 16 : i32
        %add3A_1632 = vector.broadcast %add3A_1631 : i32 to vector<16xi32>
        %add3A_1633 = arith.addi %broadcast_in_dim3A_137, %add3A_1632 : vector<16xi32>
        %select_n3A_1634 = arith.select %lt3A_1630, %add3A_1633, %broadcast_in_dim3A_137 : vector<16xi1>, vector<16xi32>
        %broadcast_in_dim3A_1635 = vector.shape_cast %select_n3A_1634 : vector<16xi32> to vector<16x1xi32>
        %gather3A_1636 = vector.shape_cast %broadcast_in_dim3A_1635 : vector<16x1xi32> to vector<16xi32>
        %gather3A_1637 = tpu.dynamic_gather %mul3A_1585[%gather3A_1636] in [0] : vector<16xf32>, vector<16xi32> -> vector<16xf32>
        %mul3A_1638 = arith.mulf %gather3A_1637, %max3A_34 : vector<16xf32>
        %lt3A_1639 = arith.constant 0 : i32
        %lt3A_1640 = vector.broadcast %lt3A_1639 : i32 to vector<16xi32>
        %lt3A_1641 = arith.cmpi slt, %broadcast_in_dim3A_139, %lt3A_1640 : vector<16xi32>
        %add3A_1642 = arith.constant 16 : i32
        %add3A_1643 = vector.broadcast %add3A_1642 : i32 to vector<16xi32>
        %add3A_1644 = arith.addi %broadcast_in_dim3A_139, %add3A_1643 : vector<16xi32>
        %select_n3A_1645 = arith.select %lt3A_1641, %add3A_1644, %broadcast_in_dim3A_139 : vector<16xi1>, vector<16xi32>
        %broadcast_in_dim3A_1646 = vector.shape_cast %select_n3A_1645 : vector<16xi32> to vector<16x1xi32>
        %gather3A_1647 = vector.shape_cast %broadcast_in_dim3A_1646 : vector<16x1xi32> to vector<16xi32>
        %gather3A_1648 = tpu.dynamic_gather %mul3A_1585[%gather3A_1647] in [0] : vector<16xf32>, vector<16xi32> -> vector<16xf32>
        %mul3A_1649 = arith.mulf %gather3A_1648, %max3A_42 : vector<16xf32>
        %lt3A_1650 = arith.constant 0 : i32
        %lt3A_1651 = vector.broadcast %lt3A_1650 : i32 to vector<16xi32>
        %lt3A_1652 = arith.cmpi slt, %broadcast_in_dim3A_141, %lt3A_1651 : vector<16xi32>
        %add3A_1653 = arith.constant 16 : i32
        %add3A_1654 = vector.broadcast %add3A_1653 : i32 to vector<16xi32>
        %add3A_1655 = arith.addi %broadcast_in_dim3A_141, %add3A_1654 : vector<16xi32>
        %select_n3A_1656 = arith.select %lt3A_1652, %add3A_1655, %broadcast_in_dim3A_141 : vector<16xi1>, vector<16xi32>
        %broadcast_in_dim3A_1657 = vector.shape_cast %select_n3A_1656 : vector<16xi32> to vector<16x1xi32>
        %gather3A_1658 = vector.shape_cast %broadcast_in_dim3A_1657 : vector<16x1xi32> to vector<16xi32>
        %gather3A_1659 = tpu.dynamic_gather %mul3A_1585[%gather3A_1658] in [0] : vector<16xf32>, vector<16xi32> -> vector<16xf32>
        %mul3A_1660 = arith.mulf %gather3A_1659, %max3A_50 : vector<16xf32>
        %lt3A_1661 = arith.constant 0 : i32
        %lt3A_1662 = vector.broadcast %lt3A_1661 : i32 to vector<16xi32>
        %lt3A_1663 = arith.cmpi slt, %broadcast_in_dim3A_143, %lt3A_1662 : vector<16xi32>
        %add3A_1664 = arith.constant 16 : i32
        %add3A_1665 = vector.broadcast %add3A_1664 : i32 to vector<16xi32>
        %add3A_1666 = arith.addi %broadcast_in_dim3A_143, %add3A_1665 : vector<16xi32>
        %select_n3A_1667 = arith.select %lt3A_1663, %add3A_1666, %broadcast_in_dim3A_143 : vector<16xi1>, vector<16xi32>
        %broadcast_in_dim3A_1668 = vector.shape_cast %select_n3A_1667 : vector<16xi32> to vector<16x1xi32>
        %gather3A_1669 = vector.shape_cast %broadcast_in_dim3A_1668 : vector<16x1xi32> to vector<16xi32>
        %gather3A_1670 = tpu.dynamic_gather %mul3A_1585[%gather3A_1669] in [0] : vector<16xf32>, vector<16xi32> -> vector<16xf32>
        %mul3A_1671 = arith.mulf %gather3A_1670, %max3A_58 : vector<16xf32>
        %lt3A_1672 = arith.constant 0 : i32
        %lt3A_1673 = vector.broadcast %lt3A_1672 : i32 to vector<16xi32>
        %lt3A_1674 = arith.cmpi slt, %broadcast_in_dim3A_145, %lt3A_1673 : vector<16xi32>
        %add3A_1675 = arith.constant 16 : i32
        %add3A_1676 = vector.broadcast %add3A_1675 : i32 to vector<16xi32>
        %add3A_1677 = arith.addi %broadcast_in_dim3A_145, %add3A_1676 : vector<16xi32>
        %select_n3A_1678 = arith.select %lt3A_1674, %add3A_1677, %broadcast_in_dim3A_145 : vector<16xi1>, vector<16xi32>
        %broadcast_in_dim3A_1679 = vector.shape_cast %select_n3A_1678 : vector<16xi32> to vector<16x1xi32>
        %gather3A_1680 = vector.shape_cast %broadcast_in_dim3A_1679 : vector<16x1xi32> to vector<16xi32>
        %gather3A_1681 = tpu.dynamic_gather %mul3A_1585[%gather3A_1680] in [0] : vector<16xf32>, vector<16xi32> -> vector<16xf32>
        %mul3A_1682 = arith.mulf %gather3A_1681, %max3A_66 : vector<16xf32>
        %lt3A_1683 = arith.constant 0 : i32
        %lt3A_1684 = vector.broadcast %lt3A_1683 : i32 to vector<16xi32>
        %lt3A_1685 = arith.cmpi slt, %broadcast_in_dim3A_147, %lt3A_1684 : vector<16xi32>
        %add3A_1686 = arith.constant 16 : i32
        %add3A_1687 = vector.broadcast %add3A_1686 : i32 to vector<16xi32>
        %add3A_1688 = arith.addi %broadcast_in_dim3A_147, %add3A_1687 : vector<16xi32>
        %select_n3A_1689 = arith.select %lt3A_1685, %add3A_1688, %broadcast_in_dim3A_147 : vector<16xi1>, vector<16xi32>
        %broadcast_in_dim3A_1690 = vector.shape_cast %select_n3A_1689 : vector<16xi32> to vector<16x1xi32>
        %gather3A_1691 = vector.shape_cast %broadcast_in_dim3A_1690 : vector<16x1xi32> to vector<16xi32>
        %gather3A_1692 = tpu.dynamic_gather %mul3A_1585[%gather3A_1691] in [0] : vector<16xf32>, vector<16xi32> -> vector<16xf32>
        %mul3A_1693 = arith.mulf %gather3A_1692, %max3A_74 : vector<16xf32>
        %lt3A_1694 = arith.constant 0 : i32
        %lt3A_1695 = vector.broadcast %lt3A_1694 : i32 to vector<16xi32>
        %lt3A_1696 = arith.cmpi slt, %broadcast_in_dim3A_149, %lt3A_1695 : vector<16xi32>
        %add3A_1697 = arith.constant 16 : i32
        %add3A_1698 = vector.broadcast %add3A_1697 : i32 to vector<16xi32>
        %add3A_1699 = arith.addi %broadcast_in_dim3A_149, %add3A_1698 : vector<16xi32>
        %select_n3A_1700 = arith.select %lt3A_1696, %add3A_1699, %broadcast_in_dim3A_149 : vector<16xi1>, vector<16xi32>
        %broadcast_in_dim3A_1701 = vector.shape_cast %select_n3A_1700 : vector<16xi32> to vector<16x1xi32>
        %gather3A_1702 = vector.shape_cast %broadcast_in_dim3A_1701 : vector<16x1xi32> to vector<16xi32>
        %gather3A_1703 = tpu.dynamic_gather %mul3A_1585[%gather3A_1702] in [0] : vector<16xf32>, vector<16xi32> -> vector<16xf32>
        %mul3A_1704 = arith.mulf %gather3A_1703, %max3A_82 : vector<16xf32>
        %lt3A_1705 = arith.constant 0 : i32
        %lt3A_1706 = vector.broadcast %lt3A_1705 : i32 to vector<16xi32>
        %lt3A_1707 = arith.cmpi slt, %broadcast_in_dim3A_151, %lt3A_1706 : vector<16xi32>
        %add3A_1708 = arith.constant 16 : i32
        %add3A_1709 = vector.broadcast %add3A_1708 : i32 to vector<16xi32>
        %add3A_1710 = arith.addi %broadcast_in_dim3A_151, %add3A_1709 : vector<16xi32>
        %select_n3A_1711 = arith.select %lt3A_1707, %add3A_1710, %broadcast_in_dim3A_151 : vector<16xi1>, vector<16xi32>
        %broadcast_in_dim3A_1712 = vector.shape_cast %select_n3A_1711 : vector<16xi32> to vector<16x1xi32>
        %gather3A_1713 = vector.shape_cast %broadcast_in_dim3A_1712 : vector<16x1xi32> to vector<16xi32>
        %gather3A_1714 = tpu.dynamic_gather %mul3A_1585[%gather3A_1713] in [0] : vector<16xf32>, vector<16xi32> -> vector<16xf32>
        %mul3A_1715 = arith.mulf %gather3A_1714, %max3A_90 : vector<16xf32>
        %lt3A_1716 = arith.constant 0 : i32
        %lt3A_1717 = vector.broadcast %lt3A_1716 : i32 to vector<16xi32>
        %lt3A_1718 = arith.cmpi slt, %broadcast_in_dim3A_153, %lt3A_1717 : vector<16xi32>
        %add3A_1719 = arith.constant 16 : i32
        %add3A_1720 = vector.broadcast %add3A_1719 : i32 to vector<16xi32>
        %add3A_1721 = arith.addi %broadcast_in_dim3A_153, %add3A_1720 : vector<16xi32>
        %select_n3A_1722 = arith.select %lt3A_1718, %add3A_1721, %broadcast_in_dim3A_153 : vector<16xi1>, vector<16xi32>
        %broadcast_in_dim3A_1723 = vector.shape_cast %select_n3A_1722 : vector<16xi32> to vector<16x1xi32>
        %gather3A_1724 = vector.shape_cast %broadcast_in_dim3A_1723 : vector<16x1xi32> to vector<16xi32>
        %gather3A_1725 = tpu.dynamic_gather %mul3A_1585[%gather3A_1724] in [0] : vector<16xf32>, vector<16xi32> -> vector<16xf32>
        %mul3A_1726 = arith.mulf %gather3A_1725, %max3A_98 : vector<16xf32>
        %lt3A_1727 = arith.constant 0 : i32
        %lt3A_1728 = vector.broadcast %lt3A_1727 : i32 to vector<16xi32>
        %lt3A_1729 = arith.cmpi slt, %broadcast_in_dim3A_155, %lt3A_1728 : vector<16xi32>
        %add3A_1730 = arith.constant 16 : i32
        %add3A_1731 = vector.broadcast %add3A_1730 : i32 to vector<16xi32>
        %add3A_1732 = arith.addi %broadcast_in_dim3A_155, %add3A_1731 : vector<16xi32>
        %select_n3A_1733 = arith.select %lt3A_1729, %add3A_1732, %broadcast_in_dim3A_155 : vector<16xi1>, vector<16xi32>
        %broadcast_in_dim3A_1734 = vector.shape_cast %select_n3A_1733 : vector<16xi32> to vector<16x1xi32>
        %gather3A_1735 = vector.shape_cast %broadcast_in_dim3A_1734 : vector<16x1xi32> to vector<16xi32>
        %gather3A_1736 = tpu.dynamic_gather %mul3A_1585[%gather3A_1735] in [0] : vector<16xf32>, vector<16xi32> -> vector<16xf32>
        %mul3A_1737 = arith.mulf %gather3A_1736, %max3A_106 : vector<16xf32>
        %lt3A_1738 = arith.constant 0 : i32
        %lt3A_1739 = vector.broadcast %lt3A_1738 : i32 to vector<16xi32>
        %lt3A_1740 = arith.cmpi slt, %broadcast_in_dim3A_157, %lt3A_1739 : vector<16xi32>
        %add3A_1741 = arith.constant 16 : i32
        %add3A_1742 = vector.broadcast %add3A_1741 : i32 to vector<16xi32>
        %add3A_1743 = arith.addi %broadcast_in_dim3A_157, %add3A_1742 : vector<16xi32>
        %select_n3A_1744 = arith.select %lt3A_1740, %add3A_1743, %broadcast_in_dim3A_157 : vector<16xi1>, vector<16xi32>
        %broadcast_in_dim3A_1745 = vector.shape_cast %select_n3A_1744 : vector<16xi32> to vector<16x1xi32>
        %gather3A_1746 = vector.shape_cast %broadcast_in_dim3A_1745 : vector<16x1xi32> to vector<16xi32>
        %gather3A_1747 = tpu.dynamic_gather %mul3A_1585[%gather3A_1746] in [0] : vector<16xf32>, vector<16xi32> -> vector<16xf32>
        %mul3A_1748 = arith.mulf %gather3A_1747, %max3A_114 : vector<16xf32>
        %lt3A_1749 = arith.constant 0 : i32
        %lt3A_1750 = vector.broadcast %lt3A_1749 : i32 to vector<16xi32>
        %lt3A_1751 = arith.cmpi slt, %broadcast_in_dim3A_159, %lt3A_1750 : vector<16xi32>
        %add3A_1752 = arith.constant 16 : i32
        %add3A_1753 = vector.broadcast %add3A_1752 : i32 to vector<16xi32>
        %add3A_1754 = arith.addi %broadcast_in_dim3A_159, %add3A_1753 : vector<16xi32>
        %select_n3A_1755 = arith.select %lt3A_1751, %add3A_1754, %broadcast_in_dim3A_159 : vector<16xi1>, vector<16xi32>
        %broadcast_in_dim3A_1756 = vector.shape_cast %select_n3A_1755 : vector<16xi32> to vector<16x1xi32>
        %gather3A_1757 = vector.shape_cast %broadcast_in_dim3A_1756 : vector<16x1xi32> to vector<16xi32>
        %gather3A_1758 = tpu.dynamic_gather %mul3A_1585[%gather3A_1757] in [0] : vector<16xf32>, vector<16xi32> -> vector<16xf32>
        %mul3A_1759 = arith.mulf %gather3A_1758, %max3A_122 : vector<16xf32>
        %lt3A_1760 = arith.constant 0 : i32
        %lt3A_1761 = vector.broadcast %lt3A_1760 : i32 to vector<16xi32>
        %lt3A_1762 = arith.cmpi slt, %broadcast_in_dim3A_161, %lt3A_1761 : vector<16xi32>
        %add3A_1763 = arith.constant 16 : i32
        %add3A_1764 = vector.broadcast %add3A_1763 : i32 to vector<16xi32>
        %add3A_1765 = arith.addi %broadcast_in_dim3A_161, %add3A_1764 : vector<16xi32>
        %select_n3A_1766 = arith.select %lt3A_1762, %add3A_1765, %broadcast_in_dim3A_161 : vector<16xi1>, vector<16xi32>
        %broadcast_in_dim3A_1767 = vector.shape_cast %select_n3A_1766 : vector<16xi32> to vector<16x1xi32>
        %gather3A_1768 = vector.shape_cast %broadcast_in_dim3A_1767 : vector<16x1xi32> to vector<16xi32>
        %gather3A_1769 = tpu.dynamic_gather %mul3A_1585[%gather3A_1768] in [0] : vector<16xf32>, vector<16xi32> -> vector<16xf32>
        %mul3A_1770 = arith.mulf %gather3A_1769, %max3A_130 : vector<16xf32>
        %add3A_1771 = arith.addf %mul3A_1605, %mul3A_1616 : vector<16xf32>
        %add3A_1772 = arith.addf %mul3A_1627, %mul3A_1638 : vector<16xf32>
        %add3A_1773 = arith.addf %mul3A_1649, %mul3A_1660 : vector<16xf32>
        %add3A_1774 = arith.addf %mul3A_1671, %mul3A_1682 : vector<16xf32>
        %add3A_1775 = arith.addf %mul3A_1693, %mul3A_1704 : vector<16xf32>
        %add3A_1776 = arith.addf %mul3A_1715, %mul3A_1726 : vector<16xf32>
        %add3A_1777 = arith.addf %mul3A_1737, %mul3A_1748 : vector<16xf32>
        %add3A_1778 = arith.addf %mul3A_1759, %mul3A_1770 : vector<16xf32>
        %add3A_1779 = arith.addf %add3A_1771, %add3A_1772 : vector<16xf32>
        %add3A_1780 = arith.addf %add3A_1773, %add3A_1774 : vector<16xf32>
        %add3A_1781 = arith.addf %add3A_1775, %add3A_1776 : vector<16xf32>
        %add3A_1782 = arith.addf %add3A_1777, %add3A_1778 : vector<16xf32>
        %add3A_1783 = arith.addf %add3A_1779, %add3A_1780 : vector<16xf32>
        %add3A_1784 = arith.addf %add3A_1781, %add3A_1782 : vector<16xf32>
        %add3A_1785 = arith.addf %add3A_1783, %add3A_1784 : vector<16xf32>
        %mul3A_1786 = arith.mulf %add3A_1785, %get3A_1594 : vector<16xf32>
        %mul3A_1787 = arith.constant 4 : i32
        %mul3A_1788 = arith.muli %while3A_1383, %mul3A_1787 : i32
        %add3A_1789 = arith.constant 2 : i32
        %add3A_1790 = arith.addi %mul3A_1788, %add3A_1789 : i32
        %mul3A_1791 = arith.constant 16 : i32
        %mul3A_1792 = arith.muli %add3A_1790, %mul3A_1791 : i32
        %get3A_1793 = arith.index_cast %mul3A_1792 : i32 to index
        %get3A_1794 = tpu.vector_load %arg7[%get3A_1793] {strides = array<i32>} : memref<8192xf32, #tpu.memory_space<vmem>>, vector<16xf32>,
        %get3A_1795 = vector.shape_cast %get3A_1794 : vector<16xf32> to vector<16xf32>
        %lt3A_1796 = arith.constant 0 : i32
        %lt3A_1797 = vector.broadcast %lt3A_1796 : i32 to vector<16xi32>
        %lt3A_1798 = arith.cmpi slt, %broadcast_in_dim3A_131, %lt3A_1797 : vector<16xi32>
        %add3A_1799 = arith.constant 16 : i32
        %add3A_1800 = vector.broadcast %add3A_1799 : i32 to vector<16xi32>
        %add3A_1801 = arith.addi %broadcast_in_dim3A_131, %add3A_1800 : vector<16xi32>
        %select_n3A_1802 = arith.select %lt3A_1798, %add3A_1801, %broadcast_in_dim3A_131 : vector<16xi1>, vector<16xi32>
        %broadcast_in_dim3A_1803 = vector.shape_cast %select_n3A_1802 : vector<16xi32> to vector<16x1xi32>
        %gather3A_1804 = vector.shape_cast %broadcast_in_dim3A_1803 : vector<16x1xi32> to vector<16xi32>
        %gather3A_1805 = tpu.dynamic_gather %mul3A_1786[%gather3A_1804] in [0] : vector<16xf32>, vector<16xi32> -> vector<16xf32>
        %mul3A_1806 = arith.mulf %gather3A_1805, %max3A_10 : vector<16xf32>
        %lt3A_1807 = arith.constant 0 : i32
        %lt3A_1808 = vector.broadcast %lt3A_1807 : i32 to vector<16xi32>
        %lt3A_1809 = arith.cmpi slt, %broadcast_in_dim3A_133, %lt3A_1808 : vector<16xi32>
        %add3A_1810 = arith.constant 16 : i32
        %add3A_1811 = vector.broadcast %add3A_1810 : i32 to vector<16xi32>
        %add3A_1812 = arith.addi %broadcast_in_dim3A_133, %add3A_1811 : vector<16xi32>
        %select_n3A_1813 = arith.select %lt3A_1809, %add3A_1812, %broadcast_in_dim3A_133 : vector<16xi1>, vector<16xi32>
        %broadcast_in_dim3A_1814 = vector.shape_cast %select_n3A_1813 : vector<16xi32> to vector<16x1xi32>
        %gather3A_1815 = vector.shape_cast %broadcast_in_dim3A_1814 : vector<16x1xi32> to vector<16xi32>
        %gather3A_1816 = tpu.dynamic_gather %mul3A_1786[%gather3A_1815] in [0] : vector<16xf32>, vector<16xi32> -> vector<16xf32>
        %mul3A_1817 = arith.mulf %gather3A_1816, %max3A_18 : vector<16xf32>
        %lt3A_1818 = arith.constant 0 : i32
        %lt3A_1819 = vector.broadcast %lt3A_1818 : i32 to vector<16xi32>
        %lt3A_1820 = arith.cmpi slt, %broadcast_in_dim3A_135, %lt3A_1819 : vector<16xi32>
        %add3A_1821 = arith.constant 16 : i32
        %add3A_1822 = vector.broadcast %add3A_1821 : i32 to vector<16xi32>
        %add3A_1823 = arith.addi %broadcast_in_dim3A_135, %add3A_1822 : vector<16xi32>
        %select_n3A_1824 = arith.select %lt3A_1820, %add3A_1823, %broadcast_in_dim3A_135 : vector<16xi1>, vector<16xi32>
        %broadcast_in_dim3A_1825 = vector.shape_cast %select_n3A_1824 : vector<16xi32> to vector<16x1xi32>
        %gather3A_1826 = vector.shape_cast %broadcast_in_dim3A_1825 : vector<16x1xi32> to vector<16xi32>
        %gather3A_1827 = tpu.dynamic_gather %mul3A_1786[%gather3A_1826] in [0] : vector<16xf32>, vector<16xi32> -> vector<16xf32>
        %mul3A_1828 = arith.mulf %gather3A_1827, %max3A_26 : vector<16xf32>
        %lt3A_1829 = arith.constant 0 : i32
        %lt3A_1830 = vector.broadcast %lt3A_1829 : i32 to vector<16xi32>
        %lt3A_1831 = arith.cmpi slt, %broadcast_in_dim3A_137, %lt3A_1830 : vector<16xi32>
        %add3A_1832 = arith.constant 16 : i32
        %add3A_1833 = vector.broadcast %add3A_1832 : i32 to vector<16xi32>
        %add3A_1834 = arith.addi %broadcast_in_dim3A_137, %add3A_1833 : vector<16xi32>
        %select_n3A_1835 = arith.select %lt3A_1831, %add3A_1834, %broadcast_in_dim3A_137 : vector<16xi1>, vector<16xi32>
        %broadcast_in_dim3A_1836 = vector.shape_cast %select_n3A_1835 : vector<16xi32> to vector<16x1xi32>
        %gather3A_1837 = vector.shape_cast %broadcast_in_dim3A_1836 : vector<16x1xi32> to vector<16xi32>
        %gather3A_1838 = tpu.dynamic_gather %mul3A_1786[%gather3A_1837] in [0] : vector<16xf32>, vector<16xi32> -> vector<16xf32>
        %mul3A_1839 = arith.mulf %gather3A_1838, %max3A_34 : vector<16xf32>
        %lt3A_1840 = arith.constant 0 : i32
        %lt3A_1841 = vector.broadcast %lt3A_1840 : i32 to vector<16xi32>
        %lt3A_1842 = arith.cmpi slt, %broadcast_in_dim3A_139, %lt3A_1841 : vector<16xi32>
        %add3A_1843 = arith.constant 16 : i32
        %add3A_1844 = vector.broadcast %add3A_1843 : i32 to vector<16xi32>
        %add3A_1845 = arith.addi %broadcast_in_dim3A_139, %add3A_1844 : vector<16xi32>
        %select_n3A_1846 = arith.select %lt3A_1842, %add3A_1845, %broadcast_in_dim3A_139 : vector<16xi1>, vector<16xi32>
        %broadcast_in_dim3A_1847 = vector.shape_cast %select_n3A_1846 : vector<16xi32> to vector<16x1xi32>
        %gather3A_1848 = vector.shape_cast %broadcast_in_dim3A_1847 : vector<16x1xi32> to vector<16xi32>
        %gather3A_1849 = tpu.dynamic_gather %mul3A_1786[%gather3A_1848] in [0] : vector<16xf32>, vector<16xi32> -> vector<16xf32>
        %mul3A_1850 = arith.mulf %gather3A_1849, %max3A_42 : vector<16xf32>
        %lt3A_1851 = arith.constant 0 : i32
        %lt3A_1852 = vector.broadcast %lt3A_1851 : i32 to vector<16xi32>
        %lt3A_1853 = arith.cmpi slt, %broadcast_in_dim3A_141, %lt3A_1852 : vector<16xi32>
        %add3A_1854 = arith.constant 16 : i32
        %add3A_1855 = vector.broadcast %add3A_1854 : i32 to vector<16xi32>
        %add3A_1856 = arith.addi %broadcast_in_dim3A_141, %add3A_1855 : vector<16xi32>
        %select_n3A_1857 = arith.select %lt3A_1853, %add3A_1856, %broadcast_in_dim3A_141 : vector<16xi1>, vector<16xi32>
        %broadcast_in_dim3A_1858 = vector.shape_cast %select_n3A_1857 : vector<16xi32> to vector<16x1xi32>
        %gather3A_1859 = vector.shape_cast %broadcast_in_dim3A_1858 : vector<16x1xi32> to vector<16xi32>
        %gather3A_1860 = tpu.dynamic_gather %mul3A_1786[%gather3A_1859] in [0] : vector<16xf32>, vector<16xi32> -> vector<16xf32>
        %mul3A_1861 = arith.mulf %gather3A_1860, %max3A_50 : vector<16xf32>
        %lt3A_1862 = arith.constant 0 : i32
        %lt3A_1863 = vector.broadcast %lt3A_1862 : i32 to vector<16xi32>
        %lt3A_1864 = arith.cmpi slt, %broadcast_in_dim3A_143, %lt3A_1863 : vector<16xi32>
        %add3A_1865 = arith.constant 16 : i32
        %add3A_1866 = vector.broadcast %add3A_1865 : i32 to vector<16xi32>
        %add3A_1867 = arith.addi %broadcast_in_dim3A_143, %add3A_1866 : vector<16xi32>
        %select_n3A_1868 = arith.select %lt3A_1864, %add3A_1867, %broadcast_in_dim3A_143 : vector<16xi1>, vector<16xi32>
        %broadcast_in_dim3A_1869 = vector.shape_cast %select_n3A_1868 : vector<16xi32> to vector<16x1xi32>
        %gather3A_1870 = vector.shape_cast %broadcast_in_dim3A_1869 : vector<16x1xi32> to vector<16xi32>
        %gather3A_1871 = tpu.dynamic_gather %mul3A_1786[%gather3A_1870] in [0] : vector<16xf32>, vector<16xi32> -> vector<16xf32>
        %mul3A_1872 = arith.mulf %gather3A_1871, %max3A_58 : vector<16xf32>
        %lt3A_1873 = arith.constant 0 : i32
        %lt3A_1874 = vector.broadcast %lt3A_1873 : i32 to vector<16xi32>
        %lt3A_1875 = arith.cmpi slt, %broadcast_in_dim3A_145, %lt3A_1874 : vector<16xi32>
        %add3A_1876 = arith.constant 16 : i32
        %add3A_1877 = vector.broadcast %add3A_1876 : i32 to vector<16xi32>
        %add3A_1878 = arith.addi %broadcast_in_dim3A_145, %add3A_1877 : vector<16xi32>
        %select_n3A_1879 = arith.select %lt3A_1875, %add3A_1878, %broadcast_in_dim3A_145 : vector<16xi1>, vector<16xi32>
        %broadcast_in_dim3A_1880 = vector.shape_cast %select_n3A_1879 : vector<16xi32> to vector<16x1xi32>
        %gather3A_1881 = vector.shape_cast %broadcast_in_dim3A_1880 : vector<16x1xi32> to vector<16xi32>
        %gather3A_1882 = tpu.dynamic_gather %mul3A_1786[%gather3A_1881] in [0] : vector<16xf32>, vector<16xi32> -> vector<16xf32>
        %mul3A_1883 = arith.mulf %gather3A_1882, %max3A_66 : vector<16xf32>
        %lt3A_1884 = arith.constant 0 : i32
        %lt3A_1885 = vector.broadcast %lt3A_1884 : i32 to vector<16xi32>
        %lt3A_1886 = arith.cmpi slt, %broadcast_in_dim3A_147, %lt3A_1885 : vector<16xi32>
        %add3A_1887 = arith.constant 16 : i32
        %add3A_1888 = vector.broadcast %add3A_1887 : i32 to vector<16xi32>
        %add3A_1889 = arith.addi %broadcast_in_dim3A_147, %add3A_1888 : vector<16xi32>
        %select_n3A_1890 = arith.select %lt3A_1886, %add3A_1889, %broadcast_in_dim3A_147 : vector<16xi1>, vector<16xi32>
        %broadcast_in_dim3A_1891 = vector.shape_cast %select_n3A_1890 : vector<16xi32> to vector<16x1xi32>
        %gather3A_1892 = vector.shape_cast %broadcast_in_dim3A_1891 : vector<16x1xi32> to vector<16xi32>
        %gather3A_1893 = tpu.dynamic_gather %mul3A_1786[%gather3A_1892] in [0] : vector<16xf32>, vector<16xi32> -> vector<16xf32>
        %mul3A_1894 = arith.mulf %gather3A_1893, %max3A_74 : vector<16xf32>
        %lt3A_1895 = arith.constant 0 : i32
        %lt3A_1896 = vector.broadcast %lt3A_1895 : i32 to vector<16xi32>
        %lt3A_1897 = arith.cmpi slt, %broadcast_in_dim3A_149, %lt3A_1896 : vector<16xi32>
        %add3A_1898 = arith.constant 16 : i32
        %add3A_1899 = vector.broadcast %add3A_1898 : i32 to vector<16xi32>
        %add3A_1900 = arith.addi %broadcast_in_dim3A_149, %add3A_1899 : vector<16xi32>
        %select_n3A_1901 = arith.select %lt3A_1897, %add3A_1900, %broadcast_in_dim3A_149 : vector<16xi1>, vector<16xi32>
        %broadcast_in_dim3A_1902 = vector.shape_cast %select_n3A_1901 : vector<16xi32> to vector<16x1xi32>
        %gather3A_1903 = vector.shape_cast %broadcast_in_dim3A_1902 : vector<16x1xi32> to vector<16xi32>
        %gather3A_1904 = tpu.dynamic_gather %mul3A_1786[%gather3A_1903] in [0] : vector<16xf32>, vector<16xi32> -> vector<16xf32>
        %mul3A_1905 = arith.mulf %gather3A_1904, %max3A_82 : vector<16xf32>
        %lt3A_1906 = arith.constant 0 : i32
        %lt3A_1907 = vector.broadcast %lt3A_1906 : i32 to vector<16xi32>
        %lt3A_1908 = arith.cmpi slt, %broadcast_in_dim3A_151, %lt3A_1907 : vector<16xi32>
        %add3A_1909 = arith.constant 16 : i32
        %add3A_1910 = vector.broadcast %add3A_1909 : i32 to vector<16xi32>
        %add3A_1911 = arith.addi %broadcast_in_dim3A_151, %add3A_1910 : vector<16xi32>
        %select_n3A_1912 = arith.select %lt3A_1908, %add3A_1911, %broadcast_in_dim3A_151 : vector<16xi1>, vector<16xi32>
        %broadcast_in_dim3A_1913 = vector.shape_cast %select_n3A_1912 : vector<16xi32> to vector<16x1xi32>
        %gather3A_1914 = vector.shape_cast %broadcast_in_dim3A_1913 : vector<16x1xi32> to vector<16xi32>
        %gather3A_1915 = tpu.dynamic_gather %mul3A_1786[%gather3A_1914] in [0] : vector<16xf32>, vector<16xi32> -> vector<16xf32>
        %mul3A_1916 = arith.mulf %gather3A_1915, %max3A_90 : vector<16xf32>
        %lt3A_1917 = arith.constant 0 : i32
        %lt3A_1918 = vector.broadcast %lt3A_1917 : i32 to vector<16xi32>
        %lt3A_1919 = arith.cmpi slt, %broadcast_in_dim3A_153, %lt3A_1918 : vector<16xi32>
        %add3A_1920 = arith.constant 16 : i32
        %add3A_1921 = vector.broadcast %add3A_1920 : i32 to vector<16xi32>
        %add3A_1922 = arith.addi %broadcast_in_dim3A_153, %add3A_1921 : vector<16xi32>
        %select_n3A_1923 = arith.select %lt3A_1919, %add3A_1922, %broadcast_in_dim3A_153 : vector<16xi1>, vector<16xi32>
        %broadcast_in_dim3A_1924 = vector.shape_cast %select_n3A_1923 : vector<16xi32> to vector<16x1xi32>
        %gather3A_1925 = vector.shape_cast %broadcast_in_dim3A_1924 : vector<16x1xi32> to vector<16xi32>
        %gather3A_1926 = tpu.dynamic_gather %mul3A_1786[%gather3A_1925] in [0] : vector<16xf32>, vector<16xi32> -> vector<16xf32>
        %mul3A_1927 = arith.mulf %gather3A_1926, %max3A_98 : vector<16xf32>
        %lt3A_1928 = arith.constant 0 : i32
        %lt3A_1929 = vector.broadcast %lt3A_1928 : i32 to vector<16xi32>
        %lt3A_1930 = arith.cmpi slt, %broadcast_in_dim3A_155, %lt3A_1929 : vector<16xi32>
        %add3A_1931 = arith.constant 16 : i32
        %add3A_1932 = vector.broadcast %add3A_1931 : i32 to vector<16xi32>
        %add3A_1933 = arith.addi %broadcast_in_dim3A_155, %add3A_1932 : vector<16xi32>
        %select_n3A_1934 = arith.select %lt3A_1930, %add3A_1933, %broadcast_in_dim3A_155 : vector<16xi1>, vector<16xi32>
        %broadcast_in_dim3A_1935 = vector.shape_cast %select_n3A_1934 : vector<16xi32> to vector<16x1xi32>
        %gather3A_1936 = vector.shape_cast %broadcast_in_dim3A_1935 : vector<16x1xi32> to vector<16xi32>
        %gather3A_1937 = tpu.dynamic_gather %mul3A_1786[%gather3A_1936] in [0] : vector<16xf32>, vector<16xi32> -> vector<16xf32>
        %mul3A_1938 = arith.mulf %gather3A_1937, %max3A_106 : vector<16xf32>
        %lt3A_1939 = arith.constant 0 : i32
        %lt3A_1940 = vector.broadcast %lt3A_1939 : i32 to vector<16xi32>
        %lt3A_1941 = arith.cmpi slt, %broadcast_in_dim3A_157, %lt3A_1940 : vector<16xi32>
        %add3A_1942 = arith.constant 16 : i32
        %add3A_1943 = vector.broadcast %add3A_1942 : i32 to vector<16xi32>
        %add3A_1944 = arith.addi %broadcast_in_dim3A_157, %add3A_1943 : vector<16xi32>
        %select_n3A_1945 = arith.select %lt3A_1941, %add3A_1944, %broadcast_in_dim3A_157 : vector<16xi1>, vector<16xi32>
        %broadcast_in_dim3A_1946 = vector.shape_cast %select_n3A_1945 : vector<16xi32> to vector<16x1xi32>
        %gather3A_1947 = vector.shape_cast %broadcast_in_dim3A_1946 : vector<16x1xi32> to vector<16xi32>
        %gather3A_1948 = tpu.dynamic_gather %mul3A_1786[%gather3A_1947] in [0] : vector<16xf32>, vector<16xi32> -> vector<16xf32>
        %mul3A_1949 = arith.mulf %gather3A_1948, %max3A_114 : vector<16xf32>
        %lt3A_1950 = arith.constant 0 : i32
        %lt3A_1951 = vector.broadcast %lt3A_1950 : i32 to vector<16xi32>
        %lt3A_1952 = arith.cmpi slt, %broadcast_in_dim3A_159, %lt3A_1951 : vector<16xi32>
        %add3A_1953 = arith.constant 16 : i32
        %add3A_1954 = vector.broadcast %add3A_1953 : i32 to vector<16xi32>
        %add3A_1955 = arith.addi %broadcast_in_dim3A_159, %add3A_1954 : vector<16xi32>
        %select_n3A_1956 = arith.select %lt3A_1952, %add3A_1955, %broadcast_in_dim3A_159 : vector<16xi1>, vector<16xi32>
        %broadcast_in_dim3A_1957 = vector.shape_cast %select_n3A_1956 : vector<16xi32> to vector<16x1xi32>
        %gather3A_1958 = vector.shape_cast %broadcast_in_dim3A_1957 : vector<16x1xi32> to vector<16xi32>
        %gather3A_1959 = tpu.dynamic_gather %mul3A_1786[%gather3A_1958] in [0] : vector<16xf32>, vector<16xi32> -> vector<16xf32>
        %mul3A_1960 = arith.mulf %gather3A_1959, %max3A_122 : vector<16xf32>
        %lt3A_1961 = arith.constant 0 : i32
        %lt3A_1962 = vector.broadcast %lt3A_1961 : i32 to vector<16xi32>
        %lt3A_1963 = arith.cmpi slt, %broadcast_in_dim3A_161, %lt3A_1962 : vector<16xi32>
        %add3A_1964 = arith.constant 16 : i32
        %add3A_1965 = vector.broadcast %add3A_1964 : i32 to vector<16xi32>
        %add3A_1966 = arith.addi %broadcast_in_dim3A_161, %add3A_1965 : vector<16xi32>
        %select_n3A_1967 = arith.select %lt3A_1963, %add3A_1966, %broadcast_in_dim3A_161 : vector<16xi1>, vector<16xi32>
        %broadcast_in_dim3A_1968 = vector.shape_cast %select_n3A_1967 : vector<16xi32> to vector<16x1xi32>
        %gather3A_1969 = vector.shape_cast %broadcast_in_dim3A_1968 : vector<16x1xi32> to vector<16xi32>
        %gather3A_1970 = tpu.dynamic_gather %mul3A_1786[%gather3A_1969] in [0] : vector<16xf32>, vector<16xi32> -> vector<16xf32>
        %mul3A_1971 = arith.mulf %gather3A_1970, %max3A_130 : vector<16xf32>
        %add3A_1972 = arith.addf %mul3A_1806, %mul3A_1817 : vector<16xf32>
        %add3A_1973 = arith.addf %mul3A_1828, %mul3A_1839 : vector<16xf32>
        %add3A_1974 = arith.addf %mul3A_1850, %mul3A_1861 : vector<16xf32>
        %add3A_1975 = arith.addf %mul3A_1872, %mul3A_1883 : vector<16xf32>
        %add3A_1976 = arith.addf %mul3A_1894, %mul3A_1905 : vector<16xf32>
        %add3A_1977 = arith.addf %mul3A_1916, %mul3A_1927 : vector<16xf32>
        %add3A_1978 = arith.addf %mul3A_1938, %mul3A_1949 : vector<16xf32>
        %add3A_1979 = arith.addf %mul3A_1960, %mul3A_1971 : vector<16xf32>
        %add3A_1980 = arith.addf %add3A_1972, %add3A_1973 : vector<16xf32>
        %add3A_1981 = arith.addf %add3A_1974, %add3A_1975 : vector<16xf32>
        %add3A_1982 = arith.addf %add3A_1976, %add3A_1977 : vector<16xf32>
        %add3A_1983 = arith.addf %add3A_1978, %add3A_1979 : vector<16xf32>
        %add3A_1984 = arith.addf %add3A_1980, %add3A_1981 : vector<16xf32>
        %add3A_1985 = arith.addf %add3A_1982, %add3A_1983 : vector<16xf32>
        %add3A_1986 = arith.addf %add3A_1984, %add3A_1985 : vector<16xf32>
        %mul3A_1987 = arith.mulf %add3A_1986, %get3A_1795 : vector<16xf32>
        %mul3A_1988 = arith.constant 4 : i32
        %mul3A_1989 = arith.muli %while3A_1383, %mul3A_1988 : i32
        %add3A_1990 = arith.constant 3 : i32
        %add3A_1991 = arith.addi %mul3A_1989, %add3A_1990 : i32
        %mul3A_1992 = arith.constant 16 : i32
        %mul3A_1993 = arith.muli %add3A_1991, %mul3A_1992 : i32
        %get3A_1994 = arith.index_cast %mul3A_1993 : i32 to index
        %get3A_1995 = tpu.vector_load %arg7[%get3A_1994] {strides = array<i32>} : memref<8192xf32, #tpu.memory_space<vmem>>, vector<16xf32>,
        %get3A_1996 = vector.shape_cast %get3A_1995 : vector<16xf32> to vector<16xf32>
        %lt3A_1997 = arith.constant 0 : i32
        %lt3A_1998 = vector.broadcast %lt3A_1997 : i32 to vector<16xi32>
        %lt3A_1999 = arith.cmpi slt, %broadcast_in_dim3A_131, %lt3A_1998 : vector<16xi32>
        %add3A_2000 = arith.constant 16 : i32
        %add3A_2001 = vector.broadcast %add3A_2000 : i32 to vector<16xi32>
        %add3A_2002 = arith.addi %broadcast_in_dim3A_131, %add3A_2001 : vector<16xi32>
        %select_n3A_2003 = arith.select %lt3A_1999, %add3A_2002, %broadcast_in_dim3A_131 : vector<16xi1>, vector<16xi32>
        %broadcast_in_dim3A_2004 = vector.shape_cast %select_n3A_2003 : vector<16xi32> to vector<16x1xi32>
        %gather3A_2005 = vector.shape_cast %broadcast_in_dim3A_2004 : vector<16x1xi32> to vector<16xi32>
        %gather3A_2006 = tpu.dynamic_gather %mul3A_1987[%gather3A_2005] in [0] : vector<16xf32>, vector<16xi32> -> vector<16xf32>
        %mul3A_2007 = arith.mulf %gather3A_2006, %max3A_10 : vector<16xf32>
        %lt3A_2008 = arith.constant 0 : i32
        %lt3A_2009 = vector.broadcast %lt3A_2008 : i32 to vector<16xi32>
        %lt3A_2010 = arith.cmpi slt, %broadcast_in_dim3A_133, %lt3A_2009 : vector<16xi32>
        %add3A_2011 = arith.constant 16 : i32
        %add3A_2012 = vector.broadcast %add3A_2011 : i32 to vector<16xi32>
        %add3A_2013 = arith.addi %broadcast_in_dim3A_133, %add3A_2012 : vector<16xi32>
        %select_n3A_2014 = arith.select %lt3A_2010, %add3A_2013, %broadcast_in_dim3A_133 : vector<16xi1>, vector<16xi32>
        %broadcast_in_dim3A_2015 = vector.shape_cast %select_n3A_2014 : vector<16xi32> to vector<16x1xi32>
        %gather3A_2016 = vector.shape_cast %broadcast_in_dim3A_2015 : vector<16x1xi32> to vector<16xi32>
        %gather3A_2017 = tpu.dynamic_gather %mul3A_1987[%gather3A_2016] in [0] : vector<16xf32>, vector<16xi32> -> vector<16xf32>
        %mul3A_2018 = arith.mulf %gather3A_2017, %max3A_18 : vector<16xf32>
        %lt3A_2019 = arith.constant 0 : i32
        %lt3A_2020 = vector.broadcast %lt3A_2019 : i32 to vector<16xi32>
        %lt3A_2021 = arith.cmpi slt, %broadcast_in_dim3A_135, %lt3A_2020 : vector<16xi32>
        %add3A_2022 = arith.constant 16 : i32
        %add3A_2023 = vector.broadcast %add3A_2022 : i32 to vector<16xi32>
        %add3A_2024 = arith.addi %broadcast_in_dim3A_135, %add3A_2023 : vector<16xi32>
        %select_n3A_2025 = arith.select %lt3A_2021, %add3A_2024, %broadcast_in_dim3A_135 : vector<16xi1>, vector<16xi32>
        %broadcast_in_dim3A_2026 = vector.shape_cast %select_n3A_2025 : vector<16xi32> to vector<16x1xi32>
        %gather3A_2027 = vector.shape_cast %broadcast_in_dim3A_2026 : vector<16x1xi32> to vector<16xi32>
        %gather3A_2028 = tpu.dynamic_gather %mul3A_1987[%gather3A_2027] in [0] : vector<16xf32>, vector<16xi32> -> vector<16xf32>
        %mul3A_2029 = arith.mulf %gather3A_2028, %max3A_26 : vector<16xf32>
        %lt3A_2030 = arith.constant 0 : i32
        %lt3A_2031 = vector.broadcast %lt3A_2030 : i32 to vector<16xi32>
        %lt3A_2032 = arith.cmpi slt, %broadcast_in_dim3A_137, %lt3A_2031 : vector<16xi32>
        %add3A_2033 = arith.constant 16 : i32
        %add3A_2034 = vector.broadcast %add3A_2033 : i32 to vector<16xi32>
        %add3A_2035 = arith.addi %broadcast_in_dim3A_137, %add3A_2034 : vector<16xi32>
        %select_n3A_2036 = arith.select %lt3A_2032, %add3A_2035, %broadcast_in_dim3A_137 : vector<16xi1>, vector<16xi32>
        %broadcast_in_dim3A_2037 = vector.shape_cast %select_n3A_2036 : vector<16xi32> to vector<16x1xi32>
        %gather3A_2038 = vector.shape_cast %broadcast_in_dim3A_2037 : vector<16x1xi32> to vector<16xi32>
        %gather3A_2039 = tpu.dynamic_gather %mul3A_1987[%gather3A_2038] in [0] : vector<16xf32>, vector<16xi32> -> vector<16xf32>
        %mul3A_2040 = arith.mulf %gather3A_2039, %max3A_34 : vector<16xf32>
        %lt3A_2041 = arith.constant 0 : i32
        %lt3A_2042 = vector.broadcast %lt3A_2041 : i32 to vector<16xi32>
        %lt3A_2043 = arith.cmpi slt, %broadcast_in_dim3A_139, %lt3A_2042 : vector<16xi32>
        %add3A_2044 = arith.constant 16 : i32
        %add3A_2045 = vector.broadcast %add3A_2044 : i32 to vector<16xi32>
        %add3A_2046 = arith.addi %broadcast_in_dim3A_139, %add3A_2045 : vector<16xi32>
        %select_n3A_2047 = arith.select %lt3A_2043, %add3A_2046, %broadcast_in_dim3A_139 : vector<16xi1>, vector<16xi32>
        %broadcast_in_dim3A_2048 = vector.shape_cast %select_n3A_2047 : vector<16xi32> to vector<16x1xi32>
        %gather3A_2049 = vector.shape_cast %broadcast_in_dim3A_2048 : vector<16x1xi32> to vector<16xi32>
        %gather3A_2050 = tpu.dynamic_gather %mul3A_1987[%gather3A_2049] in [0] : vector<16xf32>, vector<16xi32> -> vector<16xf32>
        %mul3A_2051 = arith.mulf %gather3A_2050, %max3A_42 : vector<16xf32>
        %lt3A_2052 = arith.constant 0 : i32
        %lt3A_2053 = vector.broadcast %lt3A_2052 : i32 to vector<16xi32>
        %lt3A_2054 = arith.cmpi slt, %broadcast_in_dim3A_141, %lt3A_2053 : vector<16xi32>
        %add3A_2055 = arith.constant 16 : i32
        %add3A_2056 = vector.broadcast %add3A_2055 : i32 to vector<16xi32>
        %add3A_2057 = arith.addi %broadcast_in_dim3A_141, %add3A_2056 : vector<16xi32>
        %select_n3A_2058 = arith.select %lt3A_2054, %add3A_2057, %broadcast_in_dim3A_141 : vector<16xi1>, vector<16xi32>
        %broadcast_in_dim3A_2059 = vector.shape_cast %select_n3A_2058 : vector<16xi32> to vector<16x1xi32>
        %gather3A_2060 = vector.shape_cast %broadcast_in_dim3A_2059 : vector<16x1xi32> to vector<16xi32>
        %gather3A_2061 = tpu.dynamic_gather %mul3A_1987[%gather3A_2060] in [0] : vector<16xf32>, vector<16xi32> -> vector<16xf32>
        %mul3A_2062 = arith.mulf %gather3A_2061, %max3A_50 : vector<16xf32>
        %lt3A_2063 = arith.constant 0 : i32
        %lt3A_2064 = vector.broadcast %lt3A_2063 : i32 to vector<16xi32>
        %lt3A_2065 = arith.cmpi slt, %broadcast_in_dim3A_143, %lt3A_2064 : vector<16xi32>
        %add3A_2066 = arith.constant 16 : i32
        %add3A_2067 = vector.broadcast %add3A_2066 : i32 to vector<16xi32>
        %add3A_2068 = arith.addi %broadcast_in_dim3A_143, %add3A_2067 : vector<16xi32>
        %select_n3A_2069 = arith.select %lt3A_2065, %add3A_2068, %broadcast_in_dim3A_143 : vector<16xi1>, vector<16xi32>
        %broadcast_in_dim3A_2070 = vector.shape_cast %select_n3A_2069 : vector<16xi32> to vector<16x1xi32>
        %gather3A_2071 = vector.shape_cast %broadcast_in_dim3A_2070 : vector<16x1xi32> to vector<16xi32>
        %gather3A_2072 = tpu.dynamic_gather %mul3A_1987[%gather3A_2071] in [0] : vector<16xf32>, vector<16xi32> -> vector<16xf32>
        %mul3A_2073 = arith.mulf %gather3A_2072, %max3A_58 : vector<16xf32>
        %lt3A_2074 = arith.constant 0 : i32
        %lt3A_2075 = vector.broadcast %lt3A_2074 : i32 to vector<16xi32>
        %lt3A_2076 = arith.cmpi slt, %broadcast_in_dim3A_145, %lt3A_2075 : vector<16xi32>
        %add3A_2077 = arith.constant 16 : i32
        %add3A_2078 = vector.broadcast %add3A_2077 : i32 to vector<16xi32>
        %add3A_2079 = arith.addi %broadcast_in_dim3A_145, %add3A_2078 : vector<16xi32>
        %select_n3A_2080 = arith.select %lt3A_2076, %add3A_2079, %broadcast_in_dim3A_145 : vector<16xi1>, vector<16xi32>
        %broadcast_in_dim3A_2081 = vector.shape_cast %select_n3A_2080 : vector<16xi32> to vector<16x1xi32>
        %gather3A_2082 = vector.shape_cast %broadcast_in_dim3A_2081 : vector<16x1xi32> to vector<16xi32>
        %gather3A_2083 = tpu.dynamic_gather %mul3A_1987[%gather3A_2082] in [0] : vector<16xf32>, vector<16xi32> -> vector<16xf32>
        %mul3A_2084 = arith.mulf %gather3A_2083, %max3A_66 : vector<16xf32>
        %lt3A_2085 = arith.constant 0 : i32
        %lt3A_2086 = vector.broadcast %lt3A_2085 : i32 to vector<16xi32>
        %lt3A_2087 = arith.cmpi slt, %broadcast_in_dim3A_147, %lt3A_2086 : vector<16xi32>
        %add3A_2088 = arith.constant 16 : i32
        %add3A_2089 = vector.broadcast %add3A_2088 : i32 to vector<16xi32>
        %add3A_2090 = arith.addi %broadcast_in_dim3A_147, %add3A_2089 : vector<16xi32>
        %select_n3A_2091 = arith.select %lt3A_2087, %add3A_2090, %broadcast_in_dim3A_147 : vector<16xi1>, vector<16xi32>
        %broadcast_in_dim3A_2092 = vector.shape_cast %select_n3A_2091 : vector<16xi32> to vector<16x1xi32>
        %gather3A_2093 = vector.shape_cast %broadcast_in_dim3A_2092 : vector<16x1xi32> to vector<16xi32>
        %gather3A_2094 = tpu.dynamic_gather %mul3A_1987[%gather3A_2093] in [0] : vector<16xf32>, vector<16xi32> -> vector<16xf32>
        %mul3A_2095 = arith.mulf %gather3A_2094, %max3A_74 : vector<16xf32>
        %lt3A_2096 = arith.constant 0 : i32
        %lt3A_2097 = vector.broadcast %lt3A_2096 : i32 to vector<16xi32>
        %lt3A_2098 = arith.cmpi slt, %broadcast_in_dim3A_149, %lt3A_2097 : vector<16xi32>
        %add3A_2099 = arith.constant 16 : i32
        %add3A_2100 = vector.broadcast %add3A_2099 : i32 to vector<16xi32>
        %add3A_2101 = arith.addi %broadcast_in_dim3A_149, %add3A_2100 : vector<16xi32>
        %select_n3A_2102 = arith.select %lt3A_2098, %add3A_2101, %broadcast_in_dim3A_149 : vector<16xi1>, vector<16xi32>
        %broadcast_in_dim3A_2103 = vector.shape_cast %select_n3A_2102 : vector<16xi32> to vector<16x1xi32>
        %gather3A_2104 = vector.shape_cast %broadcast_in_dim3A_2103 : vector<16x1xi32> to vector<16xi32>
        %gather3A_2105 = tpu.dynamic_gather %mul3A_1987[%gather3A_2104] in [0] : vector<16xf32>, vector<16xi32> -> vector<16xf32>
        %mul3A_2106 = arith.mulf %gather3A_2105, %max3A_82 : vector<16xf32>
        %lt3A_2107 = arith.constant 0 : i32
        %lt3A_2108 = vector.broadcast %lt3A_2107 : i32 to vector<16xi32>
        %lt3A_2109 = arith.cmpi slt, %broadcast_in_dim3A_151, %lt3A_2108 : vector<16xi32>
        %add3A_2110 = arith.constant 16 : i32
        %add3A_2111 = vector.broadcast %add3A_2110 : i32 to vector<16xi32>
        %add3A_2112 = arith.addi %broadcast_in_dim3A_151, %add3A_2111 : vector<16xi32>
        %select_n3A_2113 = arith.select %lt3A_2109, %add3A_2112, %broadcast_in_dim3A_151 : vector<16xi1>, vector<16xi32>
        %broadcast_in_dim3A_2114 = vector.shape_cast %select_n3A_2113 : vector<16xi32> to vector<16x1xi32>
        %gather3A_2115 = vector.shape_cast %broadcast_in_dim3A_2114 : vector<16x1xi32> to vector<16xi32>
        %gather3A_2116 = tpu.dynamic_gather %mul3A_1987[%gather3A_2115] in [0] : vector<16xf32>, vector<16xi32> -> vector<16xf32>
        %mul3A_2117 = arith.mulf %gather3A_2116, %max3A_90 : vector<16xf32>
        %lt3A_2118 = arith.constant 0 : i32
        %lt3A_2119 = vector.broadcast %lt3A_2118 : i32 to vector<16xi32>
        %lt3A_2120 = arith.cmpi slt, %broadcast_in_dim3A_153, %lt3A_2119 : vector<16xi32>
        %add3A_2121 = arith.constant 16 : i32
        %add3A_2122 = vector.broadcast %add3A_2121 : i32 to vector<16xi32>
        %add3A_2123 = arith.addi %broadcast_in_dim3A_153, %add3A_2122 : vector<16xi32>
        %select_n3A_2124 = arith.select %lt3A_2120, %add3A_2123, %broadcast_in_dim3A_153 : vector<16xi1>, vector<16xi32>
        %broadcast_in_dim3A_2125 = vector.shape_cast %select_n3A_2124 : vector<16xi32> to vector<16x1xi32>
        %gather3A_2126 = vector.shape_cast %broadcast_in_dim3A_2125 : vector<16x1xi32> to vector<16xi32>
        %gather3A_2127 = tpu.dynamic_gather %mul3A_1987[%gather3A_2126] in [0] : vector<16xf32>, vector<16xi32> -> vector<16xf32>
        %mul3A_2128 = arith.mulf %gather3A_2127, %max3A_98 : vector<16xf32>
        %lt3A_2129 = arith.constant 0 : i32
        %lt3A_2130 = vector.broadcast %lt3A_2129 : i32 to vector<16xi32>
        %lt3A_2131 = arith.cmpi slt, %broadcast_in_dim3A_155, %lt3A_2130 : vector<16xi32>
        %add3A_2132 = arith.constant 16 : i32
        %add3A_2133 = vector.broadcast %add3A_2132 : i32 to vector<16xi32>
        %add3A_2134 = arith.addi %broadcast_in_dim3A_155, %add3A_2133 : vector<16xi32>
        %select_n3A_2135 = arith.select %lt3A_2131, %add3A_2134, %broadcast_in_dim3A_155 : vector<16xi1>, vector<16xi32>
        %broadcast_in_dim3A_2136 = vector.shape_cast %select_n3A_2135 : vector<16xi32> to vector<16x1xi32>
        %gather3A_2137 = vector.shape_cast %broadcast_in_dim3A_2136 : vector<16x1xi32> to vector<16xi32>
        %gather3A_2138 = tpu.dynamic_gather %mul3A_1987[%gather3A_2137] in [0] : vector<16xf32>, vector<16xi32> -> vector<16xf32>
        %mul3A_2139 = arith.mulf %gather3A_2138, %max3A_106 : vector<16xf32>
        %lt3A_2140 = arith.constant 0 : i32
        %lt3A_2141 = vector.broadcast %lt3A_2140 : i32 to vector<16xi32>
        %lt3A_2142 = arith.cmpi slt, %broadcast_in_dim3A_157, %lt3A_2141 : vector<16xi32>
        %add3A_2143 = arith.constant 16 : i32
        %add3A_2144 = vector.broadcast %add3A_2143 : i32 to vector<16xi32>
        %add3A_2145 = arith.addi %broadcast_in_dim3A_157, %add3A_2144 : vector<16xi32>
        %select_n3A_2146 = arith.select %lt3A_2142, %add3A_2145, %broadcast_in_dim3A_157 : vector<16xi1>, vector<16xi32>
        %broadcast_in_dim3A_2147 = vector.shape_cast %select_n3A_2146 : vector<16xi32> to vector<16x1xi32>
        %gather3A_2148 = vector.shape_cast %broadcast_in_dim3A_2147 : vector<16x1xi32> to vector<16xi32>
        %gather3A_2149 = tpu.dynamic_gather %mul3A_1987[%gather3A_2148] in [0] : vector<16xf32>, vector<16xi32> -> vector<16xf32>
        %mul3A_2150 = arith.mulf %gather3A_2149, %max3A_114 : vector<16xf32>
        %lt3A_2151 = arith.constant 0 : i32
        %lt3A_2152 = vector.broadcast %lt3A_2151 : i32 to vector<16xi32>
        %lt3A_2153 = arith.cmpi slt, %broadcast_in_dim3A_159, %lt3A_2152 : vector<16xi32>
        %add3A_2154 = arith.constant 16 : i32
        %add3A_2155 = vector.broadcast %add3A_2154 : i32 to vector<16xi32>
        %add3A_2156 = arith.addi %broadcast_in_dim3A_159, %add3A_2155 : vector<16xi32>
        %select_n3A_2157 = arith.select %lt3A_2153, %add3A_2156, %broadcast_in_dim3A_159 : vector<16xi1>, vector<16xi32>
        %broadcast_in_dim3A_2158 = vector.shape_cast %select_n3A_2157 : vector<16xi32> to vector<16x1xi32>
        %gather3A_2159 = vector.shape_cast %broadcast_in_dim3A_2158 : vector<16x1xi32> to vector<16xi32>
        %gather3A_2160 = tpu.dynamic_gather %mul3A_1987[%gather3A_2159] in [0] : vector<16xf32>, vector<16xi32> -> vector<16xf32>
        %mul3A_2161 = arith.mulf %gather3A_2160, %max3A_122 : vector<16xf32>
        %lt3A_2162 = arith.constant 0 : i32
        %lt3A_2163 = vector.broadcast %lt3A_2162 : i32 to vector<16xi32>
        %lt3A_2164 = arith.cmpi slt, %broadcast_in_dim3A_161, %lt3A_2163 : vector<16xi32>
        %add3A_2165 = arith.constant 16 : i32
        %add3A_2166 = vector.broadcast %add3A_2165 : i32 to vector<16xi32>
        %add3A_2167 = arith.addi %broadcast_in_dim3A_161, %add3A_2166 : vector<16xi32>
        %select_n3A_2168 = arith.select %lt3A_2164, %add3A_2167, %broadcast_in_dim3A_161 : vector<16xi1>, vector<16xi32>
        %broadcast_in_dim3A_2169 = vector.shape_cast %select_n3A_2168 : vector<16xi32> to vector<16x1xi32>
        %gather3A_2170 = vector.shape_cast %broadcast_in_dim3A_2169 : vector<16x1xi32> to vector<16xi32>
        %gather3A_2171 = tpu.dynamic_gather %mul3A_1987[%gather3A_2170] in [0] : vector<16xf32>, vector<16xi32> -> vector<16xf32>
        %mul3A_2172 = arith.mulf %gather3A_2171, %max3A_130 : vector<16xf32>
        %add3A_2173 = arith.addf %mul3A_2007, %mul3A_2018 : vector<16xf32>
        %add3A_2174 = arith.addf %mul3A_2029, %mul3A_2040 : vector<16xf32>
        %add3A_2175 = arith.addf %mul3A_2051, %mul3A_2062 : vector<16xf32>
        %add3A_2176 = arith.addf %mul3A_2073, %mul3A_2084 : vector<16xf32>
        %add3A_2177 = arith.addf %mul3A_2095, %mul3A_2106 : vector<16xf32>
        %add3A_2178 = arith.addf %mul3A_2117, %mul3A_2128 : vector<16xf32>
        %add3A_2179 = arith.addf %mul3A_2139, %mul3A_2150 : vector<16xf32>
        %add3A_2180 = arith.addf %mul3A_2161, %mul3A_2172 : vector<16xf32>
        %add3A_2181 = arith.addf %add3A_2173, %add3A_2174 : vector<16xf32>
        %add3A_2182 = arith.addf %add3A_2175, %add3A_2176 : vector<16xf32>
        %add3A_2183 = arith.addf %add3A_2177, %add3A_2178 : vector<16xf32>
        %add3A_2184 = arith.addf %add3A_2179, %add3A_2180 : vector<16xf32>
        %add3A_2185 = arith.addf %add3A_2181, %add3A_2182 : vector<16xf32>
        %add3A_2186 = arith.addf %add3A_2183, %add3A_2184 : vector<16xf32>
        %add3A_2187 = arith.addf %add3A_2185, %add3A_2186 : vector<16xf32>
        %mul3A_2188 = arith.mulf %add3A_2187, %get3A_1996 : vector<16xf32>
        %lt3A_2189 = arith.constant 0 : i32
        %lt3A_2190 = vector.broadcast %lt3A_2189 : i32 to vector<16xi32>
        %lt3A_2191 = arith.cmpi slt, %xor3A_163, %lt3A_2190 : vector<16xi32>
        %add3A_2192 = arith.constant 16 : i32
        %add3A_2193 = vector.broadcast %add3A_2192 : i32 to vector<16xi32>
        %add3A_2194 = arith.addi %xor3A_163, %add3A_2193 : vector<16xi32>
        %select_n3A_2195 = arith.select %lt3A_2191, %add3A_2194, %xor3A_163 : vector<16xi1>, vector<16xi32>
        %broadcast_in_dim3A_2196 = vector.shape_cast %select_n3A_2195 : vector<16xi32> to vector<16x1xi32>
        %gather3A_2197 = vector.shape_cast %broadcast_in_dim3A_2196 : vector<16x1xi32> to vector<16xi32>
        %gather3A_2198 = tpu.dynamic_gather %mul3A_2188[%gather3A_2197] in [0] : vector<16xf32>, vector<16xi32> -> vector<16xf32>
        %add3A_2199 = arith.addf %mul3A_2188, %gather3A_2198 : vector<16xf32>
        %lt3A_2200 = arith.constant 0 : i32
        %lt3A_2201 = vector.broadcast %lt3A_2200 : i32 to vector<16xi32>
        %lt3A_2202 = arith.cmpi slt, %xor3A_166, %lt3A_2201 : vector<16xi32>
        %add3A_2203 = arith.constant 16 : i32
        %add3A_2204 = vector.broadcast %add3A_2203 : i32 to vector<16xi32>
        %add3A_2205 = arith.addi %xor3A_166, %add3A_2204 : vector<16xi32>
        %select_n3A_2206 = arith.select %lt3A_2202, %add3A_2205, %xor3A_166 : vector<16xi1>, vector<16xi32>
        %broadcast_in_dim3A_2207 = vector.shape_cast %select_n3A_2206 : vector<16xi32> to vector<16x1xi32>
        %gather3A_2208 = vector.shape_cast %broadcast_in_dim3A_2207 : vector<16x1xi32> to vector<16xi32>
        %gather3A_2209 = tpu.dynamic_gather %add3A_2199[%gather3A_2208] in [0] : vector<16xf32>, vector<16xi32> -> vector<16xf32>
        %add3A_2210 = arith.addf %add3A_2199, %gather3A_2209 : vector<16xf32>
        %lt3A_2211 = arith.constant 0 : i32
        %lt3A_2212 = vector.broadcast %lt3A_2211 : i32 to vector<16xi32>
        %lt3A_2213 = arith.cmpi slt, %xor3A_169, %lt3A_2212 : vector<16xi32>
        %add3A_2214 = arith.constant 16 : i32
        %add3A_2215 = vector.broadcast %add3A_2214 : i32 to vector<16xi32>
        %add3A_2216 = arith.addi %xor3A_169, %add3A_2215 : vector<16xi32>
        %select_n3A_2217 = arith.select %lt3A_2213, %add3A_2216, %xor3A_169 : vector<16xi1>, vector<16xi32>
        %broadcast_in_dim3A_2218 = vector.shape_cast %select_n3A_2217 : vector<16xi32> to vector<16x1xi32>
        %gather3A_2219 = vector.shape_cast %broadcast_in_dim3A_2218 : vector<16x1xi32> to vector<16xi32>
        %gather3A_2220 = tpu.dynamic_gather %add3A_2210[%gather3A_2219] in [0] : vector<16xf32>, vector<16xi32> -> vector<16xf32>
        %add3A_2221 = arith.addf %add3A_2210, %gather3A_2220 : vector<16xf32>
        %lt3A_2222 = arith.constant 0 : i32
        %lt3A_2223 = vector.broadcast %lt3A_2222 : i32 to vector<16xi32>
        %lt3A_2224 = arith.cmpi slt, %xor3A_172, %lt3A_2223 : vector<16xi32>
        %add3A_2225 = arith.constant 16 : i32
        %add3A_2226 = vector.broadcast %add3A_2225 : i32 to vector<16xi32>
        %add3A_2227 = arith.addi %xor3A_172, %add3A_2226 : vector<16xi32>
        %select_n3A_2228 = arith.select %lt3A_2224, %add3A_2227, %xor3A_172 : vector<16xi1>, vector<16xi32>
        %broadcast_in_dim3A_2229 = vector.shape_cast %select_n3A_2228 : vector<16xi32> to vector<16x1xi32>
        %gather3A_2230 = vector.shape_cast %broadcast_in_dim3A_2229 : vector<16x1xi32> to vector<16xi32>
        %gather3A_2231 = tpu.dynamic_gather %add3A_2221[%gather3A_2230] in [0] : vector<16xf32>, vector<16xi32> -> vector<16xf32>
        %add3A_2232 = arith.addf %add3A_2221, %gather3A_2231 : vector<16xf32>
        %jit3A_2233 = arith.constant 16 : i32
        %div3A_2234 = arith.divsi %while3A_1383, %jit3A_2233 : i32
        %sign3A_2235 = arith.constant 0 : i32
        %sign3A_2236 = arith.cmpi sgt, %while3A_1383, %sign3A_2235 : i32
        %sign3A_2237 = arith.extui %sign3A_2236 : i1 to i32
        %sign3A_2238 = arith.constant 0 : i32
        %sign3A_2239 = arith.cmpi slt, %while3A_1383, %sign3A_2238 : i32
        %sign3A_2240 = arith.extui %sign3A_2239 : i1 to i32
        %sign3A_2241 = arith.subi %sign3A_2237, %sign3A_2240 : i32
        %sign3A_2242 = arith.constant 0 : i32
        %sign3A_2243 = arith.cmpi sgt, %jit3A_2233, %sign3A_2242 : i32
        %sign3A_2244 = arith.extui %sign3A_2243 : i1 to i32
        %sign3A_2245 = arith.constant 0 : i32
        %sign3A_2246 = arith.cmpi slt, %jit3A_2233, %sign3A_2245 : i32
        %sign3A_2247 = arith.extui %sign3A_2246 : i1 to i32
        %sign3A_2248 = arith.subi %sign3A_2244, %sign3A_2247 : i32
        %ne3A_2249 = arith.cmpi ne, %sign3A_2241, %sign3A_2248 : i32
        %rem3A_2250 = arith.remsi %while3A_1383, %jit3A_2233 : i32
        %ne3A_2251 = arith.constant 0 : i32
        %ne3A_2252 = arith.cmpi ne, %rem3A_2250, %ne3A_2251 : i32
        %and3A_2253 = arith.andi %ne3A_2249, %ne3A_2252 : i1
        %sub3A_2254 = arith.constant 1 : i32
        %sub3A_2255 = arith.subi %div3A_2234, %sub3A_2254 : i32
        %select_n3A_2256 = arith.select %and3A_2253, %sub3A_2255, %div3A_2234 : i32
        %mul3A_2257 = arith.constant 16 : i32
        %mul3A_2258 = arith.muli %select_n3A_2256, %mul3A_2257 : i32
        %get3A_2259 = arith.index_cast %mul3A_2258 : i32 to index
        %get3A_2260 = tpu.vector_load %arg10[%get3A_2259] {strides = array<i32>} : memref<128xf32, #tpu.memory_space<vmem>>, vector<16xf32>,
        %get3A_2261 = vector.shape_cast %get3A_2260 : vector<16xf32> to vector<16xf32>
        %jit3A_2262 = arith.constant 16 : i32
        %eq3A_2263 = arith.constant 0 : i32
        %eq3A_2264 = arith.cmpi eq, %jit3A_2262, %eq3A_2263 : i32
        %jit3A_2265 = arith.constant 1 : i32
        %select_n3A_2266 = arith.select %eq3A_2264, %jit3A_2265, %jit3A_2262 : i32
        %rem3A_2267 = arith.remsi %while3A_1383, %select_n3A_2266 : i32
        %ne3A_2268 = arith.constant 0 : i32
        %ne3A_2269 = arith.cmpi ne, %rem3A_2267, %ne3A_2268 : i32
        %lt3A_2270 = arith.constant 0 : i32
        %lt3A_2271 = arith.cmpi slt, %rem3A_2267, %lt3A_2270 : i32
        %lt3A_2272 = arith.constant 0 : i32
        %lt3A_2273 = arith.cmpi slt, %select_n3A_2266, %lt3A_2272 : i32
        %ne3A_2274 = arith.xori %lt3A_2271, %lt3A_2273 : i1
        %and3A_2275 = arith.andi %ne3A_2274, %ne3A_2269 : i1
        %add3A_2276 = arith.addi %rem3A_2267, %select_n3A_2266 : i32
        %select_n3A_2277 = arith.select %and3A_2275, %add3A_2276, %rem3A_2267 : i32
        %eq3A_2278 = vector.broadcast %select_n3A_2277 : i32 to vector<16xi32>
        %eq3A_2279 = arith.cmpi eq, %iota3A, %eq3A_2278 : vector<16xi32>
        %select_n3A_2280 = arith.select %eq3A_2279, %add3A_2232, %get3A_2261 : vector<16xi1>, vector<16xf32>
        %jit3A_2281 = arith.constant 16 : i32
        %div3A_2282 = arith.divsi %while3A_1383, %jit3A_2281 : i32
        %sign3A_2283 = arith.constant 0 : i32
        %sign3A_2284 = arith.cmpi sgt, %while3A_1383, %sign3A_2283 : i32
        %sign3A_2285 = arith.extui %sign3A_2284 : i1 to i32
        %sign3A_2286 = arith.constant 0 : i32
        %sign3A_2287 = arith.cmpi slt, %while3A_1383, %sign3A_2286 : i32
        %sign3A_2288 = arith.extui %sign3A_2287 : i1 to i32
        %sign3A_2289 = arith.subi %sign3A_2285, %sign3A_2288 : i32
        %sign3A_2290 = arith.constant 0 : i32
        %sign3A_2291 = arith.cmpi sgt, %jit3A_2281, %sign3A_2290 : i32
        %sign3A_2292 = arith.extui %sign3A_2291 : i1 to i32
        %sign3A_2293 = arith.constant 0 : i32
        %sign3A_2294 = arith.cmpi slt, %jit3A_2281, %sign3A_2293 : i32
        %sign3A_2295 = arith.extui %sign3A_2294 : i1 to i32
        %sign3A_2296 = arith.subi %sign3A_2292, %sign3A_2295 : i32
        %ne3A_2297 = arith.cmpi ne, %sign3A_2289, %sign3A_2296 : i32
        %rem3A_2298 = arith.remsi %while3A_1383, %jit3A_2281 : i32
        %ne3A_2299 = arith.constant 0 : i32
        %ne3A_2300 = arith.cmpi ne, %rem3A_2298, %ne3A_2299 : i32
        %and3A_2301 = arith.andi %ne3A_2297, %ne3A_2300 : i1
        %sub3A_2302 = arith.constant 1 : i32
        %sub3A_2303 = arith.subi %div3A_2282, %sub3A_2302 : i32
        %select_n3A_2304 = arith.select %and3A_2301, %sub3A_2303, %div3A_2282 : i32
        %mul3A_2305 = arith.constant 16 : i32
        %mul3A_2306 = arith.muli %select_n3A_2304, %mul3A_2305 : i32
        %swap3A_2307 = arith.index_cast %mul3A_2306 : i32 to index
        %swap3A_2308 = tpu.vector_load %arg10[%swap3A_2307] {strides = array<i32>} : memref<128xf32, #tpu.memory_space<vmem>>, vector<16xf32>,
        %swap3A_2309 = vector.shape_cast %swap3A_2308 : vector<16xf32> to vector<16xf32>
        %swap3A_2310 = vector.shape_cast %select_n3A_2280 : vector<16xf32> to vector<16xf32>
        tpu.vector_store %arg10[%swap3A_2307], %swap3A_2310 {strides = array<i32>} : memref<128xf32, #tpu.memory_space<vmem>>, vector<16xf32>,
        %div3A_2311 = arith.divf %mul3A_2188, %add3A_2232 : vector<16xf32>
        scf.yield %div3A_2311 : vector<16xf32>
      }
      %while3A_237 = arith.constant 1 : i32
      %while3A_238 = scf.for %while3A_1383 = %while3A_234 to %while3A_230 step %while3A_237 iter_args(%while3A_1384 = %while3A_236) -> (vector<16xf32>)  : i32 {
        %mul3A_1385 = arith.constant 4 : i32
        %mul3A_1386 = arith.muli %while3A_1383, %mul3A_1385 : i32
        %add3A_1387 = arith.constant 0 : i32
        %add3A_1388 = arith.addi %mul3A_1386, %add3A_1387 : i32
        %mul3A_1389 = arith.constant 16 : i32
        %mul3A_1390 = arith.muli %add3A_1388, %mul3A_1389 : i32
        %get3A_1391 = arith.index_cast %mul3A_1390 : i32 to index
        %get3A_1392 = tpu.vector_load %arg7[%get3A_1391] {strides = array<i32>} : memref<8192xf32, #tpu.memory_space<vmem>>, vector<16xf32>,
        %get3A_1393 = vector.shape_cast %get3A_1392 : vector<16xf32> to vector<16xf32>
        %lt3A_1394 = arith.constant 0 : i32
        %lt3A_1395 = vector.broadcast %lt3A_1394 : i32 to vector<16xi32>
        %lt3A_1396 = arith.cmpi slt, %broadcast_in_dim3A_131, %lt3A_1395 : vector<16xi32>
        %add3A_1397 = arith.constant 16 : i32
        %add3A_1398 = vector.broadcast %add3A_1397 : i32 to vector<16xi32>
        %add3A_1399 = arith.addi %broadcast_in_dim3A_131, %add3A_1398 : vector<16xi32>
        %select_n3A_1400 = arith.select %lt3A_1396, %add3A_1399, %broadcast_in_dim3A_131 : vector<16xi1>, vector<16xi32>
        %broadcast_in_dim3A_1401 = vector.shape_cast %select_n3A_1400 : vector<16xi32> to vector<16x1xi32>
        %gather3A_1402 = vector.shape_cast %broadcast_in_dim3A_1401 : vector<16x1xi32> to vector<16xi32>
        %gather3A_1403 = tpu.dynamic_gather %while3A_1384[%gather3A_1402] in [0] : vector<16xf32>, vector<16xi32> -> vector<16xf32>
        %mul3A_1404 = arith.mulf %gather3A_1403, %max3A_10 : vector<16xf32>
        %lt3A_1405 = arith.constant 0 : i32
        %lt3A_1406 = vector.broadcast %lt3A_1405 : i32 to vector<16xi32>
        %lt3A_1407 = arith.cmpi slt, %broadcast_in_dim3A_133, %lt3A_1406 : vector<16xi32>
        %add3A_1408 = arith.constant 16 : i32
        %add3A_1409 = vector.broadcast %add3A_1408 : i32 to vector<16xi32>
        %add3A_1410 = arith.addi %broadcast_in_dim3A_133, %add3A_1409 : vector<16xi32>
        %select_n3A_1411 = arith.select %lt3A_1407, %add3A_1410, %broadcast_in_dim3A_133 : vector<16xi1>, vector<16xi32>
        %broadcast_in_dim3A_1412 = vector.shape_cast %select_n3A_1411 : vector<16xi32> to vector<16x1xi32>
        %gather3A_1413 = vector.shape_cast %broadcast_in_dim3A_1412 : vector<16x1xi32> to vector<16xi32>
        %gather3A_1414 = tpu.dynamic_gather %while3A_1384[%gather3A_1413] in [0] : vector<16xf32>, vector<16xi32> -> vector<16xf32>
        %mul3A_1415 = arith.mulf %gather3A_1414, %max3A_18 : vector<16xf32>
        %lt3A_1416 = arith.constant 0 : i32
        %lt3A_1417 = vector.broadcast %lt3A_1416 : i32 to vector<16xi32>
        %lt3A_1418 = arith.cmpi slt, %broadcast_in_dim3A_135, %lt3A_1417 : vector<16xi32>
        %add3A_1419 = arith.constant 16 : i32
        %add3A_1420 = vector.broadcast %add3A_1419 : i32 to vector<16xi32>
        %add3A_1421 = arith.addi %broadcast_in_dim3A_135, %add3A_1420 : vector<16xi32>
        %select_n3A_1422 = arith.select %lt3A_1418, %add3A_1421, %broadcast_in_dim3A_135 : vector<16xi1>, vector<16xi32>
        %broadcast_in_dim3A_1423 = vector.shape_cast %select_n3A_1422 : vector<16xi32> to vector<16x1xi32>
        %gather3A_1424 = vector.shape_cast %broadcast_in_dim3A_1423 : vector<16x1xi32> to vector<16xi32>
        %gather3A_1425 = tpu.dynamic_gather %while3A_1384[%gather3A_1424] in [0] : vector<16xf32>, vector<16xi32> -> vector<16xf32>
        %mul3A_1426 = arith.mulf %gather3A_1425, %max3A_26 : vector<16xf32>
        %lt3A_1427 = arith.constant 0 : i32
        %lt3A_1428 = vector.broadcast %lt3A_1427 : i32 to vector<16xi32>
        %lt3A_1429 = arith.cmpi slt, %broadcast_in_dim3A_137, %lt3A_1428 : vector<16xi32>
        %add3A_1430 = arith.constant 16 : i32
        %add3A_1431 = vector.broadcast %add3A_1430 : i32 to vector<16xi32>
        %add3A_1432 = arith.addi %broadcast_in_dim3A_137, %add3A_1431 : vector<16xi32>
        %select_n3A_1433 = arith.select %lt3A_1429, %add3A_1432, %broadcast_in_dim3A_137 : vector<16xi1>, vector<16xi32>
        %broadcast_in_dim3A_1434 = vector.shape_cast %select_n3A_1433 : vector<16xi32> to vector<16x1xi32>
        %gather3A_1435 = vector.shape_cast %broadcast_in_dim3A_1434 : vector<16x1xi32> to vector<16xi32>
        %gather3A_1436 = tpu.dynamic_gather %while3A_1384[%gather3A_1435] in [0] : vector<16xf32>, vector<16xi32> -> vector<16xf32>
        %mul3A_1437 = arith.mulf %gather3A_1436, %max3A_34 : vector<16xf32>
        %lt3A_1438 = arith.constant 0 : i32
        %lt3A_1439 = vector.broadcast %lt3A_1438 : i32 to vector<16xi32>
        %lt3A_1440 = arith.cmpi slt, %broadcast_in_dim3A_139, %lt3A_1439 : vector<16xi32>
        %add3A_1441 = arith.constant 16 : i32
        %add3A_1442 = vector.broadcast %add3A_1441 : i32 to vector<16xi32>
        %add3A_1443 = arith.addi %broadcast_in_dim3A_139, %add3A_1442 : vector<16xi32>
        %select_n3A_1444 = arith.select %lt3A_1440, %add3A_1443, %broadcast_in_dim3A_139 : vector<16xi1>, vector<16xi32>
        %broadcast_in_dim3A_1445 = vector.shape_cast %select_n3A_1444 : vector<16xi32> to vector<16x1xi32>
        %gather3A_1446 = vector.shape_cast %broadcast_in_dim3A_1445 : vector<16x1xi32> to vector<16xi32>
        %gather3A_1447 = tpu.dynamic_gather %while3A_1384[%gather3A_1446] in [0] : vector<16xf32>, vector<16xi32> -> vector<16xf32>
        %mul3A_1448 = arith.mulf %gather3A_1447, %max3A_42 : vector<16xf32>
        %lt3A_1449 = arith.constant 0 : i32
        %lt3A_1450 = vector.broadcast %lt3A_1449 : i32 to vector<16xi32>
        %lt3A_1451 = arith.cmpi slt, %broadcast_in_dim3A_141, %lt3A_1450 : vector<16xi32>
        %add3A_1452 = arith.constant 16 : i32
        %add3A_1453 = vector.broadcast %add3A_1452 : i32 to vector<16xi32>
        %add3A_1454 = arith.addi %broadcast_in_dim3A_141, %add3A_1453 : vector<16xi32>
        %select_n3A_1455 = arith.select %lt3A_1451, %add3A_1454, %broadcast_in_dim3A_141 : vector<16xi1>, vector<16xi32>
        %broadcast_in_dim3A_1456 = vector.shape_cast %select_n3A_1455 : vector<16xi32> to vector<16x1xi32>
        %gather3A_1457 = vector.shape_cast %broadcast_in_dim3A_1456 : vector<16x1xi32> to vector<16xi32>
        %gather3A_1458 = tpu.dynamic_gather %while3A_1384[%gather3A_1457] in [0] : vector<16xf32>, vector<16xi32> -> vector<16xf32>
        %mul3A_1459 = arith.mulf %gather3A_1458, %max3A_50 : vector<16xf32>
        %lt3A_1460 = arith.constant 0 : i32
        %lt3A_1461 = vector.broadcast %lt3A_1460 : i32 to vector<16xi32>
        %lt3A_1462 = arith.cmpi slt, %broadcast_in_dim3A_143, %lt3A_1461 : vector<16xi32>
        %add3A_1463 = arith.constant 16 : i32
        %add3A_1464 = vector.broadcast %add3A_1463 : i32 to vector<16xi32>
        %add3A_1465 = arith.addi %broadcast_in_dim3A_143, %add3A_1464 : vector<16xi32>
        %select_n3A_1466 = arith.select %lt3A_1462, %add3A_1465, %broadcast_in_dim3A_143 : vector<16xi1>, vector<16xi32>
        %broadcast_in_dim3A_1467 = vector.shape_cast %select_n3A_1466 : vector<16xi32> to vector<16x1xi32>
        %gather3A_1468 = vector.shape_cast %broadcast_in_dim3A_1467 : vector<16x1xi32> to vector<16xi32>
        %gather3A_1469 = tpu.dynamic_gather %while3A_1384[%gather3A_1468] in [0] : vector<16xf32>, vector<16xi32> -> vector<16xf32>
        %mul3A_1470 = arith.mulf %gather3A_1469, %max3A_58 : vector<16xf32>
        %lt3A_1471 = arith.constant 0 : i32
        %lt3A_1472 = vector.broadcast %lt3A_1471 : i32 to vector<16xi32>
        %lt3A_1473 = arith.cmpi slt, %broadcast_in_dim3A_145, %lt3A_1472 : vector<16xi32>
        %add3A_1474 = arith.constant 16 : i32
        %add3A_1475 = vector.broadcast %add3A_1474 : i32 to vector<16xi32>
        %add3A_1476 = arith.addi %broadcast_in_dim3A_145, %add3A_1475 : vector<16xi32>
        %select_n3A_1477 = arith.select %lt3A_1473, %add3A_1476, %broadcast_in_dim3A_145 : vector<16xi1>, vector<16xi32>
        %broadcast_in_dim3A_1478 = vector.shape_cast %select_n3A_1477 : vector<16xi32> to vector<16x1xi32>
        %gather3A_1479 = vector.shape_cast %broadcast_in_dim3A_1478 : vector<16x1xi32> to vector<16xi32>
        %gather3A_1480 = tpu.dynamic_gather %while3A_1384[%gather3A_1479] in [0] : vector<16xf32>, vector<16xi32> -> vector<16xf32>
        %mul3A_1481 = arith.mulf %gather3A_1480, %max3A_66 : vector<16xf32>
        %lt3A_1482 = arith.constant 0 : i32
        %lt3A_1483 = vector.broadcast %lt3A_1482 : i32 to vector<16xi32>
        %lt3A_1484 = arith.cmpi slt, %broadcast_in_dim3A_147, %lt3A_1483 : vector<16xi32>
        %add3A_1485 = arith.constant 16 : i32
        %add3A_1486 = vector.broadcast %add3A_1485 : i32 to vector<16xi32>
        %add3A_1487 = arith.addi %broadcast_in_dim3A_147, %add3A_1486 : vector<16xi32>
        %select_n3A_1488 = arith.select %lt3A_1484, %add3A_1487, %broadcast_in_dim3A_147 : vector<16xi1>, vector<16xi32>
        %broadcast_in_dim3A_1489 = vector.shape_cast %select_n3A_1488 : vector<16xi32> to vector<16x1xi32>
        %gather3A_1490 = vector.shape_cast %broadcast_in_dim3A_1489 : vector<16x1xi32> to vector<16xi32>
        %gather3A_1491 = tpu.dynamic_gather %while3A_1384[%gather3A_1490] in [0] : vector<16xf32>, vector<16xi32> -> vector<16xf32>
        %mul3A_1492 = arith.mulf %gather3A_1491, %max3A_74 : vector<16xf32>
        %lt3A_1493 = arith.constant 0 : i32
        %lt3A_1494 = vector.broadcast %lt3A_1493 : i32 to vector<16xi32>
        %lt3A_1495 = arith.cmpi slt, %broadcast_in_dim3A_149, %lt3A_1494 : vector<16xi32>
        %add3A_1496 = arith.constant 16 : i32
        %add3A_1497 = vector.broadcast %add3A_1496 : i32 to vector<16xi32>
        %add3A_1498 = arith.addi %broadcast_in_dim3A_149, %add3A_1497 : vector<16xi32>
        %select_n3A_1499 = arith.select %lt3A_1495, %add3A_1498, %broadcast_in_dim3A_149 : vector<16xi1>, vector<16xi32>
        %broadcast_in_dim3A_1500 = vector.shape_cast %select_n3A_1499 : vector<16xi32> to vector<16x1xi32>
        %gather3A_1501 = vector.shape_cast %broadcast_in_dim3A_1500 : vector<16x1xi32> to vector<16xi32>
        %gather3A_1502 = tpu.dynamic_gather %while3A_1384[%gather3A_1501] in [0] : vector<16xf32>, vector<16xi32> -> vector<16xf32>
        %mul3A_1503 = arith.mulf %gather3A_1502, %max3A_82 : vector<16xf32>
        %lt3A_1504 = arith.constant 0 : i32
        %lt3A_1505 = vector.broadcast %lt3A_1504 : i32 to vector<16xi32>
        %lt3A_1506 = arith.cmpi slt, %broadcast_in_dim3A_151, %lt3A_1505 : vector<16xi32>
        %add3A_1507 = arith.constant 16 : i32
        %add3A_1508 = vector.broadcast %add3A_1507 : i32 to vector<16xi32>
        %add3A_1509 = arith.addi %broadcast_in_dim3A_151, %add3A_1508 : vector<16xi32>
        %select_n3A_1510 = arith.select %lt3A_1506, %add3A_1509, %broadcast_in_dim3A_151 : vector<16xi1>, vector<16xi32>
        %broadcast_in_dim3A_1511 = vector.shape_cast %select_n3A_1510 : vector<16xi32> to vector<16x1xi32>
        %gather3A_1512 = vector.shape_cast %broadcast_in_dim3A_1511 : vector<16x1xi32> to vector<16xi32>
        %gather3A_1513 = tpu.dynamic_gather %while3A_1384[%gather3A_1512] in [0] : vector<16xf32>, vector<16xi32> -> vector<16xf32>
        %mul3A_1514 = arith.mulf %gather3A_1513, %max3A_90 : vector<16xf32>
        %lt3A_1515 = arith.constant 0 : i32
        %lt3A_1516 = vector.broadcast %lt3A_1515 : i32 to vector<16xi32>
        %lt3A_1517 = arith.cmpi slt, %broadcast_in_dim3A_153, %lt3A_1516 : vector<16xi32>
        %add3A_1518 = arith.constant 16 : i32
        %add3A_1519 = vector.broadcast %add3A_1518 : i32 to vector<16xi32>
        %add3A_1520 = arith.addi %broadcast_in_dim3A_153, %add3A_1519 : vector<16xi32>
        %select_n3A_1521 = arith.select %lt3A_1517, %add3A_1520, %broadcast_in_dim3A_153 : vector<16xi1>, vector<16xi32>
        %broadcast_in_dim3A_1522 = vector.shape_cast %select_n3A_1521 : vector<16xi32> to vector<16x1xi32>
        %gather3A_1523 = vector.shape_cast %broadcast_in_dim3A_1522 : vector<16x1xi32> to vector<16xi32>
        %gather3A_1524 = tpu.dynamic_gather %while3A_1384[%gather3A_1523] in [0] : vector<16xf32>, vector<16xi32> -> vector<16xf32>
        %mul3A_1525 = arith.mulf %gather3A_1524, %max3A_98 : vector<16xf32>
        %lt3A_1526 = arith.constant 0 : i32
        %lt3A_1527 = vector.broadcast %lt3A_1526 : i32 to vector<16xi32>
        %lt3A_1528 = arith.cmpi slt, %broadcast_in_dim3A_155, %lt3A_1527 : vector<16xi32>
        %add3A_1529 = arith.constant 16 : i32
        %add3A_1530 = vector.broadcast %add3A_1529 : i32 to vector<16xi32>
        %add3A_1531 = arith.addi %broadcast_in_dim3A_155, %add3A_1530 : vector<16xi32>
        %select_n3A_1532 = arith.select %lt3A_1528, %add3A_1531, %broadcast_in_dim3A_155 : vector<16xi1>, vector<16xi32>
        %broadcast_in_dim3A_1533 = vector.shape_cast %select_n3A_1532 : vector<16xi32> to vector<16x1xi32>
        %gather3A_1534 = vector.shape_cast %broadcast_in_dim3A_1533 : vector<16x1xi32> to vector<16xi32>
        %gather3A_1535 = tpu.dynamic_gather %while3A_1384[%gather3A_1534] in [0] : vector<16xf32>, vector<16xi32> -> vector<16xf32>
        %mul3A_1536 = arith.mulf %gather3A_1535, %max3A_106 : vector<16xf32>
        %lt3A_1537 = arith.constant 0 : i32
        %lt3A_1538 = vector.broadcast %lt3A_1537 : i32 to vector<16xi32>
        %lt3A_1539 = arith.cmpi slt, %broadcast_in_dim3A_157, %lt3A_1538 : vector<16xi32>
        %add3A_1540 = arith.constant 16 : i32
        %add3A_1541 = vector.broadcast %add3A_1540 : i32 to vector<16xi32>
        %add3A_1542 = arith.addi %broadcast_in_dim3A_157, %add3A_1541 : vector<16xi32>
        %select_n3A_1543 = arith.select %lt3A_1539, %add3A_1542, %broadcast_in_dim3A_157 : vector<16xi1>, vector<16xi32>
        %broadcast_in_dim3A_1544 = vector.shape_cast %select_n3A_1543 : vector<16xi32> to vector<16x1xi32>
        %gather3A_1545 = vector.shape_cast %broadcast_in_dim3A_1544 : vector<16x1xi32> to vector<16xi32>
        %gather3A_1546 = tpu.dynamic_gather %while3A_1384[%gather3A_1545] in [0] : vector<16xf32>, vector<16xi32> -> vector<16xf32>
        %mul3A_1547 = arith.mulf %gather3A_1546, %max3A_114 : vector<16xf32>
        %lt3A_1548 = arith.constant 0 : i32
        %lt3A_1549 = vector.broadcast %lt3A_1548 : i32 to vector<16xi32>
        %lt3A_1550 = arith.cmpi slt, %broadcast_in_dim3A_159, %lt3A_1549 : vector<16xi32>
        %add3A_1551 = arith.constant 16 : i32
        %add3A_1552 = vector.broadcast %add3A_1551 : i32 to vector<16xi32>
        %add3A_1553 = arith.addi %broadcast_in_dim3A_159, %add3A_1552 : vector<16xi32>
        %select_n3A_1554 = arith.select %lt3A_1550, %add3A_1553, %broadcast_in_dim3A_159 : vector<16xi1>, vector<16xi32>
        %broadcast_in_dim3A_1555 = vector.shape_cast %select_n3A_1554 : vector<16xi32> to vector<16x1xi32>
        %gather3A_1556 = vector.shape_cast %broadcast_in_dim3A_1555 : vector<16x1xi32> to vector<16xi32>
        %gather3A_1557 = tpu.dynamic_gather %while3A_1384[%gather3A_1556] in [0] : vector<16xf32>, vector<16xi32> -> vector<16xf32>
        %mul3A_1558 = arith.mulf %gather3A_1557, %max3A_122 : vector<16xf32>
        %lt3A_1559 = arith.constant 0 : i32
        %lt3A_1560 = vector.broadcast %lt3A_1559 : i32 to vector<16xi32>
        %lt3A_1561 = arith.cmpi slt, %broadcast_in_dim3A_161, %lt3A_1560 : vector<16xi32>
        %add3A_1562 = arith.constant 16 : i32
        %add3A_1563 = vector.broadcast %add3A_1562 : i32 to vector<16xi32>
        %add3A_1564 = arith.addi %broadcast_in_dim3A_161, %add3A_1563 : vector<16xi32>
        %select_n3A_1565 = arith.select %lt3A_1561, %add3A_1564, %broadcast_in_dim3A_161 : vector<16xi1>, vector<16xi32>
        %broadcast_in_dim3A_1566 = vector.shape_cast %select_n3A_1565 : vector<16xi32> to vector<16x1xi32>
        %gather3A_1567 = vector.shape_cast %broadcast_in_dim3A_1566 : vector<16x1xi32> to vector<16xi32>
        %gather3A_1568 = tpu.dynamic_gather %while3A_1384[%gather3A_1567] in [0] : vector<16xf32>, vector<16xi32> -> vector<16xf32>
        %mul3A_1569 = arith.mulf %gather3A_1568, %max3A_130 : vector<16xf32>
        %add3A_1570 = arith.addf %mul3A_1404, %mul3A_1415 : vector<16xf32>
        %add3A_1571 = arith.addf %mul3A_1426, %mul3A_1437 : vector<16xf32>
        %add3A_1572 = arith.addf %mul3A_1448, %mul3A_1459 : vector<16xf32>
        %add3A_1573 = arith.addf %mul3A_1470, %mul3A_1481 : vector<16xf32>
        %add3A_1574 = arith.addf %mul3A_1492, %mul3A_1503 : vector<16xf32>
        %add3A_1575 = arith.addf %mul3A_1514, %mul3A_1525 : vector<16xf32>
        %add3A_1576 = arith.addf %mul3A_1536, %mul3A_1547 : vector<16xf32>
        %add3A_1577 = arith.addf %mul3A_1558, %mul3A_1569 : vector<16xf32>
        %add3A_1578 = arith.addf %add3A_1570, %add3A_1571 : vector<16xf32>
        %add3A_1579 = arith.addf %add3A_1572, %add3A_1573 : vector<16xf32>
        %add3A_1580 = arith.addf %add3A_1574, %add3A_1575 : vector<16xf32>
        %add3A_1581 = arith.addf %add3A_1576, %add3A_1577 : vector<16xf32>
        %add3A_1582 = arith.addf %add3A_1578, %add3A_1579 : vector<16xf32>
        %add3A_1583 = arith.addf %add3A_1580, %add3A_1581 : vector<16xf32>
        %add3A_1584 = arith.addf %add3A_1582, %add3A_1583 : vector<16xf32>
        %mul3A_1585 = arith.mulf %add3A_1584, %get3A_1393 : vector<16xf32>
        %mul3A_1586 = arith.constant 4 : i32
        %mul3A_1587 = arith.muli %while3A_1383, %mul3A_1586 : i32
        %add3A_1588 = arith.constant 1 : i32
        %add3A_1589 = arith.addi %mul3A_1587, %add3A_1588 : i32
        %mul3A_1590 = arith.constant 16 : i32
        %mul3A_1591 = arith.muli %add3A_1589, %mul3A_1590 : i32
        %get3A_1592 = arith.index_cast %mul3A_1591 : i32 to index
        %get3A_1593 = tpu.vector_load %arg7[%get3A_1592] {strides = array<i32>} : memref<8192xf32, #tpu.memory_space<vmem>>, vector<16xf32>,
        %get3A_1594 = vector.shape_cast %get3A_1593 : vector<16xf32> to vector<16xf32>
        %lt3A_1595 = arith.constant 0 : i32
        %lt3A_1596 = vector.broadcast %lt3A_1595 : i32 to vector<16xi32>
        %lt3A_1597 = arith.cmpi slt, %broadcast_in_dim3A_131, %lt3A_1596 : vector<16xi32>
        %add3A_1598 = arith.constant 16 : i32
        %add3A_1599 = vector.broadcast %add3A_1598 : i32 to vector<16xi32>
        %add3A_1600 = arith.addi %broadcast_in_dim3A_131, %add3A_1599 : vector<16xi32>
        %select_n3A_1601 = arith.select %lt3A_1597, %add3A_1600, %broadcast_in_dim3A_131 : vector<16xi1>, vector<16xi32>
        %broadcast_in_dim3A_1602 = vector.shape_cast %select_n3A_1601 : vector<16xi32> to vector<16x1xi32>
        %gather3A_1603 = vector.shape_cast %broadcast_in_dim3A_1602 : vector<16x1xi32> to vector<16xi32>
        %gather3A_1604 = tpu.dynamic_gather %mul3A_1585[%gather3A_1603] in [0] : vector<16xf32>, vector<16xi32> -> vector<16xf32>
        %mul3A_1605 = arith.mulf %gather3A_1604, %max3A_10 : vector<16xf32>
        %lt3A_1606 = arith.constant 0 : i32
        %lt3A_1607 = vector.broadcast %lt3A_1606 : i32 to vector<16xi32>
        %lt3A_1608 = arith.cmpi slt, %broadcast_in_dim3A_133, %lt3A_1607 : vector<16xi32>
        %add3A_1609 = arith.constant 16 : i32
        %add3A_1610 = vector.broadcast %add3A_1609 : i32 to vector<16xi32>
        %add3A_1611 = arith.addi %broadcast_in_dim3A_133, %add3A_1610 : vector<16xi32>
        %select_n3A_1612 = arith.select %lt3A_1608, %add3A_1611, %broadcast_in_dim3A_133 : vector<16xi1>, vector<16xi32>
        %broadcast_in_dim3A_1613 = vector.shape_cast %select_n3A_1612 : vector<16xi32> to vector<16x1xi32>
        %gather3A_1614 = vector.shape_cast %broadcast_in_dim3A_1613 : vector<16x1xi32> to vector<16xi32>
        %gather3A_1615 = tpu.dynamic_gather %mul3A_1585[%gather3A_1614] in [0] : vector<16xf32>, vector<16xi32> -> vector<16xf32>
        %mul3A_1616 = arith.mulf %gather3A_1615, %max3A_18 : vector<16xf32>
        %lt3A_1617 = arith.constant 0 : i32
        %lt3A_1618 = vector.broadcast %lt3A_1617 : i32 to vector<16xi32>
        %lt3A_1619 = arith.cmpi slt, %broadcast_in_dim3A_135, %lt3A_1618 : vector<16xi32>
        %add3A_1620 = arith.constant 16 : i32
        %add3A_1621 = vector.broadcast %add3A_1620 : i32 to vector<16xi32>
        %add3A_1622 = arith.addi %broadcast_in_dim3A_135, %add3A_1621 : vector<16xi32>
        %select_n3A_1623 = arith.select %lt3A_1619, %add3A_1622, %broadcast_in_dim3A_135 : vector<16xi1>, vector<16xi32>
        %broadcast_in_dim3A_1624 = vector.shape_cast %select_n3A_1623 : vector<16xi32> to vector<16x1xi32>
        %gather3A_1625 = vector.shape_cast %broadcast_in_dim3A_1624 : vector<16x1xi32> to vector<16xi32>
        %gather3A_1626 = tpu.dynamic_gather %mul3A_1585[%gather3A_1625] in [0] : vector<16xf32>, vector<16xi32> -> vector<16xf32>
        %mul3A_1627 = arith.mulf %gather3A_1626, %max3A_26 : vector<16xf32>
        %lt3A_1628 = arith.constant 0 : i32
        %lt3A_1629 = vector.broadcast %lt3A_1628 : i32 to vector<16xi32>
        %lt3A_1630 = arith.cmpi slt, %broadcast_in_dim3A_137, %lt3A_1629 : vector<16xi32>
        %add3A_1631 = arith.constant 16 : i32
        %add3A_1632 = vector.broadcast %add3A_1631 : i32 to vector<16xi32>
        %add3A_1633 = arith.addi %broadcast_in_dim3A_137, %add3A_1632 : vector<16xi32>
        %select_n3A_1634 = arith.select %lt3A_1630, %add3A_1633, %broadcast_in_dim3A_137 : vector<16xi1>, vector<16xi32>
        %broadcast_in_dim3A_1635 = vector.shape_cast %select_n3A_1634 : vector<16xi32> to vector<16x1xi32>
        %gather3A_1636 = vector.shape_cast %broadcast_in_dim3A_1635 : vector<16x1xi32> to vector<16xi32>
        %gather3A_1637 = tpu.dynamic_gather %mul3A_1585[%gather3A_1636] in [0] : vector<16xf32>, vector<16xi32> -> vector<16xf32>
        %mul3A_1638 = arith.mulf %gather3A_1637, %max3A_34 : vector<16xf32>
        %lt3A_1639 = arith.constant 0 : i32
        %lt3A_1640 = vector.broadcast %lt3A_1639 : i32 to vector<16xi32>
        %lt3A_1641 = arith.cmpi slt, %broadcast_in_dim3A_139, %lt3A_1640 : vector<16xi32>
        %add3A_1642 = arith.constant 16 : i32
        %add3A_1643 = vector.broadcast %add3A_1642 : i32 to vector<16xi32>
        %add3A_1644 = arith.addi %broadcast_in_dim3A_139, %add3A_1643 : vector<16xi32>
        %select_n3A_1645 = arith.select %lt3A_1641, %add3A_1644, %broadcast_in_dim3A_139 : vector<16xi1>, vector<16xi32>
        %broadcast_in_dim3A_1646 = vector.shape_cast %select_n3A_1645 : vector<16xi32> to vector<16x1xi32>
        %gather3A_1647 = vector.shape_cast %broadcast_in_dim3A_1646 : vector<16x1xi32> to vector<16xi32>
        %gather3A_1648 = tpu.dynamic_gather %mul3A_1585[%gather3A_1647] in [0] : vector<16xf32>, vector<16xi32> -> vector<16xf32>
        %mul3A_1649 = arith.mulf %gather3A_1648, %max3A_42 : vector<16xf32>
        %lt3A_1650 = arith.constant 0 : i32
        %lt3A_1651 = vector.broadcast %lt3A_1650 : i32 to vector<16xi32>
        %lt3A_1652 = arith.cmpi slt, %broadcast_in_dim3A_141, %lt3A_1651 : vector<16xi32>
        %add3A_1653 = arith.constant 16 : i32
        %add3A_1654 = vector.broadcast %add3A_1653 : i32 to vector<16xi32>
        %add3A_1655 = arith.addi %broadcast_in_dim3A_141, %add3A_1654 : vector<16xi32>
        %select_n3A_1656 = arith.select %lt3A_1652, %add3A_1655, %broadcast_in_dim3A_141 : vector<16xi1>, vector<16xi32>
        %broadcast_in_dim3A_1657 = vector.shape_cast %select_n3A_1656 : vector<16xi32> to vector<16x1xi32>
        %gather3A_1658 = vector.shape_cast %broadcast_in_dim3A_1657 : vector<16x1xi32> to vector<16xi32>
        %gather3A_1659 = tpu.dynamic_gather %mul3A_1585[%gather3A_1658] in [0] : vector<16xf32>, vector<16xi32> -> vector<16xf32>
        %mul3A_1660 = arith.mulf %gather3A_1659, %max3A_50 : vector<16xf32>
        %lt3A_1661 = arith.constant 0 : i32
        %lt3A_1662 = vector.broadcast %lt3A_1661 : i32 to vector<16xi32>
        %lt3A_1663 = arith.cmpi slt, %broadcast_in_dim3A_143, %lt3A_1662 : vector<16xi32>
        %add3A_1664 = arith.constant 16 : i32
        %add3A_1665 = vector.broadcast %add3A_1664 : i32 to vector<16xi32>
        %add3A_1666 = arith.addi %broadcast_in_dim3A_143, %add3A_1665 : vector<16xi32>
        %select_n3A_1667 = arith.select %lt3A_1663, %add3A_1666, %broadcast_in_dim3A_143 : vector<16xi1>, vector<16xi32>
        %broadcast_in_dim3A_1668 = vector.shape_cast %select_n3A_1667 : vector<16xi32> to vector<16x1xi32>
        %gather3A_1669 = vector.shape_cast %broadcast_in_dim3A_1668 : vector<16x1xi32> to vector<16xi32>
        %gather3A_1670 = tpu.dynamic_gather %mul3A_1585[%gather3A_1669] in [0] : vector<16xf32>, vector<16xi32> -> vector<16xf32>
        %mul3A_1671 = arith.mulf %gather3A_1670, %max3A_58 : vector<16xf32>
        %lt3A_1672 = arith.constant 0 : i32
        %lt3A_1673 = vector.broadcast %lt3A_1672 : i32 to vector<16xi32>
        %lt3A_1674 = arith.cmpi slt, %broadcast_in_dim3A_145, %lt3A_1673 : vector<16xi32>
        %add3A_1675 = arith.constant 16 : i32
        %add3A_1676 = vector.broadcast %add3A_1675 : i32 to vector<16xi32>
        %add3A_1677 = arith.addi %broadcast_in_dim3A_145, %add3A_1676 : vector<16xi32>
        %select_n3A_1678 = arith.select %lt3A_1674, %add3A_1677, %broadcast_in_dim3A_145 : vector<16xi1>, vector<16xi32>
        %broadcast_in_dim3A_1679 = vector.shape_cast %select_n3A_1678 : vector<16xi32> to vector<16x1xi32>
        %gather3A_1680 = vector.shape_cast %broadcast_in_dim3A_1679 : vector<16x1xi32> to vector<16xi32>
        %gather3A_1681 = tpu.dynamic_gather %mul3A_1585[%gather3A_1680] in [0] : vector<16xf32>, vector<16xi32> -> vector<16xf32>
        %mul3A_1682 = arith.mulf %gather3A_1681, %max3A_66 : vector<16xf32>
        %lt3A_1683 = arith.constant 0 : i32
        %lt3A_1684 = vector.broadcast %lt3A_1683 : i32 to vector<16xi32>
        %lt3A_1685 = arith.cmpi slt, %broadcast_in_dim3A_147, %lt3A_1684 : vector<16xi32>
        %add3A_1686 = arith.constant 16 : i32
        %add3A_1687 = vector.broadcast %add3A_1686 : i32 to vector<16xi32>
        %add3A_1688 = arith.addi %broadcast_in_dim3A_147, %add3A_1687 : vector<16xi32>
        %select_n3A_1689 = arith.select %lt3A_1685, %add3A_1688, %broadcast_in_dim3A_147 : vector<16xi1>, vector<16xi32>
        %broadcast_in_dim3A_1690 = vector.shape_cast %select_n3A_1689 : vector<16xi32> to vector<16x1xi32>
        %gather3A_1691 = vector.shape_cast %broadcast_in_dim3A_1690 : vector<16x1xi32> to vector<16xi32>
        %gather3A_1692 = tpu.dynamic_gather %mul3A_1585[%gather3A_1691] in [0] : vector<16xf32>, vector<16xi32> -> vector<16xf32>
        %mul3A_1693 = arith.mulf %gather3A_1692, %max3A_74 : vector<16xf32>
        %lt3A_1694 = arith.constant 0 : i32
        %lt3A_1695 = vector.broadcast %lt3A_1694 : i32 to vector<16xi32>
        %lt3A_1696 = arith.cmpi slt, %broadcast_in_dim3A_149, %lt3A_1695 : vector<16xi32>
        %add3A_1697 = arith.constant 16 : i32
        %add3A_1698 = vector.broadcast %add3A_1697 : i32 to vector<16xi32>
        %add3A_1699 = arith.addi %broadcast_in_dim3A_149, %add3A_1698 : vector<16xi32>
        %select_n3A_1700 = arith.select %lt3A_1696, %add3A_1699, %broadcast_in_dim3A_149 : vector<16xi1>, vector<16xi32>
        %broadcast_in_dim3A_1701 = vector.shape_cast %select_n3A_1700 : vector<16xi32> to vector<16x1xi32>
        %gather3A_1702 = vector.shape_cast %broadcast_in_dim3A_1701 : vector<16x1xi32> to vector<16xi32>
        %gather3A_1703 = tpu.dynamic_gather %mul3A_1585[%gather3A_1702] in [0] : vector<16xf32>, vector<16xi32> -> vector<16xf32>
        %mul3A_1704 = arith.mulf %gather3A_1703, %max3A_82 : vector<16xf32>
        %lt3A_1705 = arith.constant 0 : i32
        %lt3A_1706 = vector.broadcast %lt3A_1705 : i32 to vector<16xi32>
        %lt3A_1707 = arith.cmpi slt, %broadcast_in_dim3A_151, %lt3A_1706 : vector<16xi32>
        %add3A_1708 = arith.constant 16 : i32
        %add3A_1709 = vector.broadcast %add3A_1708 : i32 to vector<16xi32>
        %add3A_1710 = arith.addi %broadcast_in_dim3A_151, %add3A_1709 : vector<16xi32>
        %select_n3A_1711 = arith.select %lt3A_1707, %add3A_1710, %broadcast_in_dim3A_151 : vector<16xi1>, vector<16xi32>
        %broadcast_in_dim3A_1712 = vector.shape_cast %select_n3A_1711 : vector<16xi32> to vector<16x1xi32>
        %gather3A_1713 = vector.shape_cast %broadcast_in_dim3A_1712 : vector<16x1xi32> to vector<16xi32>
        %gather3A_1714 = tpu.dynamic_gather %mul3A_1585[%gather3A_1713] in [0] : vector<16xf32>, vector<16xi32> -> vector<16xf32>
        %mul3A_1715 = arith.mulf %gather3A_1714, %max3A_90 : vector<16xf32>
        %lt3A_1716 = arith.constant 0 : i32
        %lt3A_1717 = vector.broadcast %lt3A_1716 : i32 to vector<16xi32>
        %lt3A_1718 = arith.cmpi slt, %broadcast_in_dim3A_153, %lt3A_1717 : vector<16xi32>
        %add3A_1719 = arith.constant 16 : i32
        %add3A_1720 = vector.broadcast %add3A_1719 : i32 to vector<16xi32>
        %add3A_1721 = arith.addi %broadcast_in_dim3A_153, %add3A_1720 : vector<16xi32>
        %select_n3A_1722 = arith.select %lt3A_1718, %add3A_1721, %broadcast_in_dim3A_153 : vector<16xi1>, vector<16xi32>
        %broadcast_in_dim3A_1723 = vector.shape_cast %select_n3A_1722 : vector<16xi32> to vector<16x1xi32>
        %gather3A_1724 = vector.shape_cast %broadcast_in_dim3A_1723 : vector<16x1xi32> to vector<16xi32>
        %gather3A_1725 = tpu.dynamic_gather %mul3A_1585[%gather3A_1724] in [0] : vector<16xf32>, vector<16xi32> -> vector<16xf32>
        %mul3A_1726 = arith.mulf %gather3A_1725, %max3A_98 : vector<16xf32>
        %lt3A_1727 = arith.constant 0 : i32
        %lt3A_1728 = vector.broadcast %lt3A_1727 : i32 to vector<16xi32>
        %lt3A_1729 = arith.cmpi slt, %broadcast_in_dim3A_155, %lt3A_1728 : vector<16xi32>
        %add3A_1730 = arith.constant 16 : i32
        %add3A_1731 = vector.broadcast %add3A_1730 : i32 to vector<16xi32>
        %add3A_1732 = arith.addi %broadcast_in_dim3A_155, %add3A_1731 : vector<16xi32>
        %select_n3A_1733 = arith.select %lt3A_1729, %add3A_1732, %broadcast_in_dim3A_155 : vector<16xi1>, vector<16xi32>
        %broadcast_in_dim3A_1734 = vector.shape_cast %select_n3A_1733 : vector<16xi32> to vector<16x1xi32>
        %gather3A_1735 = vector.shape_cast %broadcast_in_dim3A_1734 : vector<16x1xi32> to vector<16xi32>
        %gather3A_1736 = tpu.dynamic_gather %mul3A_1585[%gather3A_1735] in [0] : vector<16xf32>, vector<16xi32> -> vector<16xf32>
        %mul3A_1737 = arith.mulf %gather3A_1736, %max3A_106 : vector<16xf32>
        %lt3A_1738 = arith.constant 0 : i32
        %lt3A_1739 = vector.broadcast %lt3A_1738 : i32 to vector<16xi32>
        %lt3A_1740 = arith.cmpi slt, %broadcast_in_dim3A_157, %lt3A_1739 : vector<16xi32>
        %add3A_1741 = arith.constant 16 : i32
        %add3A_1742 = vector.broadcast %add3A_1741 : i32 to vector<16xi32>
        %add3A_1743 = arith.addi %broadcast_in_dim3A_157, %add3A_1742 : vector<16xi32>
        %select_n3A_1744 = arith.select %lt3A_1740, %add3A_1743, %broadcast_in_dim3A_157 : vector<16xi1>, vector<16xi32>
        %broadcast_in_dim3A_1745 = vector.shape_cast %select_n3A_1744 : vector<16xi32> to vector<16x1xi32>
        %gather3A_1746 = vector.shape_cast %broadcast_in_dim3A_1745 : vector<16x1xi32> to vector<16xi32>
        %gather3A_1747 = tpu.dynamic_gather %mul3A_1585[%gather3A_1746] in [0] : vector<16xf32>, vector<16xi32> -> vector<16xf32>
        %mul3A_1748 = arith.mulf %gather3A_1747, %max3A_114 : vector<16xf32>
        %lt3A_1749 = arith.constant 0 : i32
        %lt3A_1750 = vector.broadcast %lt3A_1749 : i32 to vector<16xi32>
        %lt3A_1751 = arith.cmpi slt, %broadcast_in_dim3A_159, %lt3A_1750 : vector<16xi32>
        %add3A_1752 = arith.constant 16 : i32
        %add3A_1753 = vector.broadcast %add3A_1752 : i32 to vector<16xi32>
        %add3A_1754 = arith.addi %broadcast_in_dim3A_159, %add3A_1753 : vector<16xi32>
        %select_n3A_1755 = arith.select %lt3A_1751, %add3A_1754, %broadcast_in_dim3A_159 : vector<16xi1>, vector<16xi32>
        %broadcast_in_dim3A_1756 = vector.shape_cast %select_n3A_1755 : vector<16xi32> to vector<16x1xi32>
        %gather3A_1757 = vector.shape_cast %broadcast_in_dim3A_1756 : vector<16x1xi32> to vector<16xi32>
        %gather3A_1758 = tpu.dynamic_gather %mul3A_1585[%gather3A_1757] in [0] : vector<16xf32>, vector<16xi32> -> vector<16xf32>
        %mul3A_1759 = arith.mulf %gather3A_1758, %max3A_122 : vector<16xf32>
        %lt3A_1760 = arith.constant 0 : i32
        %lt3A_1761 = vector.broadcast %lt3A_1760 : i32 to vector<16xi32>
        %lt3A_1762 = arith.cmpi slt, %broadcast_in_dim3A_161, %lt3A_1761 : vector<16xi32>
        %add3A_1763 = arith.constant 16 : i32
        %add3A_1764 = vector.broadcast %add3A_1763 : i32 to vector<16xi32>
        %add3A_1765 = arith.addi %broadcast_in_dim3A_161, %add3A_1764 : vector<16xi32>
        %select_n3A_1766 = arith.select %lt3A_1762, %add3A_1765, %broadcast_in_dim3A_161 : vector<16xi1>, vector<16xi32>
        %broadcast_in_dim3A_1767 = vector.shape_cast %select_n3A_1766 : vector<16xi32> to vector<16x1xi32>
        %gather3A_1768 = vector.shape_cast %broadcast_in_dim3A_1767 : vector<16x1xi32> to vector<16xi32>
        %gather3A_1769 = tpu.dynamic_gather %mul3A_1585[%gather3A_1768] in [0] : vector<16xf32>, vector<16xi32> -> vector<16xf32>
        %mul3A_1770 = arith.mulf %gather3A_1769, %max3A_130 : vector<16xf32>
        %add3A_1771 = arith.addf %mul3A_1605, %mul3A_1616 : vector<16xf32>
        %add3A_1772 = arith.addf %mul3A_1627, %mul3A_1638 : vector<16xf32>
        %add3A_1773 = arith.addf %mul3A_1649, %mul3A_1660 : vector<16xf32>
        %add3A_1774 = arith.addf %mul3A_1671, %mul3A_1682 : vector<16xf32>
        %add3A_1775 = arith.addf %mul3A_1693, %mul3A_1704 : vector<16xf32>
        %add3A_1776 = arith.addf %mul3A_1715, %mul3A_1726 : vector<16xf32>
        %add3A_1777 = arith.addf %mul3A_1737, %mul3A_1748 : vector<16xf32>
        %add3A_1778 = arith.addf %mul3A_1759, %mul3A_1770 : vector<16xf32>
        %add3A_1779 = arith.addf %add3A_1771, %add3A_1772 : vector<16xf32>
        %add3A_1780 = arith.addf %add3A_1773, %add3A_1774 : vector<16xf32>
        %add3A_1781 = arith.addf %add3A_1775, %add3A_1776 : vector<16xf32>
        %add3A_1782 = arith.addf %add3A_1777, %add3A_1778 : vector<16xf32>
        %add3A_1783 = arith.addf %add3A_1779, %add3A_1780 : vector<16xf32>
        %add3A_1784 = arith.addf %add3A_1781, %add3A_1782 : vector<16xf32>
        %add3A_1785 = arith.addf %add3A_1783, %add3A_1784 : vector<16xf32>
        %mul3A_1786 = arith.mulf %add3A_1785, %get3A_1594 : vector<16xf32>
        %mul3A_1787 = arith.constant 4 : i32
        %mul3A_1788 = arith.muli %while3A_1383, %mul3A_1787 : i32
        %add3A_1789 = arith.constant 2 : i32
        %add3A_1790 = arith.addi %mul3A_1788, %add3A_1789 : i32
        %mul3A_1791 = arith.constant 16 : i32
        %mul3A_1792 = arith.muli %add3A_1790, %mul3A_1791 : i32
        %get3A_1793 = arith.index_cast %mul3A_1792 : i32 to index
        %get3A_1794 = tpu.vector_load %arg7[%get3A_1793] {strides = array<i32>} : memref<8192xf32, #tpu.memory_space<vmem>>, vector<16xf32>,
        %get3A_1795 = vector.shape_cast %get3A_1794 : vector<16xf32> to vector<16xf32>
        %lt3A_1796 = arith.constant 0 : i32
        %lt3A_1797 = vector.broadcast %lt3A_1796 : i32 to vector<16xi32>
        %lt3A_1798 = arith.cmpi slt, %broadcast_in_dim3A_131, %lt3A_1797 : vector<16xi32>
        %add3A_1799 = arith.constant 16 : i32
        %add3A_1800 = vector.broadcast %add3A_1799 : i32 to vector<16xi32>
        %add3A_1801 = arith.addi %broadcast_in_dim3A_131, %add3A_1800 : vector<16xi32>
        %select_n3A_1802 = arith.select %lt3A_1798, %add3A_1801, %broadcast_in_dim3A_131 : vector<16xi1>, vector<16xi32>
        %broadcast_in_dim3A_1803 = vector.shape_cast %select_n3A_1802 : vector<16xi32> to vector<16x1xi32>
        %gather3A_1804 = vector.shape_cast %broadcast_in_dim3A_1803 : vector<16x1xi32> to vector<16xi32>
        %gather3A_1805 = tpu.dynamic_gather %mul3A_1786[%gather3A_1804] in [0] : vector<16xf32>, vector<16xi32> -> vector<16xf32>
        %mul3A_1806 = arith.mulf %gather3A_1805, %max3A_10 : vector<16xf32>
        %lt3A_1807 = arith.constant 0 : i32
        %lt3A_1808 = vector.broadcast %lt3A_1807 : i32 to vector<16xi32>
        %lt3A_1809 = arith.cmpi slt, %broadcast_in_dim3A_133, %lt3A_1808 : vector<16xi32>
        %add3A_1810 = arith.constant 16 : i32
        %add3A_1811 = vector.broadcast %add3A_1810 : i32 to vector<16xi32>
        %add3A_1812 = arith.addi %broadcast_in_dim3A_133, %add3A_1811 : vector<16xi32>
        %select_n3A_1813 = arith.select %lt3A_1809, %add3A_1812, %broadcast_in_dim3A_133 : vector<16xi1>, vector<16xi32>
        %broadcast_in_dim3A_1814 = vector.shape_cast %select_n3A_1813 : vector<16xi32> to vector<16x1xi32>
        %gather3A_1815 = vector.shape_cast %broadcast_in_dim3A_1814 : vector<16x1xi32> to vector<16xi32>
        %gather3A_1816 = tpu.dynamic_gather %mul3A_1786[%gather3A_1815] in [0] : vector<16xf32>, vector<16xi32> -> vector<16xf32>
        %mul3A_1817 = arith.mulf %gather3A_1816, %max3A_18 : vector<16xf32>
        %lt3A_1818 = arith.constant 0 : i32
        %lt3A_1819 = vector.broadcast %lt3A_1818 : i32 to vector<16xi32>
        %lt3A_1820 = arith.cmpi slt, %broadcast_in_dim3A_135, %lt3A_1819 : vector<16xi32>
        %add3A_1821 = arith.constant 16 : i32
        %add3A_1822 = vector.broadcast %add3A_1821 : i32 to vector<16xi32>
        %add3A_1823 = arith.addi %broadcast_in_dim3A_135, %add3A_1822 : vector<16xi32>
        %select_n3A_1824 = arith.select %lt3A_1820, %add3A_1823, %broadcast_in_dim3A_135 : vector<16xi1>, vector<16xi32>
        %broadcast_in_dim3A_1825 = vector.shape_cast %select_n3A_1824 : vector<16xi32> to vector<16x1xi32>
        %gather3A_1826 = vector.shape_cast %broadcast_in_dim3A_1825 : vector<16x1xi32> to vector<16xi32>
        %gather3A_1827 = tpu.dynamic_gather %mul3A_1786[%gather3A_1826] in [0] : vector<16xf32>, vector<16xi32> -> vector<16xf32>
        %mul3A_1828 = arith.mulf %gather3A_1827, %max3A_26 : vector<16xf32>
        %lt3A_1829 = arith.constant 0 : i32
        %lt3A_1830 = vector.broadcast %lt3A_1829 : i32 to vector<16xi32>
        %lt3A_1831 = arith.cmpi slt, %broadcast_in_dim3A_137, %lt3A_1830 : vector<16xi32>
        %add3A_1832 = arith.constant 16 : i32
        %add3A_1833 = vector.broadcast %add3A_1832 : i32 to vector<16xi32>
        %add3A_1834 = arith.addi %broadcast_in_dim3A_137, %add3A_1833 : vector<16xi32>
        %select_n3A_1835 = arith.select %lt3A_1831, %add3A_1834, %broadcast_in_dim3A_137 : vector<16xi1>, vector<16xi32>
        %broadcast_in_dim3A_1836 = vector.shape_cast %select_n3A_1835 : vector<16xi32> to vector<16x1xi32>
        %gather3A_1837 = vector.shape_cast %broadcast_in_dim3A_1836 : vector<16x1xi32> to vector<16xi32>
        %gather3A_1838 = tpu.dynamic_gather %mul3A_1786[%gather3A_1837] in [0] : vector<16xf32>, vector<16xi32> -> vector<16xf32>
        %mul3A_1839 = arith.mulf %gather3A_1838, %max3A_34 : vector<16xf32>
        %lt3A_1840 = arith.constant 0 : i32
        %lt3A_1841 = vector.broadcast %lt3A_1840 : i32 to vector<16xi32>
        %lt3A_1842 = arith.cmpi slt, %broadcast_in_dim3A_139, %lt3A_1841 : vector<16xi32>
        %add3A_1843 = arith.constant 16 : i32
        %add3A_1844 = vector.broadcast %add3A_1843 : i32 to vector<16xi32>
        %add3A_1845 = arith.addi %broadcast_in_dim3A_139, %add3A_1844 : vector<16xi32>
        %select_n3A_1846 = arith.select %lt3A_1842, %add3A_1845, %broadcast_in_dim3A_139 : vector<16xi1>, vector<16xi32>
        %broadcast_in_dim3A_1847 = vector.shape_cast %select_n3A_1846 : vector<16xi32> to vector<16x1xi32>
        %gather3A_1848 = vector.shape_cast %broadcast_in_dim3A_1847 : vector<16x1xi32> to vector<16xi32>
        %gather3A_1849 = tpu.dynamic_gather %mul3A_1786[%gather3A_1848] in [0] : vector<16xf32>, vector<16xi32> -> vector<16xf32>
        %mul3A_1850 = arith.mulf %gather3A_1849, %max3A_42 : vector<16xf32>
        %lt3A_1851 = arith.constant 0 : i32
        %lt3A_1852 = vector.broadcast %lt3A_1851 : i32 to vector<16xi32>
        %lt3A_1853 = arith.cmpi slt, %broadcast_in_dim3A_141, %lt3A_1852 : vector<16xi32>
        %add3A_1854 = arith.constant 16 : i32
        %add3A_1855 = vector.broadcast %add3A_1854 : i32 to vector<16xi32>
        %add3A_1856 = arith.addi %broadcast_in_dim3A_141, %add3A_1855 : vector<16xi32>
        %select_n3A_1857 = arith.select %lt3A_1853, %add3A_1856, %broadcast_in_dim3A_141 : vector<16xi1>, vector<16xi32>
        %broadcast_in_dim3A_1858 = vector.shape_cast %select_n3A_1857 : vector<16xi32> to vector<16x1xi32>
        %gather3A_1859 = vector.shape_cast %broadcast_in_dim3A_1858 : vector<16x1xi32> to vector<16xi32>
        %gather3A_1860 = tpu.dynamic_gather %mul3A_1786[%gather3A_1859] in [0] : vector<16xf32>, vector<16xi32> -> vector<16xf32>
        %mul3A_1861 = arith.mulf %gather3A_1860, %max3A_50 : vector<16xf32>
        %lt3A_1862 = arith.constant 0 : i32
        %lt3A_1863 = vector.broadcast %lt3A_1862 : i32 to vector<16xi32>
        %lt3A_1864 = arith.cmpi slt, %broadcast_in_dim3A_143, %lt3A_1863 : vector<16xi32>
        %add3A_1865 = arith.constant 16 : i32
        %add3A_1866 = vector.broadcast %add3A_1865 : i32 to vector<16xi32>
        %add3A_1867 = arith.addi %broadcast_in_dim3A_143, %add3A_1866 : vector<16xi32>
        %select_n3A_1868 = arith.select %lt3A_1864, %add3A_1867, %broadcast_in_dim3A_143 : vector<16xi1>, vector<16xi32>
        %broadcast_in_dim3A_1869 = vector.shape_cast %select_n3A_1868 : vector<16xi32> to vector<16x1xi32>
        %gather3A_1870 = vector.shape_cast %broadcast_in_dim3A_1869 : vector<16x1xi32> to vector<16xi32>
        %gather3A_1871 = tpu.dynamic_gather %mul3A_1786[%gather3A_1870] in [0] : vector<16xf32>, vector<16xi32> -> vector<16xf32>
        %mul3A_1872 = arith.mulf %gather3A_1871, %max3A_58 : vector<16xf32>
        %lt3A_1873 = arith.constant 0 : i32
        %lt3A_1874 = vector.broadcast %lt3A_1873 : i32 to vector<16xi32>
        %lt3A_1875 = arith.cmpi slt, %broadcast_in_dim3A_145, %lt3A_1874 : vector<16xi32>
        %add3A_1876 = arith.constant 16 : i32
        %add3A_1877 = vector.broadcast %add3A_1876 : i32 to vector<16xi32>
        %add3A_1878 = arith.addi %broadcast_in_dim3A_145, %add3A_1877 : vector<16xi32>
        %select_n3A_1879 = arith.select %lt3A_1875, %add3A_1878, %broadcast_in_dim3A_145 : vector<16xi1>, vector<16xi32>
        %broadcast_in_dim3A_1880 = vector.shape_cast %select_n3A_1879 : vector<16xi32> to vector<16x1xi32>
        %gather3A_1881 = vector.shape_cast %broadcast_in_dim3A_1880 : vector<16x1xi32> to vector<16xi32>
        %gather3A_1882 = tpu.dynamic_gather %mul3A_1786[%gather3A_1881] in [0] : vector<16xf32>, vector<16xi32> -> vector<16xf32>
        %mul3A_1883 = arith.mulf %gather3A_1882, %max3A_66 : vector<16xf32>
        %lt3A_1884 = arith.constant 0 : i32
        %lt3A_1885 = vector.broadcast %lt3A_1884 : i32 to vector<16xi32>
        %lt3A_1886 = arith.cmpi slt, %broadcast_in_dim3A_147, %lt3A_1885 : vector<16xi32>
        %add3A_1887 = arith.constant 16 : i32
        %add3A_1888 = vector.broadcast %add3A_1887 : i32 to vector<16xi32>
        %add3A_1889 = arith.addi %broadcast_in_dim3A_147, %add3A_1888 : vector<16xi32>
        %select_n3A_1890 = arith.select %lt3A_1886, %add3A_1889, %broadcast_in_dim3A_147 : vector<16xi1>, vector<16xi32>
        %broadcast_in_dim3A_1891 = vector.shape_cast %select_n3A_1890 : vector<16xi32> to vector<16x1xi32>
        %gather3A_1892 = vector.shape_cast %broadcast_in_dim3A_1891 : vector<16x1xi32> to vector<16xi32>
        %gather3A_1893 = tpu.dynamic_gather %mul3A_1786[%gather3A_1892] in [0] : vector<16xf32>, vector<16xi32> -> vector<16xf32>
        %mul3A_1894 = arith.mulf %gather3A_1893, %max3A_74 : vector<16xf32>
        %lt3A_1895 = arith.constant 0 : i32
        %lt3A_1896 = vector.broadcast %lt3A_1895 : i32 to vector<16xi32>
        %lt3A_1897 = arith.cmpi slt, %broadcast_in_dim3A_149, %lt3A_1896 : vector<16xi32>
        %add3A_1898 = arith.constant 16 : i32
        %add3A_1899 = vector.broadcast %add3A_1898 : i32 to vector<16xi32>
        %add3A_1900 = arith.addi %broadcast_in_dim3A_149, %add3A_1899 : vector<16xi32>
        %select_n3A_1901 = arith.select %lt3A_1897, %add3A_1900, %broadcast_in_dim3A_149 : vector<16xi1>, vector<16xi32>
        %broadcast_in_dim3A_1902 = vector.shape_cast %select_n3A_1901 : vector<16xi32> to vector<16x1xi32>
        %gather3A_1903 = vector.shape_cast %broadcast_in_dim3A_1902 : vector<16x1xi32> to vector<16xi32>
        %gather3A_1904 = tpu.dynamic_gather %mul3A_1786[%gather3A_1903] in [0] : vector<16xf32>, vector<16xi32> -> vector<16xf32>
        %mul3A_1905 = arith.mulf %gather3A_1904, %max3A_82 : vector<16xf32>
        %lt3A_1906 = arith.constant 0 : i32
        %lt3A_1907 = vector.broadcast %lt3A_1906 : i32 to vector<16xi32>
        %lt3A_1908 = arith.cmpi slt, %broadcast_in_dim3A_151, %lt3A_1907 : vector<16xi32>
        %add3A_1909 = arith.constant 16 : i32
        %add3A_1910 = vector.broadcast %add3A_1909 : i32 to vector<16xi32>
        %add3A_1911 = arith.addi %broadcast_in_dim3A_151, %add3A_1910 : vector<16xi32>
        %select_n3A_1912 = arith.select %lt3A_1908, %add3A_1911, %broadcast_in_dim3A_151 : vector<16xi1>, vector<16xi32>
        %broadcast_in_dim3A_1913 = vector.shape_cast %select_n3A_1912 : vector<16xi32> to vector<16x1xi32>
        %gather3A_1914 = vector.shape_cast %broadcast_in_dim3A_1913 : vector<16x1xi32> to vector<16xi32>
        %gather3A_1915 = tpu.dynamic_gather %mul3A_1786[%gather3A_1914] in [0] : vector<16xf32>, vector<16xi32> -> vector<16xf32>
        %mul3A_1916 = arith.mulf %gather3A_1915, %max3A_90 : vector<16xf32>
        %lt3A_1917 = arith.constant 0 : i32
        %lt3A_1918 = vector.broadcast %lt3A_1917 : i32 to vector<16xi32>
        %lt3A_1919 = arith.cmpi slt, %broadcast_in_dim3A_153, %lt3A_1918 : vector<16xi32>
        %add3A_1920 = arith.constant 16 : i32
        %add3A_1921 = vector.broadcast %add3A_1920 : i32 to vector<16xi32>
        %add3A_1922 = arith.addi %broadcast_in_dim3A_153, %add3A_1921 : vector<16xi32>
        %select_n3A_1923 = arith.select %lt3A_1919, %add3A_1922, %broadcast_in_dim3A_153 : vector<16xi1>, vector<16xi32>
        %broadcast_in_dim3A_1924 = vector.shape_cast %select_n3A_1923 : vector<16xi32> to vector<16x1xi32>
        %gather3A_1925 = vector.shape_cast %broadcast_in_dim3A_1924 : vector<16x1xi32> to vector<16xi32>
        %gather3A_1926 = tpu.dynamic_gather %mul3A_1786[%gather3A_1925] in [0] : vector<16xf32>, vector<16xi32> -> vector<16xf32>
        %mul3A_1927 = arith.mulf %gather3A_1926, %max3A_98 : vector<16xf32>
        %lt3A_1928 = arith.constant 0 : i32
        %lt3A_1929 = vector.broadcast %lt3A_1928 : i32 to vector<16xi32>
        %lt3A_1930 = arith.cmpi slt, %broadcast_in_dim3A_155, %lt3A_1929 : vector<16xi32>
        %add3A_1931 = arith.constant 16 : i32
        %add3A_1932 = vector.broadcast %add3A_1931 : i32 to vector<16xi32>
        %add3A_1933 = arith.addi %broadcast_in_dim3A_155, %add3A_1932 : vector<16xi32>
        %select_n3A_1934 = arith.select %lt3A_1930, %add3A_1933, %broadcast_in_dim3A_155 : vector<16xi1>, vector<16xi32>
        %broadcast_in_dim3A_1935 = vector.shape_cast %select_n3A_1934 : vector<16xi32> to vector<16x1xi32>
        %gather3A_1936 = vector.shape_cast %broadcast_in_dim3A_1935 : vector<16x1xi32> to vector<16xi32>
        %gather3A_1937 = tpu.dynamic_gather %mul3A_1786[%gather3A_1936] in [0] : vector<16xf32>, vector<16xi32> -> vector<16xf32>
        %mul3A_1938 = arith.mulf %gather3A_1937, %max3A_106 : vector<16xf32>
        %lt3A_1939 = arith.constant 0 : i32
        %lt3A_1940 = vector.broadcast %lt3A_1939 : i32 to vector<16xi32>
        %lt3A_1941 = arith.cmpi slt, %broadcast_in_dim3A_157, %lt3A_1940 : vector<16xi32>
        %add3A_1942 = arith.constant 16 : i32
        %add3A_1943 = vector.broadcast %add3A_1942 : i32 to vector<16xi32>
        %add3A_1944 = arith.addi %broadcast_in_dim3A_157, %add3A_1943 : vector<16xi32>
        %select_n3A_1945 = arith.select %lt3A_1941, %add3A_1944, %broadcast_in_dim3A_157 : vector<16xi1>, vector<16xi32>
        %broadcast_in_dim3A_1946 = vector.shape_cast %select_n3A_1945 : vector<16xi32> to vector<16x1xi32>
        %gather3A_1947 = vector.shape_cast %broadcast_in_dim3A_1946 : vector<16x1xi32> to vector<16xi32>
        %gather3A_1948 = tpu.dynamic_gather %mul3A_1786[%gather3A_1947] in [0] : vector<16xf32>, vector<16xi32> -> vector<16xf32>
        %mul3A_1949 = arith.mulf %gather3A_1948, %max3A_114 : vector<16xf32>
        %lt3A_1950 = arith.constant 0 : i32
        %lt3A_1951 = vector.broadcast %lt3A_1950 : i32 to vector<16xi32>
        %lt3A_1952 = arith.cmpi slt, %broadcast_in_dim3A_159, %lt3A_1951 : vector<16xi32>
        %add3A_1953 = arith.constant 16 : i32
        %add3A_1954 = vector.broadcast %add3A_1953 : i32 to vector<16xi32>
        %add3A_1955 = arith.addi %broadcast_in_dim3A_159, %add3A_1954 : vector<16xi32>
        %select_n3A_1956 = arith.select %lt3A_1952, %add3A_1955, %broadcast_in_dim3A_159 : vector<16xi1>, vector<16xi32>
        %broadcast_in_dim3A_1957 = vector.shape_cast %select_n3A_1956 : vector<16xi32> to vector<16x1xi32>
        %gather3A_1958 = vector.shape_cast %broadcast_in_dim3A_1957 : vector<16x1xi32> to vector<16xi32>
        %gather3A_1959 = tpu.dynamic_gather %mul3A_1786[%gather3A_1958] in [0] : vector<16xf32>, vector<16xi32> -> vector<16xf32>
        %mul3A_1960 = arith.mulf %gather3A_1959, %max3A_122 : vector<16xf32>
        %lt3A_1961 = arith.constant 0 : i32
        %lt3A_1962 = vector.broadcast %lt3A_1961 : i32 to vector<16xi32>
        %lt3A_1963 = arith.cmpi slt, %broadcast_in_dim3A_161, %lt3A_1962 : vector<16xi32>
        %add3A_1964 = arith.constant 16 : i32
        %add3A_1965 = vector.broadcast %add3A_1964 : i32 to vector<16xi32>
        %add3A_1966 = arith.addi %broadcast_in_dim3A_161, %add3A_1965 : vector<16xi32>
        %select_n3A_1967 = arith.select %lt3A_1963, %add3A_1966, %broadcast_in_dim3A_161 : vector<16xi1>, vector<16xi32>
        %broadcast_in_dim3A_1968 = vector.shape_cast %select_n3A_1967 : vector<16xi32> to vector<16x1xi32>
        %gather3A_1969 = vector.shape_cast %broadcast_in_dim3A_1968 : vector<16x1xi32> to vector<16xi32>
        %gather3A_1970 = tpu.dynamic_gather %mul3A_1786[%gather3A_1969] in [0] : vector<16xf32>, vector<16xi32> -> vector<16xf32>
        %mul3A_1971 = arith.mulf %gather3A_1970, %max3A_130 : vector<16xf32>
        %add3A_1972 = arith.addf %mul3A_1806, %mul3A_1817 : vector<16xf32>
        %add3A_1973 = arith.addf %mul3A_1828, %mul3A_1839 : vector<16xf32>
        %add3A_1974 = arith.addf %mul3A_1850, %mul3A_1861 : vector<16xf32>
        %add3A_1975 = arith.addf %mul3A_1872, %mul3A_1883 : vector<16xf32>
        %add3A_1976 = arith.addf %mul3A_1894, %mul3A_1905 : vector<16xf32>
        %add3A_1977 = arith.addf %mul3A_1916, %mul3A_1927 : vector<16xf32>
        %add3A_1978 = arith.addf %mul3A_1938, %mul3A_1949 : vector<16xf32>
        %add3A_1979 = arith.addf %mul3A_1960, %mul3A_1971 : vector<16xf32>
        %add3A_1980 = arith.addf %add3A_1972, %add3A_1973 : vector<16xf32>
        %add3A_1981 = arith.addf %add3A_1974, %add3A_1975 : vector<16xf32>
        %add3A_1982 = arith.addf %add3A_1976, %add3A_1977 : vector<16xf32>
        %add3A_1983 = arith.addf %add3A_1978, %add3A_1979 : vector<16xf32>
        %add3A_1984 = arith.addf %add3A_1980, %add3A_1981 : vector<16xf32>
        %add3A_1985 = arith.addf %add3A_1982, %add3A_1983 : vector<16xf32>
        %add3A_1986 = arith.addf %add3A_1984, %add3A_1985 : vector<16xf32>
        %mul3A_1987 = arith.mulf %add3A_1986, %get3A_1795 : vector<16xf32>
        %mul3A_1988 = arith.constant 4 : i32
        %mul3A_1989 = arith.muli %while3A_1383, %mul3A_1988 : i32
        %add3A_1990 = arith.constant 3 : i32
        %add3A_1991 = arith.addi %mul3A_1989, %add3A_1990 : i32
        %mul3A_1992 = arith.constant 16 : i32
        %mul3A_1993 = arith.muli %add3A_1991, %mul3A_1992 : i32
        %get3A_1994 = arith.index_cast %mul3A_1993 : i32 to index
        %get3A_1995 = tpu.vector_load %arg7[%get3A_1994] {strides = array<i32>} : memref<8192xf32, #tpu.memory_space<vmem>>, vector<16xf32>,
        %get3A_1996 = vector.shape_cast %get3A_1995 : vector<16xf32> to vector<16xf32>
        %lt3A_1997 = arith.constant 0 : i32
        %lt3A_1998 = vector.broadcast %lt3A_1997 : i32 to vector<16xi32>
        %lt3A_1999 = arith.cmpi slt, %broadcast_in_dim3A_131, %lt3A_1998 : vector<16xi32>
        %add3A_2000 = arith.constant 16 : i32
        %add3A_2001 = vector.broadcast %add3A_2000 : i32 to vector<16xi32>
        %add3A_2002 = arith.addi %broadcast_in_dim3A_131, %add3A_2001 : vector<16xi32>
        %select_n3A_2003 = arith.select %lt3A_1999, %add3A_2002, %broadcast_in_dim3A_131 : vector<16xi1>, vector<16xi32>
        %broadcast_in_dim3A_2004 = vector.shape_cast %select_n3A_2003 : vector<16xi32> to vector<16x1xi32>
        %gather3A_2005 = vector.shape_cast %broadcast_in_dim3A_2004 : vector<16x1xi32> to vector<16xi32>
        %gather3A_2006 = tpu.dynamic_gather %mul3A_1987[%gather3A_2005] in [0] : vector<16xf32>, vector<16xi32> -> vector<16xf32>
        %mul3A_2007 = arith.mulf %gather3A_2006, %max3A_10 : vector<16xf32>
        %lt3A_2008 = arith.constant 0 : i32
        %lt3A_2009 = vector.broadcast %lt3A_2008 : i32 to vector<16xi32>
        %lt3A_2010 = arith.cmpi slt, %broadcast_in_dim3A_133, %lt3A_2009 : vector<16xi32>
        %add3A_2011 = arith.constant 16 : i32
        %add3A_2012 = vector.broadcast %add3A_2011 : i32 to vector<16xi32>
        %add3A_2013 = arith.addi %broadcast_in_dim3A_133, %add3A_2012 : vector<16xi32>
        %select_n3A_2014 = arith.select %lt3A_2010, %add3A_2013, %broadcast_in_dim3A_133 : vector<16xi1>, vector<16xi32>
        %broadcast_in_dim3A_2015 = vector.shape_cast %select_n3A_2014 : vector<16xi32> to vector<16x1xi32>
        %gather3A_2016 = vector.shape_cast %broadcast_in_dim3A_2015 : vector<16x1xi32> to vector<16xi32>
        %gather3A_2017 = tpu.dynamic_gather %mul3A_1987[%gather3A_2016] in [0] : vector<16xf32>, vector<16xi32> -> vector<16xf32>
        %mul3A_2018 = arith.mulf %gather3A_2017, %max3A_18 : vector<16xf32>
        %lt3A_2019 = arith.constant 0 : i32
        %lt3A_2020 = vector.broadcast %lt3A_2019 : i32 to vector<16xi32>
        %lt3A_2021 = arith.cmpi slt, %broadcast_in_dim3A_135, %lt3A_2020 : vector<16xi32>
        %add3A_2022 = arith.constant 16 : i32
        %add3A_2023 = vector.broadcast %add3A_2022 : i32 to vector<16xi32>
        %add3A_2024 = arith.addi %broadcast_in_dim3A_135, %add3A_2023 : vector<16xi32>
        %select_n3A_2025 = arith.select %lt3A_2021, %add3A_2024, %broadcast_in_dim3A_135 : vector<16xi1>, vector<16xi32>
        %broadcast_in_dim3A_2026 = vector.shape_cast %select_n3A_2025 : vector<16xi32> to vector<16x1xi32>
        %gather3A_2027 = vector.shape_cast %broadcast_in_dim3A_2026 : vector<16x1xi32> to vector<16xi32>
        %gather3A_2028 = tpu.dynamic_gather %mul3A_1987[%gather3A_2027] in [0] : vector<16xf32>, vector<16xi32> -> vector<16xf32>
        %mul3A_2029 = arith.mulf %gather3A_2028, %max3A_26 : vector<16xf32>
        %lt3A_2030 = arith.constant 0 : i32
        %lt3A_2031 = vector.broadcast %lt3A_2030 : i32 to vector<16xi32>
        %lt3A_2032 = arith.cmpi slt, %broadcast_in_dim3A_137, %lt3A_2031 : vector<16xi32>
        %add3A_2033 = arith.constant 16 : i32
        %add3A_2034 = vector.broadcast %add3A_2033 : i32 to vector<16xi32>
        %add3A_2035 = arith.addi %broadcast_in_dim3A_137, %add3A_2034 : vector<16xi32>
        %select_n3A_2036 = arith.select %lt3A_2032, %add3A_2035, %broadcast_in_dim3A_137 : vector<16xi1>, vector<16xi32>
        %broadcast_in_dim3A_2037 = vector.shape_cast %select_n3A_2036 : vector<16xi32> to vector<16x1xi32>
        %gather3A_2038 = vector.shape_cast %broadcast_in_dim3A_2037 : vector<16x1xi32> to vector<16xi32>
        %gather3A_2039 = tpu.dynamic_gather %mul3A_1987[%gather3A_2038] in [0] : vector<16xf32>, vector<16xi32> -> vector<16xf32>
        %mul3A_2040 = arith.mulf %gather3A_2039, %max3A_34 : vector<16xf32>
        %lt3A_2041 = arith.constant 0 : i32
        %lt3A_2042 = vector.broadcast %lt3A_2041 : i32 to vector<16xi32>
        %lt3A_2043 = arith.cmpi slt, %broadcast_in_dim3A_139, %lt3A_2042 : vector<16xi32>
        %add3A_2044 = arith.constant 16 : i32
        %add3A_2045 = vector.broadcast %add3A_2044 : i32 to vector<16xi32>
        %add3A_2046 = arith.addi %broadcast_in_dim3A_139, %add3A_2045 : vector<16xi32>
        %select_n3A_2047 = arith.select %lt3A_2043, %add3A_2046, %broadcast_in_dim3A_139 : vector<16xi1>, vector<16xi32>
        %broadcast_in_dim3A_2048 = vector.shape_cast %select_n3A_2047 : vector<16xi32> to vector<16x1xi32>
        %gather3A_2049 = vector.shape_cast %broadcast_in_dim3A_2048 : vector<16x1xi32> to vector<16xi32>
        %gather3A_2050 = tpu.dynamic_gather %mul3A_1987[%gather3A_2049] in [0] : vector<16xf32>, vector<16xi32> -> vector<16xf32>
        %mul3A_2051 = arith.mulf %gather3A_2050, %max3A_42 : vector<16xf32>
        %lt3A_2052 = arith.constant 0 : i32
        %lt3A_2053 = vector.broadcast %lt3A_2052 : i32 to vector<16xi32>
        %lt3A_2054 = arith.cmpi slt, %broadcast_in_dim3A_141, %lt3A_2053 : vector<16xi32>
        %add3A_2055 = arith.constant 16 : i32
        %add3A_2056 = vector.broadcast %add3A_2055 : i32 to vector<16xi32>
        %add3A_2057 = arith.addi %broadcast_in_dim3A_141, %add3A_2056 : vector<16xi32>
        %select_n3A_2058 = arith.select %lt3A_2054, %add3A_2057, %broadcast_in_dim3A_141 : vector<16xi1>, vector<16xi32>
        %broadcast_in_dim3A_2059 = vector.shape_cast %select_n3A_2058 : vector<16xi32> to vector<16x1xi32>
        %gather3A_2060 = vector.shape_cast %broadcast_in_dim3A_2059 : vector<16x1xi32> to vector<16xi32>
        %gather3A_2061 = tpu.dynamic_gather %mul3A_1987[%gather3A_2060] in [0] : vector<16xf32>, vector<16xi32> -> vector<16xf32>
        %mul3A_2062 = arith.mulf %gather3A_2061, %max3A_50 : vector<16xf32>
        %lt3A_2063 = arith.constant 0 : i32
        %lt3A_2064 = vector.broadcast %lt3A_2063 : i32 to vector<16xi32>
        %lt3A_2065 = arith.cmpi slt, %broadcast_in_dim3A_143, %lt3A_2064 : vector<16xi32>
        %add3A_2066 = arith.constant 16 : i32
        %add3A_2067 = vector.broadcast %add3A_2066 : i32 to vector<16xi32>
        %add3A_2068 = arith.addi %broadcast_in_dim3A_143, %add3A_2067 : vector<16xi32>
        %select_n3A_2069 = arith.select %lt3A_2065, %add3A_2068, %broadcast_in_dim3A_143 : vector<16xi1>, vector<16xi32>
        %broadcast_in_dim3A_2070 = vector.shape_cast %select_n3A_2069 : vector<16xi32> to vector<16x1xi32>
        %gather3A_2071 = vector.shape_cast %broadcast_in_dim3A_2070 : vector<16x1xi32> to vector<16xi32>
        %gather3A_2072 = tpu.dynamic_gather %mul3A_1987[%gather3A_2071] in [0] : vector<16xf32>, vector<16xi32> -> vector<16xf32>
        %mul3A_2073 = arith.mulf %gather3A_2072, %max3A_58 : vector<16xf32>
        %lt3A_2074 = arith.constant 0 : i32
        %lt3A_2075 = vector.broadcast %lt3A_2074 : i32 to vector<16xi32>
        %lt3A_2076 = arith.cmpi slt, %broadcast_in_dim3A_145, %lt3A_2075 : vector<16xi32>
        %add3A_2077 = arith.constant 16 : i32
        %add3A_2078 = vector.broadcast %add3A_2077 : i32 to vector<16xi32>
        %add3A_2079 = arith.addi %broadcast_in_dim3A_145, %add3A_2078 : vector<16xi32>
        %select_n3A_2080 = arith.select %lt3A_2076, %add3A_2079, %broadcast_in_dim3A_145 : vector<16xi1>, vector<16xi32>
        %broadcast_in_dim3A_2081 = vector.shape_cast %select_n3A_2080 : vector<16xi32> to vector<16x1xi32>
        %gather3A_2082 = vector.shape_cast %broadcast_in_dim3A_2081 : vector<16x1xi32> to vector<16xi32>
        %gather3A_2083 = tpu.dynamic_gather %mul3A_1987[%gather3A_2082] in [0] : vector<16xf32>, vector<16xi32> -> vector<16xf32>
        %mul3A_2084 = arith.mulf %gather3A_2083, %max3A_66 : vector<16xf32>
        %lt3A_2085 = arith.constant 0 : i32
        %lt3A_2086 = vector.broadcast %lt3A_2085 : i32 to vector<16xi32>
        %lt3A_2087 = arith.cmpi slt, %broadcast_in_dim3A_147, %lt3A_2086 : vector<16xi32>
        %add3A_2088 = arith.constant 16 : i32
        %add3A_2089 = vector.broadcast %add3A_2088 : i32 to vector<16xi32>
        %add3A_2090 = arith.addi %broadcast_in_dim3A_147, %add3A_2089 : vector<16xi32>
        %select_n3A_2091 = arith.select %lt3A_2087, %add3A_2090, %broadcast_in_dim3A_147 : vector<16xi1>, vector<16xi32>
        %broadcast_in_dim3A_2092 = vector.shape_cast %select_n3A_2091 : vector<16xi32> to vector<16x1xi32>
        %gather3A_2093 = vector.shape_cast %broadcast_in_dim3A_2092 : vector<16x1xi32> to vector<16xi32>
        %gather3A_2094 = tpu.dynamic_gather %mul3A_1987[%gather3A_2093] in [0] : vector<16xf32>, vector<16xi32> -> vector<16xf32>
        %mul3A_2095 = arith.mulf %gather3A_2094, %max3A_74 : vector<16xf32>
        %lt3A_2096 = arith.constant 0 : i32
        %lt3A_2097 = vector.broadcast %lt3A_2096 : i32 to vector<16xi32>
        %lt3A_2098 = arith.cmpi slt, %broadcast_in_dim3A_149, %lt3A_2097 : vector<16xi32>
        %add3A_2099 = arith.constant 16 : i32
        %add3A_2100 = vector.broadcast %add3A_2099 : i32 to vector<16xi32>
        %add3A_2101 = arith.addi %broadcast_in_dim3A_149, %add3A_2100 : vector<16xi32>
        %select_n3A_2102 = arith.select %lt3A_2098, %add3A_2101, %broadcast_in_dim3A_149 : vector<16xi1>, vector<16xi32>
        %broadcast_in_dim3A_2103 = vector.shape_cast %select_n3A_2102 : vector<16xi32> to vector<16x1xi32>
        %gather3A_2104 = vector.shape_cast %broadcast_in_dim3A_2103 : vector<16x1xi32> to vector<16xi32>
        %gather3A_2105 = tpu.dynamic_gather %mul3A_1987[%gather3A_2104] in [0] : vector<16xf32>, vector<16xi32> -> vector<16xf32>
        %mul3A_2106 = arith.mulf %gather3A_2105, %max3A_82 : vector<16xf32>
        %lt3A_2107 = arith.constant 0 : i32
        %lt3A_2108 = vector.broadcast %lt3A_2107 : i32 to vector<16xi32>
        %lt3A_2109 = arith.cmpi slt, %broadcast_in_dim3A_151, %lt3A_2108 : vector<16xi32>
        %add3A_2110 = arith.constant 16 : i32
        %add3A_2111 = vector.broadcast %add3A_2110 : i32 to vector<16xi32>
        %add3A_2112 = arith.addi %broadcast_in_dim3A_151, %add3A_2111 : vector<16xi32>
        %select_n3A_2113 = arith.select %lt3A_2109, %add3A_2112, %broadcast_in_dim3A_151 : vector<16xi1>, vector<16xi32>
        %broadcast_in_dim3A_2114 = vector.shape_cast %select_n3A_2113 : vector<16xi32> to vector<16x1xi32>
        %gather3A_2115 = vector.shape_cast %broadcast_in_dim3A_2114 : vector<16x1xi32> to vector<16xi32>
        %gather3A_2116 = tpu.dynamic_gather %mul3A_1987[%gather3A_2115] in [0] : vector<16xf32>, vector<16xi32> -> vector<16xf32>
        %mul3A_2117 = arith.mulf %gather3A_2116, %max3A_90 : vector<16xf32>
        %lt3A_2118 = arith.constant 0 : i32
        %lt3A_2119 = vector.broadcast %lt3A_2118 : i32 to vector<16xi32>
        %lt3A_2120 = arith.cmpi slt, %broadcast_in_dim3A_153, %lt3A_2119 : vector<16xi32>
        %add3A_2121 = arith.constant 16 : i32
        %add3A_2122 = vector.broadcast %add3A_2121 : i32 to vector<16xi32>
        %add3A_2123 = arith.addi %broadcast_in_dim3A_153, %add3A_2122 : vector<16xi32>
        %select_n3A_2124 = arith.select %lt3A_2120, %add3A_2123, %broadcast_in_dim3A_153 : vector<16xi1>, vector<16xi32>
        %broadcast_in_dim3A_2125 = vector.shape_cast %select_n3A_2124 : vector<16xi32> to vector<16x1xi32>
        %gather3A_2126 = vector.shape_cast %broadcast_in_dim3A_2125 : vector<16x1xi32> to vector<16xi32>
        %gather3A_2127 = tpu.dynamic_gather %mul3A_1987[%gather3A_2126] in [0] : vector<16xf32>, vector<16xi32> -> vector<16xf32>
        %mul3A_2128 = arith.mulf %gather3A_2127, %max3A_98 : vector<16xf32>
        %lt3A_2129 = arith.constant 0 : i32
        %lt3A_2130 = vector.broadcast %lt3A_2129 : i32 to vector<16xi32>
        %lt3A_2131 = arith.cmpi slt, %broadcast_in_dim3A_155, %lt3A_2130 : vector<16xi32>
        %add3A_2132 = arith.constant 16 : i32
        %add3A_2133 = vector.broadcast %add3A_2132 : i32 to vector<16xi32>
        %add3A_2134 = arith.addi %broadcast_in_dim3A_155, %add3A_2133 : vector<16xi32>
        %select_n3A_2135 = arith.select %lt3A_2131, %add3A_2134, %broadcast_in_dim3A_155 : vector<16xi1>, vector<16xi32>
        %broadcast_in_dim3A_2136 = vector.shape_cast %select_n3A_2135 : vector<16xi32> to vector<16x1xi32>
        %gather3A_2137 = vector.shape_cast %broadcast_in_dim3A_2136 : vector<16x1xi32> to vector<16xi32>
        %gather3A_2138 = tpu.dynamic_gather %mul3A_1987[%gather3A_2137] in [0] : vector<16xf32>, vector<16xi32> -> vector<16xf32>
        %mul3A_2139 = arith.mulf %gather3A_2138, %max3A_106 : vector<16xf32>
        %lt3A_2140 = arith.constant 0 : i32
        %lt3A_2141 = vector.broadcast %lt3A_2140 : i32 to vector<16xi32>
        %lt3A_2142 = arith.cmpi slt, %broadcast_in_dim3A_157, %lt3A_2141 : vector<16xi32>
        %add3A_2143 = arith.constant 16 : i32
        %add3A_2144 = vector.broadcast %add3A_2143 : i32 to vector<16xi32>
        %add3A_2145 = arith.addi %broadcast_in_dim3A_157, %add3A_2144 : vector<16xi32>
        %select_n3A_2146 = arith.select %lt3A_2142, %add3A_2145, %broadcast_in_dim3A_157 : vector<16xi1>, vector<16xi32>
        %broadcast_in_dim3A_2147 = vector.shape_cast %select_n3A_2146 : vector<16xi32> to vector<16x1xi32>
        %gather3A_2148 = vector.shape_cast %broadcast_in_dim3A_2147 : vector<16x1xi32> to vector<16xi32>
        %gather3A_2149 = tpu.dynamic_gather %mul3A_1987[%gather3A_2148] in [0] : vector<16xf32>, vector<16xi32> -> vector<16xf32>
        %mul3A_2150 = arith.mulf %gather3A_2149, %max3A_114 : vector<16xf32>
        %lt3A_2151 = arith.constant 0 : i32
        %lt3A_2152 = vector.broadcast %lt3A_2151 : i32 to vector<16xi32>
        %lt3A_2153 = arith.cmpi slt, %broadcast_in_dim3A_159, %lt3A_2152 : vector<16xi32>
        %add3A_2154 = arith.constant 16 : i32
        %add3A_2155 = vector.broadcast %add3A_2154 : i32 to vector<16xi32>
        %add3A_2156 = arith.addi %broadcast_in_dim3A_159, %add3A_2155 : vector<16xi32>
        %select_n3A_2157 = arith.select %lt3A_2153, %add3A_2156, %broadcast_in_dim3A_159 : vector<16xi1>, vector<16xi32>
        %broadcast_in_dim3A_2158 = vector.shape_cast %select_n3A_2157 : vector<16xi32> to vector<16x1xi32>
        %gather3A_2159 = vector.shape_cast %broadcast_in_dim3A_2158 : vector<16x1xi32> to vector<16xi32>
        %gather3A_2160 = tpu.dynamic_gather %mul3A_1987[%gather3A_2159] in [0] : vector<16xf32>, vector<16xi32> -> vector<16xf32>
        %mul3A_2161 = arith.mulf %gather3A_2160, %max3A_122 : vector<16xf32>
        %lt3A_2162 = arith.constant 0 : i32
        %lt3A_2163 = vector.broadcast %lt3A_2162 : i32 to vector<16xi32>
        %lt3A_2164 = arith.cmpi slt, %broadcast_in_dim3A_161, %lt3A_2163 : vector<16xi32>
        %add3A_2165 = arith.constant 16 : i32
        %add3A_2166 = vector.broadcast %add3A_2165 : i32 to vector<16xi32>
        %add3A_2167 = arith.addi %broadcast_in_dim3A_161, %add3A_2166 : vector<16xi32>
        %select_n3A_2168 = arith.select %lt3A_2164, %add3A_2167, %broadcast_in_dim3A_161 : vector<16xi1>, vector<16xi32>
        %broadcast_in_dim3A_2169 = vector.shape_cast %select_n3A_2168 : vector<16xi32> to vector<16x1xi32>
        %gather3A_2170 = vector.shape_cast %broadcast_in_dim3A_2169 : vector<16x1xi32> to vector<16xi32>
        %gather3A_2171 = tpu.dynamic_gather %mul3A_1987[%gather3A_2170] in [0] : vector<16xf32>, vector<16xi32> -> vector<16xf32>
        %mul3A_2172 = arith.mulf %gather3A_2171, %max3A_130 : vector<16xf32>
        %add3A_2173 = arith.addf %mul3A_2007, %mul3A_2018 : vector<16xf32>
        %add3A_2174 = arith.addf %mul3A_2029, %mul3A_2040 : vector<16xf32>
        %add3A_2175 = arith.addf %mul3A_2051, %mul3A_2062 : vector<16xf32>
        %add3A_2176 = arith.addf %mul3A_2073, %mul3A_2084 : vector<16xf32>
        %add3A_2177 = arith.addf %mul3A_2095, %mul3A_2106 : vector<16xf32>
        %add3A_2178 = arith.addf %mul3A_2117, %mul3A_2128 : vector<16xf32>
        %add3A_2179 = arith.addf %mul3A_2139, %mul3A_2150 : vector<16xf32>
        %add3A_2180 = arith.addf %mul3A_2161, %mul3A_2172 : vector<16xf32>
        %add3A_2181 = arith.addf %add3A_2173, %add3A_2174 : vector<16xf32>
        %add3A_2182 = arith.addf %add3A_2175, %add3A_2176 : vector<16xf32>
        %add3A_2183 = arith.addf %add3A_2177, %add3A_2178 : vector<16xf32>
        %add3A_2184 = arith.addf %add3A_2179, %add3A_2180 : vector<16xf32>
        %add3A_2185 = arith.addf %add3A_2181, %add3A_2182 : vector<16xf32>
        %add3A_2186 = arith.addf %add3A_2183, %add3A_2184 : vector<16xf32>
        %add3A_2187 = arith.addf %add3A_2185, %add3A_2186 : vector<16xf32>
        %mul3A_2188 = arith.mulf %add3A_2187, %get3A_1996 : vector<16xf32>
        %lt3A_2189 = arith.constant 0 : i32
        %lt3A_2190 = vector.broadcast %lt3A_2189 : i32 to vector<16xi32>
        %lt3A_2191 = arith.cmpi slt, %xor3A_163, %lt3A_2190 : vector<16xi32>
        %add3A_2192 = arith.constant 16 : i32
        %add3A_2193 = vector.broadcast %add3A_2192 : i32 to vector<16xi32>
        %add3A_2194 = arith.addi %xor3A_163, %add3A_2193 : vector<16xi32>
        %select_n3A_2195 = arith.select %lt3A_2191, %add3A_2194, %xor3A_163 : vector<16xi1>, vector<16xi32>
        %broadcast_in_dim3A_2196 = vector.shape_cast %select_n3A_2195 : vector<16xi32> to vector<16x1xi32>
        %gather3A_2197 = vector.shape_cast %broadcast_in_dim3A_2196 : vector<16x1xi32> to vector<16xi32>
        %gather3A_2198 = tpu.dynamic_gather %mul3A_2188[%gather3A_2197] in [0] : vector<16xf32>, vector<16xi32> -> vector<16xf32>
        %add3A_2199 = arith.addf %mul3A_2188, %gather3A_2198 : vector<16xf32>
        %lt3A_2200 = arith.constant 0 : i32
        %lt3A_2201 = vector.broadcast %lt3A_2200 : i32 to vector<16xi32>
        %lt3A_2202 = arith.cmpi slt, %xor3A_166, %lt3A_2201 : vector<16xi32>
        %add3A_2203 = arith.constant 16 : i32
        %add3A_2204 = vector.broadcast %add3A_2203 : i32 to vector<16xi32>
        %add3A_2205 = arith.addi %xor3A_166, %add3A_2204 : vector<16xi32>
        %select_n3A_2206 = arith.select %lt3A_2202, %add3A_2205, %xor3A_166 : vector<16xi1>, vector<16xi32>
        %broadcast_in_dim3A_2207 = vector.shape_cast %select_n3A_2206 : vector<16xi32> to vector<16x1xi32>
        %gather3A_2208 = vector.shape_cast %broadcast_in_dim3A_2207 : vector<16x1xi32> to vector<16xi32>
        %gather3A_2209 = tpu.dynamic_gather %add3A_2199[%gather3A_2208] in [0] : vector<16xf32>, vector<16xi32> -> vector<16xf32>
        %add3A_2210 = arith.addf %add3A_2199, %gather3A_2209 : vector<16xf32>
        %lt3A_2211 = arith.constant 0 : i32
        %lt3A_2212 = vector.broadcast %lt3A_2211 : i32 to vector<16xi32>
        %lt3A_2213 = arith.cmpi slt, %xor3A_169, %lt3A_2212 : vector<16xi32>
        %add3A_2214 = arith.constant 16 : i32
        %add3A_2215 = vector.broadcast %add3A_2214 : i32 to vector<16xi32>
        %add3A_2216 = arith.addi %xor3A_169, %add3A_2215 : vector<16xi32>
        %select_n3A_2217 = arith.select %lt3A_2213, %add3A_2216, %xor3A_169 : vector<16xi1>, vector<16xi32>
        %broadcast_in_dim3A_2218 = vector.shape_cast %select_n3A_2217 : vector<16xi32> to vector<16x1xi32>
        %gather3A_2219 = vector.shape_cast %broadcast_in_dim3A_2218 : vector<16x1xi32> to vector<16xi32>
        %gather3A_2220 = tpu.dynamic_gather %add3A_2210[%gather3A_2219] in [0] : vector<16xf32>, vector<16xi32> -> vector<16xf32>
        %add3A_2221 = arith.addf %add3A_2210, %gather3A_2220 : vector<16xf32>
        %lt3A_2222 = arith.constant 0 : i32
        %lt3A_2223 = vector.broadcast %lt3A_2222 : i32 to vector<16xi32>
        %lt3A_2224 = arith.cmpi slt, %xor3A_172, %lt3A_2223 : vector<16xi32>
        %add3A_2225 = arith.constant 16 : i32
        %add3A_2226 = vector.broadcast %add3A_2225 : i32 to vector<16xi32>
        %add3A_2227 = arith.addi %xor3A_172, %add3A_2226 : vector<16xi32>
        %select_n3A_2228 = arith.select %lt3A_2224, %add3A_2227, %xor3A_172 : vector<16xi1>, vector<16xi32>
        %broadcast_in_dim3A_2229 = vector.shape_cast %select_n3A_2228 : vector<16xi32> to vector<16x1xi32>
        %gather3A_2230 = vector.shape_cast %broadcast_in_dim3A_2229 : vector<16x1xi32> to vector<16xi32>
        %gather3A_2231 = tpu.dynamic_gather %add3A_2221[%gather3A_2230] in [0] : vector<16xf32>, vector<16xi32> -> vector<16xf32>
        %add3A_2232 = arith.addf %add3A_2221, %gather3A_2231 : vector<16xf32>
        %jit3A_2233 = arith.constant 16 : i32
        %div3A_2234 = arith.divsi %while3A_1383, %jit3A_2233 : i32
        %sign3A_2235 = arith.constant 0 : i32
        %sign3A_2236 = arith.cmpi sgt, %while3A_1383, %sign3A_2235 : i32
        %sign3A_2237 = arith.extui %sign3A_2236 : i1 to i32
        %sign3A_2238 = arith.constant 0 : i32
        %sign3A_2239 = arith.cmpi slt, %while3A_1383, %sign3A_2238 : i32
        %sign3A_2240 = arith.extui %sign3A_2239 : i1 to i32
        %sign3A_2241 = arith.subi %sign3A_2237, %sign3A_2240 : i32
        %sign3A_2242 = arith.constant 0 : i32
        %sign3A_2243 = arith.cmpi sgt, %jit3A_2233, %sign3A_2242 : i32
        %sign3A_2244 = arith.extui %sign3A_2243 : i1 to i32
        %sign3A_2245 = arith.constant 0 : i32
        %sign3A_2246 = arith.cmpi slt, %jit3A_2233, %sign3A_2245 : i32
        %sign3A_2247 = arith.extui %sign3A_2246 : i1 to i32
        %sign3A_2248 = arith.subi %sign3A_2244, %sign3A_2247 : i32
        %ne3A_2249 = arith.cmpi ne, %sign3A_2241, %sign3A_2248 : i32
        %rem3A_2250 = arith.remsi %while3A_1383, %jit3A_2233 : i32
        %ne3A_2251 = arith.constant 0 : i32
        %ne3A_2252 = arith.cmpi ne, %rem3A_2250, %ne3A_2251 : i32
        %and3A_2253 = arith.andi %ne3A_2249, %ne3A_2252 : i1
        %sub3A_2254 = arith.constant 1 : i32
        %sub3A_2255 = arith.subi %div3A_2234, %sub3A_2254 : i32
        %select_n3A_2256 = arith.select %and3A_2253, %sub3A_2255, %div3A_2234 : i32
        %mul3A_2257 = arith.constant 16 : i32
        %mul3A_2258 = arith.muli %select_n3A_2256, %mul3A_2257 : i32
        %get3A_2259 = arith.index_cast %mul3A_2258 : i32 to index
        %get3A_2260 = tpu.vector_load %arg10[%get3A_2259] {strides = array<i32>} : memref<128xf32, #tpu.memory_space<vmem>>, vector<16xf32>,
        %get3A_2261 = vector.shape_cast %get3A_2260 : vector<16xf32> to vector<16xf32>
        %jit3A_2262 = arith.constant 16 : i32
        %eq3A_2263 = arith.constant 0 : i32
        %eq3A_2264 = arith.cmpi eq, %jit3A_2262, %eq3A_2263 : i32
        %jit3A_2265 = arith.constant 1 : i32
        %select_n3A_2266 = arith.select %eq3A_2264, %jit3A_2265, %jit3A_2262 : i32
        %rem3A_2267 = arith.remsi %while3A_1383, %select_n3A_2266 : i32
        %ne3A_2268 = arith.constant 0 : i32
        %ne3A_2269 = arith.cmpi ne, %rem3A_2267, %ne3A_2268 : i32
        %lt3A_2270 = arith.constant 0 : i32
        %lt3A_2271 = arith.cmpi slt, %rem3A_2267, %lt3A_2270 : i32
        %lt3A_2272 = arith.constant 0 : i32
        %lt3A_2273 = arith.cmpi slt, %select_n3A_2266, %lt3A_2272 : i32
        %ne3A_2274 = arith.xori %lt3A_2271, %lt3A_2273 : i1
        %and3A_2275 = arith.andi %ne3A_2274, %ne3A_2269 : i1
        %add3A_2276 = arith.addi %rem3A_2267, %select_n3A_2266 : i32
        %select_n3A_2277 = arith.select %and3A_2275, %add3A_2276, %rem3A_2267 : i32
        %eq3A_2278 = vector.broadcast %select_n3A_2277 : i32 to vector<16xi32>
        %eq3A_2279 = arith.cmpi eq, %iota3A, %eq3A_2278 : vector<16xi32>
        %select_n3A_2280 = arith.select %eq3A_2279, %add3A_2232, %get3A_2261 : vector<16xi1>, vector<16xf32>
        %jit3A_2281 = arith.constant 16 : i32
        %div3A_2282 = arith.divsi %while3A_1383, %jit3A_2281 : i32
        %sign3A_2283 = arith.constant 0 : i32
        %sign3A_2284 = arith.cmpi sgt, %while3A_1383, %sign3A_2283 : i32
        %sign3A_2285 = arith.extui %sign3A_2284 : i1 to i32
        %sign3A_2286 = arith.constant 0 : i32
        %sign3A_2287 = arith.cmpi slt, %while3A_1383, %sign3A_2286 : i32
        %sign3A_2288 = arith.extui %sign3A_2287 : i1 to i32
        %sign3A_2289 = arith.subi %sign3A_2285, %sign3A_2288 : i32
        %sign3A_2290 = arith.constant 0 : i32
        %sign3A_2291 = arith.cmpi sgt, %jit3A_2281, %sign3A_2290 : i32
        %sign3A_2292 = arith.extui %sign3A_2291 : i1 to i32
        %sign3A_2293 = arith.constant 0 : i32
        %sign3A_2294 = arith.cmpi slt, %jit3A_2281, %sign3A_2293 : i32
        %sign3A_2295 = arith.extui %sign3A_2294 : i1 to i32
        %sign3A_2296 = arith.subi %sign3A_2292, %sign3A_2295 : i32
        %ne3A_2297 = arith.cmpi ne, %sign3A_2289, %sign3A_2296 : i32
        %rem3A_2298 = arith.remsi %while3A_1383, %jit3A_2281 : i32
        %ne3A_2299 = arith.constant 0 : i32
        %ne3A_2300 = arith.cmpi ne, %rem3A_2298, %ne3A_2299 : i32
        %and3A_2301 = arith.andi %ne3A_2297, %ne3A_2300 : i1
        %sub3A_2302 = arith.constant 1 : i32
        %sub3A_2303 = arith.subi %div3A_2282, %sub3A_2302 : i32
        %select_n3A_2304 = arith.select %and3A_2301, %sub3A_2303, %div3A_2282 : i32
        %mul3A_2305 = arith.constant 16 : i32
        %mul3A_2306 = arith.muli %select_n3A_2304, %mul3A_2305 : i32
        %swap3A_2307 = arith.index_cast %mul3A_2306 : i32 to index
        %swap3A_2308 = tpu.vector_load %arg10[%swap3A_2307] {strides = array<i32>} : memref<128xf32, #tpu.memory_space<vmem>>, vector<16xf32>,
        %swap3A_2309 = vector.shape_cast %swap3A_2308 : vector<16xf32> to vector<16xf32>
        %swap3A_2310 = vector.shape_cast %select_n3A_2280 : vector<16xf32> to vector<16xf32>
        tpu.vector_store %arg10[%swap3A_2307], %swap3A_2310 {strides = array<i32>} : memref<128xf32, #tpu.memory_space<vmem>>, vector<16xf32>,
        %div3A_2311 = arith.divf %mul3A_2188, %add3A_2232 : vector<16xf32>
        scf.yield %div3A_2311 : vector<16xf32>
      }
      %mul3A = arith.constant 4 : i32
      %mul3A_239 = arith.muli %select_n3A_228, %mul3A : i32
      %while3A_240 = arith.subi %squeeze3A, %mul3A_239 : i32
      %while3A_241 = arith.addi %mul3A_239, %while3A_240 : i32
      %while3A_242 = arith.constant 1 : i32
      %while3A_243 = arith.divsi %while3A_240, %while3A_242 : i32
      %while3A_244 = arith.muli %while3A_243, %while3A_242 : i32
      %while3A_245 = arith.addi %mul3A_239, %while3A_244 : i32
      %while3A_246 = arith.constant 1 : i32
      %while3A_247 = scf.for %while3A_1383 = %mul3A_239 to %while3A_245 step %while3A_246 iter_args(%while3A_1384 = %while3A_238) -> (vector<16xf32>)  : i32 {
        %mul3A_1385 = arith.constant 16 : i32
        %mul3A_1386 = arith.muli %while3A_1383, %mul3A_1385 : i32
        %get3A_1387 = arith.index_cast %mul3A_1386 : i32 to index
        %get3A_1388 = tpu.vector_load %arg7[%get3A_1387] {strides = array<i32>} : memref<8192xf32, #tpu.memory_space<vmem>>, vector<16xf32>,
        %get3A_1389 = vector.shape_cast %get3A_1388 : vector<16xf32> to vector<16xf32>
        %lt3A_1390 = arith.constant 0 : i32
        %lt3A_1391 = vector.broadcast %lt3A_1390 : i32 to vector<16xi32>
        %lt3A_1392 = arith.cmpi slt, %broadcast_in_dim3A_131, %lt3A_1391 : vector<16xi32>
        %add3A_1393 = arith.constant 16 : i32
        %add3A_1394 = vector.broadcast %add3A_1393 : i32 to vector<16xi32>
        %add3A_1395 = arith.addi %broadcast_in_dim3A_131, %add3A_1394 : vector<16xi32>
        %select_n3A_1396 = arith.select %lt3A_1392, %add3A_1395, %broadcast_in_dim3A_131 : vector<16xi1>, vector<16xi32>
        %broadcast_in_dim3A_1397 = vector.shape_cast %select_n3A_1396 : vector<16xi32> to vector<16x1xi32>
        %gather3A_1398 = vector.shape_cast %broadcast_in_dim3A_1397 : vector<16x1xi32> to vector<16xi32>
        %gather3A_1399 = tpu.dynamic_gather %while3A_1384[%gather3A_1398] in [0] : vector<16xf32>, vector<16xi32> -> vector<16xf32>
        %mul3A_1400 = arith.mulf %gather3A_1399, %max3A_10 : vector<16xf32>
        %lt3A_1401 = arith.constant 0 : i32
        %lt3A_1402 = vector.broadcast %lt3A_1401 : i32 to vector<16xi32>
        %lt3A_1403 = arith.cmpi slt, %broadcast_in_dim3A_133, %lt3A_1402 : vector<16xi32>
        %add3A_1404 = arith.constant 16 : i32
        %add3A_1405 = vector.broadcast %add3A_1404 : i32 to vector<16xi32>
        %add3A_1406 = arith.addi %broadcast_in_dim3A_133, %add3A_1405 : vector<16xi32>
        %select_n3A_1407 = arith.select %lt3A_1403, %add3A_1406, %broadcast_in_dim3A_133 : vector<16xi1>, vector<16xi32>
        %broadcast_in_dim3A_1408 = vector.shape_cast %select_n3A_1407 : vector<16xi32> to vector<16x1xi32>
        %gather3A_1409 = vector.shape_cast %broadcast_in_dim3A_1408 : vector<16x1xi32> to vector<16xi32>
        %gather3A_1410 = tpu.dynamic_gather %while3A_1384[%gather3A_1409] in [0] : vector<16xf32>, vector<16xi32> -> vector<16xf32>
        %mul3A_1411 = arith.mulf %gather3A_1410, %max3A_18 : vector<16xf32>
        %lt3A_1412 = arith.constant 0 : i32
        %lt3A_1413 = vector.broadcast %lt3A_1412 : i32 to vector<16xi32>
        %lt3A_1414 = arith.cmpi slt, %broadcast_in_dim3A_135, %lt3A_1413 : vector<16xi32>
        %add3A_1415 = arith.constant 16 : i32
        %add3A_1416 = vector.broadcast %add3A_1415 : i32 to vector<16xi32>
        %add3A_1417 = arith.addi %broadcast_in_dim3A_135, %add3A_1416 : vector<16xi32>
        %select_n3A_1418 = arith.select %lt3A_1414, %add3A_1417, %broadcast_in_dim3A_135 : vector<16xi1>, vector<16xi32>
        %broadcast_in_dim3A_1419 = vector.shape_cast %select_n3A_1418 : vector<16xi32> to vector<16x1xi32>
        %gather3A_1420 = vector.shape_cast %broadcast_in_dim3A_1419 : vector<16x1xi32> to vector<16xi32>
        %gather3A_1421 = tpu.dynamic_gather %while3A_1384[%gather3A_1420] in [0] : vector<16xf32>, vector<16xi32> -> vector<16xf32>
        %mul3A_1422 = arith.mulf %gather3A_1421, %max3A_26 : vector<16xf32>
        %lt3A_1423 = arith.constant 0 : i32
        %lt3A_1424 = vector.broadcast %lt3A_1423 : i32 to vector<16xi32>
        %lt3A_1425 = arith.cmpi slt, %broadcast_in_dim3A_137, %lt3A_1424 : vector<16xi32>
        %add3A_1426 = arith.constant 16 : i32
        %add3A_1427 = vector.broadcast %add3A_1426 : i32 to vector<16xi32>
        %add3A_1428 = arith.addi %broadcast_in_dim3A_137, %add3A_1427 : vector<16xi32>
        %select_n3A_1429 = arith.select %lt3A_1425, %add3A_1428, %broadcast_in_dim3A_137 : vector<16xi1>, vector<16xi32>
        %broadcast_in_dim3A_1430 = vector.shape_cast %select_n3A_1429 : vector<16xi32> to vector<16x1xi32>
        %gather3A_1431 = vector.shape_cast %broadcast_in_dim3A_1430 : vector<16x1xi32> to vector<16xi32>
        %gather3A_1432 = tpu.dynamic_gather %while3A_1384[%gather3A_1431] in [0] : vector<16xf32>, vector<16xi32> -> vector<16xf32>
        %mul3A_1433 = arith.mulf %gather3A_1432, %max3A_34 : vector<16xf32>
        %lt3A_1434 = arith.constant 0 : i32
        %lt3A_1435 = vector.broadcast %lt3A_1434 : i32 to vector<16xi32>
        %lt3A_1436 = arith.cmpi slt, %broadcast_in_dim3A_139, %lt3A_1435 : vector<16xi32>
        %add3A_1437 = arith.constant 16 : i32
        %add3A_1438 = vector.broadcast %add3A_1437 : i32 to vector<16xi32>
        %add3A_1439 = arith.addi %broadcast_in_dim3A_139, %add3A_1438 : vector<16xi32>
        %select_n3A_1440 = arith.select %lt3A_1436, %add3A_1439, %broadcast_in_dim3A_139 : vector<16xi1>, vector<16xi32>
        %broadcast_in_dim3A_1441 = vector.shape_cast %select_n3A_1440 : vector<16xi32> to vector<16x1xi32>
        %gather3A_1442 = vector.shape_cast %broadcast_in_dim3A_1441 : vector<16x1xi32> to vector<16xi32>
        %gather3A_1443 = tpu.dynamic_gather %while3A_1384[%gather3A_1442] in [0] : vector<16xf32>, vector<16xi32> -> vector<16xf32>
        %mul3A_1444 = arith.mulf %gather3A_1443, %max3A_42 : vector<16xf32>
        %lt3A_1445 = arith.constant 0 : i32
        %lt3A_1446 = vector.broadcast %lt3A_1445 : i32 to vector<16xi32>
        %lt3A_1447 = arith.cmpi slt, %broadcast_in_dim3A_141, %lt3A_1446 : vector<16xi32>
        %add3A_1448 = arith.constant 16 : i32
        %add3A_1449 = vector.broadcast %add3A_1448 : i32 to vector<16xi32>
        %add3A_1450 = arith.addi %broadcast_in_dim3A_141, %add3A_1449 : vector<16xi32>
        %select_n3A_1451 = arith.select %lt3A_1447, %add3A_1450, %broadcast_in_dim3A_141 : vector<16xi1>, vector<16xi32>
        %broadcast_in_dim3A_1452 = vector.shape_cast %select_n3A_1451 : vector<16xi32> to vector<16x1xi32>
        %gather3A_1453 = vector.shape_cast %broadcast_in_dim3A_1452 : vector<16x1xi32> to vector<16xi32>
        %gather3A_1454 = tpu.dynamic_gather %while3A_1384[%gather3A_1453] in [0] : vector<16xf32>, vector<16xi32> -> vector<16xf32>
        %mul3A_1455 = arith.mulf %gather3A_1454, %max3A_50 : vector<16xf32>
        %lt3A_1456 = arith.constant 0 : i32
        %lt3A_1457 = vector.broadcast %lt3A_1456 : i32 to vector<16xi32>
        %lt3A_1458 = arith.cmpi slt, %broadcast_in_dim3A_143, %lt3A_1457 : vector<16xi32>
        %add3A_1459 = arith.constant 16 : i32
        %add3A_1460 = vector.broadcast %add3A_1459 : i32 to vector<16xi32>
        %add3A_1461 = arith.addi %broadcast_in_dim3A_143, %add3A_1460 : vector<16xi32>
        %select_n3A_1462 = arith.select %lt3A_1458, %add3A_1461, %broadcast_in_dim3A_143 : vector<16xi1>, vector<16xi32>
        %broadcast_in_dim3A_1463 = vector.shape_cast %select_n3A_1462 : vector<16xi32> to vector<16x1xi32>
        %gather3A_1464 = vector.shape_cast %broadcast_in_dim3A_1463 : vector<16x1xi32> to vector<16xi32>
        %gather3A_1465 = tpu.dynamic_gather %while3A_1384[%gather3A_1464] in [0] : vector<16xf32>, vector<16xi32> -> vector<16xf32>
        %mul3A_1466 = arith.mulf %gather3A_1465, %max3A_58 : vector<16xf32>
        %lt3A_1467 = arith.constant 0 : i32
        %lt3A_1468 = vector.broadcast %lt3A_1467 : i32 to vector<16xi32>
        %lt3A_1469 = arith.cmpi slt, %broadcast_in_dim3A_145, %lt3A_1468 : vector<16xi32>
        %add3A_1470 = arith.constant 16 : i32
        %add3A_1471 = vector.broadcast %add3A_1470 : i32 to vector<16xi32>
        %add3A_1472 = arith.addi %broadcast_in_dim3A_145, %add3A_1471 : vector<16xi32>
        %select_n3A_1473 = arith.select %lt3A_1469, %add3A_1472, %broadcast_in_dim3A_145 : vector<16xi1>, vector<16xi32>
        %broadcast_in_dim3A_1474 = vector.shape_cast %select_n3A_1473 : vector<16xi32> to vector<16x1xi32>
        %gather3A_1475 = vector.shape_cast %broadcast_in_dim3A_1474 : vector<16x1xi32> to vector<16xi32>
        %gather3A_1476 = tpu.dynamic_gather %while3A_1384[%gather3A_1475] in [0] : vector<16xf32>, vector<16xi32> -> vector<16xf32>
        %mul3A_1477 = arith.mulf %gather3A_1476, %max3A_66 : vector<16xf32>
        %lt3A_1478 = arith.constant 0 : i32
        %lt3A_1479 = vector.broadcast %lt3A_1478 : i32 to vector<16xi32>
        %lt3A_1480 = arith.cmpi slt, %broadcast_in_dim3A_147, %lt3A_1479 : vector<16xi32>
        %add3A_1481 = arith.constant 16 : i32
        %add3A_1482 = vector.broadcast %add3A_1481 : i32 to vector<16xi32>
        %add3A_1483 = arith.addi %broadcast_in_dim3A_147, %add3A_1482 : vector<16xi32>
        %select_n3A_1484 = arith.select %lt3A_1480, %add3A_1483, %broadcast_in_dim3A_147 : vector<16xi1>, vector<16xi32>
        %broadcast_in_dim3A_1485 = vector.shape_cast %select_n3A_1484 : vector<16xi32> to vector<16x1xi32>
        %gather3A_1486 = vector.shape_cast %broadcast_in_dim3A_1485 : vector<16x1xi32> to vector<16xi32>
        %gather3A_1487 = tpu.dynamic_gather %while3A_1384[%gather3A_1486] in [0] : vector<16xf32>, vector<16xi32> -> vector<16xf32>
        %mul3A_1488 = arith.mulf %gather3A_1487, %max3A_74 : vector<16xf32>
        %lt3A_1489 = arith.constant 0 : i32
        %lt3A_1490 = vector.broadcast %lt3A_1489 : i32 to vector<16xi32>
        %lt3A_1491 = arith.cmpi slt, %broadcast_in_dim3A_149, %lt3A_1490 : vector<16xi32>
        %add3A_1492 = arith.constant 16 : i32
        %add3A_1493 = vector.broadcast %add3A_1492 : i32 to vector<16xi32>
        %add3A_1494 = arith.addi %broadcast_in_dim3A_149, %add3A_1493 : vector<16xi32>
        %select_n3A_1495 = arith.select %lt3A_1491, %add3A_1494, %broadcast_in_dim3A_149 : vector<16xi1>, vector<16xi32>
        %broadcast_in_dim3A_1496 = vector.shape_cast %select_n3A_1495 : vector<16xi32> to vector<16x1xi32>
        %gather3A_1497 = vector.shape_cast %broadcast_in_dim3A_1496 : vector<16x1xi32> to vector<16xi32>
        %gather3A_1498 = tpu.dynamic_gather %while3A_1384[%gather3A_1497] in [0] : vector<16xf32>, vector<16xi32> -> vector<16xf32>
        %mul3A_1499 = arith.mulf %gather3A_1498, %max3A_82 : vector<16xf32>
        %lt3A_1500 = arith.constant 0 : i32
        %lt3A_1501 = vector.broadcast %lt3A_1500 : i32 to vector<16xi32>
        %lt3A_1502 = arith.cmpi slt, %broadcast_in_dim3A_151, %lt3A_1501 : vector<16xi32>
        %add3A_1503 = arith.constant 16 : i32
        %add3A_1504 = vector.broadcast %add3A_1503 : i32 to vector<16xi32>
        %add3A_1505 = arith.addi %broadcast_in_dim3A_151, %add3A_1504 : vector<16xi32>
        %select_n3A_1506 = arith.select %lt3A_1502, %add3A_1505, %broadcast_in_dim3A_151 : vector<16xi1>, vector<16xi32>
        %broadcast_in_dim3A_1507 = vector.shape_cast %select_n3A_1506 : vector<16xi32> to vector<16x1xi32>
        %gather3A_1508 = vector.shape_cast %broadcast_in_dim3A_1507 : vector<16x1xi32> to vector<16xi32>
        %gather3A_1509 = tpu.dynamic_gather %while3A_1384[%gather3A_1508] in [0] : vector<16xf32>, vector<16xi32> -> vector<16xf32>
        %mul3A_1510 = arith.mulf %gather3A_1509, %max3A_90 : vector<16xf32>
        %lt3A_1511 = arith.constant 0 : i32
        %lt3A_1512 = vector.broadcast %lt3A_1511 : i32 to vector<16xi32>
        %lt3A_1513 = arith.cmpi slt, %broadcast_in_dim3A_153, %lt3A_1512 : vector<16xi32>
        %add3A_1514 = arith.constant 16 : i32
        %add3A_1515 = vector.broadcast %add3A_1514 : i32 to vector<16xi32>
        %add3A_1516 = arith.addi %broadcast_in_dim3A_153, %add3A_1515 : vector<16xi32>
        %select_n3A_1517 = arith.select %lt3A_1513, %add3A_1516, %broadcast_in_dim3A_153 : vector<16xi1>, vector<16xi32>
        %broadcast_in_dim3A_1518 = vector.shape_cast %select_n3A_1517 : vector<16xi32> to vector<16x1xi32>
        %gather3A_1519 = vector.shape_cast %broadcast_in_dim3A_1518 : vector<16x1xi32> to vector<16xi32>
        %gather3A_1520 = tpu.dynamic_gather %while3A_1384[%gather3A_1519] in [0] : vector<16xf32>, vector<16xi32> -> vector<16xf32>
        %mul3A_1521 = arith.mulf %gather3A_1520, %max3A_98 : vector<16xf32>
        %lt3A_1522 = arith.constant 0 : i32
        %lt3A_1523 = vector.broadcast %lt3A_1522 : i32 to vector<16xi32>
        %lt3A_1524 = arith.cmpi slt, %broadcast_in_dim3A_155, %lt3A_1523 : vector<16xi32>
        %add3A_1525 = arith.constant 16 : i32
        %add3A_1526 = vector.broadcast %add3A_1525 : i32 to vector<16xi32>
        %add3A_1527 = arith.addi %broadcast_in_dim3A_155, %add3A_1526 : vector<16xi32>
        %select_n3A_1528 = arith.select %lt3A_1524, %add3A_1527, %broadcast_in_dim3A_155 : vector<16xi1>, vector<16xi32>
        %broadcast_in_dim3A_1529 = vector.shape_cast %select_n3A_1528 : vector<16xi32> to vector<16x1xi32>
        %gather3A_1530 = vector.shape_cast %broadcast_in_dim3A_1529 : vector<16x1xi32> to vector<16xi32>
        %gather3A_1531 = tpu.dynamic_gather %while3A_1384[%gather3A_1530] in [0] : vector<16xf32>, vector<16xi32> -> vector<16xf32>
        %mul3A_1532 = arith.mulf %gather3A_1531, %max3A_106 : vector<16xf32>
        %lt3A_1533 = arith.constant 0 : i32
        %lt3A_1534 = vector.broadcast %lt3A_1533 : i32 to vector<16xi32>
        %lt3A_1535 = arith.cmpi slt, %broadcast_in_dim3A_157, %lt3A_1534 : vector<16xi32>
        %add3A_1536 = arith.constant 16 : i32
        %add3A_1537 = vector.broadcast %add3A_1536 : i32 to vector<16xi32>
        %add3A_1538 = arith.addi %broadcast_in_dim3A_157, %add3A_1537 : vector<16xi32>
        %select_n3A_1539 = arith.select %lt3A_1535, %add3A_1538, %broadcast_in_dim3A_157 : vector<16xi1>, vector<16xi32>
        %broadcast_in_dim3A_1540 = vector.shape_cast %select_n3A_1539 : vector<16xi32> to vector<16x1xi32>
        %gather3A_1541 = vector.shape_cast %broadcast_in_dim3A_1540 : vector<16x1xi32> to vector<16xi32>
        %gather3A_1542 = tpu.dynamic_gather %while3A_1384[%gather3A_1541] in [0] : vector<16xf32>, vector<16xi32> -> vector<16xf32>
        %mul3A_1543 = arith.mulf %gather3A_1542, %max3A_114 : vector<16xf32>
        %lt3A_1544 = arith.constant 0 : i32
        %lt3A_1545 = vector.broadcast %lt3A_1544 : i32 to vector<16xi32>
        %lt3A_1546 = arith.cmpi slt, %broadcast_in_dim3A_159, %lt3A_1545 : vector<16xi32>
        %add3A_1547 = arith.constant 16 : i32
        %add3A_1548 = vector.broadcast %add3A_1547 : i32 to vector<16xi32>
        %add3A_1549 = arith.addi %broadcast_in_dim3A_159, %add3A_1548 : vector<16xi32>
        %select_n3A_1550 = arith.select %lt3A_1546, %add3A_1549, %broadcast_in_dim3A_159 : vector<16xi1>, vector<16xi32>
        %broadcast_in_dim3A_1551 = vector.shape_cast %select_n3A_1550 : vector<16xi32> to vector<16x1xi32>
        %gather3A_1552 = vector.shape_cast %broadcast_in_dim3A_1551 : vector<16x1xi32> to vector<16xi32>
        %gather3A_1553 = tpu.dynamic_gather %while3A_1384[%gather3A_1552] in [0] : vector<16xf32>, vector<16xi32> -> vector<16xf32>
        %mul3A_1554 = arith.mulf %gather3A_1553, %max3A_122 : vector<16xf32>
        %lt3A_1555 = arith.constant 0 : i32
        %lt3A_1556 = vector.broadcast %lt3A_1555 : i32 to vector<16xi32>
        %lt3A_1557 = arith.cmpi slt, %broadcast_in_dim3A_161, %lt3A_1556 : vector<16xi32>
        %add3A_1558 = arith.constant 16 : i32
        %add3A_1559 = vector.broadcast %add3A_1558 : i32 to vector<16xi32>
        %add3A_1560 = arith.addi %broadcast_in_dim3A_161, %add3A_1559 : vector<16xi32>
        %select_n3A_1561 = arith.select %lt3A_1557, %add3A_1560, %broadcast_in_dim3A_161 : vector<16xi1>, vector<16xi32>
        %broadcast_in_dim3A_1562 = vector.shape_cast %select_n3A_1561 : vector<16xi32> to vector<16x1xi32>
        %gather3A_1563 = vector.shape_cast %broadcast_in_dim3A_1562 : vector<16x1xi32> to vector<16xi32>
        %gather3A_1564 = tpu.dynamic_gather %while3A_1384[%gather3A_1563] in [0] : vector<16xf32>, vector<16xi32> -> vector<16xf32>
        %mul3A_1565 = arith.mulf %gather3A_1564, %max3A_130 : vector<16xf32>
        %add3A_1566 = arith.addf %mul3A_1400, %mul3A_1411 : vector<16xf32>
        %add3A_1567 = arith.addf %mul3A_1422, %mul3A_1433 : vector<16xf32>
        %add3A_1568 = arith.addf %mul3A_1444, %mul3A_1455 : vector<16xf32>
        %add3A_1569 = arith.addf %mul3A_1466, %mul3A_1477 : vector<16xf32>
        %add3A_1570 = arith.addf %mul3A_1488, %mul3A_1499 : vector<16xf32>
        %add3A_1571 = arith.addf %mul3A_1510, %mul3A_1521 : vector<16xf32>
        %add3A_1572 = arith.addf %mul3A_1532, %mul3A_1543 : vector<16xf32>
        %add3A_1573 = arith.addf %mul3A_1554, %mul3A_1565 : vector<16xf32>
        %add3A_1574 = arith.addf %add3A_1566, %add3A_1567 : vector<16xf32>
        %add3A_1575 = arith.addf %add3A_1568, %add3A_1569 : vector<16xf32>
        %add3A_1576 = arith.addf %add3A_1570, %add3A_1571 : vector<16xf32>
        %add3A_1577 = arith.addf %add3A_1572, %add3A_1573 : vector<16xf32>
        %add3A_1578 = arith.addf %add3A_1574, %add3A_1575 : vector<16xf32>
        %add3A_1579 = arith.addf %add3A_1576, %add3A_1577 : vector<16xf32>
        %add3A_1580 = arith.addf %add3A_1578, %add3A_1579 : vector<16xf32>
        %mul3A_1581 = arith.mulf %add3A_1580, %get3A_1389 : vector<16xf32>
        scf.yield %mul3A_1581 : vector<16xf32>
      }
      %while3A_248 = arith.constant 1 : i32
      %while3A_249 = scf.for %while3A_1383 = %while3A_245 to %while3A_241 step %while3A_248 iter_args(%while3A_1384 = %while3A_247) -> (vector<16xf32>)  : i32 {
        %mul3A_1385 = arith.constant 16 : i32
        %mul3A_1386 = arith.muli %while3A_1383, %mul3A_1385 : i32
        %get3A_1387 = arith.index_cast %mul3A_1386 : i32 to index
        %get3A_1388 = tpu.vector_load %arg7[%get3A_1387] {strides = array<i32>} : memref<8192xf32, #tpu.memory_space<vmem>>, vector<16xf32>,
        %get3A_1389 = vector.shape_cast %get3A_1388 : vector<16xf32> to vector<16xf32>
        %lt3A_1390 = arith.constant 0 : i32
        %lt3A_1391 = vector.broadcast %lt3A_1390 : i32 to vector<16xi32>
        %lt3A_1392 = arith.cmpi slt, %broadcast_in_dim3A_131, %lt3A_1391 : vector<16xi32>
        %add3A_1393 = arith.constant 16 : i32
        %add3A_1394 = vector.broadcast %add3A_1393 : i32 to vector<16xi32>
        %add3A_1395 = arith.addi %broadcast_in_dim3A_131, %add3A_1394 : vector<16xi32>
        %select_n3A_1396 = arith.select %lt3A_1392, %add3A_1395, %broadcast_in_dim3A_131 : vector<16xi1>, vector<16xi32>
        %broadcast_in_dim3A_1397 = vector.shape_cast %select_n3A_1396 : vector<16xi32> to vector<16x1xi32>
        %gather3A_1398 = vector.shape_cast %broadcast_in_dim3A_1397 : vector<16x1xi32> to vector<16xi32>
        %gather3A_1399 = tpu.dynamic_gather %while3A_1384[%gather3A_1398] in [0] : vector<16xf32>, vector<16xi32> -> vector<16xf32>
        %mul3A_1400 = arith.mulf %gather3A_1399, %max3A_10 : vector<16xf32>
        %lt3A_1401 = arith.constant 0 : i32
        %lt3A_1402 = vector.broadcast %lt3A_1401 : i32 to vector<16xi32>
        %lt3A_1403 = arith.cmpi slt, %broadcast_in_dim3A_133, %lt3A_1402 : vector<16xi32>
        %add3A_1404 = arith.constant 16 : i32
        %add3A_1405 = vector.broadcast %add3A_1404 : i32 to vector<16xi32>
        %add3A_1406 = arith.addi %broadcast_in_dim3A_133, %add3A_1405 : vector<16xi32>
        %select_n3A_1407 = arith.select %lt3A_1403, %add3A_1406, %broadcast_in_dim3A_133 : vector<16xi1>, vector<16xi32>
        %broadcast_in_dim3A_1408 = vector.shape_cast %select_n3A_1407 : vector<16xi32> to vector<16x1xi32>
        %gather3A_1409 = vector.shape_cast %broadcast_in_dim3A_1408 : vector<16x1xi32> to vector<16xi32>
        %gather3A_1410 = tpu.dynamic_gather %while3A_1384[%gather3A_1409] in [0] : vector<16xf32>, vector<16xi32> -> vector<16xf32>
        %mul3A_1411 = arith.mulf %gather3A_1410, %max3A_18 : vector<16xf32>
        %lt3A_1412 = arith.constant 0 : i32
        %lt3A_1413 = vector.broadcast %lt3A_1412 : i32 to vector<16xi32>
        %lt3A_1414 = arith.cmpi slt, %broadcast_in_dim3A_135, %lt3A_1413 : vector<16xi32>
        %add3A_1415 = arith.constant 16 : i32
        %add3A_1416 = vector.broadcast %add3A_1415 : i32 to vector<16xi32>
        %add3A_1417 = arith.addi %broadcast_in_dim3A_135, %add3A_1416 : vector<16xi32>
        %select_n3A_1418 = arith.select %lt3A_1414, %add3A_1417, %broadcast_in_dim3A_135 : vector<16xi1>, vector<16xi32>
        %broadcast_in_dim3A_1419 = vector.shape_cast %select_n3A_1418 : vector<16xi32> to vector<16x1xi32>
        %gather3A_1420 = vector.shape_cast %broadcast_in_dim3A_1419 : vector<16x1xi32> to vector<16xi32>
        %gather3A_1421 = tpu.dynamic_gather %while3A_1384[%gather3A_1420] in [0] : vector<16xf32>, vector<16xi32> -> vector<16xf32>
        %mul3A_1422 = arith.mulf %gather3A_1421, %max3A_26 : vector<16xf32>
        %lt3A_1423 = arith.constant 0 : i32
        %lt3A_1424 = vector.broadcast %lt3A_1423 : i32 to vector<16xi32>
        %lt3A_1425 = arith.cmpi slt, %broadcast_in_dim3A_137, %lt3A_1424 : vector<16xi32>
        %add3A_1426 = arith.constant 16 : i32
        %add3A_1427 = vector.broadcast %add3A_1426 : i32 to vector<16xi32>
        %add3A_1428 = arith.addi %broadcast_in_dim3A_137, %add3A_1427 : vector<16xi32>
        %select_n3A_1429 = arith.select %lt3A_1425, %add3A_1428, %broadcast_in_dim3A_137 : vector<16xi1>, vector<16xi32>
        %broadcast_in_dim3A_1430 = vector.shape_cast %select_n3A_1429 : vector<16xi32> to vector<16x1xi32>
        %gather3A_1431 = vector.shape_cast %broadcast_in_dim3A_1430 : vector<16x1xi32> to vector<16xi32>
        %gather3A_1432 = tpu.dynamic_gather %while3A_1384[%gather3A_1431] in [0] : vector<16xf32>, vector<16xi32> -> vector<16xf32>
        %mul3A_1433 = arith.mulf %gather3A_1432, %max3A_34 : vector<16xf32>
        %lt3A_1434 = arith.constant 0 : i32
        %lt3A_1435 = vector.broadcast %lt3A_1434 : i32 to vector<16xi32>
        %lt3A_1436 = arith.cmpi slt, %broadcast_in_dim3A_139, %lt3A_1435 : vector<16xi32>
        %add3A_1437 = arith.constant 16 : i32
        %add3A_1438 = vector.broadcast %add3A_1437 : i32 to vector<16xi32>
        %add3A_1439 = arith.addi %broadcast_in_dim3A_139, %add3A_1438 : vector<16xi32>
        %select_n3A_1440 = arith.select %lt3A_1436, %add3A_1439, %broadcast_in_dim3A_139 : vector<16xi1>, vector<16xi32>
        %broadcast_in_dim3A_1441 = vector.shape_cast %select_n3A_1440 : vector<16xi32> to vector<16x1xi32>
        %gather3A_1442 = vector.shape_cast %broadcast_in_dim3A_1441 : vector<16x1xi32> to vector<16xi32>
        %gather3A_1443 = tpu.dynamic_gather %while3A_1384[%gather3A_1442] in [0] : vector<16xf32>, vector<16xi32> -> vector<16xf32>
        %mul3A_1444 = arith.mulf %gather3A_1443, %max3A_42 : vector<16xf32>
        %lt3A_1445 = arith.constant 0 : i32
        %lt3A_1446 = vector.broadcast %lt3A_1445 : i32 to vector<16xi32>
        %lt3A_1447 = arith.cmpi slt, %broadcast_in_dim3A_141, %lt3A_1446 : vector<16xi32>
        %add3A_1448 = arith.constant 16 : i32
        %add3A_1449 = vector.broadcast %add3A_1448 : i32 to vector<16xi32>
        %add3A_1450 = arith.addi %broadcast_in_dim3A_141, %add3A_1449 : vector<16xi32>
        %select_n3A_1451 = arith.select %lt3A_1447, %add3A_1450, %broadcast_in_dim3A_141 : vector<16xi1>, vector<16xi32>
        %broadcast_in_dim3A_1452 = vector.shape_cast %select_n3A_1451 : vector<16xi32> to vector<16x1xi32>
        %gather3A_1453 = vector.shape_cast %broadcast_in_dim3A_1452 : vector<16x1xi32> to vector<16xi32>
        %gather3A_1454 = tpu.dynamic_gather %while3A_1384[%gather3A_1453] in [0] : vector<16xf32>, vector<16xi32> -> vector<16xf32>
        %mul3A_1455 = arith.mulf %gather3A_1454, %max3A_50 : vector<16xf32>
        %lt3A_1456 = arith.constant 0 : i32
        %lt3A_1457 = vector.broadcast %lt3A_1456 : i32 to vector<16xi32>
        %lt3A_1458 = arith.cmpi slt, %broadcast_in_dim3A_143, %lt3A_1457 : vector<16xi32>
        %add3A_1459 = arith.constant 16 : i32
        %add3A_1460 = vector.broadcast %add3A_1459 : i32 to vector<16xi32>
        %add3A_1461 = arith.addi %broadcast_in_dim3A_143, %add3A_1460 : vector<16xi32>
        %select_n3A_1462 = arith.select %lt3A_1458, %add3A_1461, %broadcast_in_dim3A_143 : vector<16xi1>, vector<16xi32>
        %broadcast_in_dim3A_1463 = vector.shape_cast %select_n3A_1462 : vector<16xi32> to vector<16x1xi32>
        %gather3A_1464 = vector.shape_cast %broadcast_in_dim3A_1463 : vector<16x1xi32> to vector<16xi32>
        %gather3A_1465 = tpu.dynamic_gather %while3A_1384[%gather3A_1464] in [0] : vector<16xf32>, vector<16xi32> -> vector<16xf32>
        %mul3A_1466 = arith.mulf %gather3A_1465, %max3A_58 : vector<16xf32>
        %lt3A_1467 = arith.constant 0 : i32
        %lt3A_1468 = vector.broadcast %lt3A_1467 : i32 to vector<16xi32>
        %lt3A_1469 = arith.cmpi slt, %broadcast_in_dim3A_145, %lt3A_1468 : vector<16xi32>
        %add3A_1470 = arith.constant 16 : i32
        %add3A_1471 = vector.broadcast %add3A_1470 : i32 to vector<16xi32>
        %add3A_1472 = arith.addi %broadcast_in_dim3A_145, %add3A_1471 : vector<16xi32>
        %select_n3A_1473 = arith.select %lt3A_1469, %add3A_1472, %broadcast_in_dim3A_145 : vector<16xi1>, vector<16xi32>
        %broadcast_in_dim3A_1474 = vector.shape_cast %select_n3A_1473 : vector<16xi32> to vector<16x1xi32>
        %gather3A_1475 = vector.shape_cast %broadcast_in_dim3A_1474 : vector<16x1xi32> to vector<16xi32>
        %gather3A_1476 = tpu.dynamic_gather %while3A_1384[%gather3A_1475] in [0] : vector<16xf32>, vector<16xi32> -> vector<16xf32>
        %mul3A_1477 = arith.mulf %gather3A_1476, %max3A_66 : vector<16xf32>
        %lt3A_1478 = arith.constant 0 : i32
        %lt3A_1479 = vector.broadcast %lt3A_1478 : i32 to vector<16xi32>
        %lt3A_1480 = arith.cmpi slt, %broadcast_in_dim3A_147, %lt3A_1479 : vector<16xi32>
        %add3A_1481 = arith.constant 16 : i32
        %add3A_1482 = vector.broadcast %add3A_1481 : i32 to vector<16xi32>
        %add3A_1483 = arith.addi %broadcast_in_dim3A_147, %add3A_1482 : vector<16xi32>
        %select_n3A_1484 = arith.select %lt3A_1480, %add3A_1483, %broadcast_in_dim3A_147 : vector<16xi1>, vector<16xi32>
        %broadcast_in_dim3A_1485 = vector.shape_cast %select_n3A_1484 : vector<16xi32> to vector<16x1xi32>
        %gather3A_1486 = vector.shape_cast %broadcast_in_dim3A_1485 : vector<16x1xi32> to vector<16xi32>
        %gather3A_1487 = tpu.dynamic_gather %while3A_1384[%gather3A_1486] in [0] : vector<16xf32>, vector<16xi32> -> vector<16xf32>
        %mul3A_1488 = arith.mulf %gather3A_1487, %max3A_74 : vector<16xf32>
        %lt3A_1489 = arith.constant 0 : i32
        %lt3A_1490 = vector.broadcast %lt3A_1489 : i32 to vector<16xi32>
        %lt3A_1491 = arith.cmpi slt, %broadcast_in_dim3A_149, %lt3A_1490 : vector<16xi32>
        %add3A_1492 = arith.constant 16 : i32
        %add3A_1493 = vector.broadcast %add3A_1492 : i32 to vector<16xi32>
        %add3A_1494 = arith.addi %broadcast_in_dim3A_149, %add3A_1493 : vector<16xi32>
        %select_n3A_1495 = arith.select %lt3A_1491, %add3A_1494, %broadcast_in_dim3A_149 : vector<16xi1>, vector<16xi32>
        %broadcast_in_dim3A_1496 = vector.shape_cast %select_n3A_1495 : vector<16xi32> to vector<16x1xi32>
        %gather3A_1497 = vector.shape_cast %broadcast_in_dim3A_1496 : vector<16x1xi32> to vector<16xi32>
        %gather3A_1498 = tpu.dynamic_gather %while3A_1384[%gather3A_1497] in [0] : vector<16xf32>, vector<16xi32> -> vector<16xf32>
        %mul3A_1499 = arith.mulf %gather3A_1498, %max3A_82 : vector<16xf32>
        %lt3A_1500 = arith.constant 0 : i32
        %lt3A_1501 = vector.broadcast %lt3A_1500 : i32 to vector<16xi32>
        %lt3A_1502 = arith.cmpi slt, %broadcast_in_dim3A_151, %lt3A_1501 : vector<16xi32>
        %add3A_1503 = arith.constant 16 : i32
        %add3A_1504 = vector.broadcast %add3A_1503 : i32 to vector<16xi32>
        %add3A_1505 = arith.addi %broadcast_in_dim3A_151, %add3A_1504 : vector<16xi32>
        %select_n3A_1506 = arith.select %lt3A_1502, %add3A_1505, %broadcast_in_dim3A_151 : vector<16xi1>, vector<16xi32>
        %broadcast_in_dim3A_1507 = vector.shape_cast %select_n3A_1506 : vector<16xi32> to vector<16x1xi32>
        %gather3A_1508 = vector.shape_cast %broadcast_in_dim3A_1507 : vector<16x1xi32> to vector<16xi32>
        %gather3A_1509 = tpu.dynamic_gather %while3A_1384[%gather3A_1508] in [0] : vector<16xf32>, vector<16xi32> -> vector<16xf32>
        %mul3A_1510 = arith.mulf %gather3A_1509, %max3A_90 : vector<16xf32>
        %lt3A_1511 = arith.constant 0 : i32
        %lt3A_1512 = vector.broadcast %lt3A_1511 : i32 to vector<16xi32>
        %lt3A_1513 = arith.cmpi slt, %broadcast_in_dim3A_153, %lt3A_1512 : vector<16xi32>
        %add3A_1514 = arith.constant 16 : i32
        %add3A_1515 = vector.broadcast %add3A_1514 : i32 to vector<16xi32>
        %add3A_1516 = arith.addi %broadcast_in_dim3A_153, %add3A_1515 : vector<16xi32>
        %select_n3A_1517 = arith.select %lt3A_1513, %add3A_1516, %broadcast_in_dim3A_153 : vector<16xi1>, vector<16xi32>
        %broadcast_in_dim3A_1518 = vector.shape_cast %select_n3A_1517 : vector<16xi32> to vector<16x1xi32>
        %gather3A_1519 = vector.shape_cast %broadcast_in_dim3A_1518 : vector<16x1xi32> to vector<16xi32>
        %gather3A_1520 = tpu.dynamic_gather %while3A_1384[%gather3A_1519] in [0] : vector<16xf32>, vector<16xi32> -> vector<16xf32>
        %mul3A_1521 = arith.mulf %gather3A_1520, %max3A_98 : vector<16xf32>
        %lt3A_1522 = arith.constant 0 : i32
        %lt3A_1523 = vector.broadcast %lt3A_1522 : i32 to vector<16xi32>
        %lt3A_1524 = arith.cmpi slt, %broadcast_in_dim3A_155, %lt3A_1523 : vector<16xi32>
        %add3A_1525 = arith.constant 16 : i32
        %add3A_1526 = vector.broadcast %add3A_1525 : i32 to vector<16xi32>
        %add3A_1527 = arith.addi %broadcast_in_dim3A_155, %add3A_1526 : vector<16xi32>
        %select_n3A_1528 = arith.select %lt3A_1524, %add3A_1527, %broadcast_in_dim3A_155 : vector<16xi1>, vector<16xi32>
        %broadcast_in_dim3A_1529 = vector.shape_cast %select_n3A_1528 : vector<16xi32> to vector<16x1xi32>
        %gather3A_1530 = vector.shape_cast %broadcast_in_dim3A_1529 : vector<16x1xi32> to vector<16xi32>
        %gather3A_1531 = tpu.dynamic_gather %while3A_1384[%gather3A_1530] in [0] : vector<16xf32>, vector<16xi32> -> vector<16xf32>
        %mul3A_1532 = arith.mulf %gather3A_1531, %max3A_106 : vector<16xf32>
        %lt3A_1533 = arith.constant 0 : i32
        %lt3A_1534 = vector.broadcast %lt3A_1533 : i32 to vector<16xi32>
        %lt3A_1535 = arith.cmpi slt, %broadcast_in_dim3A_157, %lt3A_1534 : vector<16xi32>
        %add3A_1536 = arith.constant 16 : i32
        %add3A_1537 = vector.broadcast %add3A_1536 : i32 to vector<16xi32>
        %add3A_1538 = arith.addi %broadcast_in_dim3A_157, %add3A_1537 : vector<16xi32>
        %select_n3A_1539 = arith.select %lt3A_1535, %add3A_1538, %broadcast_in_dim3A_157 : vector<16xi1>, vector<16xi32>
        %broadcast_in_dim3A_1540 = vector.shape_cast %select_n3A_1539 : vector<16xi32> to vector<16x1xi32>
        %gather3A_1541 = vector.shape_cast %broadcast_in_dim3A_1540 : vector<16x1xi32> to vector<16xi32>
        %gather3A_1542 = tpu.dynamic_gather %while3A_1384[%gather3A_1541] in [0] : vector<16xf32>, vector<16xi32> -> vector<16xf32>
        %mul3A_1543 = arith.mulf %gather3A_1542, %max3A_114 : vector<16xf32>
        %lt3A_1544 = arith.constant 0 : i32
        %lt3A_1545 = vector.broadcast %lt3A_1544 : i32 to vector<16xi32>
        %lt3A_1546 = arith.cmpi slt, %broadcast_in_dim3A_159, %lt3A_1545 : vector<16xi32>
        %add3A_1547 = arith.constant 16 : i32
        %add3A_1548 = vector.broadcast %add3A_1547 : i32 to vector<16xi32>
        %add3A_1549 = arith.addi %broadcast_in_dim3A_159, %add3A_1548 : vector<16xi32>
        %select_n3A_1550 = arith.select %lt3A_1546, %add3A_1549, %broadcast_in_dim3A_159 : vector<16xi1>, vector<16xi32>
        %broadcast_in_dim3A_1551 = vector.shape_cast %select_n3A_1550 : vector<16xi32> to vector<16x1xi32>
        %gather3A_1552 = vector.shape_cast %broadcast_in_dim3A_1551 : vector<16x1xi32> to vector<16xi32>
        %gather3A_1553 = tpu.dynamic_gather %while3A_1384[%gather3A_1552] in [0] : vector<16xf32>, vector<16xi32> -> vector<16xf32>
        %mul3A_1554 = arith.mulf %gather3A_1553, %max3A_122 : vector<16xf32>
        %lt3A_1555 = arith.constant 0 : i32
        %lt3A_1556 = vector.broadcast %lt3A_1555 : i32 to vector<16xi32>
        %lt3A_1557 = arith.cmpi slt, %broadcast_in_dim3A_161, %lt3A_1556 : vector<16xi32>
        %add3A_1558 = arith.constant 16 : i32
        %add3A_1559 = vector.broadcast %add3A_1558 : i32 to vector<16xi32>
        %add3A_1560 = arith.addi %broadcast_in_dim3A_161, %add3A_1559 : vector<16xi32>
        %select_n3A_1561 = arith.select %lt3A_1557, %add3A_1560, %broadcast_in_dim3A_161 : vector<16xi1>, vector<16xi32>
        %broadcast_in_dim3A_1562 = vector.shape_cast %select_n3A_1561 : vector<16xi32> to vector<16x1xi32>
        %gather3A_1563 = vector.shape_cast %broadcast_in_dim3A_1562 : vector<16x1xi32> to vector<16xi32>
        %gather3A_1564 = tpu.dynamic_gather %while3A_1384[%gather3A_1563] in [0] : vector<16xf32>, vector<16xi32> -> vector<16xf32>
        %mul3A_1565 = arith.mulf %gather3A_1564, %max3A_130 : vector<16xf32>
        %add3A_1566 = arith.addf %mul3A_1400, %mul3A_1411 : vector<16xf32>
        %add3A_1567 = arith.addf %mul3A_1422, %mul3A_1433 : vector<16xf32>
        %add3A_1568 = arith.addf %mul3A_1444, %mul3A_1455 : vector<16xf32>
        %add3A_1569 = arith.addf %mul3A_1466, %mul3A_1477 : vector<16xf32>
        %add3A_1570 = arith.addf %mul3A_1488, %mul3A_1499 : vector<16xf32>
        %add3A_1571 = arith.addf %mul3A_1510, %mul3A_1521 : vector<16xf32>
        %add3A_1572 = arith.addf %mul3A_1532, %mul3A_1543 : vector<16xf32>
        %add3A_1573 = arith.addf %mul3A_1554, %mul3A_1565 : vector<16xf32>
        %add3A_1574 = arith.addf %add3A_1566, %add3A_1567 : vector<16xf32>
        %add3A_1575 = arith.addf %add3A_1568, %add3A_1569 : vector<16xf32>
        %add3A_1576 = arith.addf %add3A_1570, %add3A_1571 : vector<16xf32>
        %add3A_1577 = arith.addf %add3A_1572, %add3A_1573 : vector<16xf32>
        %add3A_1578 = arith.addf %add3A_1574, %add3A_1575 : vector<16xf32>
        %add3A_1579 = arith.addf %add3A_1576, %add3A_1577 : vector<16xf32>
        %add3A_1580 = arith.addf %add3A_1578, %add3A_1579 : vector<16xf32>
        %mul3A_1581 = arith.mulf %add3A_1580, %get3A_1389 : vector<16xf32>
        scf.yield %mul3A_1581 : vector<16xf32>
      }
      %lt3A_250 = arith.constant 0 : i32
      %lt3A_251 = vector.broadcast %lt3A_250 : i32 to vector<16xi32>
      %lt3A_252 = arith.cmpi slt, %xor3A_163, %lt3A_251 : vector<16xi32>
      %add3A = arith.constant 16 : i32
      %add3A_253 = vector.broadcast %add3A : i32 to vector<16xi32>
      %add3A_254 = arith.addi %xor3A_163, %add3A_253 : vector<16xi32>
      %select_n3A_255 = arith.select %lt3A_252, %add3A_254, %xor3A_163 : vector<16xi1>, vector<16xi32>
      %broadcast_in_dim3A_256 = vector.shape_cast %select_n3A_255 : vector<16xi32> to vector<16x1xi32>
      %gather3A = vector.shape_cast %broadcast_in_dim3A_256 : vector<16x1xi32> to vector<16xi32>
      %gather3A_257 = tpu.dynamic_gather %while3A_249[%gather3A] in [0] : vector<16xf32>, vector<16xi32> -> vector<16xf32>
      %add3A_258 = arith.addf %while3A_249, %gather3A_257 : vector<16xf32>
      %lt3A_259 = arith.constant 0 : i32
      %lt3A_260 = vector.broadcast %lt3A_259 : i32 to vector<16xi32>
      %lt3A_261 = arith.cmpi slt, %xor3A_166, %lt3A_260 : vector<16xi32>
      %add3A_262 = arith.constant 16 : i32
      %add3A_263 = vector.broadcast %add3A_262 : i32 to vector<16xi32>
      %add3A_264 = arith.addi %xor3A_166, %add3A_263 : vector<16xi32>
      %select_n3A_265 = arith.select %lt3A_261, %add3A_264, %xor3A_166 : vector<16xi1>, vector<16xi32>
      %broadcast_in_dim3A_266 = vector.shape_cast %select_n3A_265 : vector<16xi32> to vector<16x1xi32>
      %gather3A_267 = vector.shape_cast %broadcast_in_dim3A_266 : vector<16x1xi32> to vector<16xi32>
      %gather3A_268 = tpu.dynamic_gather %add3A_258[%gather3A_267] in [0] : vector<16xf32>, vector<16xi32> -> vector<16xf32>
      %add3A_269 = arith.addf %add3A_258, %gather3A_268 : vector<16xf32>
      %lt3A_270 = arith.constant 0 : i32
      %lt3A_271 = vector.broadcast %lt3A_270 : i32 to vector<16xi32>
      %lt3A_272 = arith.cmpi slt, %xor3A_169, %lt3A_271 : vector<16xi32>
      %add3A_273 = arith.constant 16 : i32
      %add3A_274 = vector.broadcast %add3A_273 : i32 to vector<16xi32>
      %add3A_275 = arith.addi %xor3A_169, %add3A_274 : vector<16xi32>
      %select_n3A_276 = arith.select %lt3A_272, %add3A_275, %xor3A_169 : vector<16xi1>, vector<16xi32>
      %broadcast_in_dim3A_277 = vector.shape_cast %select_n3A_276 : vector<16xi32> to vector<16x1xi32>
      %gather3A_278 = vector.shape_cast %broadcast_in_dim3A_277 : vector<16x1xi32> to vector<16xi32>
      %gather3A_279 = tpu.dynamic_gather %add3A_269[%gather3A_278] in [0] : vector<16xf32>, vector<16xi32> -> vector<16xf32>
      %add3A_280 = arith.addf %add3A_269, %gather3A_279 : vector<16xf32>
      %lt3A_281 = arith.constant 0 : i32
      %lt3A_282 = vector.broadcast %lt3A_281 : i32 to vector<16xi32>
      %lt3A_283 = arith.cmpi slt, %xor3A_172, %lt3A_282 : vector<16xi32>
      %add3A_284 = arith.constant 16 : i32
      %add3A_285 = vector.broadcast %add3A_284 : i32 to vector<16xi32>
      %add3A_286 = arith.addi %xor3A_172, %add3A_285 : vector<16xi32>
      %select_n3A_287 = arith.select %lt3A_283, %add3A_286, %xor3A_172 : vector<16xi1>, vector<16xi32>
      %broadcast_in_dim3A_288 = vector.shape_cast %select_n3A_287 : vector<16xi32> to vector<16x1xi32>
      %gather3A_289 = vector.shape_cast %broadcast_in_dim3A_288 : vector<16x1xi32> to vector<16xi32>
      %gather3A_290 = tpu.dynamic_gather %add3A_280[%gather3A_289] in [0] : vector<16xf32>, vector<16xi32> -> vector<16xf32>
      %add3A_291 = arith.addf %add3A_280, %gather3A_290 : vector<16xf32>
      %get3A_292 = arith.constant 0 : index
      %get3A_293 = tpu.vector_load %arg10[%get3A_292] {strides = array<i32>} : memref<128xf32, #tpu.memory_space<vmem>>, vector<16xf32>,
      %get3A_294 = vector.shape_cast %get3A_293 : vector<16xf32> to vector<16xf32>
      %mul3A_295 = arith.constant 1.20892582E+24 : f32
      %mul3A_296 = vector.broadcast %mul3A_295 : f32 to vector<16xf32>
      %mul3A_297 = arith.mulf %get3A_294, %mul3A_296 : vector<16xf32>
      %broadcast_in_dim3A_298 = arith.constant -8.000000e+01 : f32
      %broadcast_in_dim3A_299 = vector.broadcast %broadcast_in_dim3A_298 : f32 to vector<16xf32>
      %ge3A = arith.constant 1.84467441E+19 : f32
      %ge3A_300 = vector.broadcast %ge3A : f32 to vector<16xf32>
      %ge3A_301 = arith.cmpf oge, %mul3A_297, %ge3A_300 : vector<16xf32>
      %mul3A_302 = arith.constant 5.42101086E-20 : f32
      %mul3A_303 = vector.broadcast %mul3A_302 : f32 to vector<16xf32>
      %mul3A_304 = arith.mulf %mul3A_297, %mul3A_303 : vector<16xf32>
      %select_n3A_305 = arith.select %ge3A_301, %mul3A_304, %mul3A_297 : vector<16xi1>, vector<16xf32>
      %add3A_306 = arith.constant 6.400000e+01 : f32
      %add3A_307 = vector.broadcast %add3A_306 : f32 to vector<16xf32>
      %add3A_308 = arith.addf %broadcast_in_dim3A_299, %add3A_307 : vector<16xf32>
      %select_n3A_309 = arith.select %ge3A_301, %add3A_308, %broadcast_in_dim3A_299 : vector<16xi1>, vector<16xf32>
      %ge3A_310 = arith.constant 4.2949673E+9 : f32
      %ge3A_311 = vector.broadcast %ge3A_310 : f32 to vector<16xf32>
      %ge3A_312 = arith.cmpf oge, %select_n3A_305, %ge3A_311 : vector<16xf32>
      %mul3A_313 = arith.constant 2.32830644E-10 : f32
      %mul3A_314 = vector.broadcast %mul3A_313 : f32 to vector<16xf32>
      %mul3A_315 = arith.mulf %select_n3A_305, %mul3A_314 : vector<16xf32>
      %select_n3A_316 = arith.select %ge3A_312, %mul3A_315, %select_n3A_305 : vector<16xi1>, vector<16xf32>
      %add3A_317 = arith.constant 3.200000e+01 : f32
      %add3A_318 = vector.broadcast %add3A_317 : f32 to vector<16xf32>
      %add3A_319 = arith.addf %select_n3A_309, %add3A_318 : vector<16xf32>
      %select_n3A_320 = arith.select %ge3A_312, %add3A_319, %select_n3A_309 : vector<16xi1>, vector<16xf32>
      %ge3A_321 = arith.constant 6.553600e+04 : f32
      %ge3A_322 = vector.broadcast %ge3A_321 : f32 to vector<16xf32>
      %ge3A_323 = arith.cmpf oge, %select_n3A_316, %ge3A_322 : vector<16xf32>
      %mul3A_324 = arith.constant 1.52587891E-5 : f32
      %mul3A_325 = vector.broadcast %mul3A_324 : f32 to vector<16xf32>
      %mul3A_326 = arith.mulf %select_n3A_316, %mul3A_325 : vector<16xf32>
      %select_n3A_327 = arith.select %ge3A_323, %mul3A_326, %select_n3A_316 : vector<16xi1>, vector<16xf32>
      %add3A_328 = arith.constant 1.600000e+01 : f32
      %add3A_329 = vector.broadcast %add3A_328 : f32 to vector<16xf32>
      %add3A_330 = arith.addf %select_n3A_320, %add3A_329 : vector<16xf32>
      %select_n3A_331 = arith.select %ge3A_323, %add3A_330, %select_n3A_320 : vector<16xi1>, vector<16xf32>
      %ge3A_332 = arith.constant 2.560000e+02 : f32
      %ge3A_333 = vector.broadcast %ge3A_332 : f32 to vector<16xf32>
      %ge3A_334 = arith.cmpf oge, %select_n3A_327, %ge3A_333 : vector<16xf32>
      %mul3A_335 = arith.constant 3.906250e-03 : f32
      %mul3A_336 = vector.broadcast %mul3A_335 : f32 to vector<16xf32>
      %mul3A_337 = arith.mulf %select_n3A_327, %mul3A_336 : vector<16xf32>
      %select_n3A_338 = arith.select %ge3A_334, %mul3A_337, %select_n3A_327 : vector<16xi1>, vector<16xf32>
      %add3A_339 = arith.constant 8.000000e+00 : f32
      %add3A_340 = vector.broadcast %add3A_339 : f32 to vector<16xf32>
      %add3A_341 = arith.addf %select_n3A_331, %add3A_340 : vector<16xf32>
      %select_n3A_342 = arith.select %ge3A_334, %add3A_341, %select_n3A_331 : vector<16xi1>, vector<16xf32>
      %ge3A_343 = arith.constant 1.600000e+01 : f32
      %ge3A_344 = vector.broadcast %ge3A_343 : f32 to vector<16xf32>
      %ge3A_345 = arith.cmpf oge, %select_n3A_338, %ge3A_344 : vector<16xf32>
      %mul3A_346 = arith.constant 6.250000e-02 : f32
      %mul3A_347 = vector.broadcast %mul3A_346 : f32 to vector<16xf32>
      %mul3A_348 = arith.mulf %select_n3A_338, %mul3A_347 : vector<16xf32>
      %select_n3A_349 = arith.select %ge3A_345, %mul3A_348, %select_n3A_338 : vector<16xi1>, vector<16xf32>
      %add3A_350 = arith.constant 4.000000e+00 : f32
      %add3A_351 = vector.broadcast %add3A_350 : f32 to vector<16xf32>
      %add3A_352 = arith.addf %select_n3A_342, %add3A_351 : vector<16xf32>
      %select_n3A_353 = arith.select %ge3A_345, %add3A_352, %select_n3A_342 : vector<16xi1>, vector<16xf32>
      %ge3A_354 = arith.constant 4.000000e+00 : f32
      %ge3A_355 = vector.broadcast %ge3A_354 : f32 to vector<16xf32>
      %ge3A_356 = arith.cmpf oge, %select_n3A_349, %ge3A_355 : vector<16xf32>
      %mul3A_357 = arith.constant 2.500000e-01 : f32
      %mul3A_358 = vector.broadcast %mul3A_357 : f32 to vector<16xf32>
      %mul3A_359 = arith.mulf %select_n3A_349, %mul3A_358 : vector<16xf32>
      %select_n3A_360 = arith.select %ge3A_356, %mul3A_359, %select_n3A_349 : vector<16xi1>, vector<16xf32>
      %add3A_361 = arith.constant 2.000000e+00 : f32
      %add3A_362 = vector.broadcast %add3A_361 : f32 to vector<16xf32>
      %add3A_363 = arith.addf %select_n3A_353, %add3A_362 : vector<16xf32>
      %select_n3A_364 = arith.select %ge3A_356, %add3A_363, %select_n3A_353 : vector<16xi1>, vector<16xf32>
      %ge3A_365 = arith.constant 2.000000e+00 : f32
      %ge3A_366 = vector.broadcast %ge3A_365 : f32 to vector<16xf32>
      %ge3A_367 = arith.cmpf oge, %select_n3A_360, %ge3A_366 : vector<16xf32>
      %mul3A_368 = arith.constant 5.000000e-01 : f32
      %mul3A_369 = vector.broadcast %mul3A_368 : f32 to vector<16xf32>
      %mul3A_370 = arith.mulf %select_n3A_360, %mul3A_369 : vector<16xf32>
      %select_n3A_371 = arith.select %ge3A_367, %mul3A_370, %select_n3A_360 : vector<16xi1>, vector<16xf32>
      %add3A_372 = arith.constant 1.000000e+00 : f32
      %add3A_373 = vector.broadcast %add3A_372 : f32 to vector<16xf32>
      %add3A_374 = arith.addf %select_n3A_364, %add3A_373 : vector<16xf32>
      %select_n3A_375 = arith.select %ge3A_367, %add3A_374, %select_n3A_364 : vector<16xi1>, vector<16xf32>
      %broadcast_in_dim3A_376 = arith.constant -0.0248259846 : f32
      %broadcast_in_dim3A_377 = vector.broadcast %broadcast_in_dim3A_376 : f32 to vector<16xf32>
      %mul3A_378 = arith.mulf %broadcast_in_dim3A_377, %select_n3A_371 : vector<16xf32>
      %add3A_379 = arith.constant 0.26686278 : f32
      %add3A_380 = vector.broadcast %add3A_379 : f32 to vector<16xf32>
      %add3A_381 = arith.addf %mul3A_378, %add3A_380 : vector<16xf32>
      %mul3A_382 = arith.mulf %add3A_381, %select_n3A_371 : vector<16xf32>
      %add3A_383 = arith.constant -1.23427987 : f32
      %add3A_384 = vector.broadcast %add3A_383 : f32 to vector<16xf32>
      %add3A_385 = arith.addf %mul3A_382, %add3A_384 : vector<16xf32>
      %mul3A_386 = arith.mulf %add3A_385, %select_n3A_371 : vector<16xf32>
      %add3A_387 = arith.constant 3.218870e+00 : f32
      %add3A_388 = vector.broadcast %add3A_387 : f32 to vector<16xf32>
      %add3A_389 = arith.addf %mul3A_386, %add3A_388 : vector<16xf32>
      %mul3A_390 = arith.mulf %add3A_389, %select_n3A_371 : vector<16xf32>
      %add3A_391 = arith.constant -5.26415539 : f32
      %add3A_392 = vector.broadcast %add3A_391 : f32 to vector<16xf32>
      %add3A_393 = arith.addf %mul3A_390, %add3A_392 : vector<16xf32>
      %mul3A_394 = arith.mulf %add3A_393, %select_n3A_371 : vector<16xf32>
      %add3A_395 = arith.constant 6.06585884 : f32
      %add3A_396 = vector.broadcast %add3A_395 : f32 to vector<16xf32>
      %add3A_397 = arith.addf %mul3A_394, %add3A_396 : vector<16xf32>
      %mul3A_398 = arith.mulf %add3A_397, %select_n3A_371 : vector<16xf32>
      %add3A_399 = arith.constant -3.02832508 : f32
      %add3A_400 = vector.broadcast %add3A_399 : f32 to vector<16xf32>
      %add3A_401 = arith.addf %mul3A_398, %add3A_400 : vector<16xf32>
      %add3A_402 = arith.addf %select_n3A_375, %add3A_401 : vector<16xf32>
      %mul3A_403 = arith.constant 0.693147182 : f32
      %mul3A_404 = vector.broadcast %mul3A_403 : f32 to vector<16xf32>
      %mul3A_405 = arith.mulf %add3A_402, %mul3A_404 : vector<16xf32>
      %get3A_406 = arith.constant 16 : index
      %get3A_407 = tpu.vector_load %arg10[%get3A_406] {strides = array<i32>} : memref<128xf32, #tpu.memory_space<vmem>>, vector<16xf32>,
      %get3A_408 = vector.shape_cast %get3A_407 : vector<16xf32> to vector<16xf32>
      %mul3A_409 = arith.constant 1.20892582E+24 : f32
      %mul3A_410 = vector.broadcast %mul3A_409 : f32 to vector<16xf32>
      %mul3A_411 = arith.mulf %get3A_408, %mul3A_410 : vector<16xf32>
      %broadcast_in_dim3A_412 = arith.constant -8.000000e+01 : f32
      %broadcast_in_dim3A_413 = vector.broadcast %broadcast_in_dim3A_412 : f32 to vector<16xf32>
      %ge3A_414 = arith.constant 1.84467441E+19 : f32
      %ge3A_415 = vector.broadcast %ge3A_414 : f32 to vector<16xf32>
      %ge3A_416 = arith.cmpf oge, %mul3A_411, %ge3A_415 : vector<16xf32>
      %mul3A_417 = arith.constant 5.42101086E-20 : f32
      %mul3A_418 = vector.broadcast %mul3A_417 : f32 to vector<16xf32>
      %mul3A_419 = arith.mulf %mul3A_411, %mul3A_418 : vector<16xf32>
      %select_n3A_420 = arith.select %ge3A_416, %mul3A_419, %mul3A_411 : vector<16xi1>, vector<16xf32>
      %add3A_421 = arith.constant 6.400000e+01 : f32
      %add3A_422 = vector.broadcast %add3A_421 : f32 to vector<16xf32>
      %add3A_423 = arith.addf %broadcast_in_dim3A_413, %add3A_422 : vector<16xf32>
      %select_n3A_424 = arith.select %ge3A_416, %add3A_423, %broadcast_in_dim3A_413 : vector<16xi1>, vector<16xf32>
      %ge3A_425 = arith.constant 4.2949673E+9 : f32
      %ge3A_426 = vector.broadcast %ge3A_425 : f32 to vector<16xf32>
      %ge3A_427 = arith.cmpf oge, %select_n3A_420, %ge3A_426 : vector<16xf32>
      %mul3A_428 = arith.constant 2.32830644E-10 : f32
      %mul3A_429 = vector.broadcast %mul3A_428 : f32 to vector<16xf32>
      %mul3A_430 = arith.mulf %select_n3A_420, %mul3A_429 : vector<16xf32>
      %select_n3A_431 = arith.select %ge3A_427, %mul3A_430, %select_n3A_420 : vector<16xi1>, vector<16xf32>
      %add3A_432 = arith.constant 3.200000e+01 : f32
      %add3A_433 = vector.broadcast %add3A_432 : f32 to vector<16xf32>
      %add3A_434 = arith.addf %select_n3A_424, %add3A_433 : vector<16xf32>
      %select_n3A_435 = arith.select %ge3A_427, %add3A_434, %select_n3A_424 : vector<16xi1>, vector<16xf32>
      %ge3A_436 = arith.constant 6.553600e+04 : f32
      %ge3A_437 = vector.broadcast %ge3A_436 : f32 to vector<16xf32>
      %ge3A_438 = arith.cmpf oge, %select_n3A_431, %ge3A_437 : vector<16xf32>
      %mul3A_439 = arith.constant 1.52587891E-5 : f32
      %mul3A_440 = vector.broadcast %mul3A_439 : f32 to vector<16xf32>
      %mul3A_441 = arith.mulf %select_n3A_431, %mul3A_440 : vector<16xf32>
      %select_n3A_442 = arith.select %ge3A_438, %mul3A_441, %select_n3A_431 : vector<16xi1>, vector<16xf32>
      %add3A_443 = arith.constant 1.600000e+01 : f32
      %add3A_444 = vector.broadcast %add3A_443 : f32 to vector<16xf32>
      %add3A_445 = arith.addf %select_n3A_435, %add3A_444 : vector<16xf32>
      %select_n3A_446 = arith.select %ge3A_438, %add3A_445, %select_n3A_435 : vector<16xi1>, vector<16xf32>
      %ge3A_447 = arith.constant 2.560000e+02 : f32
      %ge3A_448 = vector.broadcast %ge3A_447 : f32 to vector<16xf32>
      %ge3A_449 = arith.cmpf oge, %select_n3A_442, %ge3A_448 : vector<16xf32>
      %mul3A_450 = arith.constant 3.906250e-03 : f32
      %mul3A_451 = vector.broadcast %mul3A_450 : f32 to vector<16xf32>
      %mul3A_452 = arith.mulf %select_n3A_442, %mul3A_451 : vector<16xf32>
      %select_n3A_453 = arith.select %ge3A_449, %mul3A_452, %select_n3A_442 : vector<16xi1>, vector<16xf32>
      %add3A_454 = arith.constant 8.000000e+00 : f32
      %add3A_455 = vector.broadcast %add3A_454 : f32 to vector<16xf32>
      %add3A_456 = arith.addf %select_n3A_446, %add3A_455 : vector<16xf32>
      %select_n3A_457 = arith.select %ge3A_449, %add3A_456, %select_n3A_446 : vector<16xi1>, vector<16xf32>
      %ge3A_458 = arith.constant 1.600000e+01 : f32
      %ge3A_459 = vector.broadcast %ge3A_458 : f32 to vector<16xf32>
      %ge3A_460 = arith.cmpf oge, %select_n3A_453, %ge3A_459 : vector<16xf32>
      %mul3A_461 = arith.constant 6.250000e-02 : f32
      %mul3A_462 = vector.broadcast %mul3A_461 : f32 to vector<16xf32>
      %mul3A_463 = arith.mulf %select_n3A_453, %mul3A_462 : vector<16xf32>
      %select_n3A_464 = arith.select %ge3A_460, %mul3A_463, %select_n3A_453 : vector<16xi1>, vector<16xf32>
      %add3A_465 = arith.constant 4.000000e+00 : f32
      %add3A_466 = vector.broadcast %add3A_465 : f32 to vector<16xf32>
      %add3A_467 = arith.addf %select_n3A_457, %add3A_466 : vector<16xf32>
      %select_n3A_468 = arith.select %ge3A_460, %add3A_467, %select_n3A_457 : vector<16xi1>, vector<16xf32>
      %ge3A_469 = arith.constant 4.000000e+00 : f32
      %ge3A_470 = vector.broadcast %ge3A_469 : f32 to vector<16xf32>
      %ge3A_471 = arith.cmpf oge, %select_n3A_464, %ge3A_470 : vector<16xf32>
      %mul3A_472 = arith.constant 2.500000e-01 : f32
      %mul3A_473 = vector.broadcast %mul3A_472 : f32 to vector<16xf32>
      %mul3A_474 = arith.mulf %select_n3A_464, %mul3A_473 : vector<16xf32>
      %select_n3A_475 = arith.select %ge3A_471, %mul3A_474, %select_n3A_464 : vector<16xi1>, vector<16xf32>
      %add3A_476 = arith.constant 2.000000e+00 : f32
      %add3A_477 = vector.broadcast %add3A_476 : f32 to vector<16xf32>
      %add3A_478 = arith.addf %select_n3A_468, %add3A_477 : vector<16xf32>
      %select_n3A_479 = arith.select %ge3A_471, %add3A_478, %select_n3A_468 : vector<16xi1>, vector<16xf32>
      %ge3A_480 = arith.constant 2.000000e+00 : f32
      %ge3A_481 = vector.broadcast %ge3A_480 : f32 to vector<16xf32>
      %ge3A_482 = arith.cmpf oge, %select_n3A_475, %ge3A_481 : vector<16xf32>
      %mul3A_483 = arith.constant 5.000000e-01 : f32
      %mul3A_484 = vector.broadcast %mul3A_483 : f32 to vector<16xf32>
      %mul3A_485 = arith.mulf %select_n3A_475, %mul3A_484 : vector<16xf32>
      %select_n3A_486 = arith.select %ge3A_482, %mul3A_485, %select_n3A_475 : vector<16xi1>, vector<16xf32>
      %add3A_487 = arith.constant 1.000000e+00 : f32
      %add3A_488 = vector.broadcast %add3A_487 : f32 to vector<16xf32>
      %add3A_489 = arith.addf %select_n3A_479, %add3A_488 : vector<16xf32>
      %select_n3A_490 = arith.select %ge3A_482, %add3A_489, %select_n3A_479 : vector<16xi1>, vector<16xf32>
      %broadcast_in_dim3A_491 = arith.constant -0.0248259846 : f32
      %broadcast_in_dim3A_492 = vector.broadcast %broadcast_in_dim3A_491 : f32 to vector<16xf32>
      %mul3A_493 = arith.mulf %broadcast_in_dim3A_492, %select_n3A_486 : vector<16xf32>
      %add3A_494 = arith.constant 0.26686278 : f32
      %add3A_495 = vector.broadcast %add3A_494 : f32 to vector<16xf32>
      %add3A_496 = arith.addf %mul3A_493, %add3A_495 : vector<16xf32>
      %mul3A_497 = arith.mulf %add3A_496, %select_n3A_486 : vector<16xf32>
      %add3A_498 = arith.constant -1.23427987 : f32
      %add3A_499 = vector.broadcast %add3A_498 : f32 to vector<16xf32>
      %add3A_500 = arith.addf %mul3A_497, %add3A_499 : vector<16xf32>
      %mul3A_501 = arith.mulf %add3A_500, %select_n3A_486 : vector<16xf32>
      %add3A_502 = arith.constant 3.218870e+00 : f32
      %add3A_503 = vector.broadcast %add3A_502 : f32 to vector<16xf32>
      %add3A_504 = arith.addf %mul3A_501, %add3A_503 : vector<16xf32>
      %mul3A_505 = arith.mulf %add3A_504, %select_n3A_486 : vector<16xf32>
      %add3A_506 = arith.constant -5.26415539 : f32
      %add3A_507 = vector.broadcast %add3A_506 : f32 to vector<16xf32>
      %add3A_508 = arith.addf %mul3A_505, %add3A_507 : vector<16xf32>
      %mul3A_509 = arith.mulf %add3A_508, %select_n3A_486 : vector<16xf32>
      %add3A_510 = arith.constant 6.06585884 : f32
      %add3A_511 = vector.broadcast %add3A_510 : f32 to vector<16xf32>
      %add3A_512 = arith.addf %mul3A_509, %add3A_511 : vector<16xf32>
      %mul3A_513 = arith.mulf %add3A_512, %select_n3A_486 : vector<16xf32>
      %add3A_514 = arith.constant -3.02832508 : f32
      %add3A_515 = vector.broadcast %add3A_514 : f32 to vector<16xf32>
      %add3A_516 = arith.addf %mul3A_513, %add3A_515 : vector<16xf32>
      %add3A_517 = arith.addf %select_n3A_490, %add3A_516 : vector<16xf32>
      %mul3A_518 = arith.constant 0.693147182 : f32
      %mul3A_519 = vector.broadcast %mul3A_518 : f32 to vector<16xf32>
      %mul3A_520 = arith.mulf %add3A_517, %mul3A_519 : vector<16xf32>
      %add3A_521 = arith.addf %mul3A_405, %mul3A_520 : vector<16xf32>
      %get3A_522 = arith.constant 32 : index
      %get3A_523 = tpu.vector_load %arg10[%get3A_522] {strides = array<i32>} : memref<128xf32, #tpu.memory_space<vmem>>, vector<16xf32>,
      %get3A_524 = vector.shape_cast %get3A_523 : vector<16xf32> to vector<16xf32>
      %mul3A_525 = arith.constant 1.20892582E+24 : f32
      %mul3A_526 = vector.broadcast %mul3A_525 : f32 to vector<16xf32>
      %mul3A_527 = arith.mulf %get3A_524, %mul3A_526 : vector<16xf32>
      %broadcast_in_dim3A_528 = arith.constant -8.000000e+01 : f32
      %broadcast_in_dim3A_529 = vector.broadcast %broadcast_in_dim3A_528 : f32 to vector<16xf32>
      %ge3A_530 = arith.constant 1.84467441E+19 : f32
      %ge3A_531 = vector.broadcast %ge3A_530 : f32 to vector<16xf32>
      %ge3A_532 = arith.cmpf oge, %mul3A_527, %ge3A_531 : vector<16xf32>
      %mul3A_533 = arith.constant 5.42101086E-20 : f32
      %mul3A_534 = vector.broadcast %mul3A_533 : f32 to vector<16xf32>
      %mul3A_535 = arith.mulf %mul3A_527, %mul3A_534 : vector<16xf32>
      %select_n3A_536 = arith.select %ge3A_532, %mul3A_535, %mul3A_527 : vector<16xi1>, vector<16xf32>
      %add3A_537 = arith.constant 6.400000e+01 : f32
      %add3A_538 = vector.broadcast %add3A_537 : f32 to vector<16xf32>
      %add3A_539 = arith.addf %broadcast_in_dim3A_529, %add3A_538 : vector<16xf32>
      %select_n3A_540 = arith.select %ge3A_532, %add3A_539, %broadcast_in_dim3A_529 : vector<16xi1>, vector<16xf32>
      %ge3A_541 = arith.constant 4.2949673E+9 : f32
      %ge3A_542 = vector.broadcast %ge3A_541 : f32 to vector<16xf32>
      %ge3A_543 = arith.cmpf oge, %select_n3A_536, %ge3A_542 : vector<16xf32>
      %mul3A_544 = arith.constant 2.32830644E-10 : f32
      %mul3A_545 = vector.broadcast %mul3A_544 : f32 to vector<16xf32>
      %mul3A_546 = arith.mulf %select_n3A_536, %mul3A_545 : vector<16xf32>
      %select_n3A_547 = arith.select %ge3A_543, %mul3A_546, %select_n3A_536 : vector<16xi1>, vector<16xf32>
      %add3A_548 = arith.constant 3.200000e+01 : f32
      %add3A_549 = vector.broadcast %add3A_548 : f32 to vector<16xf32>
      %add3A_550 = arith.addf %select_n3A_540, %add3A_549 : vector<16xf32>
      %select_n3A_551 = arith.select %ge3A_543, %add3A_550, %select_n3A_540 : vector<16xi1>, vector<16xf32>
      %ge3A_552 = arith.constant 6.553600e+04 : f32
      %ge3A_553 = vector.broadcast %ge3A_552 : f32 to vector<16xf32>
      %ge3A_554 = arith.cmpf oge, %select_n3A_547, %ge3A_553 : vector<16xf32>
      %mul3A_555 = arith.constant 1.52587891E-5 : f32
      %mul3A_556 = vector.broadcast %mul3A_555 : f32 to vector<16xf32>
      %mul3A_557 = arith.mulf %select_n3A_547, %mul3A_556 : vector<16xf32>
      %select_n3A_558 = arith.select %ge3A_554, %mul3A_557, %select_n3A_547 : vector<16xi1>, vector<16xf32>
      %add3A_559 = arith.constant 1.600000e+01 : f32
      %add3A_560 = vector.broadcast %add3A_559 : f32 to vector<16xf32>
      %add3A_561 = arith.addf %select_n3A_551, %add3A_560 : vector<16xf32>
      %select_n3A_562 = arith.select %ge3A_554, %add3A_561, %select_n3A_551 : vector<16xi1>, vector<16xf32>
      %ge3A_563 = arith.constant 2.560000e+02 : f32
      %ge3A_564 = vector.broadcast %ge3A_563 : f32 to vector<16xf32>
      %ge3A_565 = arith.cmpf oge, %select_n3A_558, %ge3A_564 : vector<16xf32>
      %mul3A_566 = arith.constant 3.906250e-03 : f32
      %mul3A_567 = vector.broadcast %mul3A_566 : f32 to vector<16xf32>
      %mul3A_568 = arith.mulf %select_n3A_558, %mul3A_567 : vector<16xf32>
      %select_n3A_569 = arith.select %ge3A_565, %mul3A_568, %select_n3A_558 : vector<16xi1>, vector<16xf32>
      %add3A_570 = arith.constant 8.000000e+00 : f32
      %add3A_571 = vector.broadcast %add3A_570 : f32 to vector<16xf32>
      %add3A_572 = arith.addf %select_n3A_562, %add3A_571 : vector<16xf32>
      %select_n3A_573 = arith.select %ge3A_565, %add3A_572, %select_n3A_562 : vector<16xi1>, vector<16xf32>
      %ge3A_574 = arith.constant 1.600000e+01 : f32
      %ge3A_575 = vector.broadcast %ge3A_574 : f32 to vector<16xf32>
      %ge3A_576 = arith.cmpf oge, %select_n3A_569, %ge3A_575 : vector<16xf32>
      %mul3A_577 = arith.constant 6.250000e-02 : f32
      %mul3A_578 = vector.broadcast %mul3A_577 : f32 to vector<16xf32>
      %mul3A_579 = arith.mulf %select_n3A_569, %mul3A_578 : vector<16xf32>
      %select_n3A_580 = arith.select %ge3A_576, %mul3A_579, %select_n3A_569 : vector<16xi1>, vector<16xf32>
      %add3A_581 = arith.constant 4.000000e+00 : f32
      %add3A_582 = vector.broadcast %add3A_581 : f32 to vector<16xf32>
      %add3A_583 = arith.addf %select_n3A_573, %add3A_582 : vector<16xf32>
      %select_n3A_584 = arith.select %ge3A_576, %add3A_583, %select_n3A_573 : vector<16xi1>, vector<16xf32>
      %ge3A_585 = arith.constant 4.000000e+00 : f32
      %ge3A_586 = vector.broadcast %ge3A_585 : f32 to vector<16xf32>
      %ge3A_587 = arith.cmpf oge, %select_n3A_580, %ge3A_586 : vector<16xf32>
      %mul3A_588 = arith.constant 2.500000e-01 : f32
      %mul3A_589 = vector.broadcast %mul3A_588 : f32 to vector<16xf32>
      %mul3A_590 = arith.mulf %select_n3A_580, %mul3A_589 : vector<16xf32>
      %select_n3A_591 = arith.select %ge3A_587, %mul3A_590, %select_n3A_580 : vector<16xi1>, vector<16xf32>
      %add3A_592 = arith.constant 2.000000e+00 : f32
      %add3A_593 = vector.broadcast %add3A_592 : f32 to vector<16xf32>
      %add3A_594 = arith.addf %select_n3A_584, %add3A_593 : vector<16xf32>
      %select_n3A_595 = arith.select %ge3A_587, %add3A_594, %select_n3A_584 : vector<16xi1>, vector<16xf32>
      %ge3A_596 = arith.constant 2.000000e+00 : f32
      %ge3A_597 = vector.broadcast %ge3A_596 : f32 to vector<16xf32>
      %ge3A_598 = arith.cmpf oge, %select_n3A_591, %ge3A_597 : vector<16xf32>
      %mul3A_599 = arith.constant 5.000000e-01 : f32
      %mul3A_600 = vector.broadcast %mul3A_599 : f32 to vector<16xf32>
      %mul3A_601 = arith.mulf %select_n3A_591, %mul3A_600 : vector<16xf32>
      %select_n3A_602 = arith.select %ge3A_598, %mul3A_601, %select_n3A_591 : vector<16xi1>, vector<16xf32>
      %add3A_603 = arith.constant 1.000000e+00 : f32
      %add3A_604 = vector.broadcast %add3A_603 : f32 to vector<16xf32>
      %add3A_605 = arith.addf %select_n3A_595, %add3A_604 : vector<16xf32>
      %select_n3A_606 = arith.select %ge3A_598, %add3A_605, %select_n3A_595 : vector<16xi1>, vector<16xf32>
      %broadcast_in_dim3A_607 = arith.constant -0.0248259846 : f32
      %broadcast_in_dim3A_608 = vector.broadcast %broadcast_in_dim3A_607 : f32 to vector<16xf32>
      %mul3A_609 = arith.mulf %broadcast_in_dim3A_608, %select_n3A_602 : vector<16xf32>
      %add3A_610 = arith.constant 0.26686278 : f32
      %add3A_611 = vector.broadcast %add3A_610 : f32 to vector<16xf32>
      %add3A_612 = arith.addf %mul3A_609, %add3A_611 : vector<16xf32>
      %mul3A_613 = arith.mulf %add3A_612, %select_n3A_602 : vector<16xf32>
      %add3A_614 = arith.constant -1.23427987 : f32
      %add3A_615 = vector.broadcast %add3A_614 : f32 to vector<16xf32>
      %add3A_616 = arith.addf %mul3A_613, %add3A_615 : vector<16xf32>
      %mul3A_617 = arith.mulf %add3A_616, %select_n3A_602 : vector<16xf32>
      %add3A_618 = arith.constant 3.218870e+00 : f32
      %add3A_619 = vector.broadcast %add3A_618 : f32 to vector<16xf32>
      %add3A_620 = arith.addf %mul3A_617, %add3A_619 : vector<16xf32>
      %mul3A_621 = arith.mulf %add3A_620, %select_n3A_602 : vector<16xf32>
      %add3A_622 = arith.constant -5.26415539 : f32
      %add3A_623 = vector.broadcast %add3A_622 : f32 to vector<16xf32>
      %add3A_624 = arith.addf %mul3A_621, %add3A_623 : vector<16xf32>
      %mul3A_625 = arith.mulf %add3A_624, %select_n3A_602 : vector<16xf32>
      %add3A_626 = arith.constant 6.06585884 : f32
      %add3A_627 = vector.broadcast %add3A_626 : f32 to vector<16xf32>
      %add3A_628 = arith.addf %mul3A_625, %add3A_627 : vector<16xf32>
      %mul3A_629 = arith.mulf %add3A_628, %select_n3A_602 : vector<16xf32>
      %add3A_630 = arith.constant -3.02832508 : f32
      %add3A_631 = vector.broadcast %add3A_630 : f32 to vector<16xf32>
      %add3A_632 = arith.addf %mul3A_629, %add3A_631 : vector<16xf32>
      %add3A_633 = arith.addf %select_n3A_606, %add3A_632 : vector<16xf32>
      %mul3A_634 = arith.constant 0.693147182 : f32
      %mul3A_635 = vector.broadcast %mul3A_634 : f32 to vector<16xf32>
      %mul3A_636 = arith.mulf %add3A_633, %mul3A_635 : vector<16xf32>
      %add3A_637 = arith.addf %add3A_521, %mul3A_636 : vector<16xf32>
      %get3A_638 = arith.constant 48 : index
      %get3A_639 = tpu.vector_load %arg10[%get3A_638] {strides = array<i32>} : memref<128xf32, #tpu.memory_space<vmem>>, vector<16xf32>,
      %get3A_640 = vector.shape_cast %get3A_639 : vector<16xf32> to vector<16xf32>
      %mul3A_641 = arith.constant 1.20892582E+24 : f32
      %mul3A_642 = vector.broadcast %mul3A_641 : f32 to vector<16xf32>
      %mul3A_643 = arith.mulf %get3A_640, %mul3A_642 : vector<16xf32>
      %broadcast_in_dim3A_644 = arith.constant -8.000000e+01 : f32
      %broadcast_in_dim3A_645 = vector.broadcast %broadcast_in_dim3A_644 : f32 to vector<16xf32>
      %ge3A_646 = arith.constant 1.84467441E+19 : f32
      %ge3A_647 = vector.broadcast %ge3A_646 : f32 to vector<16xf32>
      %ge3A_648 = arith.cmpf oge, %mul3A_643, %ge3A_647 : vector<16xf32>
      %mul3A_649 = arith.constant 5.42101086E-20 : f32
      %mul3A_650 = vector.broadcast %mul3A_649 : f32 to vector<16xf32>
      %mul3A_651 = arith.mulf %mul3A_643, %mul3A_650 : vector<16xf32>
      %select_n3A_652 = arith.select %ge3A_648, %mul3A_651, %mul3A_643 : vector<16xi1>, vector<16xf32>
      %add3A_653 = arith.constant 6.400000e+01 : f32
      %add3A_654 = vector.broadcast %add3A_653 : f32 to vector<16xf32>
      %add3A_655 = arith.addf %broadcast_in_dim3A_645, %add3A_654 : vector<16xf32>
      %select_n3A_656 = arith.select %ge3A_648, %add3A_655, %broadcast_in_dim3A_645 : vector<16xi1>, vector<16xf32>
      %ge3A_657 = arith.constant 4.2949673E+9 : f32
      %ge3A_658 = vector.broadcast %ge3A_657 : f32 to vector<16xf32>
      %ge3A_659 = arith.cmpf oge, %select_n3A_652, %ge3A_658 : vector<16xf32>
      %mul3A_660 = arith.constant 2.32830644E-10 : f32
      %mul3A_661 = vector.broadcast %mul3A_660 : f32 to vector<16xf32>
      %mul3A_662 = arith.mulf %select_n3A_652, %mul3A_661 : vector<16xf32>
      %select_n3A_663 = arith.select %ge3A_659, %mul3A_662, %select_n3A_652 : vector<16xi1>, vector<16xf32>
      %add3A_664 = arith.constant 3.200000e+01 : f32
      %add3A_665 = vector.broadcast %add3A_664 : f32 to vector<16xf32>
      %add3A_666 = arith.addf %select_n3A_656, %add3A_665 : vector<16xf32>
      %select_n3A_667 = arith.select %ge3A_659, %add3A_666, %select_n3A_656 : vector<16xi1>, vector<16xf32>
      %ge3A_668 = arith.constant 6.553600e+04 : f32
      %ge3A_669 = vector.broadcast %ge3A_668 : f32 to vector<16xf32>
      %ge3A_670 = arith.cmpf oge, %select_n3A_663, %ge3A_669 : vector<16xf32>
      %mul3A_671 = arith.constant 1.52587891E-5 : f32
      %mul3A_672 = vector.broadcast %mul3A_671 : f32 to vector<16xf32>
      %mul3A_673 = arith.mulf %select_n3A_663, %mul3A_672 : vector<16xf32>
      %select_n3A_674 = arith.select %ge3A_670, %mul3A_673, %select_n3A_663 : vector<16xi1>, vector<16xf32>
      %add3A_675 = arith.constant 1.600000e+01 : f32
      %add3A_676 = vector.broadcast %add3A_675 : f32 to vector<16xf32>
      %add3A_677 = arith.addf %select_n3A_667, %add3A_676 : vector<16xf32>
      %select_n3A_678 = arith.select %ge3A_670, %add3A_677, %select_n3A_667 : vector<16xi1>, vector<16xf32>
      %ge3A_679 = arith.constant 2.560000e+02 : f32
      %ge3A_680 = vector.broadcast %ge3A_679 : f32 to vector<16xf32>
      %ge3A_681 = arith.cmpf oge, %select_n3A_674, %ge3A_680 : vector<16xf32>
      %mul3A_682 = arith.constant 3.906250e-03 : f32
      %mul3A_683 = vector.broadcast %mul3A_682 : f32 to vector<16xf32>
      %mul3A_684 = arith.mulf %select_n3A_674, %mul3A_683 : vector<16xf32>
      %select_n3A_685 = arith.select %ge3A_681, %mul3A_684, %select_n3A_674 : vector<16xi1>, vector<16xf32>
      %add3A_686 = arith.constant 8.000000e+00 : f32
      %add3A_687 = vector.broadcast %add3A_686 : f32 to vector<16xf32>
      %add3A_688 = arith.addf %select_n3A_678, %add3A_687 : vector<16xf32>
      %select_n3A_689 = arith.select %ge3A_681, %add3A_688, %select_n3A_678 : vector<16xi1>, vector<16xf32>
      %ge3A_690 = arith.constant 1.600000e+01 : f32
      %ge3A_691 = vector.broadcast %ge3A_690 : f32 to vector<16xf32>
      %ge3A_692 = arith.cmpf oge, %select_n3A_685, %ge3A_691 : vector<16xf32>
      %mul3A_693 = arith.constant 6.250000e-02 : f32
      %mul3A_694 = vector.broadcast %mul3A_693 : f32 to vector<16xf32>
      %mul3A_695 = arith.mulf %select_n3A_685, %mul3A_694 : vector<16xf32>
      %select_n3A_696 = arith.select %ge3A_692, %mul3A_695, %select_n3A_685 : vector<16xi1>, vector<16xf32>
      %add3A_697 = arith.constant 4.000000e+00 : f32
      %add3A_698 = vector.broadcast %add3A_697 : f32 to vector<16xf32>
      %add3A_699 = arith.addf %select_n3A_689, %add3A_698 : vector<16xf32>
      %select_n3A_700 = arith.select %ge3A_692, %add3A_699, %select_n3A_689 : vector<16xi1>, vector<16xf32>
      %ge3A_701 = arith.constant 4.000000e+00 : f32
      %ge3A_702 = vector.broadcast %ge3A_701 : f32 to vector<16xf32>
      %ge3A_703 = arith.cmpf oge, %select_n3A_696, %ge3A_702 : vector<16xf32>
      %mul3A_704 = arith.constant 2.500000e-01 : f32
      %mul3A_705 = vector.broadcast %mul3A_704 : f32 to vector<16xf32>
      %mul3A_706 = arith.mulf %select_n3A_696, %mul3A_705 : vector<16xf32>
      %select_n3A_707 = arith.select %ge3A_703, %mul3A_706, %select_n3A_696 : vector<16xi1>, vector<16xf32>
      %add3A_708 = arith.constant 2.000000e+00 : f32
      %add3A_709 = vector.broadcast %add3A_708 : f32 to vector<16xf32>
      %add3A_710 = arith.addf %select_n3A_700, %add3A_709 : vector<16xf32>
      %select_n3A_711 = arith.select %ge3A_703, %add3A_710, %select_n3A_700 : vector<16xi1>, vector<16xf32>
      %ge3A_712 = arith.constant 2.000000e+00 : f32
      %ge3A_713 = vector.broadcast %ge3A_712 : f32 to vector<16xf32>
      %ge3A_714 = arith.cmpf oge, %select_n3A_707, %ge3A_713 : vector<16xf32>
      %mul3A_715 = arith.constant 5.000000e-01 : f32
      %mul3A_716 = vector.broadcast %mul3A_715 : f32 to vector<16xf32>
      %mul3A_717 = arith.mulf %select_n3A_707, %mul3A_716 : vector<16xf32>
      %select_n3A_718 = arith.select %ge3A_714, %mul3A_717, %select_n3A_707 : vector<16xi1>, vector<16xf32>
      %add3A_719 = arith.constant 1.000000e+00 : f32
      %add3A_720 = vector.broadcast %add3A_719 : f32 to vector<16xf32>
      %add3A_721 = arith.addf %select_n3A_711, %add3A_720 : vector<16xf32>
      %select_n3A_722 = arith.select %ge3A_714, %add3A_721, %select_n3A_711 : vector<16xi1>, vector<16xf32>
      %broadcast_in_dim3A_723 = arith.constant -0.0248259846 : f32
      %broadcast_in_dim3A_724 = vector.broadcast %broadcast_in_dim3A_723 : f32 to vector<16xf32>
      %mul3A_725 = arith.mulf %broadcast_in_dim3A_724, %select_n3A_718 : vector<16xf32>
      %add3A_726 = arith.constant 0.26686278 : f32
      %add3A_727 = vector.broadcast %add3A_726 : f32 to vector<16xf32>
      %add3A_728 = arith.addf %mul3A_725, %add3A_727 : vector<16xf32>
      %mul3A_729 = arith.mulf %add3A_728, %select_n3A_718 : vector<16xf32>
      %add3A_730 = arith.constant -1.23427987 : f32
      %add3A_731 = vector.broadcast %add3A_730 : f32 to vector<16xf32>
      %add3A_732 = arith.addf %mul3A_729, %add3A_731 : vector<16xf32>
      %mul3A_733 = arith.mulf %add3A_732, %select_n3A_718 : vector<16xf32>
      %add3A_734 = arith.constant 3.218870e+00 : f32
      %add3A_735 = vector.broadcast %add3A_734 : f32 to vector<16xf32>
      %add3A_736 = arith.addf %mul3A_733, %add3A_735 : vector<16xf32>
      %mul3A_737 = arith.mulf %add3A_736, %select_n3A_718 : vector<16xf32>
      %add3A_738 = arith.constant -5.26415539 : f32
      %add3A_739 = vector.broadcast %add3A_738 : f32 to vector<16xf32>
      %add3A_740 = arith.addf %mul3A_737, %add3A_739 : vector<16xf32>
      %mul3A_741 = arith.mulf %add3A_740, %select_n3A_718 : vector<16xf32>
      %add3A_742 = arith.constant 6.06585884 : f32
      %add3A_743 = vector.broadcast %add3A_742 : f32 to vector<16xf32>
      %add3A_744 = arith.addf %mul3A_741, %add3A_743 : vector<16xf32>
      %mul3A_745 = arith.mulf %add3A_744, %select_n3A_718 : vector<16xf32>
      %add3A_746 = arith.constant -3.02832508 : f32
      %add3A_747 = vector.broadcast %add3A_746 : f32 to vector<16xf32>
      %add3A_748 = arith.addf %mul3A_745, %add3A_747 : vector<16xf32>
      %add3A_749 = arith.addf %select_n3A_722, %add3A_748 : vector<16xf32>
      %mul3A_750 = arith.constant 0.693147182 : f32
      %mul3A_751 = vector.broadcast %mul3A_750 : f32 to vector<16xf32>
      %mul3A_752 = arith.mulf %add3A_749, %mul3A_751 : vector<16xf32>
      %add3A_753 = arith.addf %add3A_637, %mul3A_752 : vector<16xf32>
      %get3A_754 = arith.constant 64 : index
      %get3A_755 = tpu.vector_load %arg10[%get3A_754] {strides = array<i32>} : memref<128xf32, #tpu.memory_space<vmem>>, vector<16xf32>,
      %get3A_756 = vector.shape_cast %get3A_755 : vector<16xf32> to vector<16xf32>
      %mul3A_757 = arith.constant 1.20892582E+24 : f32
      %mul3A_758 = vector.broadcast %mul3A_757 : f32 to vector<16xf32>
      %mul3A_759 = arith.mulf %get3A_756, %mul3A_758 : vector<16xf32>
      %broadcast_in_dim3A_760 = arith.constant -8.000000e+01 : f32
      %broadcast_in_dim3A_761 = vector.broadcast %broadcast_in_dim3A_760 : f32 to vector<16xf32>
      %ge3A_762 = arith.constant 1.84467441E+19 : f32
      %ge3A_763 = vector.broadcast %ge3A_762 : f32 to vector<16xf32>
      %ge3A_764 = arith.cmpf oge, %mul3A_759, %ge3A_763 : vector<16xf32>
      %mul3A_765 = arith.constant 5.42101086E-20 : f32
      %mul3A_766 = vector.broadcast %mul3A_765 : f32 to vector<16xf32>
      %mul3A_767 = arith.mulf %mul3A_759, %mul3A_766 : vector<16xf32>
      %select_n3A_768 = arith.select %ge3A_764, %mul3A_767, %mul3A_759 : vector<16xi1>, vector<16xf32>
      %add3A_769 = arith.constant 6.400000e+01 : f32
      %add3A_770 = vector.broadcast %add3A_769 : f32 to vector<16xf32>
      %add3A_771 = arith.addf %broadcast_in_dim3A_761, %add3A_770 : vector<16xf32>
      %select_n3A_772 = arith.select %ge3A_764, %add3A_771, %broadcast_in_dim3A_761 : vector<16xi1>, vector<16xf32>
      %ge3A_773 = arith.constant 4.2949673E+9 : f32
      %ge3A_774 = vector.broadcast %ge3A_773 : f32 to vector<16xf32>
      %ge3A_775 = arith.cmpf oge, %select_n3A_768, %ge3A_774 : vector<16xf32>
      %mul3A_776 = arith.constant 2.32830644E-10 : f32
      %mul3A_777 = vector.broadcast %mul3A_776 : f32 to vector<16xf32>
      %mul3A_778 = arith.mulf %select_n3A_768, %mul3A_777 : vector<16xf32>
      %select_n3A_779 = arith.select %ge3A_775, %mul3A_778, %select_n3A_768 : vector<16xi1>, vector<16xf32>
      %add3A_780 = arith.constant 3.200000e+01 : f32
      %add3A_781 = vector.broadcast %add3A_780 : f32 to vector<16xf32>
      %add3A_782 = arith.addf %select_n3A_772, %add3A_781 : vector<16xf32>
      %select_n3A_783 = arith.select %ge3A_775, %add3A_782, %select_n3A_772 : vector<16xi1>, vector<16xf32>
      %ge3A_784 = arith.constant 6.553600e+04 : f32
      %ge3A_785 = vector.broadcast %ge3A_784 : f32 to vector<16xf32>
      %ge3A_786 = arith.cmpf oge, %select_n3A_779, %ge3A_785 : vector<16xf32>
      %mul3A_787 = arith.constant 1.52587891E-5 : f32
      %mul3A_788 = vector.broadcast %mul3A_787 : f32 to vector<16xf32>
      %mul3A_789 = arith.mulf %select_n3A_779, %mul3A_788 : vector<16xf32>
      %select_n3A_790 = arith.select %ge3A_786, %mul3A_789, %select_n3A_779 : vector<16xi1>, vector<16xf32>
      %add3A_791 = arith.constant 1.600000e+01 : f32
      %add3A_792 = vector.broadcast %add3A_791 : f32 to vector<16xf32>
      %add3A_793 = arith.addf %select_n3A_783, %add3A_792 : vector<16xf32>
      %select_n3A_794 = arith.select %ge3A_786, %add3A_793, %select_n3A_783 : vector<16xi1>, vector<16xf32>
      %ge3A_795 = arith.constant 2.560000e+02 : f32
      %ge3A_796 = vector.broadcast %ge3A_795 : f32 to vector<16xf32>
      %ge3A_797 = arith.cmpf oge, %select_n3A_790, %ge3A_796 : vector<16xf32>
      %mul3A_798 = arith.constant 3.906250e-03 : f32
      %mul3A_799 = vector.broadcast %mul3A_798 : f32 to vector<16xf32>
      %mul3A_800 = arith.mulf %select_n3A_790, %mul3A_799 : vector<16xf32>
      %select_n3A_801 = arith.select %ge3A_797, %mul3A_800, %select_n3A_790 : vector<16xi1>, vector<16xf32>
      %add3A_802 = arith.constant 8.000000e+00 : f32
      %add3A_803 = vector.broadcast %add3A_802 : f32 to vector<16xf32>
      %add3A_804 = arith.addf %select_n3A_794, %add3A_803 : vector<16xf32>
      %select_n3A_805 = arith.select %ge3A_797, %add3A_804, %select_n3A_794 : vector<16xi1>, vector<16xf32>
      %ge3A_806 = arith.constant 1.600000e+01 : f32
      %ge3A_807 = vector.broadcast %ge3A_806 : f32 to vector<16xf32>
      %ge3A_808 = arith.cmpf oge, %select_n3A_801, %ge3A_807 : vector<16xf32>
      %mul3A_809 = arith.constant 6.250000e-02 : f32
      %mul3A_810 = vector.broadcast %mul3A_809 : f32 to vector<16xf32>
      %mul3A_811 = arith.mulf %select_n3A_801, %mul3A_810 : vector<16xf32>
      %select_n3A_812 = arith.select %ge3A_808, %mul3A_811, %select_n3A_801 : vector<16xi1>, vector<16xf32>
      %add3A_813 = arith.constant 4.000000e+00 : f32
      %add3A_814 = vector.broadcast %add3A_813 : f32 to vector<16xf32>
      %add3A_815 = arith.addf %select_n3A_805, %add3A_814 : vector<16xf32>
      %select_n3A_816 = arith.select %ge3A_808, %add3A_815, %select_n3A_805 : vector<16xi1>, vector<16xf32>
      %ge3A_817 = arith.constant 4.000000e+00 : f32
      %ge3A_818 = vector.broadcast %ge3A_817 : f32 to vector<16xf32>
      %ge3A_819 = arith.cmpf oge, %select_n3A_812, %ge3A_818 : vector<16xf32>
      %mul3A_820 = arith.constant 2.500000e-01 : f32
      %mul3A_821 = vector.broadcast %mul3A_820 : f32 to vector<16xf32>
      %mul3A_822 = arith.mulf %select_n3A_812, %mul3A_821 : vector<16xf32>
      %select_n3A_823 = arith.select %ge3A_819, %mul3A_822, %select_n3A_812 : vector<16xi1>, vector<16xf32>
      %add3A_824 = arith.constant 2.000000e+00 : f32
      %add3A_825 = vector.broadcast %add3A_824 : f32 to vector<16xf32>
      %add3A_826 = arith.addf %select_n3A_816, %add3A_825 : vector<16xf32>
      %select_n3A_827 = arith.select %ge3A_819, %add3A_826, %select_n3A_816 : vector<16xi1>, vector<16xf32>
      %ge3A_828 = arith.constant 2.000000e+00 : f32
      %ge3A_829 = vector.broadcast %ge3A_828 : f32 to vector<16xf32>
      %ge3A_830 = arith.cmpf oge, %select_n3A_823, %ge3A_829 : vector<16xf32>
      %mul3A_831 = arith.constant 5.000000e-01 : f32
      %mul3A_832 = vector.broadcast %mul3A_831 : f32 to vector<16xf32>
      %mul3A_833 = arith.mulf %select_n3A_823, %mul3A_832 : vector<16xf32>
      %select_n3A_834 = arith.select %ge3A_830, %mul3A_833, %select_n3A_823 : vector<16xi1>, vector<16xf32>
      %add3A_835 = arith.constant 1.000000e+00 : f32
      %add3A_836 = vector.broadcast %add3A_835 : f32 to vector<16xf32>
      %add3A_837 = arith.addf %select_n3A_827, %add3A_836 : vector<16xf32>
      %select_n3A_838 = arith.select %ge3A_830, %add3A_837, %select_n3A_827 : vector<16xi1>, vector<16xf32>
      %broadcast_in_dim3A_839 = arith.constant -0.0248259846 : f32
      %broadcast_in_dim3A_840 = vector.broadcast %broadcast_in_dim3A_839 : f32 to vector<16xf32>
      %mul3A_841 = arith.mulf %broadcast_in_dim3A_840, %select_n3A_834 : vector<16xf32>
      %add3A_842 = arith.constant 0.26686278 : f32
      %add3A_843 = vector.broadcast %add3A_842 : f32 to vector<16xf32>
      %add3A_844 = arith.addf %mul3A_841, %add3A_843 : vector<16xf32>
      %mul3A_845 = arith.mulf %add3A_844, %select_n3A_834 : vector<16xf32>
      %add3A_846 = arith.constant -1.23427987 : f32
      %add3A_847 = vector.broadcast %add3A_846 : f32 to vector<16xf32>
      %add3A_848 = arith.addf %mul3A_845, %add3A_847 : vector<16xf32>
      %mul3A_849 = arith.mulf %add3A_848, %select_n3A_834 : vector<16xf32>
      %add3A_850 = arith.constant 3.218870e+00 : f32
      %add3A_851 = vector.broadcast %add3A_850 : f32 to vector<16xf32>
      %add3A_852 = arith.addf %mul3A_849, %add3A_851 : vector<16xf32>
      %mul3A_853 = arith.mulf %add3A_852, %select_n3A_834 : vector<16xf32>
      %add3A_854 = arith.constant -5.26415539 : f32
      %add3A_855 = vector.broadcast %add3A_854 : f32 to vector<16xf32>
      %add3A_856 = arith.addf %mul3A_853, %add3A_855 : vector<16xf32>
      %mul3A_857 = arith.mulf %add3A_856, %select_n3A_834 : vector<16xf32>
      %add3A_858 = arith.constant 6.06585884 : f32
      %add3A_859 = vector.broadcast %add3A_858 : f32 to vector<16xf32>
      %add3A_860 = arith.addf %mul3A_857, %add3A_859 : vector<16xf32>
      %mul3A_861 = arith.mulf %add3A_860, %select_n3A_834 : vector<16xf32>
      %add3A_862 = arith.constant -3.02832508 : f32
      %add3A_863 = vector.broadcast %add3A_862 : f32 to vector<16xf32>
      %add3A_864 = arith.addf %mul3A_861, %add3A_863 : vector<16xf32>
      %add3A_865 = arith.addf %select_n3A_838, %add3A_864 : vector<16xf32>
      %mul3A_866 = arith.constant 0.693147182 : f32
      %mul3A_867 = vector.broadcast %mul3A_866 : f32 to vector<16xf32>
      %mul3A_868 = arith.mulf %add3A_865, %mul3A_867 : vector<16xf32>
      %add3A_869 = arith.addf %add3A_753, %mul3A_868 : vector<16xf32>
      %get3A_870 = arith.constant 80 : index
      %get3A_871 = tpu.vector_load %arg10[%get3A_870] {strides = array<i32>} : memref<128xf32, #tpu.memory_space<vmem>>, vector<16xf32>,
      %get3A_872 = vector.shape_cast %get3A_871 : vector<16xf32> to vector<16xf32>
      %mul3A_873 = arith.constant 1.20892582E+24 : f32
      %mul3A_874 = vector.broadcast %mul3A_873 : f32 to vector<16xf32>
      %mul3A_875 = arith.mulf %get3A_872, %mul3A_874 : vector<16xf32>
      %broadcast_in_dim3A_876 = arith.constant -8.000000e+01 : f32
      %broadcast_in_dim3A_877 = vector.broadcast %broadcast_in_dim3A_876 : f32 to vector<16xf32>
      %ge3A_878 = arith.constant 1.84467441E+19 : f32
      %ge3A_879 = vector.broadcast %ge3A_878 : f32 to vector<16xf32>
      %ge3A_880 = arith.cmpf oge, %mul3A_875, %ge3A_879 : vector<16xf32>
      %mul3A_881 = arith.constant 5.42101086E-20 : f32
      %mul3A_882 = vector.broadcast %mul3A_881 : f32 to vector<16xf32>
      %mul3A_883 = arith.mulf %mul3A_875, %mul3A_882 : vector<16xf32>
      %select_n3A_884 = arith.select %ge3A_880, %mul3A_883, %mul3A_875 : vector<16xi1>, vector<16xf32>
      %add3A_885 = arith.constant 6.400000e+01 : f32
      %add3A_886 = vector.broadcast %add3A_885 : f32 to vector<16xf32>
      %add3A_887 = arith.addf %broadcast_in_dim3A_877, %add3A_886 : vector<16xf32>
      %select_n3A_888 = arith.select %ge3A_880, %add3A_887, %broadcast_in_dim3A_877 : vector<16xi1>, vector<16xf32>
      %ge3A_889 = arith.constant 4.2949673E+9 : f32
      %ge3A_890 = vector.broadcast %ge3A_889 : f32 to vector<16xf32>
      %ge3A_891 = arith.cmpf oge, %select_n3A_884, %ge3A_890 : vector<16xf32>
      %mul3A_892 = arith.constant 2.32830644E-10 : f32
      %mul3A_893 = vector.broadcast %mul3A_892 : f32 to vector<16xf32>
      %mul3A_894 = arith.mulf %select_n3A_884, %mul3A_893 : vector<16xf32>
      %select_n3A_895 = arith.select %ge3A_891, %mul3A_894, %select_n3A_884 : vector<16xi1>, vector<16xf32>
      %add3A_896 = arith.constant 3.200000e+01 : f32
      %add3A_897 = vector.broadcast %add3A_896 : f32 to vector<16xf32>
      %add3A_898 = arith.addf %select_n3A_888, %add3A_897 : vector<16xf32>
      %select_n3A_899 = arith.select %ge3A_891, %add3A_898, %select_n3A_888 : vector<16xi1>, vector<16xf32>
      %ge3A_900 = arith.constant 6.553600e+04 : f32
      %ge3A_901 = vector.broadcast %ge3A_900 : f32 to vector<16xf32>
      %ge3A_902 = arith.cmpf oge, %select_n3A_895, %ge3A_901 : vector<16xf32>
      %mul3A_903 = arith.constant 1.52587891E-5 : f32
      %mul3A_904 = vector.broadcast %mul3A_903 : f32 to vector<16xf32>
      %mul3A_905 = arith.mulf %select_n3A_895, %mul3A_904 : vector<16xf32>
      %select_n3A_906 = arith.select %ge3A_902, %mul3A_905, %select_n3A_895 : vector<16xi1>, vector<16xf32>
      %add3A_907 = arith.constant 1.600000e+01 : f32
      %add3A_908 = vector.broadcast %add3A_907 : f32 to vector<16xf32>
      %add3A_909 = arith.addf %select_n3A_899, %add3A_908 : vector<16xf32>
      %select_n3A_910 = arith.select %ge3A_902, %add3A_909, %select_n3A_899 : vector<16xi1>, vector<16xf32>
      %ge3A_911 = arith.constant 2.560000e+02 : f32
      %ge3A_912 = vector.broadcast %ge3A_911 : f32 to vector<16xf32>
      %ge3A_913 = arith.cmpf oge, %select_n3A_906, %ge3A_912 : vector<16xf32>
      %mul3A_914 = arith.constant 3.906250e-03 : f32
      %mul3A_915 = vector.broadcast %mul3A_914 : f32 to vector<16xf32>
      %mul3A_916 = arith.mulf %select_n3A_906, %mul3A_915 : vector<16xf32>
      %select_n3A_917 = arith.select %ge3A_913, %mul3A_916, %select_n3A_906 : vector<16xi1>, vector<16xf32>
      %add3A_918 = arith.constant 8.000000e+00 : f32
      %add3A_919 = vector.broadcast %add3A_918 : f32 to vector<16xf32>
      %add3A_920 = arith.addf %select_n3A_910, %add3A_919 : vector<16xf32>
      %select_n3A_921 = arith.select %ge3A_913, %add3A_920, %select_n3A_910 : vector<16xi1>, vector<16xf32>
      %ge3A_922 = arith.constant 1.600000e+01 : f32
      %ge3A_923 = vector.broadcast %ge3A_922 : f32 to vector<16xf32>
      %ge3A_924 = arith.cmpf oge, %select_n3A_917, %ge3A_923 : vector<16xf32>
      %mul3A_925 = arith.constant 6.250000e-02 : f32
      %mul3A_926 = vector.broadcast %mul3A_925 : f32 to vector<16xf32>
      %mul3A_927 = arith.mulf %select_n3A_917, %mul3A_926 : vector<16xf32>
      %select_n3A_928 = arith.select %ge3A_924, %mul3A_927, %select_n3A_917 : vector<16xi1>, vector<16xf32>
      %add3A_929 = arith.constant 4.000000e+00 : f32
      %add3A_930 = vector.broadcast %add3A_929 : f32 to vector<16xf32>
      %add3A_931 = arith.addf %select_n3A_921, %add3A_930 : vector<16xf32>
      %select_n3A_932 = arith.select %ge3A_924, %add3A_931, %select_n3A_921 : vector<16xi1>, vector<16xf32>
      %ge3A_933 = arith.constant 4.000000e+00 : f32
      %ge3A_934 = vector.broadcast %ge3A_933 : f32 to vector<16xf32>
      %ge3A_935 = arith.cmpf oge, %select_n3A_928, %ge3A_934 : vector<16xf32>
      %mul3A_936 = arith.constant 2.500000e-01 : f32
      %mul3A_937 = vector.broadcast %mul3A_936 : f32 to vector<16xf32>
      %mul3A_938 = arith.mulf %select_n3A_928, %mul3A_937 : vector<16xf32>
      %select_n3A_939 = arith.select %ge3A_935, %mul3A_938, %select_n3A_928 : vector<16xi1>, vector<16xf32>
      %add3A_940 = arith.constant 2.000000e+00 : f32
      %add3A_941 = vector.broadcast %add3A_940 : f32 to vector<16xf32>
      %add3A_942 = arith.addf %select_n3A_932, %add3A_941 : vector<16xf32>
      %select_n3A_943 = arith.select %ge3A_935, %add3A_942, %select_n3A_932 : vector<16xi1>, vector<16xf32>
      %ge3A_944 = arith.constant 2.000000e+00 : f32
      %ge3A_945 = vector.broadcast %ge3A_944 : f32 to vector<16xf32>
      %ge3A_946 = arith.cmpf oge, %select_n3A_939, %ge3A_945 : vector<16xf32>
      %mul3A_947 = arith.constant 5.000000e-01 : f32
      %mul3A_948 = vector.broadcast %mul3A_947 : f32 to vector<16xf32>
      %mul3A_949 = arith.mulf %select_n3A_939, %mul3A_948 : vector<16xf32>
      %select_n3A_950 = arith.select %ge3A_946, %mul3A_949, %select_n3A_939 : vector<16xi1>, vector<16xf32>
      %add3A_951 = arith.constant 1.000000e+00 : f32
      %add3A_952 = vector.broadcast %add3A_951 : f32 to vector<16xf32>
      %add3A_953 = arith.addf %select_n3A_943, %add3A_952 : vector<16xf32>
      %select_n3A_954 = arith.select %ge3A_946, %add3A_953, %select_n3A_943 : vector<16xi1>, vector<16xf32>
      %broadcast_in_dim3A_955 = arith.constant -0.0248259846 : f32
      %broadcast_in_dim3A_956 = vector.broadcast %broadcast_in_dim3A_955 : f32 to vector<16xf32>
      %mul3A_957 = arith.mulf %broadcast_in_dim3A_956, %select_n3A_950 : vector<16xf32>
      %add3A_958 = arith.constant 0.26686278 : f32
      %add3A_959 = vector.broadcast %add3A_958 : f32 to vector<16xf32>
      %add3A_960 = arith.addf %mul3A_957, %add3A_959 : vector<16xf32>
      %mul3A_961 = arith.mulf %add3A_960, %select_n3A_950 : vector<16xf32>
      %add3A_962 = arith.constant -1.23427987 : f32
      %add3A_963 = vector.broadcast %add3A_962 : f32 to vector<16xf32>
      %add3A_964 = arith.addf %mul3A_961, %add3A_963 : vector<16xf32>
      %mul3A_965 = arith.mulf %add3A_964, %select_n3A_950 : vector<16xf32>
      %add3A_966 = arith.constant 3.218870e+00 : f32
      %add3A_967 = vector.broadcast %add3A_966 : f32 to vector<16xf32>
      %add3A_968 = arith.addf %mul3A_965, %add3A_967 : vector<16xf32>
      %mul3A_969 = arith.mulf %add3A_968, %select_n3A_950 : vector<16xf32>
      %add3A_970 = arith.constant -5.26415539 : f32
      %add3A_971 = vector.broadcast %add3A_970 : f32 to vector<16xf32>
      %add3A_972 = arith.addf %mul3A_969, %add3A_971 : vector<16xf32>
      %mul3A_973 = arith.mulf %add3A_972, %select_n3A_950 : vector<16xf32>
      %add3A_974 = arith.constant 6.06585884 : f32
      %add3A_975 = vector.broadcast %add3A_974 : f32 to vector<16xf32>
      %add3A_976 = arith.addf %mul3A_973, %add3A_975 : vector<16xf32>
      %mul3A_977 = arith.mulf %add3A_976, %select_n3A_950 : vector<16xf32>
      %add3A_978 = arith.constant -3.02832508 : f32
      %add3A_979 = vector.broadcast %add3A_978 : f32 to vector<16xf32>
      %add3A_980 = arith.addf %mul3A_977, %add3A_979 : vector<16xf32>
      %add3A_981 = arith.addf %select_n3A_954, %add3A_980 : vector<16xf32>
      %mul3A_982 = arith.constant 0.693147182 : f32
      %mul3A_983 = vector.broadcast %mul3A_982 : f32 to vector<16xf32>
      %mul3A_984 = arith.mulf %add3A_981, %mul3A_983 : vector<16xf32>
      %add3A_985 = arith.addf %add3A_869, %mul3A_984 : vector<16xf32>
      %get3A_986 = arith.constant 96 : index
      %get3A_987 = tpu.vector_load %arg10[%get3A_986] {strides = array<i32>} : memref<128xf32, #tpu.memory_space<vmem>>, vector<16xf32>,
      %get3A_988 = vector.shape_cast %get3A_987 : vector<16xf32> to vector<16xf32>
      %mul3A_989 = arith.constant 1.20892582E+24 : f32
      %mul3A_990 = vector.broadcast %mul3A_989 : f32 to vector<16xf32>
      %mul3A_991 = arith.mulf %get3A_988, %mul3A_990 : vector<16xf32>
      %broadcast_in_dim3A_992 = arith.constant -8.000000e+01 : f32
      %broadcast_in_dim3A_993 = vector.broadcast %broadcast_in_dim3A_992 : f32 to vector<16xf32>
      %ge3A_994 = arith.constant 1.84467441E+19 : f32
      %ge3A_995 = vector.broadcast %ge3A_994 : f32 to vector<16xf32>
      %ge3A_996 = arith.cmpf oge, %mul3A_991, %ge3A_995 : vector<16xf32>
      %mul3A_997 = arith.constant 5.42101086E-20 : f32
      %mul3A_998 = vector.broadcast %mul3A_997 : f32 to vector<16xf32>
      %mul3A_999 = arith.mulf %mul3A_991, %mul3A_998 : vector<16xf32>
      %select_n3A_1000 = arith.select %ge3A_996, %mul3A_999, %mul3A_991 : vector<16xi1>, vector<16xf32>
      %add3A_1001 = arith.constant 6.400000e+01 : f32
      %add3A_1002 = vector.broadcast %add3A_1001 : f32 to vector<16xf32>
      %add3A_1003 = arith.addf %broadcast_in_dim3A_993, %add3A_1002 : vector<16xf32>
      %select_n3A_1004 = arith.select %ge3A_996, %add3A_1003, %broadcast_in_dim3A_993 : vector<16xi1>, vector<16xf32>
      %ge3A_1005 = arith.constant 4.2949673E+9 : f32
      %ge3A_1006 = vector.broadcast %ge3A_1005 : f32 to vector<16xf32>
      %ge3A_1007 = arith.cmpf oge, %select_n3A_1000, %ge3A_1006 : vector<16xf32>
      %mul3A_1008 = arith.constant 2.32830644E-10 : f32
      %mul3A_1009 = vector.broadcast %mul3A_1008 : f32 to vector<16xf32>
      %mul3A_1010 = arith.mulf %select_n3A_1000, %mul3A_1009 : vector<16xf32>
      %select_n3A_1011 = arith.select %ge3A_1007, %mul3A_1010, %select_n3A_1000 : vector<16xi1>, vector<16xf32>
      %add3A_1012 = arith.constant 3.200000e+01 : f32
      %add3A_1013 = vector.broadcast %add3A_1012 : f32 to vector<16xf32>
      %add3A_1014 = arith.addf %select_n3A_1004, %add3A_1013 : vector<16xf32>
      %select_n3A_1015 = arith.select %ge3A_1007, %add3A_1014, %select_n3A_1004 : vector<16xi1>, vector<16xf32>
      %ge3A_1016 = arith.constant 6.553600e+04 : f32
      %ge3A_1017 = vector.broadcast %ge3A_1016 : f32 to vector<16xf32>
      %ge3A_1018 = arith.cmpf oge, %select_n3A_1011, %ge3A_1017 : vector<16xf32>
      %mul3A_1019 = arith.constant 1.52587891E-5 : f32
      %mul3A_1020 = vector.broadcast %mul3A_1019 : f32 to vector<16xf32>
      %mul3A_1021 = arith.mulf %select_n3A_1011, %mul3A_1020 : vector<16xf32>
      %select_n3A_1022 = arith.select %ge3A_1018, %mul3A_1021, %select_n3A_1011 : vector<16xi1>, vector<16xf32>
      %add3A_1023 = arith.constant 1.600000e+01 : f32
      %add3A_1024 = vector.broadcast %add3A_1023 : f32 to vector<16xf32>
      %add3A_1025 = arith.addf %select_n3A_1015, %add3A_1024 : vector<16xf32>
      %select_n3A_1026 = arith.select %ge3A_1018, %add3A_1025, %select_n3A_1015 : vector<16xi1>, vector<16xf32>
      %ge3A_1027 = arith.constant 2.560000e+02 : f32
      %ge3A_1028 = vector.broadcast %ge3A_1027 : f32 to vector<16xf32>
      %ge3A_1029 = arith.cmpf oge, %select_n3A_1022, %ge3A_1028 : vector<16xf32>
      %mul3A_1030 = arith.constant 3.906250e-03 : f32
      %mul3A_1031 = vector.broadcast %mul3A_1030 : f32 to vector<16xf32>
      %mul3A_1032 = arith.mulf %select_n3A_1022, %mul3A_1031 : vector<16xf32>
      %select_n3A_1033 = arith.select %ge3A_1029, %mul3A_1032, %select_n3A_1022 : vector<16xi1>, vector<16xf32>
      %add3A_1034 = arith.constant 8.000000e+00 : f32
      %add3A_1035 = vector.broadcast %add3A_1034 : f32 to vector<16xf32>
      %add3A_1036 = arith.addf %select_n3A_1026, %add3A_1035 : vector<16xf32>
      %select_n3A_1037 = arith.select %ge3A_1029, %add3A_1036, %select_n3A_1026 : vector<16xi1>, vector<16xf32>
      %ge3A_1038 = arith.constant 1.600000e+01 : f32
      %ge3A_1039 = vector.broadcast %ge3A_1038 : f32 to vector<16xf32>
      %ge3A_1040 = arith.cmpf oge, %select_n3A_1033, %ge3A_1039 : vector<16xf32>
      %mul3A_1041 = arith.constant 6.250000e-02 : f32
      %mul3A_1042 = vector.broadcast %mul3A_1041 : f32 to vector<16xf32>
      %mul3A_1043 = arith.mulf %select_n3A_1033, %mul3A_1042 : vector<16xf32>
      %select_n3A_1044 = arith.select %ge3A_1040, %mul3A_1043, %select_n3A_1033 : vector<16xi1>, vector<16xf32>
      %add3A_1045 = arith.constant 4.000000e+00 : f32
      %add3A_1046 = vector.broadcast %add3A_1045 : f32 to vector<16xf32>
      %add3A_1047 = arith.addf %select_n3A_1037, %add3A_1046 : vector<16xf32>
      %select_n3A_1048 = arith.select %ge3A_1040, %add3A_1047, %select_n3A_1037 : vector<16xi1>, vector<16xf32>
      %ge3A_1049 = arith.constant 4.000000e+00 : f32
      %ge3A_1050 = vector.broadcast %ge3A_1049 : f32 to vector<16xf32>
      %ge3A_1051 = arith.cmpf oge, %select_n3A_1044, %ge3A_1050 : vector<16xf32>
      %mul3A_1052 = arith.constant 2.500000e-01 : f32
      %mul3A_1053 = vector.broadcast %mul3A_1052 : f32 to vector<16xf32>
      %mul3A_1054 = arith.mulf %select_n3A_1044, %mul3A_1053 : vector<16xf32>
      %select_n3A_1055 = arith.select %ge3A_1051, %mul3A_1054, %select_n3A_1044 : vector<16xi1>, vector<16xf32>
      %add3A_1056 = arith.constant 2.000000e+00 : f32
      %add3A_1057 = vector.broadcast %add3A_1056 : f32 to vector<16xf32>
      %add3A_1058 = arith.addf %select_n3A_1048, %add3A_1057 : vector<16xf32>
      %select_n3A_1059 = arith.select %ge3A_1051, %add3A_1058, %select_n3A_1048 : vector<16xi1>, vector<16xf32>
      %ge3A_1060 = arith.constant 2.000000e+00 : f32
      %ge3A_1061 = vector.broadcast %ge3A_1060 : f32 to vector<16xf32>
      %ge3A_1062 = arith.cmpf oge, %select_n3A_1055, %ge3A_1061 : vector<16xf32>
      %mul3A_1063 = arith.constant 5.000000e-01 : f32
      %mul3A_1064 = vector.broadcast %mul3A_1063 : f32 to vector<16xf32>
      %mul3A_1065 = arith.mulf %select_n3A_1055, %mul3A_1064 : vector<16xf32>
      %select_n3A_1066 = arith.select %ge3A_1062, %mul3A_1065, %select_n3A_1055 : vector<16xi1>, vector<16xf32>
      %add3A_1067 = arith.constant 1.000000e+00 : f32
      %add3A_1068 = vector.broadcast %add3A_1067 : f32 to vector<16xf32>
      %add3A_1069 = arith.addf %select_n3A_1059, %add3A_1068 : vector<16xf32>
      %select_n3A_1070 = arith.select %ge3A_1062, %add3A_1069, %select_n3A_1059 : vector<16xi1>, vector<16xf32>
      %broadcast_in_dim3A_1071 = arith.constant -0.0248259846 : f32
      %broadcast_in_dim3A_1072 = vector.broadcast %broadcast_in_dim3A_1071 : f32 to vector<16xf32>
      %mul3A_1073 = arith.mulf %broadcast_in_dim3A_1072, %select_n3A_1066 : vector<16xf32>
      %add3A_1074 = arith.constant 0.26686278 : f32
      %add3A_1075 = vector.broadcast %add3A_1074 : f32 to vector<16xf32>
      %add3A_1076 = arith.addf %mul3A_1073, %add3A_1075 : vector<16xf32>
      %mul3A_1077 = arith.mulf %add3A_1076, %select_n3A_1066 : vector<16xf32>
      %add3A_1078 = arith.constant -1.23427987 : f32
      %add3A_1079 = vector.broadcast %add3A_1078 : f32 to vector<16xf32>
      %add3A_1080 = arith.addf %mul3A_1077, %add3A_1079 : vector<16xf32>
      %mul3A_1081 = arith.mulf %add3A_1080, %select_n3A_1066 : vector<16xf32>
      %add3A_1082 = arith.constant 3.218870e+00 : f32
      %add3A_1083 = vector.broadcast %add3A_1082 : f32 to vector<16xf32>
      %add3A_1084 = arith.addf %mul3A_1081, %add3A_1083 : vector<16xf32>
      %mul3A_1085 = arith.mulf %add3A_1084, %select_n3A_1066 : vector<16xf32>
      %add3A_1086 = arith.constant -5.26415539 : f32
      %add3A_1087 = vector.broadcast %add3A_1086 : f32 to vector<16xf32>
      %add3A_1088 = arith.addf %mul3A_1085, %add3A_1087 : vector<16xf32>
      %mul3A_1089 = arith.mulf %add3A_1088, %select_n3A_1066 : vector<16xf32>
      %add3A_1090 = arith.constant 6.06585884 : f32
      %add3A_1091 = vector.broadcast %add3A_1090 : f32 to vector<16xf32>
      %add3A_1092 = arith.addf %mul3A_1089, %add3A_1091 : vector<16xf32>
      %mul3A_1093 = arith.mulf %add3A_1092, %select_n3A_1066 : vector<16xf32>
      %add3A_1094 = arith.constant -3.02832508 : f32
      %add3A_1095 = vector.broadcast %add3A_1094 : f32 to vector<16xf32>
      %add3A_1096 = arith.addf %mul3A_1093, %add3A_1095 : vector<16xf32>
      %add3A_1097 = arith.addf %select_n3A_1070, %add3A_1096 : vector<16xf32>
      %mul3A_1098 = arith.constant 0.693147182 : f32
      %mul3A_1099 = vector.broadcast %mul3A_1098 : f32 to vector<16xf32>
      %mul3A_1100 = arith.mulf %add3A_1097, %mul3A_1099 : vector<16xf32>
      %add3A_1101 = arith.addf %add3A_985, %mul3A_1100 : vector<16xf32>
      %get3A_1102 = arith.constant 112 : index
      %get3A_1103 = tpu.vector_load %arg10[%get3A_1102] {strides = array<i32>} : memref<128xf32, #tpu.memory_space<vmem>>, vector<16xf32>,
      %get3A_1104 = vector.shape_cast %get3A_1103 : vector<16xf32> to vector<16xf32>
      %mul3A_1105 = arith.constant 1.20892582E+24 : f32
      %mul3A_1106 = vector.broadcast %mul3A_1105 : f32 to vector<16xf32>
      %mul3A_1107 = arith.mulf %get3A_1104, %mul3A_1106 : vector<16xf32>
      %broadcast_in_dim3A_1108 = arith.constant -8.000000e+01 : f32
      %broadcast_in_dim3A_1109 = vector.broadcast %broadcast_in_dim3A_1108 : f32 to vector<16xf32>
      %ge3A_1110 = arith.constant 1.84467441E+19 : f32
      %ge3A_1111 = vector.broadcast %ge3A_1110 : f32 to vector<16xf32>
      %ge3A_1112 = arith.cmpf oge, %mul3A_1107, %ge3A_1111 : vector<16xf32>
      %mul3A_1113 = arith.constant 5.42101086E-20 : f32
      %mul3A_1114 = vector.broadcast %mul3A_1113 : f32 to vector<16xf32>
      %mul3A_1115 = arith.mulf %mul3A_1107, %mul3A_1114 : vector<16xf32>
      %select_n3A_1116 = arith.select %ge3A_1112, %mul3A_1115, %mul3A_1107 : vector<16xi1>, vector<16xf32>
      %add3A_1117 = arith.constant 6.400000e+01 : f32
      %add3A_1118 = vector.broadcast %add3A_1117 : f32 to vector<16xf32>
      %add3A_1119 = arith.addf %broadcast_in_dim3A_1109, %add3A_1118 : vector<16xf32>
      %select_n3A_1120 = arith.select %ge3A_1112, %add3A_1119, %broadcast_in_dim3A_1109 : vector<16xi1>, vector<16xf32>
      %ge3A_1121 = arith.constant 4.2949673E+9 : f32
      %ge3A_1122 = vector.broadcast %ge3A_1121 : f32 to vector<16xf32>
      %ge3A_1123 = arith.cmpf oge, %select_n3A_1116, %ge3A_1122 : vector<16xf32>
      %mul3A_1124 = arith.constant 2.32830644E-10 : f32
      %mul3A_1125 = vector.broadcast %mul3A_1124 : f32 to vector<16xf32>
      %mul3A_1126 = arith.mulf %select_n3A_1116, %mul3A_1125 : vector<16xf32>
      %select_n3A_1127 = arith.select %ge3A_1123, %mul3A_1126, %select_n3A_1116 : vector<16xi1>, vector<16xf32>
      %add3A_1128 = arith.constant 3.200000e+01 : f32
      %add3A_1129 = vector.broadcast %add3A_1128 : f32 to vector<16xf32>
      %add3A_1130 = arith.addf %select_n3A_1120, %add3A_1129 : vector<16xf32>
      %select_n3A_1131 = arith.select %ge3A_1123, %add3A_1130, %select_n3A_1120 : vector<16xi1>, vector<16xf32>
      %ge3A_1132 = arith.constant 6.553600e+04 : f32
      %ge3A_1133 = vector.broadcast %ge3A_1132 : f32 to vector<16xf32>
      %ge3A_1134 = arith.cmpf oge, %select_n3A_1127, %ge3A_1133 : vector<16xf32>
      %mul3A_1135 = arith.constant 1.52587891E-5 : f32
      %mul3A_1136 = vector.broadcast %mul3A_1135 : f32 to vector<16xf32>
      %mul3A_1137 = arith.mulf %select_n3A_1127, %mul3A_1136 : vector<16xf32>
      %select_n3A_1138 = arith.select %ge3A_1134, %mul3A_1137, %select_n3A_1127 : vector<16xi1>, vector<16xf32>
      %add3A_1139 = arith.constant 1.600000e+01 : f32
      %add3A_1140 = vector.broadcast %add3A_1139 : f32 to vector<16xf32>
      %add3A_1141 = arith.addf %select_n3A_1131, %add3A_1140 : vector<16xf32>
      %select_n3A_1142 = arith.select %ge3A_1134, %add3A_1141, %select_n3A_1131 : vector<16xi1>, vector<16xf32>
      %ge3A_1143 = arith.constant 2.560000e+02 : f32
      %ge3A_1144 = vector.broadcast %ge3A_1143 : f32 to vector<16xf32>
      %ge3A_1145 = arith.cmpf oge, %select_n3A_1138, %ge3A_1144 : vector<16xf32>
      %mul3A_1146 = arith.constant 3.906250e-03 : f32
      %mul3A_1147 = vector.broadcast %mul3A_1146 : f32 to vector<16xf32>
      %mul3A_1148 = arith.mulf %select_n3A_1138, %mul3A_1147 : vector<16xf32>
      %select_n3A_1149 = arith.select %ge3A_1145, %mul3A_1148, %select_n3A_1138 : vector<16xi1>, vector<16xf32>
      %add3A_1150 = arith.constant 8.000000e+00 : f32
      %add3A_1151 = vector.broadcast %add3A_1150 : f32 to vector<16xf32>
      %add3A_1152 = arith.addf %select_n3A_1142, %add3A_1151 : vector<16xf32>
      %select_n3A_1153 = arith.select %ge3A_1145, %add3A_1152, %select_n3A_1142 : vector<16xi1>, vector<16xf32>
      %ge3A_1154 = arith.constant 1.600000e+01 : f32
      %ge3A_1155 = vector.broadcast %ge3A_1154 : f32 to vector<16xf32>
      %ge3A_1156 = arith.cmpf oge, %select_n3A_1149, %ge3A_1155 : vector<16xf32>
      %mul3A_1157 = arith.constant 6.250000e-02 : f32
      %mul3A_1158 = vector.broadcast %mul3A_1157 : f32 to vector<16xf32>
      %mul3A_1159 = arith.mulf %select_n3A_1149, %mul3A_1158 : vector<16xf32>
      %select_n3A_1160 = arith.select %ge3A_1156, %mul3A_1159, %select_n3A_1149 : vector<16xi1>, vector<16xf32>
      %add3A_1161 = arith.constant 4.000000e+00 : f32
      %add3A_1162 = vector.broadcast %add3A_1161 : f32 to vector<16xf32>
      %add3A_1163 = arith.addf %select_n3A_1153, %add3A_1162 : vector<16xf32>
      %select_n3A_1164 = arith.select %ge3A_1156, %add3A_1163, %select_n3A_1153 : vector<16xi1>, vector<16xf32>
      %ge3A_1165 = arith.constant 4.000000e+00 : f32
      %ge3A_1166 = vector.broadcast %ge3A_1165 : f32 to vector<16xf32>
      %ge3A_1167 = arith.cmpf oge, %select_n3A_1160, %ge3A_1166 : vector<16xf32>
      %mul3A_1168 = arith.constant 2.500000e-01 : f32
      %mul3A_1169 = vector.broadcast %mul3A_1168 : f32 to vector<16xf32>
      %mul3A_1170 = arith.mulf %select_n3A_1160, %mul3A_1169 : vector<16xf32>
      %select_n3A_1171 = arith.select %ge3A_1167, %mul3A_1170, %select_n3A_1160 : vector<16xi1>, vector<16xf32>
      %add3A_1172 = arith.constant 2.000000e+00 : f32
      %add3A_1173 = vector.broadcast %add3A_1172 : f32 to vector<16xf32>
      %add3A_1174 = arith.addf %select_n3A_1164, %add3A_1173 : vector<16xf32>
      %select_n3A_1175 = arith.select %ge3A_1167, %add3A_1174, %select_n3A_1164 : vector<16xi1>, vector<16xf32>
      %ge3A_1176 = arith.constant 2.000000e+00 : f32
      %ge3A_1177 = vector.broadcast %ge3A_1176 : f32 to vector<16xf32>
      %ge3A_1178 = arith.cmpf oge, %select_n3A_1171, %ge3A_1177 : vector<16xf32>
      %mul3A_1179 = arith.constant 5.000000e-01 : f32
      %mul3A_1180 = vector.broadcast %mul3A_1179 : f32 to vector<16xf32>
      %mul3A_1181 = arith.mulf %select_n3A_1171, %mul3A_1180 : vector<16xf32>
      %select_n3A_1182 = arith.select %ge3A_1178, %mul3A_1181, %select_n3A_1171 : vector<16xi1>, vector<16xf32>
      %add3A_1183 = arith.constant 1.000000e+00 : f32
      %add3A_1184 = vector.broadcast %add3A_1183 : f32 to vector<16xf32>
      %add3A_1185 = arith.addf %select_n3A_1175, %add3A_1184 : vector<16xf32>
      %select_n3A_1186 = arith.select %ge3A_1178, %add3A_1185, %select_n3A_1175 : vector<16xi1>, vector<16xf32>
      %broadcast_in_dim3A_1187 = arith.constant -0.0248259846 : f32
      %broadcast_in_dim3A_1188 = vector.broadcast %broadcast_in_dim3A_1187 : f32 to vector<16xf32>
      %mul3A_1189 = arith.mulf %broadcast_in_dim3A_1188, %select_n3A_1182 : vector<16xf32>
      %add3A_1190 = arith.constant 0.26686278 : f32
      %add3A_1191 = vector.broadcast %add3A_1190 : f32 to vector<16xf32>
      %add3A_1192 = arith.addf %mul3A_1189, %add3A_1191 : vector<16xf32>
      %mul3A_1193 = arith.mulf %add3A_1192, %select_n3A_1182 : vector<16xf32>
      %add3A_1194 = arith.constant -1.23427987 : f32
      %add3A_1195 = vector.broadcast %add3A_1194 : f32 to vector<16xf32>
      %add3A_1196 = arith.addf %mul3A_1193, %add3A_1195 : vector<16xf32>
      %mul3A_1197 = arith.mulf %add3A_1196, %select_n3A_1182 : vector<16xf32>
      %add3A_1198 = arith.constant 3.218870e+00 : f32
      %add3A_1199 = vector.broadcast %add3A_1198 : f32 to vector<16xf32>
      %add3A_1200 = arith.addf %mul3A_1197, %add3A_1199 : vector<16xf32>
      %mul3A_1201 = arith.mulf %add3A_1200, %select_n3A_1182 : vector<16xf32>
      %add3A_1202 = arith.constant -5.26415539 : f32
      %add3A_1203 = vector.broadcast %add3A_1202 : f32 to vector<16xf32>
      %add3A_1204 = arith.addf %mul3A_1201, %add3A_1203 : vector<16xf32>
      %mul3A_1205 = arith.mulf %add3A_1204, %select_n3A_1182 : vector<16xf32>
      %add3A_1206 = arith.constant 6.06585884 : f32
      %add3A_1207 = vector.broadcast %add3A_1206 : f32 to vector<16xf32>
      %add3A_1208 = arith.addf %mul3A_1205, %add3A_1207 : vector<16xf32>
      %mul3A_1209 = arith.mulf %add3A_1208, %select_n3A_1182 : vector<16xf32>
      %add3A_1210 = arith.constant -3.02832508 : f32
      %add3A_1211 = vector.broadcast %add3A_1210 : f32 to vector<16xf32>
      %add3A_1212 = arith.addf %mul3A_1209, %add3A_1211 : vector<16xf32>
      %add3A_1213 = arith.addf %select_n3A_1186, %add3A_1212 : vector<16xf32>
      %mul3A_1214 = arith.constant 0.693147182 : f32
      %mul3A_1215 = vector.broadcast %mul3A_1214 : f32 to vector<16xf32>
      %mul3A_1216 = arith.mulf %add3A_1213, %mul3A_1215 : vector<16xf32>
      %add3A_1217 = arith.addf %add3A_1101, %mul3A_1216 : vector<16xf32>
      %lt3A_1218 = arith.constant 0 : i32
      %lt3A_1219 = vector.broadcast %lt3A_1218 : i32 to vector<16xi32>
      %lt3A_1220 = arith.cmpi slt, %xor3A_163, %lt3A_1219 : vector<16xi32>
      %add3A_1221 = arith.constant 16 : i32
      %add3A_1222 = vector.broadcast %add3A_1221 : i32 to vector<16xi32>
      %add3A_1223 = arith.addi %xor3A_163, %add3A_1222 : vector<16xi32>
      %select_n3A_1224 = arith.select %lt3A_1220, %add3A_1223, %xor3A_163 : vector<16xi1>, vector<16xi32>
      %broadcast_in_dim3A_1225 = vector.shape_cast %select_n3A_1224 : vector<16xi32> to vector<16x1xi32>
      %gather3A_1226 = vector.shape_cast %broadcast_in_dim3A_1225 : vector<16x1xi32> to vector<16xi32>
      %gather3A_1227 = tpu.dynamic_gather %add3A_1217[%gather3A_1226] in [0] : vector<16xf32>, vector<16xi32> -> vector<16xf32>
      %add3A_1228 = arith.addf %add3A_1217, %gather3A_1227 : vector<16xf32>
      %lt3A_1229 = arith.constant 0 : i32
      %lt3A_1230 = vector.broadcast %lt3A_1229 : i32 to vector<16xi32>
      %lt3A_1231 = arith.cmpi slt, %xor3A_166, %lt3A_1230 : vector<16xi32>
      %add3A_1232 = arith.constant 16 : i32
      %add3A_1233 = vector.broadcast %add3A_1232 : i32 to vector<16xi32>
      %add3A_1234 = arith.addi %xor3A_166, %add3A_1233 : vector<16xi32>
      %select_n3A_1235 = arith.select %lt3A_1231, %add3A_1234, %xor3A_166 : vector<16xi1>, vector<16xi32>
      %broadcast_in_dim3A_1236 = vector.shape_cast %select_n3A_1235 : vector<16xi32> to vector<16x1xi32>
      %gather3A_1237 = vector.shape_cast %broadcast_in_dim3A_1236 : vector<16x1xi32> to vector<16xi32>
      %gather3A_1238 = tpu.dynamic_gather %add3A_1228[%gather3A_1237] in [0] : vector<16xf32>, vector<16xi32> -> vector<16xf32>
      %add3A_1239 = arith.addf %add3A_1228, %gather3A_1238 : vector<16xf32>
      %lt3A_1240 = arith.constant 0 : i32
      %lt3A_1241 = vector.broadcast %lt3A_1240 : i32 to vector<16xi32>
      %lt3A_1242 = arith.cmpi slt, %xor3A_169, %lt3A_1241 : vector<16xi32>
      %add3A_1243 = arith.constant 16 : i32
      %add3A_1244 = vector.broadcast %add3A_1243 : i32 to vector<16xi32>
      %add3A_1245 = arith.addi %xor3A_169, %add3A_1244 : vector<16xi32>
      %select_n3A_1246 = arith.select %lt3A_1242, %add3A_1245, %xor3A_169 : vector<16xi1>, vector<16xi32>
      %broadcast_in_dim3A_1247 = vector.shape_cast %select_n3A_1246 : vector<16xi32> to vector<16x1xi32>
      %gather3A_1248 = vector.shape_cast %broadcast_in_dim3A_1247 : vector<16x1xi32> to vector<16xi32>
      %gather3A_1249 = tpu.dynamic_gather %add3A_1239[%gather3A_1248] in [0] : vector<16xf32>, vector<16xi32> -> vector<16xf32>
      %add3A_1250 = arith.addf %add3A_1239, %gather3A_1249 : vector<16xf32>
      %lt3A_1251 = arith.constant 0 : i32
      %lt3A_1252 = vector.broadcast %lt3A_1251 : i32 to vector<16xi32>
      %lt3A_1253 = arith.cmpi slt, %xor3A_172, %lt3A_1252 : vector<16xi32>
      %add3A_1254 = arith.constant 16 : i32
      %add3A_1255 = vector.broadcast %add3A_1254 : i32 to vector<16xi32>
      %add3A_1256 = arith.addi %xor3A_172, %add3A_1255 : vector<16xi32>
      %select_n3A_1257 = arith.select %lt3A_1253, %add3A_1256, %xor3A_172 : vector<16xi1>, vector<16xi32>
      %broadcast_in_dim3A_1258 = vector.shape_cast %select_n3A_1257 : vector<16xi32> to vector<16x1xi32>
      %gather3A_1259 = vector.shape_cast %broadcast_in_dim3A_1258 : vector<16x1xi32> to vector<16xi32>
      %gather3A_1260 = tpu.dynamic_gather %add3A_1250[%gather3A_1259] in [0] : vector<16xf32>, vector<16xi32> -> vector<16xf32>
      %add3A_1261 = arith.addf %add3A_1250, %gather3A_1260 : vector<16xf32>
      %mul3A_1262 = arith.constant 1.20892582E+24 : f32
      %mul3A_1263 = vector.broadcast %mul3A_1262 : f32 to vector<16xf32>
      %mul3A_1264 = arith.mulf %add3A_291, %mul3A_1263 : vector<16xf32>
      %broadcast_in_dim3A_1265 = arith.constant -8.000000e+01 : f32
      %broadcast_in_dim3A_1266 = vector.broadcast %broadcast_in_dim3A_1265 : f32 to vector<16xf32>
      %ge3A_1267 = arith.constant 1.84467441E+19 : f32
      %ge3A_1268 = vector.broadcast %ge3A_1267 : f32 to vector<16xf32>
      %ge3A_1269 = arith.cmpf oge, %mul3A_1264, %ge3A_1268 : vector<16xf32>
      %mul3A_1270 = arith.constant 5.42101086E-20 : f32
      %mul3A_1271 = vector.broadcast %mul3A_1270 : f32 to vector<16xf32>
      %mul3A_1272 = arith.mulf %mul3A_1264, %mul3A_1271 : vector<16xf32>
      %select_n3A_1273 = arith.select %ge3A_1269, %mul3A_1272, %mul3A_1264 : vector<16xi1>, vector<16xf32>
      %add3A_1274 = arith.constant 6.400000e+01 : f32
      %add3A_1275 = vector.broadcast %add3A_1274 : f32 to vector<16xf32>
      %add3A_1276 = arith.addf %broadcast_in_dim3A_1266, %add3A_1275 : vector<16xf32>
      %select_n3A_1277 = arith.select %ge3A_1269, %add3A_1276, %broadcast_in_dim3A_1266 : vector<16xi1>, vector<16xf32>
      %ge3A_1278 = arith.constant 4.2949673E+9 : f32
      %ge3A_1279 = vector.broadcast %ge3A_1278 : f32 to vector<16xf32>
      %ge3A_1280 = arith.cmpf oge, %select_n3A_1273, %ge3A_1279 : vector<16xf32>
      %mul3A_1281 = arith.constant 2.32830644E-10 : f32
      %mul3A_1282 = vector.broadcast %mul3A_1281 : f32 to vector<16xf32>
      %mul3A_1283 = arith.mulf %select_n3A_1273, %mul3A_1282 : vector<16xf32>
      %select_n3A_1284 = arith.select %ge3A_1280, %mul3A_1283, %select_n3A_1273 : vector<16xi1>, vector<16xf32>
      %add3A_1285 = arith.constant 3.200000e+01 : f32
      %add3A_1286 = vector.broadcast %add3A_1285 : f32 to vector<16xf32>
      %add3A_1287 = arith.addf %select_n3A_1277, %add3A_1286 : vector<16xf32>
      %select_n3A_1288 = arith.select %ge3A_1280, %add3A_1287, %select_n3A_1277 : vector<16xi1>, vector<16xf32>
      %ge3A_1289 = arith.constant 6.553600e+04 : f32
      %ge3A_1290 = vector.broadcast %ge3A_1289 : f32 to vector<16xf32>
      %ge3A_1291 = arith.cmpf oge, %select_n3A_1284, %ge3A_1290 : vector<16xf32>
      %mul3A_1292 = arith.constant 1.52587891E-5 : f32
      %mul3A_1293 = vector.broadcast %mul3A_1292 : f32 to vector<16xf32>
      %mul3A_1294 = arith.mulf %select_n3A_1284, %mul3A_1293 : vector<16xf32>
      %select_n3A_1295 = arith.select %ge3A_1291, %mul3A_1294, %select_n3A_1284 : vector<16xi1>, vector<16xf32>
      %add3A_1296 = arith.constant 1.600000e+01 : f32
      %add3A_1297 = vector.broadcast %add3A_1296 : f32 to vector<16xf32>
      %add3A_1298 = arith.addf %select_n3A_1288, %add3A_1297 : vector<16xf32>
      %select_n3A_1299 = arith.select %ge3A_1291, %add3A_1298, %select_n3A_1288 : vector<16xi1>, vector<16xf32>
      %ge3A_1300 = arith.constant 2.560000e+02 : f32
      %ge3A_1301 = vector.broadcast %ge3A_1300 : f32 to vector<16xf32>
      %ge3A_1302 = arith.cmpf oge, %select_n3A_1295, %ge3A_1301 : vector<16xf32>
      %mul3A_1303 = arith.constant 3.906250e-03 : f32
      %mul3A_1304 = vector.broadcast %mul3A_1303 : f32 to vector<16xf32>
      %mul3A_1305 = arith.mulf %select_n3A_1295, %mul3A_1304 : vector<16xf32>
      %select_n3A_1306 = arith.select %ge3A_1302, %mul3A_1305, %select_n3A_1295 : vector<16xi1>, vector<16xf32>
      %add3A_1307 = arith.constant 8.000000e+00 : f32
      %add3A_1308 = vector.broadcast %add3A_1307 : f32 to vector<16xf32>
      %add3A_1309 = arith.addf %select_n3A_1299, %add3A_1308 : vector<16xf32>
      %select_n3A_1310 = arith.select %ge3A_1302, %add3A_1309, %select_n3A_1299 : vector<16xi1>, vector<16xf32>
      %ge3A_1311 = arith.constant 1.600000e+01 : f32
      %ge3A_1312 = vector.broadcast %ge3A_1311 : f32 to vector<16xf32>
      %ge3A_1313 = arith.cmpf oge, %select_n3A_1306, %ge3A_1312 : vector<16xf32>
      %mul3A_1314 = arith.constant 6.250000e-02 : f32
      %mul3A_1315 = vector.broadcast %mul3A_1314 : f32 to vector<16xf32>
      %mul3A_1316 = arith.mulf %select_n3A_1306, %mul3A_1315 : vector<16xf32>
      %select_n3A_1317 = arith.select %ge3A_1313, %mul3A_1316, %select_n3A_1306 : vector<16xi1>, vector<16xf32>
      %add3A_1318 = arith.constant 4.000000e+00 : f32
      %add3A_1319 = vector.broadcast %add3A_1318 : f32 to vector<16xf32>
      %add3A_1320 = arith.addf %select_n3A_1310, %add3A_1319 : vector<16xf32>
      %select_n3A_1321 = arith.select %ge3A_1313, %add3A_1320, %select_n3A_1310 : vector<16xi1>, vector<16xf32>
      %ge3A_1322 = arith.constant 4.000000e+00 : f32
      %ge3A_1323 = vector.broadcast %ge3A_1322 : f32 to vector<16xf32>
      %ge3A_1324 = arith.cmpf oge, %select_n3A_1317, %ge3A_1323 : vector<16xf32>
      %mul3A_1325 = arith.constant 2.500000e-01 : f32
      %mul3A_1326 = vector.broadcast %mul3A_1325 : f32 to vector<16xf32>
      %mul3A_1327 = arith.mulf %select_n3A_1317, %mul3A_1326 : vector<16xf32>
      %select_n3A_1328 = arith.select %ge3A_1324, %mul3A_1327, %select_n3A_1317 : vector<16xi1>, vector<16xf32>
      %add3A_1329 = arith.constant 2.000000e+00 : f32
      %add3A_1330 = vector.broadcast %add3A_1329 : f32 to vector<16xf32>
      %add3A_1331 = arith.addf %select_n3A_1321, %add3A_1330 : vector<16xf32>
      %select_n3A_1332 = arith.select %ge3A_1324, %add3A_1331, %select_n3A_1321 : vector<16xi1>, vector<16xf32>
      %ge3A_1333 = arith.constant 2.000000e+00 : f32
      %ge3A_1334 = vector.broadcast %ge3A_1333 : f32 to vector<16xf32>
      %ge3A_1335 = arith.cmpf oge, %select_n3A_1328, %ge3A_1334 : vector<16xf32>
      %mul3A_1336 = arith.constant 5.000000e-01 : f32
      %mul3A_1337 = vector.broadcast %mul3A_1336 : f32 to vector<16xf32>
      %mul3A_1338 = arith.mulf %select_n3A_1328, %mul3A_1337 : vector<16xf32>
      %select_n3A_1339 = arith.select %ge3A_1335, %mul3A_1338, %select_n3A_1328 : vector<16xi1>, vector<16xf32>
      %add3A_1340 = arith.constant 1.000000e+00 : f32
      %add3A_1341 = vector.broadcast %add3A_1340 : f32 to vector<16xf32>
      %add3A_1342 = arith.addf %select_n3A_1332, %add3A_1341 : vector<16xf32>
      %select_n3A_1343 = arith.select %ge3A_1335, %add3A_1342, %select_n3A_1332 : vector<16xi1>, vector<16xf32>
      %broadcast_in_dim3A_1344 = arith.constant -0.0248259846 : f32
      %broadcast_in_dim3A_1345 = vector.broadcast %broadcast_in_dim3A_1344 : f32 to vector<16xf32>
      %mul3A_1346 = arith.mulf %broadcast_in_dim3A_1345, %select_n3A_1339 : vector<16xf32>
      %add3A_1347 = arith.constant 0.26686278 : f32
      %add3A_1348 = vector.broadcast %add3A_1347 : f32 to vector<16xf32>
      %add3A_1349 = arith.addf %mul3A_1346, %add3A_1348 : vector<16xf32>
      %mul3A_1350 = arith.mulf %add3A_1349, %select_n3A_1339 : vector<16xf32>
      %add3A_1351 = arith.constant -1.23427987 : f32
      %add3A_1352 = vector.broadcast %add3A_1351 : f32 to vector<16xf32>
      %add3A_1353 = arith.addf %mul3A_1350, %add3A_1352 : vector<16xf32>
      %mul3A_1354 = arith.mulf %add3A_1353, %select_n3A_1339 : vector<16xf32>
      %add3A_1355 = arith.constant 3.218870e+00 : f32
      %add3A_1356 = vector.broadcast %add3A_1355 : f32 to vector<16xf32>
      %add3A_1357 = arith.addf %mul3A_1354, %add3A_1356 : vector<16xf32>
      %mul3A_1358 = arith.mulf %add3A_1357, %select_n3A_1339 : vector<16xf32>
      %add3A_1359 = arith.constant -5.26415539 : f32
      %add3A_1360 = vector.broadcast %add3A_1359 : f32 to vector<16xf32>
      %add3A_1361 = arith.addf %mul3A_1358, %add3A_1360 : vector<16xf32>
      %mul3A_1362 = arith.mulf %add3A_1361, %select_n3A_1339 : vector<16xf32>
      %add3A_1363 = arith.constant 6.06585884 : f32
      %add3A_1364 = vector.broadcast %add3A_1363 : f32 to vector<16xf32>
      %add3A_1365 = arith.addf %mul3A_1362, %add3A_1364 : vector<16xf32>
      %mul3A_1366 = arith.mulf %add3A_1365, %select_n3A_1339 : vector<16xf32>
      %add3A_1367 = arith.constant -3.02832508 : f32
      %add3A_1368 = vector.broadcast %add3A_1367 : f32 to vector<16xf32>
      %add3A_1369 = arith.addf %mul3A_1366, %add3A_1368 : vector<16xf32>
      %add3A_1370 = arith.addf %select_n3A_1343, %add3A_1369 : vector<16xf32>
      %mul3A_1371 = arith.constant 0.693147182 : f32
      %mul3A_1372 = vector.broadcast %mul3A_1371 : f32 to vector<16xf32>
      %mul3A_1373 = arith.mulf %add3A_1370, %mul3A_1372 : vector<16xf32>
      %add3A_1374 = arith.addf %add3A_1261, %mul3A_1373 : vector<16xf32>
      %get3A_1375 = arith.constant 0 : index
      %get3A_1376 = tpu.vector_load %arg11[%get3A_1375] {strides = array<i32>} : memref<16xf32, #tpu.memory_space<vmem>>, vector<16xf32>,
      %get3A_1377 = vector.shape_cast %get3A_1376 : vector<16xf32> to vector<16xf32>
      %add3A_1378 = arith.addf %add3A_1374, %get3A_1377 : vector<16xf32>
      %swap3A_1379 = arith.constant 0 : index
      %swap3A_1380 = tpu.vector_load %arg11[%swap3A_1379] {strides = array<i32>} : memref<16xf32, #tpu.memory_space<vmem>>, vector<16xf32>,
      %swap3A_1381 = vector.shape_cast %swap3A_1380 : vector<16xf32> to vector<16xf32>
      %swap3A_1382 = vector.shape_cast %add3A_1378 : vector<16xf32> to vector<16xf32>
      tpu.vector_store %arg11[%swap3A_1379], %swap3A_1382 {strides = array<i32>} : memref<16xf32, #tpu.memory_space<vmem>>, vector<16xf32>,
      "tpu.region"() ({
        %run_scoped3A = tpu.sem_alloc : memref<!tpu.dma_semaphore, #tpu.memory_space<semaphore_mem>>
        %dma_start3A = arith.constant 0 : i32
        %dma_start3A_1383 = tpu.memref_slice %arg6[%arg1, %dma_start3A] : memref<16x16xf32, #tpu.memory_space<hbm>> -> memref<1x16xf32, #tpu.memory_space<hbm>>
        %dma_start3A_1384 = tpu.memref_squeeze %dma_start3A_1383 : memref<1x16xf32, #tpu.memory_space<hbm>> -> memref<16xf32, #tpu.memory_space<hbm>>
        %dma_start3A_1385 = arith.constant 0 : i32
        %dma_start3A_1386 = tpu.memref_slice %arg6[%arg1, %dma_start3A_1385] : memref<16x16xf32, #tpu.memory_space<hbm>> -> memref<1x16xf32, #tpu.memory_space<hbm>>
        %dma_start3A_1387 = tpu.memref_squeeze %dma_start3A_1386 : memref<1x16xf32, #tpu.memory_space<hbm>> -> memref<16xf32, #tpu.memory_space<hbm>>
        tpu.enqueue_dma source(%arg11 : memref<16xf32, #tpu.memory_space<vmem>>) target(%dma_start3A_1387 : memref<16xf32, #tpu.memory_space<hbm>>) target_semaphore(%run_scoped3A : memref<!tpu.dma_semaphore, #tpu.memory_space<semaphore_mem>>)
        %dma_wait3A = arith.constant 0 : i32
        %dma_wait3A_1388 = tpu.memref_slice %arg6[%arg1, %dma_wait3A] : memref<16x16xf32, #tpu.memory_space<hbm>> -> memref<1x16xf32, #tpu.memory_space<hbm>>
        %dma_wait3A_1389 = tpu.memref_squeeze %dma_wait3A_1388 : memref<1x16xf32, #tpu.memory_space<hbm>> -> memref<16xf32, #tpu.memory_space<hbm>>
        %dma_wait3A_1390 = arith.constant 0 : i32
        %dma_wait3A_1391 = tpu.memref_slice %arg6[%arg1, %dma_wait3A_1390] : memref<16x16xf32, #tpu.memory_space<hbm>> -> memref<1x16xf32, #tpu.memory_space<hbm>>
        %dma_wait3A_1392 = tpu.memref_squeeze %dma_wait3A_1391 : memref<1x16xf32, #tpu.memory_space<hbm>> -> memref<16xf32, #tpu.memory_space<hbm>>
        tpu.wait_dma2 semaphore(%run_scoped3A : memref<!tpu.dma_semaphore, #tpu.memory_space<semaphore_mem>>) src(%arg11 : memref<16xf32, #tpu.memory_space<vmem>>) dst(%dma_wait3A_1392 : memref<16xf32, #tpu.memory_space<hbm>>)
        tpu.yield
      }) : () -> ()
    } else {
    }
    return
  }
}

module attributes {stable_mosaic.version = 14 : i64} {
  func.func @_emit_body(%arg0: memref<16x512x128xf32, #tpu.memory_space<vmem>>, %arg1: memref<16x1xi32, #tpu.memory_space<vmem>>, %arg2: memref<16x2x128xf32, #tpu.memory_space<vmem>>, %arg3: memref<16x512x16xf32, #tpu.memory_space<vmem>>, %arg4: memref<16x16xf32, #tpu.memory_space<vmem>>, %arg5: memref<16x512x16xf32, #tpu.memory_space<vmem>>) attributes {dimension_semantics = [], scalar_prefetch = 0 : i64, scratch_operands = 1 : i64, tpu.core_type = #tpu.core_type<tc>} {
    %get3A = arith.constant 0 : index
    %get3A_0 = arith.constant 0 : index
    %get3A_1 = arith.constant 0 : index
    %get3A_2 = vector.load %arg2[%get3A, %get3A_0, %get3A_1] : memref<16x2x128xf32, #tpu.memory_space<vmem>>, vector<16x2x128xf32>
    %jit3A = arith.constant 9.99999974E-6 : f32
    %jit3A_3 = arith.constant 0.999989986 : f32
    %max3A = vector.broadcast %jit3A : f32 to vector<16x2x128xf32>
    %max3A_4 = arith.maximumf %max3A, %get3A_2 : vector<16x2x128xf32>
    %min3A = vector.broadcast %jit3A_3 : f32 to vector<16x2x128xf32>
    %min3A_5 = arith.minimumf %min3A, %max3A_4 : vector<16x2x128xf32>
    %slice3A = vector.extract_strided_slice %min3A_5 {offsets = [0, 0, 0], sizes = [16, 1, 128], strides = [1, 1, 1]} : vector<16x2x128xf32> to vector<16x1x128xf32>
    %squeeze3A = vector.shape_cast %slice3A : vector<16x1x128xf32> to vector<16x128xf32>
    %slice3A_6 = vector.extract_strided_slice %min3A_5 {offsets = [0, 1, 0], sizes = [16, 1, 128], strides = [1, 1, 1]} : vector<16x2x128xf32> to vector<16x1x128xf32>
    %squeeze3A_7 = vector.shape_cast %slice3A_6 : vector<16x1x128xf32> to vector<16x128xf32>
    %neg3A = arith.constant 0.000000e+00 : f32
    %neg3A_8 = vector.broadcast %neg3A : f32 to vector<16x128xf32>
    %neg3A_9 = arith.subf %neg3A_8, %squeeze3A : vector<16x128xf32>
    %log1p3A = math.log1p %neg3A_9 : vector<16x128xf32>
    %log3A = math.log %squeeze3A : vector<16x128xf32>
    %neg3A_10 = arith.constant 0.000000e+00 : f32
    %neg3A_11 = vector.broadcast %neg3A_10 : f32 to vector<16x128xf32>
    %neg3A_12 = arith.subf %neg3A_11, %squeeze3A_7 : vector<16x128xf32>
    %log1p3A_13 = math.log1p %neg3A_12 : vector<16x128xf32>
    %log3A_14 = math.log %squeeze3A_7 : vector<16x128xf32>
    %sub3A = arith.subf %log3A, %log1p3A : vector<16x128xf32>
    %transpose3A = tpu.transpose %sub3A, [1, 0] : vector<16x128xf32> -> vector<128x16xf32>
    %convert_element_type3A = arith.truncf %transpose3A : vector<128x16xf32> to vector<128x16xbf16>
    %sub3A_15 = arith.subf %log1p3A_13, %log1p3A : vector<16x128xf32>
    %transpose3A_16 = tpu.transpose %sub3A_15, [1, 0] : vector<16x128xf32> -> vector<128x16xf32>
    %convert_element_type3A_17 = arith.truncf %transpose3A_16 : vector<128x16xf32> to vector<128x16xbf16>
    %sub3A_18 = arith.subf %log3A_14, %log1p3A_13 : vector<16x128xf32>
    %sub3A_19 = arith.subf %sub3A_18, %log3A : vector<16x128xf32>
    %add3A = arith.addf %sub3A_19, %log1p3A : vector<16x128xf32>
    %transpose3A_20 = tpu.transpose %add3A, [1, 0] : vector<16x128xf32> -> vector<128x16xf32>
    %convert_element_type3A_21 = arith.truncf %transpose3A_20 : vector<128x16xf32> to vector<128x16xbf16>
    %reduce_sum3A = arith.constant dense<0.000000e+00> : vector<16xf32>
    %reduce_sum3A_22 = vector.multi_reduction <add>, %log1p3A, %reduce_sum3A [1] : vector<16x128xf32> to vector<16xf32>
    %get3A_23 = arith.constant 0 : index
    %get3A_24 = arith.constant 0 : index
    %get3A_25 = arith.constant 0 : index
    %get3A_26 = vector.load %arg0[%get3A_23, %get3A_24, %get3A_25] : memref<16x512x128xf32, #tpu.memory_space<vmem>>, vector<1x512x128xf32>
    %get3A_27 = vector.shape_cast %get3A_26 : vector<1x512x128xf32> to vector<512x128xf32>
    %convert_element_type3A_28 = arith.truncf %get3A_27 : vector<512x128xf32> to vector<512x128xbf16>
    %broadcast_in_dim3A = arith.constant 0.000000e+00 : bf16
    %broadcast_in_dim3A_29 = vector.broadcast %broadcast_in_dim3A : bf16 to vector<1x128xbf16>
    %slice3A_30 = vector.extract_strided_slice %convert_element_type3A_28 {offsets = [0, 0], sizes = [511, 128], strides = [1, 1]} : vector<512x128xbf16> to vector<511x128xbf16>
    %concatenate3A = tpu.concatenate %broadcast_in_dim3A_29, %slice3A_30 in 0 : vector<1x128xbf16>, vector<511x128xbf16> -> vector<512x128xbf16>
    %dot_general3A = arith.constant dense<0.000000e+00> : vector<512x16xf32>
    %dot_general3A_31 = tpu.matmul %convert_element_type3A_28, %convert_element_type3A, %dot_general3A {dimension_numbers = #tpu.dot_dimension_numbers<[1], [0], [0], [1], [0, 0, 1, 1], [], []>, transpose_lhs_hint = false} : vector<512x128xbf16>, vector<128x16xbf16>, vector<512x16xf32> -> vector<512x16xf32>
    %dot_general3A_32 = arith.constant dense<0.000000e+00> : vector<512x16xf32>
    %dot_general3A_33 = tpu.matmul %concatenate3A, %convert_element_type3A_17, %dot_general3A_32 {dimension_numbers = #tpu.dot_dimension_numbers<[1], [0], [0], [1], [0, 0, 1, 1], [], []>, transpose_lhs_hint = false} : vector<512x128xbf16>, vector<128x16xbf16>, vector<512x16xf32> -> vector<512x16xf32>
    %add3A_34 = arith.addf %dot_general3A_31, %dot_general3A_33 : vector<512x16xf32>
    %mul3A = arith.mulf %convert_element_type3A_28, %concatenate3A : vector<512x128xbf16>
    %dot_general3A_35 = arith.constant dense<0.000000e+00> : vector<512x16xf32>
    %dot_general3A_36 = tpu.matmul %mul3A, %convert_element_type3A_21, %dot_general3A_35 {dimension_numbers = #tpu.dot_dimension_numbers<[1], [0], [0], [1], [0, 0, 1, 1], [], []>, transpose_lhs_hint = false} : vector<512x128xbf16>, vector<128x16xbf16>, vector<512x16xf32> -> vector<512x16xf32>
    %add3A_37 = arith.addf %add3A_34, %dot_general3A_36 : vector<512x16xf32>
    %broadcast_in_dim3A_38 = vector.shape_cast %reduce_sum3A_22 : vector<16xf32> to vector<1x16xf32>
    %add3A_39 = vector.broadcast %broadcast_in_dim3A_38 : vector<1x16xf32> to vector<512x16xf32>
    %add3A_40 = arith.addf %add3A_37, %add3A_39 : vector<512x16xf32>
    %swap3A = arith.constant 0 : index
    %swap3A_41 = arith.constant 0 : index
    %swap3A_42 = arith.constant 0 : index
    %swap3A_43 = vector.load %arg5[%swap3A, %swap3A_41, %swap3A_42] : memref<16x512x16xf32, #tpu.memory_space<vmem>>, vector<1x512x16xf32>
    %swap3A_44 = vector.shape_cast %swap3A_43 : vector<1x512x16xf32> to vector<512x16xf32>
    %swap3A_45 = vector.shape_cast %add3A_40 : vector<512x16xf32> to vector<1x512x16xf32>
    tpu.vector_store %arg5[%swap3A, %swap3A_41, %swap3A_42], %swap3A_45 {strides = array<i32>} : memref<16x512x16xf32, #tpu.memory_space<vmem>>, vector<1x512x16xf32>,
    %get3A_46 = arith.constant 1 : index
    %get3A_47 = arith.constant 0 : index
    %get3A_48 = arith.constant 0 : index
    %get3A_49 = vector.load %arg0[%get3A_46, %get3A_47, %get3A_48] : memref<16x512x128xf32, #tpu.memory_space<vmem>>, vector<1x512x128xf32>
    %get3A_50 = vector.shape_cast %get3A_49 : vector<1x512x128xf32> to vector<512x128xf32>
    %convert_element_type3A_51 = arith.truncf %get3A_50 : vector<512x128xf32> to vector<512x128xbf16>
    %broadcast_in_dim3A_52 = arith.constant 0.000000e+00 : bf16
    %broadcast_in_dim3A_53 = vector.broadcast %broadcast_in_dim3A_52 : bf16 to vector<1x128xbf16>
    %slice3A_54 = vector.extract_strided_slice %convert_element_type3A_51 {offsets = [0, 0], sizes = [511, 128], strides = [1, 1]} : vector<512x128xbf16> to vector<511x128xbf16>
    %concatenate3A_55 = tpu.concatenate %broadcast_in_dim3A_53, %slice3A_54 in 0 : vector<1x128xbf16>, vector<511x128xbf16> -> vector<512x128xbf16>
    %dot_general3A_56 = arith.constant dense<0.000000e+00> : vector<512x16xf32>
    %dot_general3A_57 = tpu.matmul %convert_element_type3A_51, %convert_element_type3A, %dot_general3A_56 {dimension_numbers = #tpu.dot_dimension_numbers<[1], [0], [0], [1], [0, 0, 1, 1], [], []>, transpose_lhs_hint = false} : vector<512x128xbf16>, vector<128x16xbf16>, vector<512x16xf32> -> vector<512x16xf32>
    %dot_general3A_58 = arith.constant dense<0.000000e+00> : vector<512x16xf32>
    %dot_general3A_59 = tpu.matmul %concatenate3A_55, %convert_element_type3A_17, %dot_general3A_58 {dimension_numbers = #tpu.dot_dimension_numbers<[1], [0], [0], [1], [0, 0, 1, 1], [], []>, transpose_lhs_hint = false} : vector<512x128xbf16>, vector<128x16xbf16>, vector<512x16xf32> -> vector<512x16xf32>
    %add3A_60 = arith.addf %dot_general3A_57, %dot_general3A_59 : vector<512x16xf32>
    %mul3A_61 = arith.mulf %convert_element_type3A_51, %concatenate3A_55 : vector<512x128xbf16>
    %dot_general3A_62 = arith.constant dense<0.000000e+00> : vector<512x16xf32>
    %dot_general3A_63 = tpu.matmul %mul3A_61, %convert_element_type3A_21, %dot_general3A_62 {dimension_numbers = #tpu.dot_dimension_numbers<[1], [0], [0], [1], [0, 0, 1, 1], [], []>, transpose_lhs_hint = false} : vector<512x128xbf16>, vector<128x16xbf16>, vector<512x16xf32> -> vector<512x16xf32>
    %add3A_64 = arith.addf %add3A_60, %dot_general3A_63 : vector<512x16xf32>
    %broadcast_in_dim3A_65 = vector.shape_cast %reduce_sum3A_22 : vector<16xf32> to vector<1x16xf32>
    %add3A_66 = vector.broadcast %broadcast_in_dim3A_65 : vector<1x16xf32> to vector<512x16xf32>
    %add3A_67 = arith.addf %add3A_64, %add3A_66 : vector<512x16xf32>
    %swap3A_68 = arith.constant 1 : index
    %swap3A_69 = arith.constant 0 : index
    %swap3A_70 = arith.constant 0 : index
    %swap3A_71 = vector.load %arg5[%swap3A_68, %swap3A_69, %swap3A_70] : memref<16x512x16xf32, #tpu.memory_space<vmem>>, vector<1x512x16xf32>
    %swap3A_72 = vector.shape_cast %swap3A_71 : vector<1x512x16xf32> to vector<512x16xf32>
    %swap3A_73 = vector.shape_cast %add3A_67 : vector<512x16xf32> to vector<1x512x16xf32>
    tpu.vector_store %arg5[%swap3A_68, %swap3A_69, %swap3A_70], %swap3A_73 {strides = array<i32>} : memref<16x512x16xf32, #tpu.memory_space<vmem>>, vector<1x512x16xf32>,
    %get3A_74 = arith.constant 2 : index
    %get3A_75 = arith.constant 0 : index
    %get3A_76 = arith.constant 0 : index
    %get3A_77 = vector.load %arg0[%get3A_74, %get3A_75, %get3A_76] : memref<16x512x128xf32, #tpu.memory_space<vmem>>, vector<1x512x128xf32>
    %get3A_78 = vector.shape_cast %get3A_77 : vector<1x512x128xf32> to vector<512x128xf32>
    %convert_element_type3A_79 = arith.truncf %get3A_78 : vector<512x128xf32> to vector<512x128xbf16>
    %broadcast_in_dim3A_80 = arith.constant 0.000000e+00 : bf16
    %broadcast_in_dim3A_81 = vector.broadcast %broadcast_in_dim3A_80 : bf16 to vector<1x128xbf16>
    %slice3A_82 = vector.extract_strided_slice %convert_element_type3A_79 {offsets = [0, 0], sizes = [511, 128], strides = [1, 1]} : vector<512x128xbf16> to vector<511x128xbf16>
    %concatenate3A_83 = tpu.concatenate %broadcast_in_dim3A_81, %slice3A_82 in 0 : vector<1x128xbf16>, vector<511x128xbf16> -> vector<512x128xbf16>
    %dot_general3A_84 = arith.constant dense<0.000000e+00> : vector<512x16xf32>
    %dot_general3A_85 = tpu.matmul %convert_element_type3A_79, %convert_element_type3A, %dot_general3A_84 {dimension_numbers = #tpu.dot_dimension_numbers<[1], [0], [0], [1], [0, 0, 1, 1], [], []>, transpose_lhs_hint = false} : vector<512x128xbf16>, vector<128x16xbf16>, vector<512x16xf32> -> vector<512x16xf32>
    %dot_general3A_86 = arith.constant dense<0.000000e+00> : vector<512x16xf32>
    %dot_general3A_87 = tpu.matmul %concatenate3A_83, %convert_element_type3A_17, %dot_general3A_86 {dimension_numbers = #tpu.dot_dimension_numbers<[1], [0], [0], [1], [0, 0, 1, 1], [], []>, transpose_lhs_hint = false} : vector<512x128xbf16>, vector<128x16xbf16>, vector<512x16xf32> -> vector<512x16xf32>
    %add3A_88 = arith.addf %dot_general3A_85, %dot_general3A_87 : vector<512x16xf32>
    %mul3A_89 = arith.mulf %convert_element_type3A_79, %concatenate3A_83 : vector<512x128xbf16>
    %dot_general3A_90 = arith.constant dense<0.000000e+00> : vector<512x16xf32>
    %dot_general3A_91 = tpu.matmul %mul3A_89, %convert_element_type3A_21, %dot_general3A_90 {dimension_numbers = #tpu.dot_dimension_numbers<[1], [0], [0], [1], [0, 0, 1, 1], [], []>, transpose_lhs_hint = false} : vector<512x128xbf16>, vector<128x16xbf16>, vector<512x16xf32> -> vector<512x16xf32>
    %add3A_92 = arith.addf %add3A_88, %dot_general3A_91 : vector<512x16xf32>
    %broadcast_in_dim3A_93 = vector.shape_cast %reduce_sum3A_22 : vector<16xf32> to vector<1x16xf32>
    %add3A_94 = vector.broadcast %broadcast_in_dim3A_93 : vector<1x16xf32> to vector<512x16xf32>
    %add3A_95 = arith.addf %add3A_92, %add3A_94 : vector<512x16xf32>
    %swap3A_96 = arith.constant 2 : index
    %swap3A_97 = arith.constant 0 : index
    %swap3A_98 = arith.constant 0 : index
    %swap3A_99 = vector.load %arg5[%swap3A_96, %swap3A_97, %swap3A_98] : memref<16x512x16xf32, #tpu.memory_space<vmem>>, vector<1x512x16xf32>
    %swap3A_100 = vector.shape_cast %swap3A_99 : vector<1x512x16xf32> to vector<512x16xf32>
    %swap3A_101 = vector.shape_cast %add3A_95 : vector<512x16xf32> to vector<1x512x16xf32>
    tpu.vector_store %arg5[%swap3A_96, %swap3A_97, %swap3A_98], %swap3A_101 {strides = array<i32>} : memref<16x512x16xf32, #tpu.memory_space<vmem>>, vector<1x512x16xf32>,
    %get3A_102 = arith.constant 3 : index
    %get3A_103 = arith.constant 0 : index
    %get3A_104 = arith.constant 0 : index
    %get3A_105 = vector.load %arg0[%get3A_102, %get3A_103, %get3A_104] : memref<16x512x128xf32, #tpu.memory_space<vmem>>, vector<1x512x128xf32>
    %get3A_106 = vector.shape_cast %get3A_105 : vector<1x512x128xf32> to vector<512x128xf32>
    %convert_element_type3A_107 = arith.truncf %get3A_106 : vector<512x128xf32> to vector<512x128xbf16>
    %broadcast_in_dim3A_108 = arith.constant 0.000000e+00 : bf16
    %broadcast_in_dim3A_109 = vector.broadcast %broadcast_in_dim3A_108 : bf16 to vector<1x128xbf16>
    %slice3A_110 = vector.extract_strided_slice %convert_element_type3A_107 {offsets = [0, 0], sizes = [511, 128], strides = [1, 1]} : vector<512x128xbf16> to vector<511x128xbf16>
    %concatenate3A_111 = tpu.concatenate %broadcast_in_dim3A_109, %slice3A_110 in 0 : vector<1x128xbf16>, vector<511x128xbf16> -> vector<512x128xbf16>
    %dot_general3A_112 = arith.constant dense<0.000000e+00> : vector<512x16xf32>
    %dot_general3A_113 = tpu.matmul %convert_element_type3A_107, %convert_element_type3A, %dot_general3A_112 {dimension_numbers = #tpu.dot_dimension_numbers<[1], [0], [0], [1], [0, 0, 1, 1], [], []>, transpose_lhs_hint = false} : vector<512x128xbf16>, vector<128x16xbf16>, vector<512x16xf32> -> vector<512x16xf32>
    %dot_general3A_114 = arith.constant dense<0.000000e+00> : vector<512x16xf32>
    %dot_general3A_115 = tpu.matmul %concatenate3A_111, %convert_element_type3A_17, %dot_general3A_114 {dimension_numbers = #tpu.dot_dimension_numbers<[1], [0], [0], [1], [0, 0, 1, 1], [], []>, transpose_lhs_hint = false} : vector<512x128xbf16>, vector<128x16xbf16>, vector<512x16xf32> -> vector<512x16xf32>
    %add3A_116 = arith.addf %dot_general3A_113, %dot_general3A_115 : vector<512x16xf32>
    %mul3A_117 = arith.mulf %convert_element_type3A_107, %concatenate3A_111 : vector<512x128xbf16>
    %dot_general3A_118 = arith.constant dense<0.000000e+00> : vector<512x16xf32>
    %dot_general3A_119 = tpu.matmul %mul3A_117, %convert_element_type3A_21, %dot_general3A_118 {dimension_numbers = #tpu.dot_dimension_numbers<[1], [0], [0], [1], [0, 0, 1, 1], [], []>, transpose_lhs_hint = false} : vector<512x128xbf16>, vector<128x16xbf16>, vector<512x16xf32> -> vector<512x16xf32>
    %add3A_120 = arith.addf %add3A_116, %dot_general3A_119 : vector<512x16xf32>
    %broadcast_in_dim3A_121 = vector.shape_cast %reduce_sum3A_22 : vector<16xf32> to vector<1x16xf32>
    %add3A_122 = vector.broadcast %broadcast_in_dim3A_121 : vector<1x16xf32> to vector<512x16xf32>
    %add3A_123 = arith.addf %add3A_120, %add3A_122 : vector<512x16xf32>
    %swap3A_124 = arith.constant 3 : index
    %swap3A_125 = arith.constant 0 : index
    %swap3A_126 = arith.constant 0 : index
    %swap3A_127 = vector.load %arg5[%swap3A_124, %swap3A_125, %swap3A_126] : memref<16x512x16xf32, #tpu.memory_space<vmem>>, vector<1x512x16xf32>
    %swap3A_128 = vector.shape_cast %swap3A_127 : vector<1x512x16xf32> to vector<512x16xf32>
    %swap3A_129 = vector.shape_cast %add3A_123 : vector<512x16xf32> to vector<1x512x16xf32>
    tpu.vector_store %arg5[%swap3A_124, %swap3A_125, %swap3A_126], %swap3A_129 {strides = array<i32>} : memref<16x512x16xf32, #tpu.memory_space<vmem>>, vector<1x512x16xf32>,
    %get3A_130 = arith.constant 4 : index
    %get3A_131 = arith.constant 0 : index
    %get3A_132 = arith.constant 0 : index
    %get3A_133 = vector.load %arg0[%get3A_130, %get3A_131, %get3A_132] : memref<16x512x128xf32, #tpu.memory_space<vmem>>, vector<1x512x128xf32>
    %get3A_134 = vector.shape_cast %get3A_133 : vector<1x512x128xf32> to vector<512x128xf32>
    %convert_element_type3A_135 = arith.truncf %get3A_134 : vector<512x128xf32> to vector<512x128xbf16>
    %broadcast_in_dim3A_136 = arith.constant 0.000000e+00 : bf16
    %broadcast_in_dim3A_137 = vector.broadcast %broadcast_in_dim3A_136 : bf16 to vector<1x128xbf16>
    %slice3A_138 = vector.extract_strided_slice %convert_element_type3A_135 {offsets = [0, 0], sizes = [511, 128], strides = [1, 1]} : vector<512x128xbf16> to vector<511x128xbf16>
    %concatenate3A_139 = tpu.concatenate %broadcast_in_dim3A_137, %slice3A_138 in 0 : vector<1x128xbf16>, vector<511x128xbf16> -> vector<512x128xbf16>
    %dot_general3A_140 = arith.constant dense<0.000000e+00> : vector<512x16xf32>
    %dot_general3A_141 = tpu.matmul %convert_element_type3A_135, %convert_element_type3A, %dot_general3A_140 {dimension_numbers = #tpu.dot_dimension_numbers<[1], [0], [0], [1], [0, 0, 1, 1], [], []>, transpose_lhs_hint = false} : vector<512x128xbf16>, vector<128x16xbf16>, vector<512x16xf32> -> vector<512x16xf32>
    %dot_general3A_142 = arith.constant dense<0.000000e+00> : vector<512x16xf32>
    %dot_general3A_143 = tpu.matmul %concatenate3A_139, %convert_element_type3A_17, %dot_general3A_142 {dimension_numbers = #tpu.dot_dimension_numbers<[1], [0], [0], [1], [0, 0, 1, 1], [], []>, transpose_lhs_hint = false} : vector<512x128xbf16>, vector<128x16xbf16>, vector<512x16xf32> -> vector<512x16xf32>
    %add3A_144 = arith.addf %dot_general3A_141, %dot_general3A_143 : vector<512x16xf32>
    %mul3A_145 = arith.mulf %convert_element_type3A_135, %concatenate3A_139 : vector<512x128xbf16>
    %dot_general3A_146 = arith.constant dense<0.000000e+00> : vector<512x16xf32>
    %dot_general3A_147 = tpu.matmul %mul3A_145, %convert_element_type3A_21, %dot_general3A_146 {dimension_numbers = #tpu.dot_dimension_numbers<[1], [0], [0], [1], [0, 0, 1, 1], [], []>, transpose_lhs_hint = false} : vector<512x128xbf16>, vector<128x16xbf16>, vector<512x16xf32> -> vector<512x16xf32>
    %add3A_148 = arith.addf %add3A_144, %dot_general3A_147 : vector<512x16xf32>
    %broadcast_in_dim3A_149 = vector.shape_cast %reduce_sum3A_22 : vector<16xf32> to vector<1x16xf32>
    %add3A_150 = vector.broadcast %broadcast_in_dim3A_149 : vector<1x16xf32> to vector<512x16xf32>
    %add3A_151 = arith.addf %add3A_148, %add3A_150 : vector<512x16xf32>
    %swap3A_152 = arith.constant 4 : index
    %swap3A_153 = arith.constant 0 : index
    %swap3A_154 = arith.constant 0 : index
    %swap3A_155 = vector.load %arg5[%swap3A_152, %swap3A_153, %swap3A_154] : memref<16x512x16xf32, #tpu.memory_space<vmem>>, vector<1x512x16xf32>
    %swap3A_156 = vector.shape_cast %swap3A_155 : vector<1x512x16xf32> to vector<512x16xf32>
    %swap3A_157 = vector.shape_cast %add3A_151 : vector<512x16xf32> to vector<1x512x16xf32>
    tpu.vector_store %arg5[%swap3A_152, %swap3A_153, %swap3A_154], %swap3A_157 {strides = array<i32>} : memref<16x512x16xf32, #tpu.memory_space<vmem>>, vector<1x512x16xf32>,
    %get3A_158 = arith.constant 5 : index
    %get3A_159 = arith.constant 0 : index
    %get3A_160 = arith.constant 0 : index
    %get3A_161 = vector.load %arg0[%get3A_158, %get3A_159, %get3A_160] : memref<16x512x128xf32, #tpu.memory_space<vmem>>, vector<1x512x128xf32>
    %get3A_162 = vector.shape_cast %get3A_161 : vector<1x512x128xf32> to vector<512x128xf32>
    %convert_element_type3A_163 = arith.truncf %get3A_162 : vector<512x128xf32> to vector<512x128xbf16>
    %broadcast_in_dim3A_164 = arith.constant 0.000000e+00 : bf16
    %broadcast_in_dim3A_165 = vector.broadcast %broadcast_in_dim3A_164 : bf16 to vector<1x128xbf16>
    %slice3A_166 = vector.extract_strided_slice %convert_element_type3A_163 {offsets = [0, 0], sizes = [511, 128], strides = [1, 1]} : vector<512x128xbf16> to vector<511x128xbf16>
    %concatenate3A_167 = tpu.concatenate %broadcast_in_dim3A_165, %slice3A_166 in 0 : vector<1x128xbf16>, vector<511x128xbf16> -> vector<512x128xbf16>
    %dot_general3A_168 = arith.constant dense<0.000000e+00> : vector<512x16xf32>
    %dot_general3A_169 = tpu.matmul %convert_element_type3A_163, %convert_element_type3A, %dot_general3A_168 {dimension_numbers = #tpu.dot_dimension_numbers<[1], [0], [0], [1], [0, 0, 1, 1], [], []>, transpose_lhs_hint = false} : vector<512x128xbf16>, vector<128x16xbf16>, vector<512x16xf32> -> vector<512x16xf32>
    %dot_general3A_170 = arith.constant dense<0.000000e+00> : vector<512x16xf32>
    %dot_general3A_171 = tpu.matmul %concatenate3A_167, %convert_element_type3A_17, %dot_general3A_170 {dimension_numbers = #tpu.dot_dimension_numbers<[1], [0], [0], [1], [0, 0, 1, 1], [], []>, transpose_lhs_hint = false} : vector<512x128xbf16>, vector<128x16xbf16>, vector<512x16xf32> -> vector<512x16xf32>
    %add3A_172 = arith.addf %dot_general3A_169, %dot_general3A_171 : vector<512x16xf32>
    %mul3A_173 = arith.mulf %convert_element_type3A_163, %concatenate3A_167 : vector<512x128xbf16>
    %dot_general3A_174 = arith.constant dense<0.000000e+00> : vector<512x16xf32>
    %dot_general3A_175 = tpu.matmul %mul3A_173, %convert_element_type3A_21, %dot_general3A_174 {dimension_numbers = #tpu.dot_dimension_numbers<[1], [0], [0], [1], [0, 0, 1, 1], [], []>, transpose_lhs_hint = false} : vector<512x128xbf16>, vector<128x16xbf16>, vector<512x16xf32> -> vector<512x16xf32>
    %add3A_176 = arith.addf %add3A_172, %dot_general3A_175 : vector<512x16xf32>
    %broadcast_in_dim3A_177 = vector.shape_cast %reduce_sum3A_22 : vector<16xf32> to vector<1x16xf32>
    %add3A_178 = vector.broadcast %broadcast_in_dim3A_177 : vector<1x16xf32> to vector<512x16xf32>
    %add3A_179 = arith.addf %add3A_176, %add3A_178 : vector<512x16xf32>
    %swap3A_180 = arith.constant 5 : index
    %swap3A_181 = arith.constant 0 : index
    %swap3A_182 = arith.constant 0 : index
    %swap3A_183 = vector.load %arg5[%swap3A_180, %swap3A_181, %swap3A_182] : memref<16x512x16xf32, #tpu.memory_space<vmem>>, vector<1x512x16xf32>
    %swap3A_184 = vector.shape_cast %swap3A_183 : vector<1x512x16xf32> to vector<512x16xf32>
    %swap3A_185 = vector.shape_cast %add3A_179 : vector<512x16xf32> to vector<1x512x16xf32>
    tpu.vector_store %arg5[%swap3A_180, %swap3A_181, %swap3A_182], %swap3A_185 {strides = array<i32>} : memref<16x512x16xf32, #tpu.memory_space<vmem>>, vector<1x512x16xf32>,
    %get3A_186 = arith.constant 6 : index
    %get3A_187 = arith.constant 0 : index
    %get3A_188 = arith.constant 0 : index
    %get3A_189 = vector.load %arg0[%get3A_186, %get3A_187, %get3A_188] : memref<16x512x128xf32, #tpu.memory_space<vmem>>, vector<1x512x128xf32>
    %get3A_190 = vector.shape_cast %get3A_189 : vector<1x512x128xf32> to vector<512x128xf32>
    %convert_element_type3A_191 = arith.truncf %get3A_190 : vector<512x128xf32> to vector<512x128xbf16>
    %broadcast_in_dim3A_192 = arith.constant 0.000000e+00 : bf16
    %broadcast_in_dim3A_193 = vector.broadcast %broadcast_in_dim3A_192 : bf16 to vector<1x128xbf16>
    %slice3A_194 = vector.extract_strided_slice %convert_element_type3A_191 {offsets = [0, 0], sizes = [511, 128], strides = [1, 1]} : vector<512x128xbf16> to vector<511x128xbf16>
    %concatenate3A_195 = tpu.concatenate %broadcast_in_dim3A_193, %slice3A_194 in 0 : vector<1x128xbf16>, vector<511x128xbf16> -> vector<512x128xbf16>
    %dot_general3A_196 = arith.constant dense<0.000000e+00> : vector<512x16xf32>
    %dot_general3A_197 = tpu.matmul %convert_element_type3A_191, %convert_element_type3A, %dot_general3A_196 {dimension_numbers = #tpu.dot_dimension_numbers<[1], [0], [0], [1], [0, 0, 1, 1], [], []>, transpose_lhs_hint = false} : vector<512x128xbf16>, vector<128x16xbf16>, vector<512x16xf32> -> vector<512x16xf32>
    %dot_general3A_198 = arith.constant dense<0.000000e+00> : vector<512x16xf32>
    %dot_general3A_199 = tpu.matmul %concatenate3A_195, %convert_element_type3A_17, %dot_general3A_198 {dimension_numbers = #tpu.dot_dimension_numbers<[1], [0], [0], [1], [0, 0, 1, 1], [], []>, transpose_lhs_hint = false} : vector<512x128xbf16>, vector<128x16xbf16>, vector<512x16xf32> -> vector<512x16xf32>
    %add3A_200 = arith.addf %dot_general3A_197, %dot_general3A_199 : vector<512x16xf32>
    %mul3A_201 = arith.mulf %convert_element_type3A_191, %concatenate3A_195 : vector<512x128xbf16>
    %dot_general3A_202 = arith.constant dense<0.000000e+00> : vector<512x16xf32>
    %dot_general3A_203 = tpu.matmul %mul3A_201, %convert_element_type3A_21, %dot_general3A_202 {dimension_numbers = #tpu.dot_dimension_numbers<[1], [0], [0], [1], [0, 0, 1, 1], [], []>, transpose_lhs_hint = false} : vector<512x128xbf16>, vector<128x16xbf16>, vector<512x16xf32> -> vector<512x16xf32>
    %add3A_204 = arith.addf %add3A_200, %dot_general3A_203 : vector<512x16xf32>
    %broadcast_in_dim3A_205 = vector.shape_cast %reduce_sum3A_22 : vector<16xf32> to vector<1x16xf32>
    %add3A_206 = vector.broadcast %broadcast_in_dim3A_205 : vector<1x16xf32> to vector<512x16xf32>
    %add3A_207 = arith.addf %add3A_204, %add3A_206 : vector<512x16xf32>
    %swap3A_208 = arith.constant 6 : index
    %swap3A_209 = arith.constant 0 : index
    %swap3A_210 = arith.constant 0 : index
    %swap3A_211 = vector.load %arg5[%swap3A_208, %swap3A_209, %swap3A_210] : memref<16x512x16xf32, #tpu.memory_space<vmem>>, vector<1x512x16xf32>
    %swap3A_212 = vector.shape_cast %swap3A_211 : vector<1x512x16xf32> to vector<512x16xf32>
    %swap3A_213 = vector.shape_cast %add3A_207 : vector<512x16xf32> to vector<1x512x16xf32>
    tpu.vector_store %arg5[%swap3A_208, %swap3A_209, %swap3A_210], %swap3A_213 {strides = array<i32>} : memref<16x512x16xf32, #tpu.memory_space<vmem>>, vector<1x512x16xf32>,
    %get3A_214 = arith.constant 7 : index
    %get3A_215 = arith.constant 0 : index
    %get3A_216 = arith.constant 0 : index
    %get3A_217 = vector.load %arg0[%get3A_214, %get3A_215, %get3A_216] : memref<16x512x128xf32, #tpu.memory_space<vmem>>, vector<1x512x128xf32>
    %get3A_218 = vector.shape_cast %get3A_217 : vector<1x512x128xf32> to vector<512x128xf32>
    %convert_element_type3A_219 = arith.truncf %get3A_218 : vector<512x128xf32> to vector<512x128xbf16>
    %broadcast_in_dim3A_220 = arith.constant 0.000000e+00 : bf16
    %broadcast_in_dim3A_221 = vector.broadcast %broadcast_in_dim3A_220 : bf16 to vector<1x128xbf16>
    %slice3A_222 = vector.extract_strided_slice %convert_element_type3A_219 {offsets = [0, 0], sizes = [511, 128], strides = [1, 1]} : vector<512x128xbf16> to vector<511x128xbf16>
    %concatenate3A_223 = tpu.concatenate %broadcast_in_dim3A_221, %slice3A_222 in 0 : vector<1x128xbf16>, vector<511x128xbf16> -> vector<512x128xbf16>
    %dot_general3A_224 = arith.constant dense<0.000000e+00> : vector<512x16xf32>
    %dot_general3A_225 = tpu.matmul %convert_element_type3A_219, %convert_element_type3A, %dot_general3A_224 {dimension_numbers = #tpu.dot_dimension_numbers<[1], [0], [0], [1], [0, 0, 1, 1], [], []>, transpose_lhs_hint = false} : vector<512x128xbf16>, vector<128x16xbf16>, vector<512x16xf32> -> vector<512x16xf32>
    %dot_general3A_226 = arith.constant dense<0.000000e+00> : vector<512x16xf32>
    %dot_general3A_227 = tpu.matmul %concatenate3A_223, %convert_element_type3A_17, %dot_general3A_226 {dimension_numbers = #tpu.dot_dimension_numbers<[1], [0], [0], [1], [0, 0, 1, 1], [], []>, transpose_lhs_hint = false} : vector<512x128xbf16>, vector<128x16xbf16>, vector<512x16xf32> -> vector<512x16xf32>
    %add3A_228 = arith.addf %dot_general3A_225, %dot_general3A_227 : vector<512x16xf32>
    %mul3A_229 = arith.mulf %convert_element_type3A_219, %concatenate3A_223 : vector<512x128xbf16>
    %dot_general3A_230 = arith.constant dense<0.000000e+00> : vector<512x16xf32>
    %dot_general3A_231 = tpu.matmul %mul3A_229, %convert_element_type3A_21, %dot_general3A_230 {dimension_numbers = #tpu.dot_dimension_numbers<[1], [0], [0], [1], [0, 0, 1, 1], [], []>, transpose_lhs_hint = false} : vector<512x128xbf16>, vector<128x16xbf16>, vector<512x16xf32> -> vector<512x16xf32>
    %add3A_232 = arith.addf %add3A_228, %dot_general3A_231 : vector<512x16xf32>
    %broadcast_in_dim3A_233 = vector.shape_cast %reduce_sum3A_22 : vector<16xf32> to vector<1x16xf32>
    %add3A_234 = vector.broadcast %broadcast_in_dim3A_233 : vector<1x16xf32> to vector<512x16xf32>
    %add3A_235 = arith.addf %add3A_232, %add3A_234 : vector<512x16xf32>
    %swap3A_236 = arith.constant 7 : index
    %swap3A_237 = arith.constant 0 : index
    %swap3A_238 = arith.constant 0 : index
    %swap3A_239 = vector.load %arg5[%swap3A_236, %swap3A_237, %swap3A_238] : memref<16x512x16xf32, #tpu.memory_space<vmem>>, vector<1x512x16xf32>
    %swap3A_240 = vector.shape_cast %swap3A_239 : vector<1x512x16xf32> to vector<512x16xf32>
    %swap3A_241 = vector.shape_cast %add3A_235 : vector<512x16xf32> to vector<1x512x16xf32>
    tpu.vector_store %arg5[%swap3A_236, %swap3A_237, %swap3A_238], %swap3A_241 {strides = array<i32>} : memref<16x512x16xf32, #tpu.memory_space<vmem>>, vector<1x512x16xf32>,
    %get3A_242 = arith.constant 8 : index
    %get3A_243 = arith.constant 0 : index
    %get3A_244 = arith.constant 0 : index
    %get3A_245 = vector.load %arg0[%get3A_242, %get3A_243, %get3A_244] : memref<16x512x128xf32, #tpu.memory_space<vmem>>, vector<1x512x128xf32>
    %get3A_246 = vector.shape_cast %get3A_245 : vector<1x512x128xf32> to vector<512x128xf32>
    %convert_element_type3A_247 = arith.truncf %get3A_246 : vector<512x128xf32> to vector<512x128xbf16>
    %broadcast_in_dim3A_248 = arith.constant 0.000000e+00 : bf16
    %broadcast_in_dim3A_249 = vector.broadcast %broadcast_in_dim3A_248 : bf16 to vector<1x128xbf16>
    %slice3A_250 = vector.extract_strided_slice %convert_element_type3A_247 {offsets = [0, 0], sizes = [511, 128], strides = [1, 1]} : vector<512x128xbf16> to vector<511x128xbf16>
    %concatenate3A_251 = tpu.concatenate %broadcast_in_dim3A_249, %slice3A_250 in 0 : vector<1x128xbf16>, vector<511x128xbf16> -> vector<512x128xbf16>
    %dot_general3A_252 = arith.constant dense<0.000000e+00> : vector<512x16xf32>
    %dot_general3A_253 = tpu.matmul %convert_element_type3A_247, %convert_element_type3A, %dot_general3A_252 {dimension_numbers = #tpu.dot_dimension_numbers<[1], [0], [0], [1], [0, 0, 1, 1], [], []>, transpose_lhs_hint = false} : vector<512x128xbf16>, vector<128x16xbf16>, vector<512x16xf32> -> vector<512x16xf32>
    %dot_general3A_254 = arith.constant dense<0.000000e+00> : vector<512x16xf32>
    %dot_general3A_255 = tpu.matmul %concatenate3A_251, %convert_element_type3A_17, %dot_general3A_254 {dimension_numbers = #tpu.dot_dimension_numbers<[1], [0], [0], [1], [0, 0, 1, 1], [], []>, transpose_lhs_hint = false} : vector<512x128xbf16>, vector<128x16xbf16>, vector<512x16xf32> -> vector<512x16xf32>
    %add3A_256 = arith.addf %dot_general3A_253, %dot_general3A_255 : vector<512x16xf32>
    %mul3A_257 = arith.mulf %convert_element_type3A_247, %concatenate3A_251 : vector<512x128xbf16>
    %dot_general3A_258 = arith.constant dense<0.000000e+00> : vector<512x16xf32>
    %dot_general3A_259 = tpu.matmul %mul3A_257, %convert_element_type3A_21, %dot_general3A_258 {dimension_numbers = #tpu.dot_dimension_numbers<[1], [0], [0], [1], [0, 0, 1, 1], [], []>, transpose_lhs_hint = false} : vector<512x128xbf16>, vector<128x16xbf16>, vector<512x16xf32> -> vector<512x16xf32>
    %add3A_260 = arith.addf %add3A_256, %dot_general3A_259 : vector<512x16xf32>
    %broadcast_in_dim3A_261 = vector.shape_cast %reduce_sum3A_22 : vector<16xf32> to vector<1x16xf32>
    %add3A_262 = vector.broadcast %broadcast_in_dim3A_261 : vector<1x16xf32> to vector<512x16xf32>
    %add3A_263 = arith.addf %add3A_260, %add3A_262 : vector<512x16xf32>
    %swap3A_264 = arith.constant 8 : index
    %swap3A_265 = arith.constant 0 : index
    %swap3A_266 = arith.constant 0 : index
    %swap3A_267 = vector.load %arg5[%swap3A_264, %swap3A_265, %swap3A_266] : memref<16x512x16xf32, #tpu.memory_space<vmem>>, vector<1x512x16xf32>
    %swap3A_268 = vector.shape_cast %swap3A_267 : vector<1x512x16xf32> to vector<512x16xf32>
    %swap3A_269 = vector.shape_cast %add3A_263 : vector<512x16xf32> to vector<1x512x16xf32>
    tpu.vector_store %arg5[%swap3A_264, %swap3A_265, %swap3A_266], %swap3A_269 {strides = array<i32>} : memref<16x512x16xf32, #tpu.memory_space<vmem>>, vector<1x512x16xf32>,
    %get3A_270 = arith.constant 9 : index
    %get3A_271 = arith.constant 0 : index
    %get3A_272 = arith.constant 0 : index
    %get3A_273 = vector.load %arg0[%get3A_270, %get3A_271, %get3A_272] : memref<16x512x128xf32, #tpu.memory_space<vmem>>, vector<1x512x128xf32>
    %get3A_274 = vector.shape_cast %get3A_273 : vector<1x512x128xf32> to vector<512x128xf32>
    %convert_element_type3A_275 = arith.truncf %get3A_274 : vector<512x128xf32> to vector<512x128xbf16>
    %broadcast_in_dim3A_276 = arith.constant 0.000000e+00 : bf16
    %broadcast_in_dim3A_277 = vector.broadcast %broadcast_in_dim3A_276 : bf16 to vector<1x128xbf16>
    %slice3A_278 = vector.extract_strided_slice %convert_element_type3A_275 {offsets = [0, 0], sizes = [511, 128], strides = [1, 1]} : vector<512x128xbf16> to vector<511x128xbf16>
    %concatenate3A_279 = tpu.concatenate %broadcast_in_dim3A_277, %slice3A_278 in 0 : vector<1x128xbf16>, vector<511x128xbf16> -> vector<512x128xbf16>
    %dot_general3A_280 = arith.constant dense<0.000000e+00> : vector<512x16xf32>
    %dot_general3A_281 = tpu.matmul %convert_element_type3A_275, %convert_element_type3A, %dot_general3A_280 {dimension_numbers = #tpu.dot_dimension_numbers<[1], [0], [0], [1], [0, 0, 1, 1], [], []>, transpose_lhs_hint = false} : vector<512x128xbf16>, vector<128x16xbf16>, vector<512x16xf32> -> vector<512x16xf32>
    %dot_general3A_282 = arith.constant dense<0.000000e+00> : vector<512x16xf32>
    %dot_general3A_283 = tpu.matmul %concatenate3A_279, %convert_element_type3A_17, %dot_general3A_282 {dimension_numbers = #tpu.dot_dimension_numbers<[1], [0], [0], [1], [0, 0, 1, 1], [], []>, transpose_lhs_hint = false} : vector<512x128xbf16>, vector<128x16xbf16>, vector<512x16xf32> -> vector<512x16xf32>
    %add3A_284 = arith.addf %dot_general3A_281, %dot_general3A_283 : vector<512x16xf32>
    %mul3A_285 = arith.mulf %convert_element_type3A_275, %concatenate3A_279 : vector<512x128xbf16>
    %dot_general3A_286 = arith.constant dense<0.000000e+00> : vector<512x16xf32>
    %dot_general3A_287 = tpu.matmul %mul3A_285, %convert_element_type3A_21, %dot_general3A_286 {dimension_numbers = #tpu.dot_dimension_numbers<[1], [0], [0], [1], [0, 0, 1, 1], [], []>, transpose_lhs_hint = false} : vector<512x128xbf16>, vector<128x16xbf16>, vector<512x16xf32> -> vector<512x16xf32>
    %add3A_288 = arith.addf %add3A_284, %dot_general3A_287 : vector<512x16xf32>
    %broadcast_in_dim3A_289 = vector.shape_cast %reduce_sum3A_22 : vector<16xf32> to vector<1x16xf32>
    %add3A_290 = vector.broadcast %broadcast_in_dim3A_289 : vector<1x16xf32> to vector<512x16xf32>
    %add3A_291 = arith.addf %add3A_288, %add3A_290 : vector<512x16xf32>
    %swap3A_292 = arith.constant 9 : index
    %swap3A_293 = arith.constant 0 : index
    %swap3A_294 = arith.constant 0 : index
    %swap3A_295 = vector.load %arg5[%swap3A_292, %swap3A_293, %swap3A_294] : memref<16x512x16xf32, #tpu.memory_space<vmem>>, vector<1x512x16xf32>
    %swap3A_296 = vector.shape_cast %swap3A_295 : vector<1x512x16xf32> to vector<512x16xf32>
    %swap3A_297 = vector.shape_cast %add3A_291 : vector<512x16xf32> to vector<1x512x16xf32>
    tpu.vector_store %arg5[%swap3A_292, %swap3A_293, %swap3A_294], %swap3A_297 {strides = array<i32>} : memref<16x512x16xf32, #tpu.memory_space<vmem>>, vector<1x512x16xf32>,
    %get3A_298 = arith.constant 10 : index
    %get3A_299 = arith.constant 0 : index
    %get3A_300 = arith.constant 0 : index
    %get3A_301 = vector.load %arg0[%get3A_298, %get3A_299, %get3A_300] : memref<16x512x128xf32, #tpu.memory_space<vmem>>, vector<1x512x128xf32>
    %get3A_302 = vector.shape_cast %get3A_301 : vector<1x512x128xf32> to vector<512x128xf32>
    %convert_element_type3A_303 = arith.truncf %get3A_302 : vector<512x128xf32> to vector<512x128xbf16>
    %broadcast_in_dim3A_304 = arith.constant 0.000000e+00 : bf16
    %broadcast_in_dim3A_305 = vector.broadcast %broadcast_in_dim3A_304 : bf16 to vector<1x128xbf16>
    %slice3A_306 = vector.extract_strided_slice %convert_element_type3A_303 {offsets = [0, 0], sizes = [511, 128], strides = [1, 1]} : vector<512x128xbf16> to vector<511x128xbf16>
    %concatenate3A_307 = tpu.concatenate %broadcast_in_dim3A_305, %slice3A_306 in 0 : vector<1x128xbf16>, vector<511x128xbf16> -> vector<512x128xbf16>
    %dot_general3A_308 = arith.constant dense<0.000000e+00> : vector<512x16xf32>
    %dot_general3A_309 = tpu.matmul %convert_element_type3A_303, %convert_element_type3A, %dot_general3A_308 {dimension_numbers = #tpu.dot_dimension_numbers<[1], [0], [0], [1], [0, 0, 1, 1], [], []>, transpose_lhs_hint = false} : vector<512x128xbf16>, vector<128x16xbf16>, vector<512x16xf32> -> vector<512x16xf32>
    %dot_general3A_310 = arith.constant dense<0.000000e+00> : vector<512x16xf32>
    %dot_general3A_311 = tpu.matmul %concatenate3A_307, %convert_element_type3A_17, %dot_general3A_310 {dimension_numbers = #tpu.dot_dimension_numbers<[1], [0], [0], [1], [0, 0, 1, 1], [], []>, transpose_lhs_hint = false} : vector<512x128xbf16>, vector<128x16xbf16>, vector<512x16xf32> -> vector<512x16xf32>
    %add3A_312 = arith.addf %dot_general3A_309, %dot_general3A_311 : vector<512x16xf32>
    %mul3A_313 = arith.mulf %convert_element_type3A_303, %concatenate3A_307 : vector<512x128xbf16>
    %dot_general3A_314 = arith.constant dense<0.000000e+00> : vector<512x16xf32>
    %dot_general3A_315 = tpu.matmul %mul3A_313, %convert_element_type3A_21, %dot_general3A_314 {dimension_numbers = #tpu.dot_dimension_numbers<[1], [0], [0], [1], [0, 0, 1, 1], [], []>, transpose_lhs_hint = false} : vector<512x128xbf16>, vector<128x16xbf16>, vector<512x16xf32> -> vector<512x16xf32>
    %add3A_316 = arith.addf %add3A_312, %dot_general3A_315 : vector<512x16xf32>
    %broadcast_in_dim3A_317 = vector.shape_cast %reduce_sum3A_22 : vector<16xf32> to vector<1x16xf32>
    %add3A_318 = vector.broadcast %broadcast_in_dim3A_317 : vector<1x16xf32> to vector<512x16xf32>
    %add3A_319 = arith.addf %add3A_316, %add3A_318 : vector<512x16xf32>
    %swap3A_320 = arith.constant 10 : index
    %swap3A_321 = arith.constant 0 : index
    %swap3A_322 = arith.constant 0 : index
    %swap3A_323 = vector.load %arg5[%swap3A_320, %swap3A_321, %swap3A_322] : memref<16x512x16xf32, #tpu.memory_space<vmem>>, vector<1x512x16xf32>
    %swap3A_324 = vector.shape_cast %swap3A_323 : vector<1x512x16xf32> to vector<512x16xf32>
    %swap3A_325 = vector.shape_cast %add3A_319 : vector<512x16xf32> to vector<1x512x16xf32>
    tpu.vector_store %arg5[%swap3A_320, %swap3A_321, %swap3A_322], %swap3A_325 {strides = array<i32>} : memref<16x512x16xf32, #tpu.memory_space<vmem>>, vector<1x512x16xf32>,
    %get3A_326 = arith.constant 11 : index
    %get3A_327 = arith.constant 0 : index
    %get3A_328 = arith.constant 0 : index
    %get3A_329 = vector.load %arg0[%get3A_326, %get3A_327, %get3A_328] : memref<16x512x128xf32, #tpu.memory_space<vmem>>, vector<1x512x128xf32>
    %get3A_330 = vector.shape_cast %get3A_329 : vector<1x512x128xf32> to vector<512x128xf32>
    %convert_element_type3A_331 = arith.truncf %get3A_330 : vector<512x128xf32> to vector<512x128xbf16>
    %broadcast_in_dim3A_332 = arith.constant 0.000000e+00 : bf16
    %broadcast_in_dim3A_333 = vector.broadcast %broadcast_in_dim3A_332 : bf16 to vector<1x128xbf16>
    %slice3A_334 = vector.extract_strided_slice %convert_element_type3A_331 {offsets = [0, 0], sizes = [511, 128], strides = [1, 1]} : vector<512x128xbf16> to vector<511x128xbf16>
    %concatenate3A_335 = tpu.concatenate %broadcast_in_dim3A_333, %slice3A_334 in 0 : vector<1x128xbf16>, vector<511x128xbf16> -> vector<512x128xbf16>
    %dot_general3A_336 = arith.constant dense<0.000000e+00> : vector<512x16xf32>
    %dot_general3A_337 = tpu.matmul %convert_element_type3A_331, %convert_element_type3A, %dot_general3A_336 {dimension_numbers = #tpu.dot_dimension_numbers<[1], [0], [0], [1], [0, 0, 1, 1], [], []>, transpose_lhs_hint = false} : vector<512x128xbf16>, vector<128x16xbf16>, vector<512x16xf32> -> vector<512x16xf32>
    %dot_general3A_338 = arith.constant dense<0.000000e+00> : vector<512x16xf32>
    %dot_general3A_339 = tpu.matmul %concatenate3A_335, %convert_element_type3A_17, %dot_general3A_338 {dimension_numbers = #tpu.dot_dimension_numbers<[1], [0], [0], [1], [0, 0, 1, 1], [], []>, transpose_lhs_hint = false} : vector<512x128xbf16>, vector<128x16xbf16>, vector<512x16xf32> -> vector<512x16xf32>
    %add3A_340 = arith.addf %dot_general3A_337, %dot_general3A_339 : vector<512x16xf32>
    %mul3A_341 = arith.mulf %convert_element_type3A_331, %concatenate3A_335 : vector<512x128xbf16>
    %dot_general3A_342 = arith.constant dense<0.000000e+00> : vector<512x16xf32>
    %dot_general3A_343 = tpu.matmul %mul3A_341, %convert_element_type3A_21, %dot_general3A_342 {dimension_numbers = #tpu.dot_dimension_numbers<[1], [0], [0], [1], [0, 0, 1, 1], [], []>, transpose_lhs_hint = false} : vector<512x128xbf16>, vector<128x16xbf16>, vector<512x16xf32> -> vector<512x16xf32>
    %add3A_344 = arith.addf %add3A_340, %dot_general3A_343 : vector<512x16xf32>
    %broadcast_in_dim3A_345 = vector.shape_cast %reduce_sum3A_22 : vector<16xf32> to vector<1x16xf32>
    %add3A_346 = vector.broadcast %broadcast_in_dim3A_345 : vector<1x16xf32> to vector<512x16xf32>
    %add3A_347 = arith.addf %add3A_344, %add3A_346 : vector<512x16xf32>
    %swap3A_348 = arith.constant 11 : index
    %swap3A_349 = arith.constant 0 : index
    %swap3A_350 = arith.constant 0 : index
    %swap3A_351 = vector.load %arg5[%swap3A_348, %swap3A_349, %swap3A_350] : memref<16x512x16xf32, #tpu.memory_space<vmem>>, vector<1x512x16xf32>
    %swap3A_352 = vector.shape_cast %swap3A_351 : vector<1x512x16xf32> to vector<512x16xf32>
    %swap3A_353 = vector.shape_cast %add3A_347 : vector<512x16xf32> to vector<1x512x16xf32>
    tpu.vector_store %arg5[%swap3A_348, %swap3A_349, %swap3A_350], %swap3A_353 {strides = array<i32>} : memref<16x512x16xf32, #tpu.memory_space<vmem>>, vector<1x512x16xf32>,
    %get3A_354 = arith.constant 12 : index
    %get3A_355 = arith.constant 0 : index
    %get3A_356 = arith.constant 0 : index
    %get3A_357 = vector.load %arg0[%get3A_354, %get3A_355, %get3A_356] : memref<16x512x128xf32, #tpu.memory_space<vmem>>, vector<1x512x128xf32>
    %get3A_358 = vector.shape_cast %get3A_357 : vector<1x512x128xf32> to vector<512x128xf32>
    %convert_element_type3A_359 = arith.truncf %get3A_358 : vector<512x128xf32> to vector<512x128xbf16>
    %broadcast_in_dim3A_360 = arith.constant 0.000000e+00 : bf16
    %broadcast_in_dim3A_361 = vector.broadcast %broadcast_in_dim3A_360 : bf16 to vector<1x128xbf16>
    %slice3A_362 = vector.extract_strided_slice %convert_element_type3A_359 {offsets = [0, 0], sizes = [511, 128], strides = [1, 1]} : vector<512x128xbf16> to vector<511x128xbf16>
    %concatenate3A_363 = tpu.concatenate %broadcast_in_dim3A_361, %slice3A_362 in 0 : vector<1x128xbf16>, vector<511x128xbf16> -> vector<512x128xbf16>
    %dot_general3A_364 = arith.constant dense<0.000000e+00> : vector<512x16xf32>
    %dot_general3A_365 = tpu.matmul %convert_element_type3A_359, %convert_element_type3A, %dot_general3A_364 {dimension_numbers = #tpu.dot_dimension_numbers<[1], [0], [0], [1], [0, 0, 1, 1], [], []>, transpose_lhs_hint = false} : vector<512x128xbf16>, vector<128x16xbf16>, vector<512x16xf32> -> vector<512x16xf32>
    %dot_general3A_366 = arith.constant dense<0.000000e+00> : vector<512x16xf32>
    %dot_general3A_367 = tpu.matmul %concatenate3A_363, %convert_element_type3A_17, %dot_general3A_366 {dimension_numbers = #tpu.dot_dimension_numbers<[1], [0], [0], [1], [0, 0, 1, 1], [], []>, transpose_lhs_hint = false} : vector<512x128xbf16>, vector<128x16xbf16>, vector<512x16xf32> -> vector<512x16xf32>
    %add3A_368 = arith.addf %dot_general3A_365, %dot_general3A_367 : vector<512x16xf32>
    %mul3A_369 = arith.mulf %convert_element_type3A_359, %concatenate3A_363 : vector<512x128xbf16>
    %dot_general3A_370 = arith.constant dense<0.000000e+00> : vector<512x16xf32>
    %dot_general3A_371 = tpu.matmul %mul3A_369, %convert_element_type3A_21, %dot_general3A_370 {dimension_numbers = #tpu.dot_dimension_numbers<[1], [0], [0], [1], [0, 0, 1, 1], [], []>, transpose_lhs_hint = false} : vector<512x128xbf16>, vector<128x16xbf16>, vector<512x16xf32> -> vector<512x16xf32>
    %add3A_372 = arith.addf %add3A_368, %dot_general3A_371 : vector<512x16xf32>
    %broadcast_in_dim3A_373 = vector.shape_cast %reduce_sum3A_22 : vector<16xf32> to vector<1x16xf32>
    %add3A_374 = vector.broadcast %broadcast_in_dim3A_373 : vector<1x16xf32> to vector<512x16xf32>
    %add3A_375 = arith.addf %add3A_372, %add3A_374 : vector<512x16xf32>
    %swap3A_376 = arith.constant 12 : index
    %swap3A_377 = arith.constant 0 : index
    %swap3A_378 = arith.constant 0 : index
    %swap3A_379 = vector.load %arg5[%swap3A_376, %swap3A_377, %swap3A_378] : memref<16x512x16xf32, #tpu.memory_space<vmem>>, vector<1x512x16xf32>
    %swap3A_380 = vector.shape_cast %swap3A_379 : vector<1x512x16xf32> to vector<512x16xf32>
    %swap3A_381 = vector.shape_cast %add3A_375 : vector<512x16xf32> to vector<1x512x16xf32>
    tpu.vector_store %arg5[%swap3A_376, %swap3A_377, %swap3A_378], %swap3A_381 {strides = array<i32>} : memref<16x512x16xf32, #tpu.memory_space<vmem>>, vector<1x512x16xf32>,
    %get3A_382 = arith.constant 13 : index
    %get3A_383 = arith.constant 0 : index
    %get3A_384 = arith.constant 0 : index
    %get3A_385 = vector.load %arg0[%get3A_382, %get3A_383, %get3A_384] : memref<16x512x128xf32, #tpu.memory_space<vmem>>, vector<1x512x128xf32>
    %get3A_386 = vector.shape_cast %get3A_385 : vector<1x512x128xf32> to vector<512x128xf32>
    %convert_element_type3A_387 = arith.truncf %get3A_386 : vector<512x128xf32> to vector<512x128xbf16>
    %broadcast_in_dim3A_388 = arith.constant 0.000000e+00 : bf16
    %broadcast_in_dim3A_389 = vector.broadcast %broadcast_in_dim3A_388 : bf16 to vector<1x128xbf16>
    %slice3A_390 = vector.extract_strided_slice %convert_element_type3A_387 {offsets = [0, 0], sizes = [511, 128], strides = [1, 1]} : vector<512x128xbf16> to vector<511x128xbf16>
    %concatenate3A_391 = tpu.concatenate %broadcast_in_dim3A_389, %slice3A_390 in 0 : vector<1x128xbf16>, vector<511x128xbf16> -> vector<512x128xbf16>
    %dot_general3A_392 = arith.constant dense<0.000000e+00> : vector<512x16xf32>
    %dot_general3A_393 = tpu.matmul %convert_element_type3A_387, %convert_element_type3A, %dot_general3A_392 {dimension_numbers = #tpu.dot_dimension_numbers<[1], [0], [0], [1], [0, 0, 1, 1], [], []>, transpose_lhs_hint = false} : vector<512x128xbf16>, vector<128x16xbf16>, vector<512x16xf32> -> vector<512x16xf32>
    %dot_general3A_394 = arith.constant dense<0.000000e+00> : vector<512x16xf32>
    %dot_general3A_395 = tpu.matmul %concatenate3A_391, %convert_element_type3A_17, %dot_general3A_394 {dimension_numbers = #tpu.dot_dimension_numbers<[1], [0], [0], [1], [0, 0, 1, 1], [], []>, transpose_lhs_hint = false} : vector<512x128xbf16>, vector<128x16xbf16>, vector<512x16xf32> -> vector<512x16xf32>
    %add3A_396 = arith.addf %dot_general3A_393, %dot_general3A_395 : vector<512x16xf32>
    %mul3A_397 = arith.mulf %convert_element_type3A_387, %concatenate3A_391 : vector<512x128xbf16>
    %dot_general3A_398 = arith.constant dense<0.000000e+00> : vector<512x16xf32>
    %dot_general3A_399 = tpu.matmul %mul3A_397, %convert_element_type3A_21, %dot_general3A_398 {dimension_numbers = #tpu.dot_dimension_numbers<[1], [0], [0], [1], [0, 0, 1, 1], [], []>, transpose_lhs_hint = false} : vector<512x128xbf16>, vector<128x16xbf16>, vector<512x16xf32> -> vector<512x16xf32>
    %add3A_400 = arith.addf %add3A_396, %dot_general3A_399 : vector<512x16xf32>
    %broadcast_in_dim3A_401 = vector.shape_cast %reduce_sum3A_22 : vector<16xf32> to vector<1x16xf32>
    %add3A_402 = vector.broadcast %broadcast_in_dim3A_401 : vector<1x16xf32> to vector<512x16xf32>
    %add3A_403 = arith.addf %add3A_400, %add3A_402 : vector<512x16xf32>
    %swap3A_404 = arith.constant 13 : index
    %swap3A_405 = arith.constant 0 : index
    %swap3A_406 = arith.constant 0 : index
    %swap3A_407 = vector.load %arg5[%swap3A_404, %swap3A_405, %swap3A_406] : memref<16x512x16xf32, #tpu.memory_space<vmem>>, vector<1x512x16xf32>
    %swap3A_408 = vector.shape_cast %swap3A_407 : vector<1x512x16xf32> to vector<512x16xf32>
    %swap3A_409 = vector.shape_cast %add3A_403 : vector<512x16xf32> to vector<1x512x16xf32>
    tpu.vector_store %arg5[%swap3A_404, %swap3A_405, %swap3A_406], %swap3A_409 {strides = array<i32>} : memref<16x512x16xf32, #tpu.memory_space<vmem>>, vector<1x512x16xf32>,
    %get3A_410 = arith.constant 14 : index
    %get3A_411 = arith.constant 0 : index
    %get3A_412 = arith.constant 0 : index
    %get3A_413 = vector.load %arg0[%get3A_410, %get3A_411, %get3A_412] : memref<16x512x128xf32, #tpu.memory_space<vmem>>, vector<1x512x128xf32>
    %get3A_414 = vector.shape_cast %get3A_413 : vector<1x512x128xf32> to vector<512x128xf32>
    %convert_element_type3A_415 = arith.truncf %get3A_414 : vector<512x128xf32> to vector<512x128xbf16>
    %broadcast_in_dim3A_416 = arith.constant 0.000000e+00 : bf16
    %broadcast_in_dim3A_417 = vector.broadcast %broadcast_in_dim3A_416 : bf16 to vector<1x128xbf16>
    %slice3A_418 = vector.extract_strided_slice %convert_element_type3A_415 {offsets = [0, 0], sizes = [511, 128], strides = [1, 1]} : vector<512x128xbf16> to vector<511x128xbf16>
    %concatenate3A_419 = tpu.concatenate %broadcast_in_dim3A_417, %slice3A_418 in 0 : vector<1x128xbf16>, vector<511x128xbf16> -> vector<512x128xbf16>
    %dot_general3A_420 = arith.constant dense<0.000000e+00> : vector<512x16xf32>
    %dot_general3A_421 = tpu.matmul %convert_element_type3A_415, %convert_element_type3A, %dot_general3A_420 {dimension_numbers = #tpu.dot_dimension_numbers<[1], [0], [0], [1], [0, 0, 1, 1], [], []>, transpose_lhs_hint = false} : vector<512x128xbf16>, vector<128x16xbf16>, vector<512x16xf32> -> vector<512x16xf32>
    %dot_general3A_422 = arith.constant dense<0.000000e+00> : vector<512x16xf32>
    %dot_general3A_423 = tpu.matmul %concatenate3A_419, %convert_element_type3A_17, %dot_general3A_422 {dimension_numbers = #tpu.dot_dimension_numbers<[1], [0], [0], [1], [0, 0, 1, 1], [], []>, transpose_lhs_hint = false} : vector<512x128xbf16>, vector<128x16xbf16>, vector<512x16xf32> -> vector<512x16xf32>
    %add3A_424 = arith.addf %dot_general3A_421, %dot_general3A_423 : vector<512x16xf32>
    %mul3A_425 = arith.mulf %convert_element_type3A_415, %concatenate3A_419 : vector<512x128xbf16>
    %dot_general3A_426 = arith.constant dense<0.000000e+00> : vector<512x16xf32>
    %dot_general3A_427 = tpu.matmul %mul3A_425, %convert_element_type3A_21, %dot_general3A_426 {dimension_numbers = #tpu.dot_dimension_numbers<[1], [0], [0], [1], [0, 0, 1, 1], [], []>, transpose_lhs_hint = false} : vector<512x128xbf16>, vector<128x16xbf16>, vector<512x16xf32> -> vector<512x16xf32>
    %add3A_428 = arith.addf %add3A_424, %dot_general3A_427 : vector<512x16xf32>
    %broadcast_in_dim3A_429 = vector.shape_cast %reduce_sum3A_22 : vector<16xf32> to vector<1x16xf32>
    %add3A_430 = vector.broadcast %broadcast_in_dim3A_429 : vector<1x16xf32> to vector<512x16xf32>
    %add3A_431 = arith.addf %add3A_428, %add3A_430 : vector<512x16xf32>
    %swap3A_432 = arith.constant 14 : index
    %swap3A_433 = arith.constant 0 : index
    %swap3A_434 = arith.constant 0 : index
    %swap3A_435 = vector.load %arg5[%swap3A_432, %swap3A_433, %swap3A_434] : memref<16x512x16xf32, #tpu.memory_space<vmem>>, vector<1x512x16xf32>
    %swap3A_436 = vector.shape_cast %swap3A_435 : vector<1x512x16xf32> to vector<512x16xf32>
    %swap3A_437 = vector.shape_cast %add3A_431 : vector<512x16xf32> to vector<1x512x16xf32>
    tpu.vector_store %arg5[%swap3A_432, %swap3A_433, %swap3A_434], %swap3A_437 {strides = array<i32>} : memref<16x512x16xf32, #tpu.memory_space<vmem>>, vector<1x512x16xf32>,
    %get3A_438 = arith.constant 15 : index
    %get3A_439 = arith.constant 0 : index
    %get3A_440 = arith.constant 0 : index
    %get3A_441 = vector.load %arg0[%get3A_438, %get3A_439, %get3A_440] : memref<16x512x128xf32, #tpu.memory_space<vmem>>, vector<1x512x128xf32>
    %get3A_442 = vector.shape_cast %get3A_441 : vector<1x512x128xf32> to vector<512x128xf32>
    %convert_element_type3A_443 = arith.truncf %get3A_442 : vector<512x128xf32> to vector<512x128xbf16>
    %broadcast_in_dim3A_444 = arith.constant 0.000000e+00 : bf16
    %broadcast_in_dim3A_445 = vector.broadcast %broadcast_in_dim3A_444 : bf16 to vector<1x128xbf16>
    %slice3A_446 = vector.extract_strided_slice %convert_element_type3A_443 {offsets = [0, 0], sizes = [511, 128], strides = [1, 1]} : vector<512x128xbf16> to vector<511x128xbf16>
    %concatenate3A_447 = tpu.concatenate %broadcast_in_dim3A_445, %slice3A_446 in 0 : vector<1x128xbf16>, vector<511x128xbf16> -> vector<512x128xbf16>
    %dot_general3A_448 = arith.constant dense<0.000000e+00> : vector<512x16xf32>
    %dot_general3A_449 = tpu.matmul %convert_element_type3A_443, %convert_element_type3A, %dot_general3A_448 {dimension_numbers = #tpu.dot_dimension_numbers<[1], [0], [0], [1], [0, 0, 1, 1], [], []>, transpose_lhs_hint = false} : vector<512x128xbf16>, vector<128x16xbf16>, vector<512x16xf32> -> vector<512x16xf32>
    %dot_general3A_450 = arith.constant dense<0.000000e+00> : vector<512x16xf32>
    %dot_general3A_451 = tpu.matmul %concatenate3A_447, %convert_element_type3A_17, %dot_general3A_450 {dimension_numbers = #tpu.dot_dimension_numbers<[1], [0], [0], [1], [0, 0, 1, 1], [], []>, transpose_lhs_hint = false} : vector<512x128xbf16>, vector<128x16xbf16>, vector<512x16xf32> -> vector<512x16xf32>
    %add3A_452 = arith.addf %dot_general3A_449, %dot_general3A_451 : vector<512x16xf32>
    %mul3A_453 = arith.mulf %convert_element_type3A_443, %concatenate3A_447 : vector<512x128xbf16>
    %dot_general3A_454 = arith.constant dense<0.000000e+00> : vector<512x16xf32>
    %dot_general3A_455 = tpu.matmul %mul3A_453, %convert_element_type3A_21, %dot_general3A_454 {dimension_numbers = #tpu.dot_dimension_numbers<[1], [0], [0], [1], [0, 0, 1, 1], [], []>, transpose_lhs_hint = false} : vector<512x128xbf16>, vector<128x16xbf16>, vector<512x16xf32> -> vector<512x16xf32>
    %add3A_456 = arith.addf %add3A_452, %dot_general3A_455 : vector<512x16xf32>
    %broadcast_in_dim3A_457 = vector.shape_cast %reduce_sum3A_22 : vector<16xf32> to vector<1x16xf32>
    %add3A_458 = vector.broadcast %broadcast_in_dim3A_457 : vector<1x16xf32> to vector<512x16xf32>
    %add3A_459 = arith.addf %add3A_456, %add3A_458 : vector<512x16xf32>
    %swap3A_460 = arith.constant 15 : index
    %swap3A_461 = arith.constant 0 : index
    %swap3A_462 = arith.constant 0 : index
    %swap3A_463 = vector.load %arg5[%swap3A_460, %swap3A_461, %swap3A_462] : memref<16x512x16xf32, #tpu.memory_space<vmem>>, vector<1x512x16xf32>
    %swap3A_464 = vector.shape_cast %swap3A_463 : vector<1x512x16xf32> to vector<512x16xf32>
    %swap3A_465 = vector.shape_cast %add3A_459 : vector<512x16xf32> to vector<1x512x16xf32>
    tpu.vector_store %arg5[%swap3A_460, %swap3A_461, %swap3A_462], %swap3A_465 {strides = array<i32>} : memref<16x512x16xf32, #tpu.memory_space<vmem>>, vector<1x512x16xf32>,
    %get3A_466 = arith.constant 0 : index
    %get3A_467 = arith.constant 0 : index
    %get3A_468 = arith.constant 0 : index
    %get3A_469 = vector.load %arg5[%get3A_466, %get3A_467, %get3A_468] : memref<16x512x16xf32, #tpu.memory_space<vmem>>, vector<16x512x16xf32>
    %reduce_max3A = arith.constant dense<0xFF800000> : vector<16x512xf32>
    %reduce_max3A_470 = vector.multi_reduction <maximumf>, %get3A_469, %reduce_max3A [2] : vector<16x512x16xf32> to vector<16x512xf32>
    %broadcast_in_dim3A_471 = vector.shape_cast %reduce_max3A_470 : vector<16x512xf32> to vector<16x512x1xf32>
    %sub3A_472 = vector.broadcast %broadcast_in_dim3A_471 : vector<16x512x1xf32> to vector<16x512x16xf32>
    %sub3A_473 = arith.subf %get3A_469, %sub3A_472 : vector<16x512x16xf32>
    %exp3A = math.exp %sub3A_473 : vector<16x512x16xf32>
    %swap3A_474 = arith.constant 0 : index
    %swap3A_475 = arith.constant 0 : index
    %swap3A_476 = arith.constant 0 : index
    %swap3A_477 = vector.load %arg3[%swap3A_474, %swap3A_475, %swap3A_476] : memref<16x512x16xf32, #tpu.memory_space<vmem>>, vector<16x512x16xf32>
    tpu.vector_store %arg3[%swap3A_474, %swap3A_475, %swap3A_476], %exp3A {strides = array<i32>} : memref<16x512x16xf32, #tpu.memory_space<vmem>>, vector<16x512x16xf32>,
    %iota3A = tpu.iota {dimensions = array<i32: 1>} : vector<16x512xi32>
    %get3A_478 = arith.constant 0 : index
    %get3A_479 = arith.constant 0 : index
    %get3A_480 = vector.load %arg1[%get3A_478, %get3A_479] : memref<16x1xi32, #tpu.memory_space<vmem>>, vector<16x1xi32>
    %lt3A = vector.broadcast %get3A_480 : vector<16x1xi32> to vector<16x512xi32>
    %lt3A_481 = arith.cmpi slt, %iota3A, %lt3A : vector<16x512xi32>
    %jit3A_482 = arith.constant 0.000000e+00 : f32
    %broadcast_in_dim3A_483 = vector.broadcast %jit3A_482 : f32 to vector<16x512xf32>
    %select_n3A = arith.select %lt3A_481, %reduce_max3A_470, %broadcast_in_dim3A_483 : vector<16x512xi1>, vector<16x512xf32>
    %reduce_sum3A_484 = arith.constant dense<0.000000e+00> : vector<16xf32>
    %reduce_sum3A_485 = vector.multi_reduction <add>, %select_n3A, %reduce_sum3A_484 [1] : vector<16x512xf32> to vector<16xf32>
    %broadcast_in_dim3A_486 = vector.shape_cast %reduce_sum3A_485 : vector<16xf32> to vector<16x1xf32>
    %broadcast_in_dim3A_487 = vector.shape_cast %broadcast_in_dim3A_486 : vector<16x1xf32> to vector<16x1xf32>
    %broadcast_in_dim3A_488 = vector.broadcast %broadcast_in_dim3A_487 : vector<16x1xf32> to vector<16x16xf32>
    %swap3A_489 = arith.constant 0 : index
    %swap3A_490 = arith.constant 0 : index
    %swap3A_491 = vector.load %arg4[%swap3A_489, %swap3A_490] : memref<16x16xf32, #tpu.memory_space<vmem>>, vector<16x16xf32>
    tpu.vector_store %arg4[%swap3A_489, %swap3A_490], %broadcast_in_dim3A_488 {strides = array<i32>} : memref<16x16xf32, #tpu.memory_space<vmem>>, vector<16x16xf32>,
    return
  }
}

</mosaic_0001>

<sc_bundles>
// kernel: kernel.4.cloned.1.call-start
scs
__scs_entry_jumppad:
0x0: {  	(pc) =	sbr.rel $0x88, $3  }
0x1: {  	(tag) =	ssettag $0x0;
	lr =	simm.s32 $0x1  }
0x2: {  	[smem:$0x3F9D] =	sst lr;
	_ =	strace $0xD0000000  }
0x3: {  	_ = 	snop  }
0x4: {  	_ = 	snop  }
0x5: {  	_ = 	snop  }
0x6: {  	_ = 	snop  }
0x7: {  	_ = 	snop  }
__scs_overlays_trampoline_lowered:
0x8: {  	[smem:$0x3FAC] =	sst s0  }
0x9: {  	[smem:$0x3FAD] =	sst s1  }
0xa: {  	[smem:$0x3FAE] =	sst s2  }
0xb: {  	[smem:$0x3FAF] =	sst s3  }
0xc: {  	[smem:$0x3FB0] =	sst s4  }
0xd: {  	[smem:$0x3FB1] =	sst s5  }
0xe: {  	[smem:$0x3FB2] =	sst s6  }
0xf: {  	[smem:$0x3FB3] =	sst s7  }
0x10: {  	[smem:$0x3FB4] =	sst s8  }
0x11: {  	[smem:$0x3FB5] =	sst s9;
	s0 =	simm.s32 @!p0 $0x0  }
0x12: {  	s1 =	sld [smem:$0x3F9B];
	s0 =	simm.s32 @p0 $0x1  }
0x13: {  	[smem:$0x3FB6] =	sst s0;
	s0 =	simm.s32 @!p1 $0x0  }
0x14: {  	s2 =	sld [smem:$0x3F9A];
	s0 =	simm.s32 @p1 $0x1  }
0x15: {  	[smem:$0x3FB7] =	sst s0;
	s0 =	simm.s32 @!p2 $0x0  }
0x16: {  	s3 =	sld [smem:$0x3FDB];
	s0 =	simm.s32 @p2 $0x1  }
0x17: {  	s4 =	simm.s32 $0x1BF5;
	[smem:$0x3FB9] =	sst s0  }
0x18: {  	s0 =	sld [smem:$0x3F9C];
	_ =	swait.ge [sflag:s4], $0x0  }
0x19: {  	s7 =	sld [smem:$0x3F9D]  }
0x1a: {  	s8 =	sadd.s32 $0xFFFFE003, lr  }
0x1b: {  	s9 =	sadd.s32 $0xFFFFFEF7, lr;
	s5 =	simm.s32 $0xFFFFFFFF;
	p2 =	slt.u32 s8, $0xFFFFF086  }
0x1c: {  	p1 =	slt.u32 s9, $0xF7A;
	s5 =	simm.s32 @!p2 $0x0  }
0x1d: {  	s5 =	simm.s32 @p1 $0x1;
	p0 =	seq.s32 s7, s2  }
0x1e: {  	s7 =	smul.u32 @!p0 $0xF7A, s2;
	p2 =	seq.s32 @!p0 s5, $0x0  }
0x1f: {  	s9 =	smul.u32 $0xF7A, s1;
	s8 =	simm.s32 @!p0 $0x1BF5;
	p2 =	por !p2, p0  }
0x20: {  	[sflag:s8] =	ssyncset.s32 @!p0 $0xFFFFF086;
	s6 =	sadd.s32 @!p0 s3, s7;
	s7 =	simm.s32 @!p0 $0x108  }
0x21: {  	s3 =	sadd.s32 s3, s9;
	s6 =	sadd.s32 @!p0 $0x88, s6;
	s7 =	simm.s32 @p2 $0x1082  }
0x22: {  	[simem:s7], [sflag:s8] =	dma.local @!p0 [hbm:s6], $0xF7A  }
0x23: {  	s9 =	sor.u32 $0xD0000000, s2;
	s6 =	simm.s32 $0x108;
	_ =	swait.ge @!p0 [sflag:s8], $0x0  }
0x24: {  	s3 =	sadd.s32 $0x88, s3;
	s6 =	simm.s32 @!p1 $0x1082;
	[sflag:s4] =	ssyncset.s32 $0xFFFFF086  }
0x25: {  	[simem:s6], [sflag:s4] =	dma.local [hbm:s3], $0xF7A  }
0x26: {  	[smem:$0x3F9D] =	sst s1;
	(tag) =	ssettag s2;
	_ =	strace s9  }
0x27: {  	s1 =	sld [smem:$0x3FAD]  }
0x28: {  	s2 =	sld [smem:$0x3FAE]  }
0x29: {  	s4 =	sld [smem:$0x3FB0]  }
0x2a: {  	p0 =	seq.s32 s5, $0x0;
	s5 =	sld [smem:$0x3FB1]  }
0x2b: {  	s6 =	sld [smem:$0x3FB2]  }
0x2c: {  	s7 =	sld [smem:$0x3FB3]  }
0x2d: {  	s3 =	simm.s32 $0x108;
	s8 =	sld [smem:$0x3FB4]  }
0x2e: {  	s3 =	simm.s32 @!p0 $0x1082;
	s9 =	sld [smem:$0x3FB5]  }
0x2f: {  	lr =	sadd.s32 s0, s3;
	s0 =	sld [smem:$0x3FAC]  }
0x30: {  	s3 =	sld [smem:$0x3FAF]  }
0x31: {  	[smem:$0x3FB8] =	sst s10  }
0x32: {  	s10 =	sld [smem:$0x3FB6];
	_ =	sdelay $0x3  }
0x33: {  	p0 =	seq.s32 s10, $0x1;
	s10 =	sld [smem:$0x3FB8];
	_ =	sdelay $0x3  }
0x34: {  	[smem:$0x3FB8] =	sst s10  }
0x35: {  	s10 =	sld [smem:$0x3FB7];
	_ =	sdelay $0x3  }
0x36: {  	p1 =	seq.s32 s10, $0x1;
	s10 =	sld [smem:$0x3FB8];
	_ =	sdelay $0x3  }
0x37: {  	[smem:$0x3FB8] =	sst s10  }
0x38: {  	s10 =	sld [smem:$0x3FB9]  }
0x39: {  	_ = 	snop;
	(pc) =	sbr.ind lr, $3  }
0x3a: {  	_ = 	snop  }
0x3b: {  	_ = 	snop  }
0x3c: {  	p2 =	seq.s32 s10, $0x1;
	s10 =	sld [smem:$0x3FB8]  }
0x3d: {  	_ =	shalt  }
0x3e: {  	_ =	shalt  }
0x3f: {  	_ =	shalt  }
0x40: {  	_ =	shalt  }
0x41: {  	_ =	shalt  }
0x42: {  	_ =	shalt  }
0x43: {  	_ =	shalt  }
0x44: {  	_ =	shalt  }
0x45: {  	_ =	shalt  }
0x46: {  	_ =	shalt  }
0x47: {  	_ =	shalt  }
0x48: {  	_ =	shalt  }
0x49: {  	_ =	shalt  }
0x4a: {  	_ =	shalt  }
0x4b: {  	_ =	shalt  }
0x4c: {  	_ =	shalt  }
0x4d: {  	_ =	shalt  }
0x4e: {  	_ =	shalt  }
0x4f: {  	_ =	shalt  }
0x50: {  	_ =	shalt  }
0x51: {  	_ =	shalt  }
0x52: {  	_ =	shalt  }
0x53: {  	_ =	shalt  }
0x54: {  	_ =	shalt  }
0x55: {  	_ =	shalt  }
0x56: {  	_ =	shalt  }
0x57: {  	_ =	shalt  }
0x58: {  	_ =	shalt  }
0x59: {  	_ =	shalt  }
0x5a: {  	_ =	shalt  }
0x5b: {  	_ =	shalt  }
0x5c: {  	_ =	shalt  }
0x5d: {  	_ =	shalt  }
0x5e: {  	_ =	shalt  }
0x5f: {  	_ =	shalt  }
0x60: {  	_ =	shalt  }
0x61: {  	_ =	shalt  }
0x62: {  	_ =	shalt  }
0x63: {  	_ =	shalt  }
0x64: {  	_ =	shalt  }
0x65: {  	_ =	shalt  }
0x66: {  	_ =	shalt  }
0x67: {  	_ =	shalt  }
0x68: {  	_ =	shalt  }
0x69: {  	_ =	shalt  }
0x6a: {  	_ =	shalt  }
0x6b: {  	_ =	shalt  }
0x6c: {  	_ =	shalt  }
0x6d: {  	_ =	shalt  }
0x6e: {  	_ =	shalt  }
0x6f: {  	_ =	shalt  }
0x70: {  	_ =	shalt  }
0x71: {  	_ =	shalt  }
0x72: {  	_ =	shalt  }
0x73: {  	_ =	shalt  }
0x74: {  	_ =	shalt  }
0x75: {  	_ =	shalt  }
0x76: {  	_ =	shalt  }
0x77: {  	_ =	shalt  }
0x78: {  	_ =	shalt  }
0x79: {  	_ =	shalt  }
0x7a: {  	_ =	shalt  }
0x7b: {  	_ =	shalt  }
0x7c: {  	_ =	shalt  }
0x7d: {  	_ =	shalt  }
0x7e: {  	_ =	shalt  }
0x7f: {  	_ =	shalt  }
0x80: {  	_ =	shalt  }
0x81: {  	_ =	shalt  }
0x82: {  	_ =	shalt  }
0x83: {  	_ =	shalt  }
0x84: {  	_ =	shalt  }
0x85: {  	_ =	shalt  }
0x86: {  	_ =	shalt  }
0x87: {  	_ =	shalt  }
.Lfunc_end0:
.L_simem_size_0:
called_computation_lowered:
.L_overlay_start_0:
0x88: {  	s0 =	sld [smem:$0x3FD9]  }
0x89: {  	s1 =	sld [smem:$0x3FFE];
	_ =	sdelay $0x3  }
0x8a: {  	s0 =	sadd.s32 s1, s0  }
0x8b: {  	[smem:$0x3FC4] =	sst s0  }
0x8c: {  	_ = 	snop  }
0x8d: {  	s0 =	sld [smem:$0x3FC8]  }
0x8e: {  	s16 =	sld [smem:$0x3FC7];
	(tm) =	ssettm $0x1  }
0x8f: {  	s2 =	sld [smem:$0x3FFB];
	_ =	sdelay $0x3  }
0x90: {  	_ =	strace s2  }
0x91: {  	s2 =	sld [smem:$0x3FFC];
	_ =	sdelay $0x3  }
0x92: {  	_ =	strace s2  }
0x93: {  	s2 =	sld [smem:$0x3FFD];
	_ =	sdelay $0x3  }
0x94: {  	_ =	strace s2  }
0x95: {  	_ =	strace $0x8FFFFFFF  }
0x96: {  	s17 =	sld [smem:$0x3FDB];
	_ =	sdelay $0x1  }
0x97: {  	s3 =	simm.s32 $_scs_section_size  }
0x98: {  	s4 =	simm.s32 $_size__tile_overlayer_lowered;
	s5 =	simm.s32 $_tile_overlayer_lowered  }
0x99: {  	s20 =	simm.s32 $0x1BFF;
	s19 =	sshll.u32 s5, $0x1;
	s2 =	sadd.s32 s3, s17  }
0x9a: {  	s6 =	simm.s32 $0x0;
	s18 =	sshll.u32 s4, $0x1;
	s4 =	sadd.s32 s19, s2  }
0x9b: {  	[timem:s6], [sflag:s20] =	dma.local [hbm:s4], s18  }
0x9c: {  	_ =	swait.ge [sflag:s20], s18  }
0x9d: {  	s3 =	ssub.s32 $0x0, s18;
	[sflag:s20] =	ssyncset.done $0x0  }
0x9e: {  	[sflag:s20] =	ssyncadd.s32 s3;
	_ =	sdelay $0x1  }
0x9f: {  	s21 =	simm.s32 $0x1B8B  }
0xa0: {  	_ =	swait.ge [sflag:s21], $0x1  }
0xa1: {  	[sflag:s21] =	ssyncset.done $0x0  }
0xa2: {  	s23 =	simm.s32 $0x1B8E;
	s22 =	sld [smem:$0x3FFE];
	[sflag:s21] =	ssyncadd.s32 $0xFFFFFFFF  }
0xa3: {  	s24 =	simm.s32 $execute0_lowered;
	[smem:$0x3FD2] =	sst s23  }
0xa4: {  	s4 =	sshll.u32 s24, $0x1;
	_ =	strace $0x80000046;
	[dreg:$0x1] =	wrdreg $0xFFFFFFFF  }
0xa5: {  	s25 =	simm.s32 $_size_execute0_lowered;
	s2 =	sadd.s32 s2, s4;
	[dreg:$0x0] =	wrdreg $0x0  }
0xa6: {  	s4 =	sshll.u32 s25, $0x1;
	[dreg:$0x2] =	wrdreg s2  }
0xa7: {  	[dreg:$0x3] =	wrdreg s4  }
0xa8: {  	[dreg:$0x4] =	wrdreg $0xC0  }
0xa9: {  	_ =	task [dreg:s6], $0x5FFFF  }
0xaa: {  	[dreg:$0x1] =	wrdreg $0xFFFFFFFF  }
0xab: {  	[dreg:$0x0] =	wrdreg $0x60  }
0xac: {  	[dreg:$0x2] =	wrdreg s22  }
0xad: {  	[dreg:$0x3] =	wrdreg s0  }
0xae: {  	[dreg:$0x4] =	wrdreg s16  }
0xaf: {  	[dreg:$0x5] =	wrdreg $0x9  }
0xb0: {  	_ =	task.clear_ibuf [dreg:s6], $0x6FFFF;
	_ =	strace $0x90000046  }
0xb1: {  	s26 =	simm.s32 $0x9;
	_ =	strace $0x80000048  }
0xb2: {  	_ =	swait.ge [sflag:s26], $0x1  }
0xb3: {  	[sflag:s26] =	ssyncadd.s32 $0xFFFFFFFF  }
0xb4: {  	_ =	strace $0x90000048  }
0xb5: {  	_ =	sfence  }
0xb6: {  	s28 =	sld [smem:$0x0];
	_ =	sdelay $0x1  }
0xb7: {  	s29 =	srdreg.scid  }
0xb8: {  	s30 =	sshll.u32 s29, $0xD;
	s31 =	sshrl.u32 s29, $0x2  }
0xb9: {  	s1 =	sand.u32 $0x1, s29;
	s2 =	sand.u32 $0x4000, s30;
	s0 =	sadd.s32 s31, s28  }
0xba: {  	s1 =	sor.u32 s2, s1;
	s0 =	sshll.u32 s0, $0x11  }
0xbb: {  	s0 =	sor.u32 s0, s1  }
0xbc: {  	s0 =	sadd.s32 $0x8F2B, s0  }
0xbd: {  	[sflag:s0] =	ssyncadd.remote.s32 $0x1  }
0xbe: {  	_ =	sfence.sel $0xFFFF  }
0xbf: {  	[dreg:$0x0] =	wrdreg $0xFFFFFFFF;
	(pc) =	sbr.abs _section_cstart, $3  }
0xc0: {  	[dreg:$0x1] =	wrdreg $0xFFFFFFFF  }
0xc1: {  	_ =	task.clear_ibuf [dreg:s6], $0x2FFFF;
	_ =	strace $0x9FFFFFFF  }
0xc2: {  	(tm) =	ssettm $0x7FFFFFFF  }
0xc3: {  	_ =	shalt  }
tec
execute0_lowered:
.L_overlay_start_1:
0x0: {  	(tag) =	ssettag $0x1  }
0x1: {  	s0 =	stileid.u32  }
0x2: {  	s3 =	rddreg [dreg:$0x0];
	s6 =	sshrl.u32 s0, $0x3;
	s1 =	sshll.u32 s0, $0x7  }
0x3: {  	s4 =	rddreg [dreg:$0x1];
	s5 =	sshll.u32 s6, $0x10;
	s8 =	sand.u32 $0x380, s1  }
0x4: {  	s7 =	rddreg [dreg:$0x2];
	s5 =	sor.u32 s8, s5  }
0x5: {  	s2 =	simm.s32 $0x0;
	s9 =	simm.s32 $0x80;
	s5 =	sshrl.u32 s5, $0x3  }
0x6: {  	s10 =	simm.s32 $0x400;
	[smem:$0x7FF] =	sst s2;
	s5 =	sadd.s32 s5, s3  }
0x7: {  	s1 =	rddreg [dreg:$0x3];
	_ =	strace $0x80000047;
	s5 =	sadd.s32 $0xA00, s5  }
0x8: {  	[tilespmem:s2], [sflag:$0x1] =	stream.strided.gather [hbm4b:s5+s9], $0x2000, s10, s9, $0x38;
	[tilespmem:$0x2980] =	vst v63  }
0x9: {  	s5 =	simm.s32 $0x1  }
0xa: {  	_ =	swait.ge [sflag:s5], $0x2000  }
0xb: {  	[sflag:s5] =	ssyncset.done $0x0  }
0xc: {  	s24 =	simm.s32 $0x2000;
	[sflag:s5] =	ssyncadd.s32 $0xFFFFE000  }
0xd: {  	[tilespmem:s24], [sflag:$0x1] =	stream.linear.gather [hbm4b:s7+s2], $0x800, $0x38;
	[tilespmem:$0x2980] =	vst v63  }
0xe: {  	_ =	swait.ge [sflag:s5], $0x800  }
0xf: {  	s6 =	sshll.u32 s6, $0xA;
	[sflag:s5] =	ssyncset.done $0x0  }
0x10: {  	s25 =	simm.s32 $0x2800;
	s6 =	sor.u32 s8, s6;
	[sflag:s5] =	ssyncadd.s32 $0xFFFFF800  }
0x11: {  	[tilespmem:s25], [sflag:$0x1] =	stream.linear.gather [hbm4b:s4+s2], $0x10, $0x38;
	[tilespmem:$0x2980] =	vst v63  }
0x12: {  	s26 =	sshrl.u32 s6, $0x3;
	_ =	swait.ge [sflag:s5], $0x10  }
0x13: {  	s4 =	sadd.s32 s26, s3;
	[sflag:s5] =	ssyncset.done $0x0  }
0x14: {  	s28 =	simm.s32 $0x2900;
	s3 =	sadd.s32 $0x800, s4;
	[sflag:s5] =	ssyncadd.s32 $0xFFFFFFF0  }
0x15: {  	[tilespmem:s28], [sflag:$0x1] =	stream.linear.gather [hbm4b:s3+s2], $0x80, $0x38;
	[tilespmem:$0x2980] =	vst v63  }
0x16: {  	_ =	swait.ge [sflag:s5], $0x80  }
0x17: {  	[sflag:s5] =	ssyncset.done $0x0  }
0x18: {  	[sflag:s5] =	ssyncadd.s32 $0xFFFFFF80  }
0x19: {  	v0 =	vld [tilespmem:s0+$0x2800];
	_ =	sdelay $0x4  }
0x1a: {  	(v2sf) =	vpush v0, $0x0;
	_ =	sdelay $0x6  }
0x1b: {  	v1 =	vld [tilespmem:$0x2080]  }
0x1c: {  	v2 =	vld [tilespmem:$0x2100]  }
0x1d: {  	v3 =	vld [tilespmem:$0x2180]  }
0x1e: {  	v4 =	vld [tilespmem:$0x2200]  }
0x1f: {  	v5 =	vld [tilespmem:$0x2280]  }
0x20: {  	v6 =	vld [tilespmem:$0x2300]  }
0x21: {  	v7 =	vld [tilespmem:$0x2380]  }
0x22: {  	v8 =	vld [tilespmem:$0x2400]  }
0x23: {  	v10 =	vld [tilespmem:$0x2480];
	s3 =	spop (v2sf)  }
0x24: {  	v11 =	vld [tilespmem:$0x2500];
	s29 =	sand.u32 $0x3, s3  }
0x25: {  	v12 =	vld [tilespmem:$0x2580];
	s30 =	sshra.s32 s3, $0x1F;
	p0 =	slt.s32 s3, $0x1;
	p1 =	sne.s32 s29, $0x0  }
0x26: {  	v16 =	vld [tilespmem:$0x2600];
	s31 =	sshrl.u32 s30, $0x1E;
	p0 =	por !p0, !p1  }
0x27: {  	v17 =	vimm.f32 $1.000000000e+00;
	v18 =	vld [tilespmem:$0x2680];
	s6 =	sadd.s32 s31, s3;
	p0 =	por !p0, !p0  }
0x28: {  	[tilespmem:$0x2880] =	vst v17;
	v19 =	vld [tilespmem:$0x2700];
	s6 =	sshra.s32 s6, $0x2;
	s5 =	simm.s32 @!p0 $0x0  }
0x29: {  	vm0 =	vcmask $0x300;
	[tilespmem:$0x2890] =	vst v17;
	v20 =	vld [tilespmem:$0x2780];
	s5 =	ssub.s32 s6, s5  }
0x2a: {  	[tilespmem:$0x28A0] =	vst v17;
	v0 =	vld [tilespmem:$0x2000];
	v1 =	vmax.f32 v1, $9.999999970e-07;
	v2 =	vmax.f32 v2, $9.999999970e-07;
	v3 =	vmax.f32 v3, $9.999999970e-07;
	p0 =	slt.s32 s5, $0x1  }
.Ltmp0:
0x2b: {  	[tilespmem:$0x28B0] =	vst v17;
	v4 =	vmax.f32 v4, $9.999999970e-07;
	v5 =	vmax.f32 v5, $9.999999970e-07;
	v6 =	vmax.f32 v6, $9.999999970e-07;
	(pc) =	sbr.rel @p0 .LBB2_3-.Ltmp0, $4  }
0x2c: {  	[tilespmem:$0x28C0] =	vst v17;
	v7 =	vmax.f32 v7, $9.999999970e-07;
	v9 =	vmax.f32 v8, $9.999999970e-07;
	v13 =	vmax.f32 v10, $9.999999970e-07  }
0x2d: {  	[tilespmem:$0x28D0] =	vst v17;
	v14 =	vmax.f32 v11, $9.999999970e-07;
	v15 =	vmax.f32 v12, $9.999999970e-07;
	v10 =	vmax.f32 v16, $9.999999970e-07  }
0x2e: {  	[tilespmem:$0x28E0] =	vst v17;
	v11 =	vmax.f32 v18, $9.999999970e-07;
	v8 =	vmax.f32 v19, $9.999999970e-07;
	v16 =	vimm.f32 $0.0e+00  }
0x2f: {  	[tilespmem:$0x28F0] =	vst v17;
	v12 =	vmax.f32 v20, $9.999999970e-07;
	v37 =	vsel vm0, $0x3F800000, v16;
	v0 =	vmax.f32 v0, $9.999999970e-07  }
0x30: {  	v16 =	vimm.s32 $0x0  }
0x31: {  	v17 =	vimm.s32 $0x1;
	v18 =	vimm.s32 $0x2;
	v19 =	vimm.s32 $0x3  }
0x32: {  	v20 =	vimm.s32 $0x4;
	v22 =	vimm.s32 $0xEFCDAB89;
	v23 =	vimm.s32 $0x67452301  }
0x33: {  	v21 =	vimm.s32 $0x5;
	v24 =	vimm.s32 $0x8;
	v25 =	vimm.s32 $0x9  }
0x34: {  	v28 =	vimm.s32 $0xC;
	v31 =	vimm.s32 $0x54761032;
	v32 =	vimm.s32 $0xBA98FEDC  }
0x35: {  	v33 =	vimm.s32 $0x32107654;
	v34 =	vimm.s32 $0xFEDCBA98;
	v35 =	vimm.s32 $0x76543210  }
0x36: {  	v26 =	vunpack.c.l.s4.s8 v22;
	v27 =	vunpack.c.l.s4.s8 v23;
	v22 =	vimm.s32 $0x6  }
0x37: {  	v23 =	vimm.s32 $0x7;
	v31 =	vunpack.c.l.s4.s8 v31;
	v32 =	vunpack.c.l.s4.s8 v32  }
0x38: {  	v33 =	vunpack.c.l.s4.s8 v33;
	v29 =	vunpack.c.0.s8.s32 v26;
	v30 =	vunpack.c.0.s8.s32 v27  }
0x39: {  	v34 =	vunpack.c.l.s4.s8 v34;
	v35 =	vunpack.c.l.s4.s8 v35;
	v26 =	vimm.s32 $0xA  }
0x3a: {  	v27 =	vimm.s32 $0xB;
	v29 =	vcombine.low v30, v29;
	v30 =	vimm.s32 $0xDCFE98BA  }
0x3b: {  	v31 =	vunpack.c.0.s8.s32 v31;
	v34 =	vunpack.c.0.s8.s32 v34;
	v30 =	vunpack.c.l.s4.s8 v30  }
0x3c: {  	v38 =	vunpack.c.0.s8.s32 v32;
	v33 =	vunpack.c.0.s8.s32 v33;
	v35 =	vunpack.c.0.s8.s32 v35  }
0x3d: {  	v32 =	vimm.s32 $0xE;
	v63 =	vand.u32 $0xF, v34;
	v36 =	vunpack.c.0.s8.s32 v30  }
0x3e: {  	v33 =	vcombine.low v33, v38;
	v34 =	vimm.s32 $0xF;
	v35 =	vcombine.low v63, v35  }
0x3f: {  	s6 =	simm.s32 $0x20;
	s7 =	simm.s32 $0x0;
	v30 =	vimm.s32 $0xD;
	v31 =	vcombine.low v31, v36;
	v36 =	vlaneseq.u32  }
.LBB2_2:
0x40: {  	_ = 	snop  }
0x41: {  	v38 =	vperm.xlane v37, v16;
	v39 =	vperm.xlane v37, v17  }
0x42: {  	v40 =	vperm.xlane v37, v18;
	v41 =	vperm.xlane v37, v19  }
0x43: {  	v42 =	vperm.xlane v37, v20;
	v43 =	vperm.xlane v37, v21  }
0x44: {  	v44 =	vperm.xlane v37, v22;
	v45 =	vperm.xlane v37, v23  }
0x45: {  	v46 =	vperm.xlane v37, v24;
	v47 =	vperm.xlane v37, v25  }
0x46: {  	v48 =	vperm.xlane v37, v26;
	v49 =	vperm.xlane v37, v27  }
0x47: {  	v50 =	vperm.xlane v37, v28;
	v51 =	vperm.xlane v37, v30  }
0x48: {  	v52 =	vperm.xlane v37, v32;
	v63 =	vperm.xlane v37, v34  }
0x49: {  	v38 =	vmul.f32 v38, v0;
	v39 =	vmul.f32 v39, v1  }
0x4a: {  	v40 =	vmul.f32 v40, v2;
	v41 =	vmul.f32 v41, v3  }
0x4b: {  	v42 =	vmul.f32 v42, v4;
	v43 =	vmul.f32 v43, v5  }
0x4c: {  	v44 =	vmul.f32 v44, v6;
	v45 =	vmul.f32 v45, v7  }
0x4d: {  	v46 =	vmul.f32 v46, v9;
	v47 =	vmul.f32 v47, v13  }
0x4e: {  	v48 =	vmul.f32 v48, v14;
	v49 =	vmul.f32 v49, v15  }
0x4f: {  	v50 =	vmul.f32 v50, v10;
	v51 =	vmul.f32 v51, v11  }
0x50: {  	v52 =	vmul.f32 v52, v8;
	v38 =	vadd.f32 v39, v38;
	v55 =	vadd.f32 v41, v40  }
0x51: {  	v37 =	vmul.f32 v63, v12;
	v56 =	vadd.f32 v43, v42;
	v57 =	vadd.f32 v45, v44  }
0x52: {  	v58 =	vadd.f32 v47, v46;
	v59 =	vadd.f32 v49, v48  }
0x53: {  	v60 =	vadd.f32 v51, v50;
	v37 =	vadd.f32 v37, v52  }
0x54: {  	v38 =	vadd.f32 v55, v38;
	v61 =	vadd.f32 v57, v56  }
0x55: {  	v62 =	vadd.f32 v59, v58;
	v37 =	vadd.f32 v37, v60  }
0x56: {  	v63 =	vld [tilespmem:s6+$0xFFFFFFE0]  }
0x57: {  	v38 =	vadd.f32 v61, v38;
	v37 =	vadd.f32 v37, v62;
	_ =	sdelay $0x1  }
0x58: {  	v37 =	vadd.f32 v37, v38;
	_ =	sdelay $0x1  }
0x59: {  	v37 =	vmul.f32 v37, v63;
	_ =	sdelay $0x1  }
0x5a: {  	v44 =	vperm.xlane v37, v16;
	v45 =	vperm.xlane v37, v17  }
0x5b: {  	v46 =	vperm.xlane v37, v18;
	v41 =	vperm.xlane v37, v19  }
0x5c: {  	v47 =	vperm.xlane v37, v20;
	v48 =	vperm.xlane v37, v21  }
0x5d: {  	v49 =	vperm.xlane v37, v22;
	v50 =	vperm.xlane v37, v23  }
0x5e: {  	v51 =	vperm.xlane v37, v24;
	v52 =	vperm.xlane v37, v25  }
0x5f: {  	v53 =	vperm.xlane v37, v26;
	v54 =	vperm.xlane v37, v27  }
0x60: {  	v55 =	vperm.xlane v37, v28;
	v56 =	vperm.xlane v37, v30  }
0x61: {  	v57 =	vperm.xlane v37, v32;
	v37 =	vperm.xlane v37, v34  }
0x62: {  	v38 =	vmul.f32 v44, v0;
	v39 =	vmul.f32 v45, v1  }
0x63: {  	v40 =	vmul.f32 v46, v2;
	v41 =	vmul.f32 v41, v3  }
0x64: {  	v42 =	vmul.f32 v47, v4;
	v43 =	vmul.f32 v48, v5  }
0x65: {  	v44 =	vmul.f32 v49, v6;
	v45 =	vmul.f32 v50, v7  }
0x66: {  	v46 =	vmul.f32 v51, v9;
	v47 =	vmul.f32 v52, v13  }
0x67: {  	v48 =	vmul.f32 v53, v14;
	v49 =	vmul.f32 v54, v15  }
0x68: {  	v50 =	vmul.f32 v55, v10;
	v51 =	vmul.f32 v56, v11  }
0x69: {  	v52 =	vmul.f32 v57, v8;
	v38 =	vadd.f32 v39, v38;
	v58 =	vadd.f32 v41, v40  }
0x6a: {  	v37 =	vmul.f32 v37, v12;
	v59 =	vadd.f32 v43, v42;
	v60 =	vadd.f32 v45, v44  }
0x6b: {  	v61 =	vadd.f32 v47, v46;
	v62 =	vadd.f32 v49, v48  }
0x6c: {  	v63 =	vadd.f32 v51, v50;
	v37 =	vadd.f32 v37, v52  }
0x6d: {  	v38 =	vadd.f32 v58, v38;
	v48 =	vadd.f32 v60, v59  }
0x6e: {  	v49 =	vadd.f32 v62, v61;
	v37 =	vadd.f32 v37, v63  }
0x6f: {  	v50 =	vld [tilespmem:s6+$0xFFFFFFF0]  }
0x70: {  	v38 =	vadd.f32 v48, v38;
	v37 =	vadd.f32 v37, v49;
	_ =	sdelay $0x1  }
0x71: {  	v37 =	vadd.f32 v37, v38;
	_ =	sdelay $0x1  }
0x72: {  	v37 =	vmul.f32 v37, v50;
	_ =	sdelay $0x1  }
0x73: {  	v51 =	vperm.xlane v37, v16;
	v52 =	vperm.xlane v37, v17  }
0x74: {  	v53 =	vperm.xlane v37, v18;
	v41 =	vperm.xlane v37, v19  }
0x75: {  	v54 =	vperm.xlane v37, v20;
	v55 =	vperm.xlane v37, v21  }
0x76: {  	v56 =	vperm.xlane v37, v22;
	v57 =	vperm.xlane v37, v23  }
0x77: {  	v58 =	vperm.xlane v37, v24;
	v59 =	vperm.xlane v37, v25  }
0x78: {  	v60 =	vperm.xlane v37, v26;
	v61 =	vperm.xlane v37, v27  }
0x79: {  	v62 =	vperm.xlane v37, v28;
	v63 =	vperm.xlane v37, v30  }
0x7a: {  	v38 =	vmul.f32 v51, v0;
	v39 =	vmul.f32 v52, v1  }
0x7b: {  	v40 =	vmul.f32 v53, v2;
	v41 =	vmul.f32 v41, v3  }
0x7c: {  	v42 =	vmul.f32 v54, v4;
	v43 =	vmul.f32 v55, v5  }
0x7d: {  	v44 =	vmul.f32 v56, v6;
	v45 =	vmul.f32 v57, v7  }
0x7e: {  	v46 =	vmul.f32 v58, v9;
	v47 =	vmul.f32 v59, v13  }
0x7f: {  	v48 =	vmul.f32 v60, v14;
	v49 =	vmul.f32 v61, v15  }
0x80: {  	v50 =	vmul.f32 v62, v10;
	v56 =	vperm.xlane v37, v32  }
0x81: {  	v51 =	vmul.f32 v63, v11;
	v37 =	vperm.xlane v37, v34  }
0x82: {  	v52 =	vmul.f32 v56, v8;
	v38 =	vadd.f32 v39, v38;
	v57 =	vadd.f32 v41, v40  }
0x83: {  	v37 =	vmul.f32 v37, v12;
	v58 =	vadd.f32 v43, v42;
	v59 =	vadd.f32 v45, v44  }
0x84: {  	v60 =	vadd.f32 v47, v46;
	v61 =	vadd.f32 v49, v48  }
0x85: {  	v62 =	vadd.f32 v51, v50;
	v37 =	vadd.f32 v37, v52  }
0x86: {  	v38 =	vadd.f32 v57, v38;
	v63 =	vadd.f32 v59, v58  }
0x87: {  	v45 =	vadd.f32 v61, v60;
	v37 =	vadd.f32 v37, v62  }
0x88: {  	v46 =	vld [tilespmem:s6+$0x0]  }
0x89: {  	v38 =	vadd.f32 v63, v38;
	v37 =	vadd.f32 v37, v45;
	_ =	sdelay $0x1  }
0x8a: {  	v37 =	vadd.f32 v37, v38;
	_ =	sdelay $0x1  }
0x8b: {  	v37 =	vmul.f32 v37, v46;
	_ =	sdelay $0x1  }
0x8c: {  	v47 =	vperm.xlane v37, v16;
	v48 =	vperm.xlane v37, v17  }
0x8d: {  	v49 =	vperm.xlane v37, v18;
	v41 =	vperm.xlane v37, v19  }
0x8e: {  	v50 =	vperm.xlane v37, v20;
	v51 =	vperm.xlane v37, v21  }
0x8f: {  	v52 =	vperm.xlane v37, v22;
	v53 =	vperm.xlane v37, v23  }
0x90: {  	v54 =	vperm.xlane v37, v24;
	v55 =	vperm.xlane v37, v25  }
0x91: {  	v56 =	vperm.xlane v37, v26;
	v57 =	vperm.xlane v37, v27  }
0x92: {  	v58 =	vperm.xlane v37, v28;
	v59 =	vperm.xlane v37, v30  }
0x93: {  	v60 =	vperm.xlane v37, v32;
	v37 =	vperm.xlane v37, v34  }
0x94: {  	v38 =	vmul.f32 v47, v0;
	v39 =	vmul.f32 v48, v1  }
0x95: {  	v40 =	vmul.f32 v49, v2;
	v41 =	vmul.f32 v41, v3  }
0x96: {  	v42 =	vmul.f32 v50, v4;
	v43 =	vmul.f32 v51, v5  }
0x97: {  	v44 =	vmul.f32 v52, v6;
	v45 =	vmul.f32 v53, v7  }
0x98: {  	v46 =	vmul.f32 v54, v9;
	v47 =	vmul.f32 v55, v13  }
0x99: {  	v48 =	vmul.f32 v56, v14;
	v49 =	vmul.f32 v57, v15  }
0x9a: {  	v50 =	vmul.f32 v58, v10;
	v51 =	vmul.f32 v59, v11  }
0x9b: {  	v52 =	vmul.f32 v60, v8;
	v38 =	vadd.f32 v39, v38;
	v61 =	vadd.f32 v41, v40  }
0x9c: {  	v37 =	vmul.f32 v37, v12;
	v62 =	vadd.f32 v43, v42;
	v63 =	vadd.f32 v45, v44  }
0x9d: {  	v53 =	vadd.f32 v47, v46;
	v54 =	vadd.f32 v49, v48  }
0x9e: {  	v55 =	vadd.f32 v51, v50;
	v37 =	vadd.f32 v37, v52  }
0x9f: {  	v38 =	vadd.f32 v61, v38;
	v56 =	vadd.f32 v63, v62  }
0xa0: {  	v57 =	vadd.f32 v54, v53;
	v37 =	vadd.f32 v37, v55  }
0xa1: {  	v58 =	vld [tilespmem:s6+$0x10]  }
0xa2: {  	v38 =	vadd.f32 v56, v38;
	v37 =	vadd.f32 v37, v57;
	_ =	sdelay $0x1  }
0xa3: {  	v37 =	vadd.f32 v37, v38;
	_ =	sdelay $0x1  }
0xa4: {  	v37 =	vmul.f32 v37, v58;
	_ =	sdelay $0x1  }
0xa5: {  	v59 =	vperm.xlane v37, v29;
	_ =	sdelay $0x1  }
0xa6: {  	v38 =	vadd.f32 v37, v59;
	_ =	sdelay $0x1  }
0xa7: {  	v60 =	vperm.xlane v38, v31;
	_ =	sdelay $0x1  }
0xa8: {  	v38 =	vadd.f32 v38, v60;
	_ =	sdelay $0x1  }
0xa9: {  	v39 =	vperm.xlane v38, v33;
	_ =	sdelay $0x1  }
0xaa: {  	v38 =	vadd.f32 v38, v39;
	_ =	sdelay $0x1  }
0xab: {  	v39 =	vperm.xlane v38, v35;
	_ =	sdelay $0x1  }
0xac: {  	v38 =	vadd.f32 v38, v39;
	_ =	sdelay $0x1  }
0xad: {  	(erf) = vrcp.f32 v38;
	_ =	sdelay $0x1  }
0xae: {  	s8 =	sand.u32 $0xFFFFFFC0, s2  }
0xaf: {  	s8 =	sshra.s32 s8, $0x2  }
0xb0: {  	s9 =	sand.u32 $0xF, s7;
	s7 =	sadd.s32 $0x1, s7;
	v61 =	vld [tilespmem:s8+$0x2880]  }
0xb1: {  	p0 =	sne.s32 s5, s7  }
.Ltmp1:
0xb2: {  	_ = 	snop;
	(pc) =	sbr.rel @p0 .LBB2_2-.Ltmp1, $4  }
0xb3: {  	v62 =	vmov s9  }
0xb4: {  	vm0 =	veq.s32 v62, v36  }
0xb5: {  	v38 =	vsel vm0, v38, v61;
	v63 =	vpop (erf)  }
0xb6: {  	s2 =	sadd.s32 $0x4, s2;
	s6 =	sadd.s32 $0x40, s6;
	[tilespmem:s8+$0x2880] =	vst v38;
	v37 =	vmul.f32 v63, v37  }
.LBB2_3:
0xb7: {  	s6 =	sshll.u32 s5, $0x2  }
0xb8: {  	p0 =	sle.s32 s3, s6  }
.Ltmp2:
0xb9: {  	_ = 	snop;
	(pc) =	sbr.rel @p0 .LBB2_9-.Ltmp2, $2  }
0xba: {  	_ =	sdelay $0x2  }
0xbb: {  	s2 =	sadd.s32 $0x4A00, s4  }
0xbc: {  	v16 =	vimm.s32 $0x0;
	v17 =	vimm.s32 $0x1;
	v18 =	vimm.s32 $0x2  }
0xbd: {  	v19 =	vimm.s32 $0x3;
	v20 =	vimm.s32 $0x4;
	v23 =	vperm.xlane v37, v16  }
0xbe: {  	v21 =	vimm.s32 $0x5;
	v24 =	vperm.xlane v37, v17;
	v25 =	vperm.xlane v37, v18  }
0xbf: {  	v22 =	vimm.s32 $0x6;
	v26 =	vperm.xlane v37, v19;
	v27 =	vperm.xlane v37, v20  }
0xc0: {  	v28 =	vperm.xlane v37, v21;
	v29 =	vperm.xlane v37, v22  }
0xc1: {  	v41 =	vmul.f32 v23, v0;
	v44 =	vmul.f32 v24, v1  }
0xc2: {  	v23 =	vimm.s32 $0x7;
	v46 =	vmul.f32 v25, v2;
	v47 =	vmul.f32 v26, v3  }
0xc3: {  	v24 =	vimm.s32 $0x8;
	v25 =	vimm.s32 $0x9;
	v33 =	vmul.f32 v27, v4  }
0xc4: {  	v26 =	vimm.s32 $0xA;
	v35 =	vmul.f32 v28, v5;
	v32 =	vmul.f32 v29, v6  }
0xc5: {  	s4 =	ssub.s32 s3, s6;
	v27 =	vimm.s32 $0xB;
	v30 =	vperm.xlane v37, v23;
	v31 =	vperm.xlane v37, v24  }
0xc6: {  	p1 =	sne.s32 s4, $0x1;
	v28 =	vimm.s32 $0xC;
	v38 =	vperm.xlane v37, v25;
	v39 =	vperm.xlane v37, v26  }
.Ltmp3:
0xc7: {  	v29 =	vimm.s32 $0xD;
	v40 =	vperm.xlane v37, v27;
	v42 =	vperm.xlane v37, v28;
	(pc) =	sbr.rel @!p1 .LBB2_5-.Ltmp3, $4  }
0xc8: {  	v43 =	vperm.xlane v37, v29;
	v41 =	vadd.f32 v44, v41;
	v34 =	vmul.f32 v30, v7  }
0xc9: {  	v30 =	vimm.s32 $0xE;
	v36 =	vmul.f32 v31, v9;
	v38 =	vmul.f32 v38, v13  }
0xca: {  	s31 =	sshll.u32 s5, $0x8;
	v31 =	vimm.s32 $0xF;
	v39 =	vmul.f32 v39, v14;
	v40 =	vmul.f32 v40, v15  }
0xcb: {  	p0 =	por $0x0, $0x0;
	s3 =	sshra.s32 s31, $0x2;
	s4 =	sadd.s32 $0xFFFFFFFF, s4;
	v44 =	vperm.xlane v37, v30;
	v45 =	vperm.xlane v37, v31;
	v37 =	vadd.f32 v47, v46  }
0xcc: {  	v42 =	vmul.f32 v42, v10;
	v43 =	vmul.f32 v43, v11;
	v33 =	vadd.f32 v35, v33  }
0xcd: {  	v32 =	vadd.f32 v34, v32;
	v62 =	vmul.f32 v44, v8;
	v63 =	vmul.f32 v45, v12  }
0xce: {  	v46 =	vadd.f32 v40, v39;
	v45 =	vadd.f32 v38, v36  }
0xcf: {  	v47 =	vadd.f32 v43, v42;
	v35 =	vadd.f32 v63, v62  }
0xd0: {  	v37 =	vadd.f32 v37, v41;
	v32 =	vadd.f32 v32, v33  }
0xd1: {  	v48 =	vadd.f32 v46, v45;
	v49 =	vadd.f32 v35, v47  }
0xd2: {  	v50 =	vld [tilespmem:s3+$0x0]  }
0xd3: {  	v32 =	vadd.f32 v32, v37;
	v33 =	vadd.f32 v49, v48;
	_ =	sdelay $0x1  }
0xd4: {  	v32 =	vadd.f32 v33, v32;
	_ =	sdelay $0x1  }
0xd5: {  	v51 =	vmul.f32 v32, v50;
	_ =	sdelay $0x1  }
0xd6: {  	v32 =	vperm.xlane v51, v16  }
0xd7: {  	v52 =	vperm.xlane v51, v17;
	v53 =	vperm.xlane v51, v18  }
0xd8: {  	v35 =	vperm.xlane v51, v19;
	v56 =	vperm.xlane v51, v20  }
0xd9: {  	v57 =	vperm.xlane v51, v21;
	v58 =	vperm.xlane v51, v22  }
0xda: {  	v59 =	vperm.xlane v51, v23;
	v60 =	vperm.xlane v51, v24  }
0xdb: {  	v61 =	vperm.xlane v51, v25;
	v62 =	vperm.xlane v51, v26  }
0xdc: {  	v63 =	vperm.xlane v51, v27;
	v42 =	vperm.xlane v51, v28  }
0xdd: {  	v43 =	vperm.xlane v51, v29;
	v44 =	vperm.xlane v51, v30  }
0xde: {  	v45 =	vperm.xlane v51, v31;
	v54 =	vmul.f32 v32, v0  }
0xdf: {  	p1 =	sne.s32 s4, $0x1;
	v55 =	vmul.f32 v52, v1;
	v46 =	vmul.f32 v53, v2  }
.Ltmp4:
0xe0: {  	v47 =	vmul.f32 v35, v3;
	v33 =	vmul.f32 v56, v4;
	(pc) =	sbr.rel @!p1 .LBB2_8-.Ltmp4, $4  }
0xe1: {  	v35 =	vmul.f32 v57, v5;
	v32 =	vmul.f32 v58, v6  }
0xe2: {  	v34 =	vmul.f32 v59, v7;
	v36 =	vmul.f32 v60, v9  }
0xe3: {  	v38 =	vmul.f32 v61, v13;
	v39 =	vmul.f32 v62, v14  }
0xe4: {  	s5 =	sadd.s32 $0xFFFFFFFF, s4;
	p0 =	por $0x1, $0x1;
	s4 =	smov.u32 s3;
	v40 =	vmul.f32 v63, v15;
	v41 =	vadd.f32 v55, v54;
	v37 =	vadd.f32 v47, v46  }
.LBB2_7:
0xe5: {  	p1 =	sne.s32 s5, $0x1;
	v42 =	vmul.f32 v42, v10;
	v43 =	vmul.f32 v43, v11;
	v33 =	vadd.f32 v35, v33  }
0xe6: {  	v32 =	vadd.f32 v34, v32;
	v35 =	vmul.f32 v44, v8;
	v44 =	vmul.f32 v45, v12  }
0xe7: {  	v34 =	vadd.f32 v38, v36;
	v36 =	vadd.f32 v40, v39  }
0xe8: {  	v38 =	vadd.f32 v43, v42;
	v35 =	vadd.f32 v44, v35  }
0xe9: {  	v37 =	vadd.f32 v37, v41;
	v32 =	vadd.f32 v32, v33  }
0xea: {  	s4 =	sadd.s32 $0x10, s4;
	v33 =	vadd.f32 v36, v34;
	v34 =	vadd.f32 v35, v38  }
0xeb: {  	v35 =	vld [tilespmem:s4+$0x0]  }
0xec: {  	v32 =	vadd.f32 v32, v37;
	v33 =	vadd.f32 v34, v33;
	_ =	sdelay $0x1  }
0xed: {  	v32 =	vadd.f32 v33, v32;
	_ =	sdelay $0x1  }
0xee: {  	v37 =	vmul.f32 v32, v35;
	_ =	sdelay $0x1  }
0xef: {  	v32 =	vperm.xlane v37, v16;
	v33 =	vperm.xlane v37, v17  }
0xf0: {  	v34 =	vperm.xlane v37, v18;
	v35 =	vperm.xlane v37, v19  }
0xf1: {  	v41 =	vmul.f32 v32, v0;
	v44 =	vmul.f32 v33, v1  }
0xf2: {  	v46 =	vmul.f32 v34, v2;
	v47 =	vmul.f32 v35, v3  }
0xf3: {  	v32 =	vperm.xlane v37, v20;
	v34 =	vperm.xlane v37, v21  }
0xf4: {  	v36 =	vperm.xlane v37, v22;
	v38 =	vperm.xlane v37, v23  }
0xf5: {  	v33 =	vmul.f32 v32, v4;
	v35 =	vmul.f32 v34, v5  }
0xf6: {  	v32 =	vmul.f32 v36, v6;
	v34 =	vmul.f32 v38, v7  }
0xf7: {  	v36 =	vperm.xlane v37, v24;
	v38 =	vperm.xlane v37, v25  }
.Ltmp5:
0xf8: {  	v39 =	vperm.xlane v37, v26;
	v40 =	vperm.xlane v37, v27;
	(pc) =	sbr.rel @p1 .LBB2_7-.Ltmp5, $4  }
0xf9: {  	v36 =	vmul.f32 v36, v9;
	v38 =	vmul.f32 v38, v13  }
0xfa: {  	v39 =	vmul.f32 v39, v14;
	v40 =	vmul.f32 v40, v15  }
0xfb: {  	v42 =	vperm.xlane v37, v28;
	v43 =	vperm.xlane v37, v29;
	v41 =	vadd.f32 v44, v41  }
0xfc: {  	s5 =	sadd.s32 $0xFFFFFFFF, s5;
	v45 =	vperm.xlane v37, v31;
	v44 =	vperm.xlane v37, v30;
	v37 =	vadd.f32 v47, v46  }
.LBB2_8:
0xfd: {  	v0 =	vmul.f32 v42, v10;
	v1 =	vmul.f32 v43, v11;
	v2 =	vadd.f32 v35, v33  }
0xfe: {  	v5 =	vadd.f32 v34, v32;
	v3 =	vmul.f32 v44, v8;
	v4 =	vmul.f32 v45, v12  }
0xff: {  	v6 =	vadd.f32 v38, v36;
	v7 =	vadd.f32 v40, v39  }
0x100: {  	v0 =	vadd.f32 v1, v0;
	v60 =	vadd.f32 v4, v3  }
0x101: {  	s4 =	sadd.s32 @p0 $0x10, s4;
	v61 =	vadd.f32 v37, v41;
	v2 =	vadd.f32 v5, v2  }
0x102: {  	s3 =	smov.u32 @p0 s4;
	v62 =	vadd.f32 v7, v6;
	v0 =	vadd.f32 v60, v0  }
0x103: {  	v63 =	vld [tilespmem:s3+$0x0]  }
0x104: {  	v2 =	vadd.f32 v2, v61;
	v0 =	vadd.f32 v0, v62;
	_ =	sdelay $0x1  }
0x105: {  	v0 =	vadd.f32 v0, v2;
	_ =	sdelay $0x1  }
0x106: {  	v37 =	vmul.f32 v0, v63  }
.LBB2_9:
0x107: {  	v0 =	vimm.s32 $0xEFCDAB89;
	v1 =	vimm.s32 $0x67452301;
	v2 =	vld [tilespmem:$0x2880]  }
0x108: {  	v3 =	vimm.s32 $0xDCFE98BA;
	v0 =	vunpack.c.l.s4.s8 v0;
	v1 =	vunpack.c.l.s4.s8 v1  }
0x109: {  	v4 =	vimm.s32 $0x54761032;
	v25 =	vimm.s32 $0xBA98FEDC;
	v5 =	vimm.s32 $0x32107654  }
0x10a: {  	v29 =	vimm.s32 $0x76543210;
	v0 =	vunpack.c.0.s8.s32 v0;
	v1 =	vunpack.c.0.s8.s32 v1  }
0x10b: {  	v12 =	vimm.s32 $0xFEDCBA98;
	v3 =	vunpack.c.l.s4.s8 v3;
	v4 =	vunpack.c.l.s4.s8 v4  }
0x10c: {  	v5 =	vunpack.c.l.s4.s8 v5;
	v0 =	vcombine.low v1, v0;
	v2 =	vmul.f32 $1.208925820e+24, v2  }
0x10d: {  	v22 =	vunpack.c.0.s8.s32 v3;
	v23 =	vunpack.c.0.s8.s32 v4;
	v3 =	vunpack.c.l.s4.s8 v25  }
0x10e: {  	v5 =	vunpack.c.0.s8.s32 v5;
	v0 =	vand.u32 $0xF, v0;
	v6 =	vmul.f32 $5.421010860e-20, v2  }
0x10f: {  	v3 =	vunpack.c.0.s8.s32 v3;
	vm0 =	vge.f32 v2, $1.844674410e+19;
	v24 =	vperm.xlane v37, v0  }
0x110: {  	v27 =	vld [tilespmem:$0x2890];
	v12 =	vunpack.c.l.s4.s8 v12;
	v1 =	vcombine.low v23, v22;
	v2 =	vsel vm0, v6, v2  }
0x111: {  	v3 =	vcombine.low v5, v3;
	v4 =	vadd.f32 v24, v37;
	v6 =	vmul.f32 $2.328306440e-10, v2  }
0x112: {  	v12 =	vunpack.c.0.s8.s32 v12;
	v1 =	vand.u32 $0xF, v1;
	vm1 =	vge.f32 v2, $4.294967300e+09  }
0x113: {  	v7 =	vperm.xlane v4, v1;
	v26 =	vsel vm1, v6, v2;
	v2 =	vand.u32 $0xF, v3  }
0x114: {  	v3 =	vimm.f32 $-8.000000000e+01;
	v6 =	vmul.f32 $1.525878910e-05, v26;
	vm2 =	vge.f32 v26, $6.553600000e+04  }
0x115: {  	v9 =	vsel vm0, $0xC1800000, v3;
	v4 =	vadd.f32 v7, v4;
	v7 =	vmul.f32 $1.208925820e+24, v27  }
0x116: {  	v12 =	vand.u32 $0xF, v12;
	v28 =	vadd.f32 $3.200000000e+01, v9;
	v6 =	vsel vm2, v6, v26  }
0x117: {  	v8 =	vperm.xlane v4, v2;
	v10 =	vmul.f32 $3.906250000e-03, v6;
	vm14 =	vge.f32 v7, $1.844674410e+19  }
0x118: {  	vm13 =	vge.f32 v6, $2.560000000e+02;
	v11 =	vmul.f32 $5.421010860e-20, v7;
	v38 =	vsel vm14, $0xC1800000, v3  }
0x119: {  	v5 =	vadd.f32 v8, v4;
	v6 =	vsel vm13, v10, v6;
	v8 =	vunpack.c.l.s4.s8 v29  }
0x11a: {  	v4 =	vsel vm1, v28, v9;
	v7 =	vsel vm14, v11, v7;
	v30 =	vmul.f32 $6.250000000e-02, v6  }
0x11b: {  	v31 =	vadd.f32 $1.600000000e+01, v4;
	vm3 =	vge.f32 v6, $1.600000000e+01;
	v11 =	vmul.f32 $2.328306440e-10, v7  }
0x11c: {  	v40 =	vadd.f32 $3.200000000e+01, v38;
	vm15 =	vge.f32 v7, $4.294967300e+09;
	v6 =	vsel vm3, v30, v6  }
0x11d: {  	v32 =	vld [tilespmem:$0x28A0];
	v4 =	vsel vm2, v31, v4;
	v7 =	vsel vm15, v11, v7;
	v9 =	vmul.f32 $2.500000000e-01, v6  }
0x11e: {  	v10 =	vadd.f32 $8.000000000e+00, v4;
	vm4 =	vge.f32 v6, $4.000000000e+00;
	v13 =	vmul.f32 $1.525878910e-05, v7  }
0x11f: {  	v8 =	vunpack.c.0.s8.s32 v8;
	vm6 =	vge.f32 v7, $6.553600000e+04;
	v6 =	vsel vm4, v9, v6  }
0x120: {  	v4 =	vsel vm13, v10, v4;
	v7 =	vsel vm6, v13, v7;
	v33 =	vmul.f32 $5.000000000e-01, v6  }
0x121: {  	v34 =	vadd.f32 $4.000000000e+00, v4;
	vm5 =	vge.f32 v6, $2.000000000e+00;
	v13 =	vmul.f32 $3.906250000e-03, v7  }
0x122: {  	v9 =	vmul.f32 $1.208925820e+24, v32;
	vm9 =	vge.f32 v7, $2.560000000e+02;
	v6 =	vsel vm5, v33, v6  }
0x123: {  	v4 =	vsel vm3, v34, v4;
	v7 =	vsel vm9, v13, v7;
	v10 =	vmul.f32 $2.482598460e-02, v6  }
0x124: {  	v41 =	vsel vm15, v40, v38;
	v11 =	vadd.f32 $2.000000000e+00, v4;
	v13 =	vmul.f32 $6.250000000e-02, v7  }
0x125: {  	v35 =	vmul.f32 $5.421010860e-20, v9;
	vm12 =	vge.f32 v7, $1.600000000e+01;
	v10 =	vsub.f32 $2.668627800e-01, v10  }
0x126: {  	v4 =	vsel vm4, v11, v4;
	vm4 =	vge.f32 v9, $1.844674410e+19;
	v7 =	vsel vm12, v13, v7  }
0x127: {  	v14 =	vadd.f32 $1.000000000e+00, v4;
	v9 =	vsel vm4, v35, v9;
	v37 =	vmul.f32 $2.500000000e-01, v7  }
0x128: {  	vm8 =	vge.f32 v7, $4.000000000e+00;
	v52 =	vsel vm4, $0xC1800000, v3;
	v10 =	vmul.f32 v10, v6  }
0x129: {  	v11 =	vmul.f32 $2.328306440e-10, v9;
	vm7 =	vge.f32 v9, $4.294967300e+09;
	v53 =	vadd.f32 $3.200000000e+01, v52  }
0x12a: {  	v36 =	vsel vm5, v14, v4;
	v4 =	vsel vm8, v37, v7;
	v14 =	vadd.f32 $1.600000000e+01, v41  }
0x12b: {  	v10 =	vadd.f32 $-1.234279870e+00, v10;
	v9 =	vsel vm7, v11, v9;
	v15 =	vmul.f32 $5.000000000e-01, v4  }
0x12c: {  	v49 =	vld [tilespmem:$0x28B0];
	vm1 =	vge.f32 v4, $2.000000000e+00;
	v54 =	vsel vm7, v53, v52;
	v39 =	vmul.f32 $1.525878910e-05, v9  }
0x12d: {  	vm13 =	vge.f32 v9, $6.553600000e+04;
	v57 =	vadd.f32 $1.600000000e+01, v54;
	v10 =	vmul.f32 v10, v6  }
0x12e: {  	v42 =	vsel vm1, v15, v4;
	v4 =	vcombine.low v12, v8;
	v7 =	vsel vm13, v39, v9  }
0x12f: {  	v15 =	vmul.f32 $2.482598460e-02, v42;
	v9 =	vsel vm6, v14, v41;
	v10 =	vadd.f32 $3.218869920e+00, v10  }
0x130: {  	v43 =	vmul.f32 $3.906250000e-03, v7;
	vm14 =	vge.f32 v7, $2.560000000e+02;
	v16 =	vadd.f32 $8.000000000e+00, v9  }
0x131: {  	v50 =	vperm.xlane v5, v4;
	v44 =	vsub.f32 $2.668627800e-01, v15;
	v15 =	vmul.f32 $1.208925820e+24, v49  }
0x132: {  	v10 =	vmul.f32 v10, v6;
	v7 =	vsel vm14, v43, v7;
	v9 =	vsel vm9, v16, v9  }
0x133: {  	v58 =	vld [tilespmem:$0x28C0];
	v39 =	vadd.f32 v50, v5;
	v45 =	vmul.f32 $6.250000000e-02, v7;
	v46 =	vmul.f32 v44, v42  }
0x134: {  	vm15 =	vge.f32 v7, $1.600000000e+01;
	v48 =	vadd.f32 $4.000000000e+00, v9;
	v10 =	vadd.f32 $-5.264155390e+00, v10  }
0x135: {  	v56 =	vmul.f32 $5.421010860e-20, v15;
	v7 =	vsel vm15, v45, v7;
	v8 =	vadd.f32 $-1.234279870e+00, v46  }
0x136: {  	v43 =	vld [tilespmem:$0x28D0];
	v9 =	vsel vm12, v48, v9;
	vm12 =	vge.f32 v15, $1.844674410e+19;
	v10 =	vmul.f32 v10, v6  }
0x137: {  	v47 =	vmul.f32 $2.500000000e-01, v7;
	vm2 =	vge.f32 v7, $4.000000000e+00;
	v51 =	vadd.f32 $2.000000000e+00, v9  }
0x138: {  	v14 =	vsel vm12, v56, v15;
	v15 =	vmul.f32 $1.208925820e+24, v58;
	v25 =	vsel vm12, $0xC1800000, v3  }
0x139: {  	v8 =	vmul.f32 v8, v42;
	v59 =	vmul.f32 $2.328306440e-10, v14;
	v26 =	vadd.f32 $3.200000000e+01, v25  }
0x13a: {  	v10 =	vadd.f32 $6.065858840e+00, v10;
	v7 =	vsel vm2, v47, v7;
	v63 =	vmul.f32 $5.421010860e-20, v15  }
0x13b: {  	v9 =	vsel vm8, v51, v9;
	v47 =	vmul.f32 $1.208925820e+24, v43;
	v12 =	vmul.f32 $5.000000000e-01, v7  }
0x13c: {  	vm0 =	vge.f32 v7, $2.000000000e+00;
	v8 =	vadd.f32 $3.218869920e+00, v8;
	v18 =	vadd.f32 $1.000000000e+00, v9  }
0x13d: {  	v6 =	vmul.f32 v10, v6;
	v10 =	vsel vm13, v57, v54;
	vm13 =	vge.f32 v14, $4.294967300e+09  }
0x13e: {  	v49 =	vmul.f32 $5.421010860e-20, v47;
	v7 =	vsel vm0, v12, v7;
	v8 =	vmul.f32 v8, v42  }
0x13f: {  	v19 =	vadd.f32 $8.000000000e+00, v10;
	v9 =	vsel vm1, v18, v9;
	v17 =	vmul.f32 $2.482598460e-02, v7  }
0x140: {  	v14 =	vsel vm13, v59, v14;
	v6 =	vadd.f32 $-3.028325080e+00, v6;
	v8 =	vadd.f32 $-5.264155390e+00, v8  }
0x141: {  	v10 =	vsel vm14, v19, v10;
	v55 =	vsub.f32 $2.668627800e-01, v17;
	v17 =	vmul.f32 $1.525878910e-05, v14  }
0x142: {  	vm14 =	vge.f32 v14, $6.553600000e+04;
	v60 =	vadd.f32 $4.000000000e+00, v10;
	v6 =	vadd.f32 v6, v36  }
0x143: {  	v8 =	vmul.f32 v8, v42;
	v12 =	vmul.f32 v55, v7;
	v62 =	vsel vm14, v17, v14  }
0x144: {  	v10 =	vsel vm15, v60, v10;
	vm15 =	vge.f32 v15, $1.844674410e+19;
	v33 =	vmul.f32 $6.931471820e-01, v6  }
0x145: {  	v6 =	vmul.f32 $1.208925820e+24, v39;
	v8 =	vadd.f32 $6.065858840e+00, v8;
	v14 =	vmul.f32 $3.906250000e-03, v62  }
0x146: {  	v18 =	vadd.f32 $2.000000000e+00, v10;
	v20 =	vsel vm15, v63, v15;
	v12 =	vadd.f32 $-1.234279870e+00, v12  }
0x147: {  	vm10 =	vge.f32 v62, $2.560000000e+02;
	v38 =	vsel vm15, $0xC1800000, v3;
	v17 =	vmul.f32 $2.328306440e-10, v20  }
0x148: {  	v8 =	vmul.f32 v8, v42;
	v10 =	vsel vm2, v18, v10;
	v12 =	vmul.f32 v12, v7  }
0x149: {  	v44 =	vadd.f32 $3.200000000e+01, v38;
	vm2 =	vge.f32 v20, $4.294967300e+09;
	v22 =	vadd.f32 $1.000000000e+00, v10  }
0x14a: {  	v8 =	vadd.f32 $-3.028325080e+00, v8;
	v61 =	vadd.f32 $3.218869920e+00, v12;
	v12 =	vsel vm10, v14, v62  }
0x14b: {  	v14 =	vsel vm2, v17, v20;
	v17 =	vsel vm13, v26, v25;
	v21 =	vmul.f32 $6.250000000e-02, v12  }
0x14c: {  	v20 =	vld [tilespmem:$0x28F0];
	vm5 =	vge.f32 v12, $1.600000000e+01;
	v24 =	vmul.f32 $1.525878910e-05, v14;
	vm3 =	vge.f32 v14, $6.553600000e+04  }
0x14d: {  	v19 =	vadd.f32 $1.600000000e+01, v17;
	v34 =	vadd.f32 v8, v9;
	v11 =	vmul.f32 v61, v7  }
0x14e: {  	v10 =	vsel vm0, v22, v10;
	v12 =	vsel vm5, v21, v12;
	v14 =	vsel vm3, v24, v14  }
0x14f: {  	v17 =	vsel vm14, v19, v17;
	v37 =	vmul.f32 $6.931471820e-01, v34;
	v11 =	vadd.f32 $-5.264155390e+00, v11  }
0x150: {  	v23 =	vmul.f32 $2.500000000e-01, v12;
	vm7 =	vge.f32 v12, $4.000000000e+00;
	v18 =	vmul.f32 $3.906250000e-03, v14  }
0x151: {  	vm12 =	vge.f32 v14, $2.560000000e+02;
	v30 =	vadd.f32 $8.000000000e+00, v17;
	v26 =	vmul.f32 $1.208925820e+24, v20  }
0x152: {  	v40 =	vadd.f32 v37, v33;
	v37 =	vmul.f32 $5.421010860e-20, v6;
	v11 =	vmul.f32 v11, v7  }
0x153: {  	v12 =	vsel vm7, v23, v12;
	v14 =	vsel vm12, v18, v14;
	v32 =	vsel vm10, v30, v17  }
0x154: {  	v27 =	vmul.f32 $5.000000000e-01, v12;
	v29 =	vmul.f32 $6.250000000e-02, v14;
	v42 =	vadd.f32 $4.000000000e+00, v32  }
0x155: {  	vm8 =	vge.f32 v12, $2.000000000e+00;
	vm13 =	vge.f32 v14, $1.600000000e+01;
	v11 =	vadd.f32 $6.065858840e+00, v11  }
0x156: {  	v12 =	vsel vm8, v27, v12;
	v14 =	vsel vm13, v29, v14;
	v45 =	vsel vm5, v42, v32  }
0x157: {  	vm5 =	vge.f32 v47, $1.844674410e+19;
	v28 =	vmul.f32 $2.482598460e-02, v12;
	v31 =	vmul.f32 $2.500000000e-01, v14  }
0x158: {  	v7 =	vmul.f32 v11, v7;
	vm14 =	vge.f32 v14, $4.000000000e+00;
	v51 =	vsel vm5, $0xC1800000, v3  }
0x159: {  	v52 =	vadd.f32 $3.200000000e+01, v51;
	v13 =	vsub.f32 $2.668627800e-01, v28;
	v35 =	vsel vm14, v31, v14  }
0x15a: {  	v7 =	vadd.f32 $-3.028325080e+00, v7;
	v14 =	vsel vm2, v44, v38;
	v28 =	vmul.f32 $5.421010860e-20, v26  }
0x15b: {  	vm2 =	vge.f32 v6, $1.844674410e+19;
	v11 =	vmul.f32 $5.000000000e-01, v35;
	vm15 =	vge.f32 v35, $2.000000000e+00  }
0x15c: {  	v46 =	vadd.f32 $1.600000000e+01, v14;
	v6 =	vsel vm2, v37, v6;
	v13 =	vmul.f32 v13, v12  }
0x15d: {  	v7 =	vadd.f32 v7, v10;
	v39 =	vmul.f32 $2.328306440e-10, v6;
	v8 =	vsel vm15, v11, v35  }
0x15e: {  	v11 =	vadd.f32 $2.000000000e+00, v45;
	v14 =	vsel vm3, v46, v14;
	v36 =	vadd.f32 $-1.234279870e+00, v13  }
0x15f: {  	vm3 =	vge.f32 v26, $1.844674410e+19;
	v41 =	vmul.f32 $2.482598460e-02, v8;
	v7 =	vmul.f32 $6.931471820e-01, v7  }
0x160: {  	v15 =	vadd.f32 $8.000000000e+00, v14;
	v38 =	vsel vm3, $0xC1800000, v3;
	v9 =	vmul.f32 v36, v12  }
0x161: {  	v58 =	vld [tilespmem:$0x28E0];
	v10 =	vsub.f32 $2.668627800e-01, v41;
	v5 =	vadd.f32 v7, v40;
	v7 =	vsel vm7, v11, v45  }
0x162: {  	v50 =	vsel vm12, v15, v14;
	v11 =	vsel vm5, v49, v47;
	v48 =	vadd.f32 $1.000000000e+00, v7  }
0x163: {  	v14 =	vadd.f32 $4.000000000e+00, v50;
	v16 =	vmul.f32 $2.328306440e-10, v11;
	vm6 =	vge.f32 v11, $4.294967300e+09  }
0x164: {  	v9 =	vadd.f32 $3.218869920e+00, v9;
	v10 =	vmul.f32 v10, v8;
	v54 =	vsel vm6, v52, v51  }
0x165: {  	v7 =	vsel vm8, v48, v7;
	v53 =	vsel vm13, v14, v50;
	v11 =	vsel vm6, v16, v11  }
0x166: {  	v57 =	vadd.f32 $1.600000000e+01, v54;
	v14 =	vmul.f32 $1.208925820e+24, v58;
	v9 =	vmul.f32 v9, v12  }
0x167: {  	v10 =	vadd.f32 $-1.234279870e+00, v10;
	v55 =	vmul.f32 $1.525878910e-05, v11;
	vm7 =	vge.f32 v11, $6.553600000e+04  }
0x168: {  	v56 =	vadd.f32 $2.000000000e+00, v53;
	v13 =	vsel vm7, v57, v54;
	v22 =	vmul.f32 $5.421010860e-20, v14  }
0x169: {  	vm11 =	vge.f32 v14, $1.844674410e+19;
	v9 =	vadd.f32 $-5.264155390e+00, v9;
	v10 =	vmul.f32 v10, v8  }
0x16a: {  	v11 =	vsel vm7, v55, v11;
	v16 =	vadd.f32 $8.000000000e+00, v13;
	v32 =	vsel vm11, $0xC1800000, v3  }
0x16b: {  	v59 =	vmul.f32 $3.906250000e-03, v11;
	vm8 =	vge.f32 v11, $2.560000000e+02;
	v10 =	vadd.f32 $3.218869920e+00, v10  }
0x16c: {  	v24 =	vsel vm11, v22, v14;
	v34 =	vadd.f32 $3.200000000e+01, v32;
	v9 =	vmul.f32 v9, v12  }
0x16d: {  	v61 =	vsel vm8, v16, v13;
	v11 =	vsel vm8, v59, v11;
	v10 =	vmul.f32 v10, v8  }
0x16e: {  	v25 =	vmul.f32 $2.328306440e-10, v24;
	v9 =	vadd.f32 $6.065858840e+00, v9;
	v62 =	vmul.f32 $6.250000000e-02, v11  }
0x16f: {  	vm13 =	vge.f32 v24, $4.294967300e+09;
	vm9 =	vge.f32 v11, $1.600000000e+01;
	v10 =	vadd.f32 $-5.264155390e+00, v10  }
0x170: {  	v63 =	vadd.f32 $4.000000000e+00, v61;
	v9 =	vmul.f32 v9, v12;
	v11 =	vsel vm9, v62, v11  }
0x171: {  	v12 =	vsel vm14, v56, v53;
	v21 =	vmul.f32 $2.500000000e-01, v11;
	v10 =	vmul.f32 v10, v8  }
0x172: {  	v60 =	vadd.f32 $1.000000000e+00, v12;
	vm10 =	vge.f32 v11, $4.000000000e+00;
	v9 =	vadd.f32 $-3.028325080e+00, v9  }
0x173: {  	v23 =	vsel vm10, v21, v11;
	v11 =	vsel vm13, v25, v24;
	v10 =	vadd.f32 $6.065858840e+00, v10  }
0x174: {  	v7 =	vadd.f32 v9, v7;
	v9 =	vsel vm15, v60, v12;
	vm12 =	vge.f32 v23, $2.000000000e+00  }
0x175: {  	v27 =	vmul.f32 $5.000000000e-01, v23;
	v29 =	vmul.f32 $1.525878910e-05, v11;
	v12 =	vsel vm3, v28, v26  }
0x176: {  	vm14 =	vge.f32 v11, $6.553600000e+04;
	v31 =	vmul.f32 $2.328306440e-10, v12;
	vm4 =	vge.f32 v12, $4.294967300e+09  }
0x177: {  	v8 =	vmul.f32 v10, v8;
	v10 =	vsel vm9, v63, v61;
	v11 =	vsel vm14, v29, v11  }
0x178: {  	v15 =	vadd.f32 $2.000000000e+00, v10;
	v33 =	vmul.f32 $3.906250000e-03, v11;
	v12 =	vsel vm4, v31, v12  }
0x179: {  	vm15 =	vge.f32 v11, $2.560000000e+02;
	v8 =	vadd.f32 $-3.028325080e+00, v8;
	v14 =	vmul.f32 $1.525878910e-05, v12  }
0x17a: {  	vm6 =	vge.f32 v12, $6.553600000e+04;
	v10 =	vsel vm10, v15, v10;
	v11 =	vsel vm15, v33, v11  }
0x17b: {  	v8 =	vadd.f32 v8, v9;
	v15 =	vadd.f32 $1.000000000e+00, v10;
	v9 =	vsel vm12, v27, v23  }
0x17c: {  	v16 =	vmul.f32 $6.250000000e-02, v11;
	v12 =	vsel vm6, v14, v12;
	v30 =	vmul.f32 $2.482598460e-02, v9  }
0x17d: {  	v14 =	vmul.f32 $3.906250000e-03, v12;
	vm8 =	vge.f32 v12, $2.560000000e+02;
	v10 =	vsel vm12, v15, v10  }
0x17e: {  	v15 =	vsel vm13, v34, v32;
	vm12 =	vge.f32 v11, $1.600000000e+01;
	v13 =	vsub.f32 $2.668627800e-01, v30  }
0x17f: {  	v17 =	vadd.f32 $1.600000000e+01, v15;
	v11 =	vsel vm12, v16, v11;
	v12 =	vsel vm8, v14, v12  }
0x180: {  	v16 =	vmul.f32 $2.500000000e-01, v11;
	vm13 =	vge.f32 v11, $4.000000000e+00;
	v14 =	vmul.f32 $6.250000000e-02, v12  }
0x181: {  	v13 =	vmul.f32 v13, v9;
	v15 =	vsel vm14, v17, v15;
	vm14 =	vge.f32 v12, $1.600000000e+01  }
0x182: {  	v17 =	vadd.f32 $8.000000000e+00, v15;
	v11 =	vsel vm13, v16, v11;
	v12 =	vsel vm14, v14, v12  }
0x183: {  	v40 =	vadd.f32 $3.200000000e+01, v38;
	v16 =	vmul.f32 $5.000000000e-01, v11;
	v14 =	vmul.f32 $2.500000000e-01, v12  }
0x184: {  	vm0 =	vge.f32 v11, $2.000000000e+00;
	v15 =	vsel vm15, v17, v15;
	vm15 =	vge.f32 v12, $4.000000000e+00  }
0x185: {  	v13 =	vadd.f32 $-1.234279870e+00, v13;
	v11 =	vsel vm0, v16, v11;
	v12 =	vsel vm15, v14, v12  }
0x186: {  	vm3 =	vge.f32 v6, $4.294967300e+09;
	v16 =	vmul.f32 $2.482598460e-02, v11;
	v36 =	vmul.f32 $5.000000000e-01, v12  }
0x187: {  	v17 =	vadd.f32 $4.000000000e+00, v15;
	v13 =	vmul.f32 v13, v9;
	vm1 =	vge.f32 v12, $2.000000000e+00  }
0x188: {  	v6 =	vsel vm3, v39, v6;
	v35 =	vsub.f32 $2.668627800e-01, v16;
	v12 =	vsel vm1, v36, v12  }
0x189: {  	v15 =	vsel vm12, v17, v15;
	v13 =	vadd.f32 $3.218869920e+00, v13;
	v16 =	vmul.f32 $2.482598460e-02, v12  }
0x18a: {  	v18 =	vmul.f32 $1.525878910e-05, v6;
	v17 =	vadd.f32 $2.000000000e+00, v15;
	v14 =	vmul.f32 v35, v11  }
0x18b: {  	v7 =	vmul.f32 $6.931471820e-01, v7;
	v13 =	vmul.f32 v13, v9;
	v16 =	vsub.f32 $2.668627800e-01, v16  }
0x18c: {  	v15 =	vsel vm13, v17, v15;
	v17 =	vsel vm4, v40, v38;
	v14 =	vadd.f32 $-1.234279870e+00, v14  }
0x18d: {  	vm4 =	vge.f32 v6, $6.553600000e+04;
	v13 =	vadd.f32 $-5.264155390e+00, v13;
	v16 =	vmul.f32 v16, v12  }
0x18e: {  	v19 =	vadd.f32 $1.600000000e+01, v17;
	v6 =	vsel vm4, v18, v6;
	v14 =	vmul.f32 v14, v11  }
0x18f: {  	v8 =	vmul.f32 $6.931471820e-01, v8;
	v18 =	vmul.f32 $3.906250000e-03, v6;
	v16 =	vadd.f32 $-1.234279870e+00, v16  }
0x190: {  	v13 =	vmul.f32 v13, v9;
	v17 =	vsel vm6, v19, v17;
	v14 =	vadd.f32 $3.218869920e+00, v14  }
0x191: {  	vm12 =	vge.f32 v6, $2.560000000e+02;
	v19 =	vadd.f32 $8.000000000e+00, v17;
	v16 =	vmul.f32 v16, v12  }
0x192: {  	v6 =	vsel vm12, v18, v6;
	v13 =	vadd.f32 $6.065858840e+00, v13;
	v14 =	vmul.f32 v14, v11  }
0x193: {  	v18 =	vmul.f32 $6.250000000e-02, v6;
	v17 =	vsel vm8, v19, v17;
	v16 =	vadd.f32 $3.218869920e+00, v16  }
0x194: {  	vm13 =	vge.f32 v6, $1.600000000e+01;
	v19 =	vadd.f32 $4.000000000e+00, v17;
	v14 =	vadd.f32 $-5.264155390e+00, v14  }
0x195: {  	v9 =	vmul.f32 v13, v9;
	v6 =	vsel vm13, v18, v6;
	v41 =	vmul.f32 v16, v12  }
0x196: {  	v3 =	vsel vm2, $0xC1800000, v3;
	v43 =	vmul.f32 $2.500000000e-01, v6;
	v14 =	vmul.f32 v14, v11  }
0x197: {  	v42 =	vsel vm14, v19, v17;
	vm14 =	vge.f32 v6, $4.000000000e+00;
	v13 =	vadd.f32 $-5.264155390e+00, v41  }
0x198: {  	v6 =	vsel vm14, v43, v6;
	v44 =	vadd.f32 $2.000000000e+00, v42;
	v14 =	vadd.f32 $6.065858840e+00, v14  }
0x199: {  	v5 =	vadd.f32 v7, v5;
	v46 =	vmul.f32 $5.000000000e-01, v6;
	v45 =	vmul.f32 v13, v12  }
0x19a: {  	v11 =	vmul.f32 v14, v11;
	v14 =	vsel vm15, v44, v42;
	vm15 =	vge.f32 v6, $2.000000000e+00  }
0x19b: {  	v9 =	vadd.f32 $-3.028325080e+00, v9;
	v7 =	vadd.f32 $6.065858840e+00, v45;
	v6 =	vsel vm15, v46, v6  }
0x19c: {  	v5 =	vadd.f32 v8, v5;
	v47 =	vadd.f32 $1.000000000e+00, v15;
	v13 =	vmul.f32 $2.482598460e-02, v6  }
0x19d: {  	v9 =	vadd.f32 v9, v10;
	v48 =	vadd.f32 $-3.028325080e+00, v11;
	v7 =	vmul.f32 v7, v12  }
0x19e: {  	v8 =	vsel vm0, v47, v15;
	v49 =	vadd.f32 $1.000000000e+00, v14;
	v50 =	vsub.f32 $2.668627800e-01, v13  }
0x19f: {  	v9 =	vmul.f32 $6.931471820e-01, v9;
	v8 =	vadd.f32 v48, v8;
	v7 =	vadd.f32 $-3.028325080e+00, v7  }
0x1a0: {  	v53 =	vadd.f32 $3.200000000e+01, v3;
	v51 =	vsel vm1, v49, v14;
	v52 =	vmul.f32 v50, v6  }
0x1a1: {  	v5 =	vadd.f32 v9, v5;
	v8 =	vmul.f32 $6.931471820e-01, v8;
	v7 =	vadd.f32 v7, v51  }
0x1a2: {  	v3 =	vsel vm3, v53, v3;
	v54 =	vadd.f32 $-1.234279870e+00, v52  }
0x1a3: {  	v56 =	vadd.f32 $1.600000000e+01, v3;
	v5 =	vadd.f32 v8, v5;
	v7 =	vmul.f32 $6.931471820e-01, v7  }
0x1a4: {  	v55 =	vmul.f32 v54, v6  }
0x1a5: {  	v3 =	vsel vm4, v56, v3;
	v5 =	vadd.f32 v7, v5  }
0x1a6: {  	v7 =	vadd.f32 $8.000000000e+00, v3;
	v8 =	vadd.f32 $3.218869920e+00, v55;
	_ =	sdelay $0x1  }
0x1a7: {  	v0 =	vperm.xlane v5, v0;
	v3 =	vsel vm12, v7, v3;
	v8 =	vmul.f32 v8, v6  }
0x1a8: {  	v7 =	vadd.f32 $4.000000000e+00, v3  }
0x1a9: {  	v0 =	vadd.f32 v5, v0;
	v57 =	vadd.f32 $-5.264155390e+00, v8;
	_ =	sdelay $0x1  }
0x1aa: {  	v3 =	vsel vm13, v7, v3;
	v1 =	vperm.xlane v0, v1;
	v5 =	vmul.f32 v57, v6  }
0x1ab: {  	v58 =	vadd.f32 $2.000000000e+00, v3  }
0x1ac: {  	v0 =	vadd.f32 v0, v1;
	v5 =	vadd.f32 $6.065858840e+00, v5;
	_ =	sdelay $0x1  }
0x1ad: {  	v1 =	vsel vm14, v58, v3;
	v2 =	vperm.xlane v0, v2;
	v59 =	vmul.f32 v5, v6  }
0x1ae: {  	v60 =	vadd.f32 $1.000000000e+00, v1  }
0x1af: {  	v0 =	vadd.f32 v0, v2;
	v61 =	vadd.f32 $-3.028325080e+00, v59  }
0x1b0: {  	v1 =	vsel vm15, v60, v1  }
0x1b1: {  	v62 =	vperm.xlane v0, v4;
	v1 =	vadd.f32 v61, v1  }
0x1b2: {  	v63 =	vld [tilespmem:$0x2900]  }
0x1b3: {  	v0 =	vadd.f32 v0, v62;
	v1 =	vmul.f32 $6.931471820e-01, v1;
	_ =	sdelay $0x1  }
0x1b4: {  	v0 =	vadd.f32 v0, v1;
	_ =	sdelay $0x1  }
0x1b5: {  	v0 =	vadd.f32 v0, v63;
	_ =	sdelay $0x1  }
0x1b6: {  	s3 =	simm.s32 $0x0;
	s4 =	simm.s32 $0x2900;
	s31 =	simm.s32 $0x1;
	[tilespmem:$0x2900] =	vst v0  }
0x1b7: {  	[hbm4b:s2+s3] =	stream.linear.scatter [tilespmem:s4], [sflag:$0x1], $0x80, $0x38;
	[tilespmem:$0x2980] =	vst v63  }
0x1b8: {  	_ =	swait.ge [sflag:s31], $0x80  }
0x1b9: {  	[sflag:s31] =	ssyncset.done $0x0  }
0x1ba: {  	[sflag:s31] =	ssyncadd.s32 $0xFFFFFF80  }
0x1bb: {  	_ =	sfence.sel $0x180000  }
0x1bc: {  	[bflag:$0x0] =	sbarrier.arrive $0xFFFF  }
0x1bd: {  	p0 =	sne.s32 s0, $0x0;
	_ =	strace $0x90000047  }
0x1be: {  	s0 =	sadd.s32 @!p0 $0x100000, s1;
	[bflag:$0x2] =	sbarrier.arrive $0xFFFF  }
0x1bf: {  	[sflag:s0] =	ssyncadd.tile.s32 @!p0 $0x1;
	_ =	shalt  }
.LBB2_5:
.Ltmp6:
0x1c0: {  	(pc) =	sbr.rel .LBB2_8-.Ltmp6, $2  }
0x1c1: {  	_ =	sdelay $0x2  }
0x1c2: {  	s4 =	smov.u32 s3  }
.Lfunc_end2:
_tile_overlayer_lowered:
.L_overlay_start_2:
0x1c3: {  	(tag) =	ssettag $0x2  }
0x1c4: {  	s0 =	rddreg [dreg:$0x0];
	s2 =	stileid.u32  }
0x1c5: {  	s1 =	rddreg [dreg:$0x1];
	p0 =	sne.s32 s2, $0x0  }
0x1c6: {  	s3 =	rddreg [dreg:$0x2];
	[bflag:$0x3] =	sbarrier.arrive $0xFFFF;
	s2 =	simm.s32 @!p0 $0x1C01  }
0x1c7: {  	[timem:s3], [sflag:s2] =	dma.local @!p0 [hbm:s0], s1  }
0x1c8: {  	s0 =	simm.s32 @!p0 $0x1  }
0x1c9: {  	_ =	swait.ge @!p0 [sflag:s0], s1  }
0x1ca: {  	s1 =	ssub.s32 @!p0 $0x0, s1;
	[sflag:s0] =	ssyncset.done @!p0 $0x0  }
0x1cb: {  	[sflag:s0] =	ssyncadd.s32 @!p0 s1  }
0x1cc: {  	[bflag:$0x3] =	sbarrier.arrive $0xFFFF  }
0x1cd: {  	_ =	shalt  }

</sc_bundles>
